<compile_context>
chip_gen: v7x
topology: tpu7x:2x2x1
jax: 0.10.2.dev20260603
libtpu: 0.0.44.dev20260713+nightly
codegen_flags: <defaults>
</compile_context>

<pallas_src>
import jax
import jax.numpy as jnp
from jax import lax
from jax.experimental import pallas as pl
from jax.experimental.pallas import tpu as pltpu
from jax.experimental.pallas import tpu_sc as plsc

ROWS = 128
COLS = 32768
LANES = 16
NUM_CORES = 2
NUM_SUBCORES = 16
NUM_WORKERS = NUM_CORES * NUM_SUBCORES
ROWS_PER_WORKER = ROWS // NUM_WORKERS
NCHUNKS = COLS // LANES
NBINS = 512
BINW = 1.0 / NBINS
HCHUNKS = NBINS // LANES
NEWTON_STEPS = 4
U = 8


def _lane_sum(v):
    return plsc.cumsum(v)[LANES - 1]


def _lane_max(v):
    return plsc.cummax(v)[LANES - 1]


def _process_row(xv, cval, hcnt, hsum):
    ones = jnp.ones((LANES,), jnp.float32)
    zeros = jnp.zeros((LANES,), jnp.float32)

    @plsc.parallel_loop(0, NCHUNKS, step=U, carry=(zeros - jnp.inf,) * U)
    def max_loop(i, ms):
        return tuple(
            jnp.maximum(ms[u], xv[pl.ds((i + u) * LANES, LANES)])
            for u in range(U)
        )

    m = max_loop[0]
    for u in range(1, U):
        m = jnp.maximum(m, max_loop[u])
    lo = _lane_max(m) - 1.0

    @plsc.parallel_loop(0, HCHUNKS, step=U)
    def _(i):
        for u in range(U):
            hcnt[pl.ds((i + u) * LANES, LANES)] = zeros
            hsum[pl.ds((i + u) * LANES, LANES)] = zeros

    lane_i = lax.iota(jnp.int32, LANES)

    @plsc.parallel_loop(0, NCHUNKS, step=1, unroll=U, carry=lane_i)
    def pos_v(i, pos):
        d = xv[pl.ds(i * LANES, LANES)] - lo
        pcnt = plsc.all_reduce_population_count(d > 0.0)
        keep = pcnt > 0
        plsc.store_scatter(cval, [pos], d, mask=keep)
        return pos + jnp.where(keep, LANES, 0)

    ncand = pos_v[0]
    cval[pl.ds(ncand, LANES)] = zeros
    ncv = lax.shift_right_logical(ncand + (LANES - 1), 4)

    def hist_body(i, _):
        d = cval[pl.ds(i * LANES, LANES)]
        binf = jnp.clip(d * float(NBINS), 0.0, float(NBINS - 1))
        idx = binf.astype(jnp.int32)
        msk = d > 0.0
        plsc.addupdate_scatter(hcnt, [idx], ones, mask=msk)
        plsc.addupdate_scatter(hsum, [idx], d, mask=msk)
        return 0

    lax.fori_loop(0, ncv, hist_body, 0)

    lane_f = lax.iota(jnp.int32, LANES).astype(jnp.float32)

    def scan_body(i, carry):
        ck, cs, best = carry
        cc = HCHUNKS - 1 - i
        c = hcnt[pl.ds(cc * LANES, LANES)]
        s = hsum[pl.ds(cc * LANES, LANES)]
        suf_c = lax.rev(plsc.cumsum(lax.rev(c, (0,))), (0,))
        suf_s = lax.rev(plsc.cumsum(lax.rev(s, (0,))), (0,))
        tot_c = suf_c[0]
        tot_s = suf_s[0]
        jf = lane_f + (cc * LANES).astype(jnp.float32)
        theta = (jf - 2.0) * BINW
        g = (suf_s + cs) - (suf_c + ck) * theta - 1.0
        cand = jnp.where(g > 0.0, jf, -1.0)
        best = jnp.maximum(best, cand)
        return ck + tot_c, cs + tot_s, best

    _, _, best_v = lax.fori_loop(
        0, HCHUNKS, scan_body,
        (jnp.float32(0.0), jnp.float32(0.0), jnp.full((LANES,), -1.0, jnp.float32)),
    )
    best = _lane_max(best_v)
    taup = jnp.full((LANES,), 1.0, jnp.float32) * jnp.maximum((best - 2.0) * BINW, 0.0)

    def newton(taup):
        def stat_body(i, carry):
            s, c = carry
            r = jnp.maximum(cval[pl.ds(i * LANES, LANES)] - taup, 0.0)
            return s + r, c + jnp.where(r > 0.0, 1.0, 0.0)

        s, c = lax.fori_loop(0, ncv, stat_body, (zeros, zeros))
        S = _lane_sum(s)
        K = _lane_sum(c)
        Sv = jnp.full((LANES,), 1.0, jnp.float32) * S
        Kv = jnp.full((LANES,), 1.0, jnp.float32) * K
        return taup + (Sv - 1.0) / jnp.maximum(Kv, 1.0)

    for _ in range(NEWTON_STEPS):
        taup = newton(taup)

    return lo + taup


def _row_output(xv, thr):
    @plsc.parallel_loop(0, NCHUNKS, step=U)
    def _(i):
        for u in range(U):
            sl = pl.ds((i + u) * LANES, LANES)
            xv[sl] = jnp.maximum(xv[sl] - thr, 0.0)


def _sc_body(x_hbm, out_hbm, xa, xb, cval, hcnt, hsum, sin0, sin1, sout0, sout1):
    cid = lax.axis_index("c")
    sid = lax.axis_index("s")
    wid = sid * NUM_CORES + cid
    base = wid * ROWS_PER_WORKER
    bufs = (xa, xb)
    sins = (sin0, sin1)
    souts = (sout0, sout1)
    pend_in = [None, None]
    pend_out = [None, None]
    pend_in[0] = pltpu.async_copy(x_hbm.at[base], xa, sins[0])
    for r in range(ROWS_PER_WORKER):
        b = r % 2
        pend_in[b].wait()
        thr = _process_row(bufs[b], cval, hcnt, hsum)
        if r + 1 < ROWS_PER_WORKER:
            nb = (r + 1) % 2
            if pend_out[nb] is not None:
                pend_out[nb].wait()
                pend_out[nb] = None
            pend_in[nb] = pltpu.async_copy(
                x_hbm.at[base + r + 1], bufs[nb], sins[nb]
            )
        _row_output(bufs[b], thr)
        pend_out[b] = pltpu.async_copy(bufs[b], out_hbm.at[base + r], souts[b])
    for b in (0, 1):
        if pend_out[b] is not None:
            pend_out[b].wait()


@jax.jit
def kernel(input):
    mesh = plsc.VectorSubcoreMesh(
        core_axis_name="c",
        subcore_axis_name="s",
        num_cores=NUM_CORES,
        num_subcores=NUM_SUBCORES,
    )
    run = pl.kernel(
        _sc_body,
        out_type=jax.ShapeDtypeStruct((ROWS, COLS), jnp.float32),
        mesh=mesh,
        compiler_params=pltpu.CompilerParams(needs_layout_passes=False),
        scratch_types=[
            pltpu.VMEM((COLS,), jnp.float32),
            pltpu.VMEM((COLS,), jnp.float32),
            pltpu.VMEM((COLS + LANES,), jnp.float32),
            pltpu.VMEM((NBINS,), jnp.float32),
            pltpu.VMEM((NBINS,), jnp.float32),
            pltpu.SemaphoreType.DMA,
            pltpu.SemaphoreType.DMA,
            pltpu.SemaphoreType.DMA,
            pltpu.SemaphoreType.DMA,
        ],
    )
    return run(input)

# --- scband reference (transcript-rebuilt; emitter-appended) ---
"""Pipeline reference for scband-sparsemax-80152679678110 (READ-ONLY COPY).

The authoritative reference and input builder live on the scoring server;
editing this copy changes nothing except your own understanding.
"""

import jax, jax.numpy as jnp
import numpy as np

DIM = -1

def setup_inputs(seed: int = 0) -> dict:
    key = jax.random.key(seed)
    x = jax.random.normal(key, (128, 32768), dtype=jnp.float32)
    return {"input": x}

def reference(input):
    dim = DIM if DIM >= 0 else input.ndim + DIM
    n_features = input.shape[dim]
    # sort descending along dim
    z_sorted = jnp.flip(jnp.sort(input, axis=dim), axis=dim)
    cumsum = jnp.cumsum(z_sorted, axis=dim)
    shape = [1] * input.ndim
    shape[dim] = n_features
    k_vec = jnp.arange(1, n_features + 1, dtype=input.dtype).reshape(shape)
    support = (1.0 + k_vec * z_sorted > cumsum).astype(input.dtype)
    k_z = jnp.sum(support, axis=dim, keepdims=True)
    k_z_idx = jnp.clip(k_z - 1.0, 0.0, None).astype(jnp.int32)
    tau_sum = jnp.take_along_axis(cumsum, k_z_idx, axis=dim)
    tau = (tau_sum - 1.0) / jnp.clip(k_z, 1.0, None)
    output = jnp.clip(input - tau, 0.0, None)
    return output

if __name__ == "__main__":
    import jax
    _d = setup_inputs()
    print(jax.jit(kernel)(*tuple(_d.values())))

</pallas_src>

<mosaic_0001>
#map = affine_map<(d0, d1) -> (0, 0)>
module attributes {stable_mosaic.version = 14 : i64} {
  func.func @_sc_body(%arg0: i32, %arg1: i32, %arg2: memref<128x32768xf32, #tpu.memory_space<hbm>>, %arg3: memref<128x32768xf32, #tpu.memory_space<hbm>>, %arg4: memref<32768xf32, #tpu.memory_space<vmem>>, %arg5: memref<32768xf32, #tpu.memory_space<vmem>>, %arg6: memref<32784xf32, #tpu.memory_space<vmem>>, %arg7: memref<512xf32, #tpu.memory_space<vmem>>, %arg8: memref<512xf32, #tpu.memory_space<vmem>>, %arg9: memref<!tpu.dma_semaphore, #tpu.memory_space<semaphore_mem>>, %arg10: memref<!tpu.dma_semaphore, #tpu.memory_space<semaphore_mem>>, %arg11: memref<!tpu.dma_semaphore, #tpu.memory_space<semaphore_mem>>, %arg12: memref<!tpu.dma_semaphore, #tpu.memory_space<semaphore_mem>>) attributes {dimension_semantics = [#tpu.dimension_semantics<core_parallel>, #tpu.dimension_semantics<subcore_parallel>], iteration_bounds = array<i64: 2, 16>, scalar_prefetch = 0 : i64, scratch_operands = 9 : i64, tpu.core_type = #tpu.core_type<sc_vector_subcore>, window_params = [{transform_indices = #map}, {transform_indices = #map}]} {
    %mul3A = arith.constant 2 : i32
    %mul3A_0 = arith.muli %arg1, %mul3A : i32
    %add3A = arith.addi %mul3A_0, %arg0 : i32
    %mul3A_1 = arith.constant 4 : i32
    %mul3A_2 = arith.muli %add3A, %mul3A_1 : i32
    %dma_start3A = arith.constant 0 : i32
    %dma_start3A_3 = tpu.memref_slice %arg2[%mul3A_2, %dma_start3A] : memref<128x32768xf32, #tpu.memory_space<hbm>> -> memref<1x32768xf32, #tpu.memory_space<hbm>>
    %dma_start3A_4 = tpu.memref_squeeze %dma_start3A_3 : memref<1x32768xf32, #tpu.memory_space<hbm>> -> memref<32768xf32, #tpu.memory_space<hbm>>
    %dma_start3A_5 = arith.constant 0 : i32
    %dma_start3A_6 = tpu.memref_slice %arg2[%mul3A_2, %dma_start3A_5] : memref<128x32768xf32, #tpu.memory_space<hbm>> -> memref<1x32768xf32, #tpu.memory_space<hbm>>
    %dma_start3A_7 = tpu.memref_squeeze %dma_start3A_6 : memref<1x32768xf32, #tpu.memory_space<hbm>> -> memref<32768xf32, #tpu.memory_space<hbm>>
    tpu.enqueue_dma source(%dma_start3A_7 : memref<32768xf32, #tpu.memory_space<hbm>>) target(%arg4 : memref<32768xf32, #tpu.memory_space<vmem>>) target_semaphore(%arg9 : memref<!tpu.dma_semaphore, #tpu.memory_space<semaphore_mem>>)
    %dma_wait3A = arith.constant 0 : i32
    %dma_wait3A_8 = tpu.memref_slice %arg2[%mul3A_2, %dma_wait3A] : memref<128x32768xf32, #tpu.memory_space<hbm>> -> memref<1x32768xf32, #tpu.memory_space<hbm>>
    %dma_wait3A_9 = tpu.memref_squeeze %dma_wait3A_8 : memref<1x32768xf32, #tpu.memory_space<hbm>> -> memref<32768xf32, #tpu.memory_space<hbm>>
    %dma_wait3A_10 = arith.constant 0 : i32
    %dma_wait3A_11 = tpu.memref_slice %arg2[%mul3A_2, %dma_wait3A_10] : memref<128x32768xf32, #tpu.memory_space<hbm>> -> memref<1x32768xf32, #tpu.memory_space<hbm>>
    %dma_wait3A_12 = tpu.memref_squeeze %dma_wait3A_11 : memref<1x32768xf32, #tpu.memory_space<hbm>> -> memref<32768xf32, #tpu.memory_space<hbm>>
    tpu.wait_dma2 semaphore(%arg9 : memref<!tpu.dma_semaphore, #tpu.memory_space<semaphore_mem>>) src(%dma_wait3A_12 : memref<32768xf32, #tpu.memory_space<hbm>>) dst(%arg4 : memref<32768xf32, #tpu.memory_space<vmem>>)
    %broadcast_in_dim3A = arith.constant 1.000000e+00 : f32
    %broadcast_in_dim3A_13 = vector.broadcast %broadcast_in_dim3A : f32 to vector<16xf32>
    %broadcast_in_dim3A_14 = arith.constant 0.000000e+00 : f32
    %broadcast_in_dim3A_15 = vector.broadcast %broadcast_in_dim3A_14 : f32 to vector<16xf32>
    %sub3A = arith.constant 0x7F800000 : f32
    %sub3A_16 = vector.broadcast %sub3A : f32 to vector<16xf32>
    %sub3A_17 = arith.subf %broadcast_in_dim3A_15, %sub3A_16 : vector<16xf32>
    %parallel_loop3A = arith.constant 0 : i32
    %parallel_loop3A_18 = arith.constant 2048 : i32
    %parallel_loop3A_19 = arith.constant 8 : i32
    %parallel_loop3A_20:8 = scf.for %parallel_loop3A_1034 = %parallel_loop3A to %parallel_loop3A_18 step %parallel_loop3A_19 iter_args(%parallel_loop3A_1035 = %sub3A_17, %parallel_loop3A_1036 = %sub3A_17, %parallel_loop3A_1037 = %sub3A_17, %parallel_loop3A_1038 = %sub3A_17, %parallel_loop3A_1039 = %sub3A_17, %parallel_loop3A_1040 = %sub3A_17, %parallel_loop3A_1041 = %sub3A_17, %parallel_loop3A_1042 = %sub3A_17) -> (vector<16xf32>, vector<16xf32>, vector<16xf32>, vector<16xf32>, vector<16xf32>, vector<16xf32>, vector<16xf32>, vector<16xf32>)  : i32 {
      %parallel_loop3A_1043 = arith.constant 0 : i32
      %parallel_loop3A_1044 = arith.addi %parallel_loop3A_1034, %parallel_loop3A_1043 : i32
      %parallel_loop3A_1045 = arith.constant 16 : i32
      %parallel_loop3A_1046 = arith.muli %parallel_loop3A_1044, %parallel_loop3A_1045 : i32
      %parallel_loop3A_1047 = arith.index_cast %parallel_loop3A_1046 : i32 to index
      %parallel_loop3A_1048 = tpu.vector_load %arg4[%parallel_loop3A_1047] {strides = array<i32>} : memref<32768xf32, #tpu.memory_space<vmem>>, vector<16xf32>,
      %parallel_loop3A_1049 = arith.maximumf %parallel_loop3A_1035, %parallel_loop3A_1048 : vector<16xf32>
      %parallel_loop3A_1050 = arith.constant 1 : i32
      %parallel_loop3A_1051 = arith.addi %parallel_loop3A_1034, %parallel_loop3A_1050 : i32
      %parallel_loop3A_1052 = arith.constant 16 : i32
      %parallel_loop3A_1053 = arith.muli %parallel_loop3A_1051, %parallel_loop3A_1052 : i32
      %parallel_loop3A_1054 = arith.index_cast %parallel_loop3A_1053 : i32 to index
      %parallel_loop3A_1055 = tpu.vector_load %arg4[%parallel_loop3A_1054] {strides = array<i32>} : memref<32768xf32, #tpu.memory_space<vmem>>, vector<16xf32>,
      %parallel_loop3A_1056 = arith.maximumf %parallel_loop3A_1036, %parallel_loop3A_1055 : vector<16xf32>
      %parallel_loop3A_1057 = arith.constant 2 : i32
      %parallel_loop3A_1058 = arith.addi %parallel_loop3A_1034, %parallel_loop3A_1057 : i32
      %parallel_loop3A_1059 = arith.constant 16 : i32
      %parallel_loop3A_1060 = arith.muli %parallel_loop3A_1058, %parallel_loop3A_1059 : i32
      %parallel_loop3A_1061 = arith.index_cast %parallel_loop3A_1060 : i32 to index
      %parallel_loop3A_1062 = tpu.vector_load %arg4[%parallel_loop3A_1061] {strides = array<i32>} : memref<32768xf32, #tpu.memory_space<vmem>>, vector<16xf32>,
      %parallel_loop3A_1063 = arith.maximumf %parallel_loop3A_1037, %parallel_loop3A_1062 : vector<16xf32>
      %parallel_loop3A_1064 = arith.constant 3 : i32
      %parallel_loop3A_1065 = arith.addi %parallel_loop3A_1034, %parallel_loop3A_1064 : i32
      %parallel_loop3A_1066 = arith.constant 16 : i32
      %parallel_loop3A_1067 = arith.muli %parallel_loop3A_1065, %parallel_loop3A_1066 : i32
      %parallel_loop3A_1068 = arith.index_cast %parallel_loop3A_1067 : i32 to index
      %parallel_loop3A_1069 = tpu.vector_load %arg4[%parallel_loop3A_1068] {strides = array<i32>} : memref<32768xf32, #tpu.memory_space<vmem>>, vector<16xf32>,
      %parallel_loop3A_1070 = arith.maximumf %parallel_loop3A_1038, %parallel_loop3A_1069 : vector<16xf32>
      %parallel_loop3A_1071 = arith.constant 4 : i32
      %parallel_loop3A_1072 = arith.addi %parallel_loop3A_1034, %parallel_loop3A_1071 : i32
      %parallel_loop3A_1073 = arith.constant 16 : i32
      %parallel_loop3A_1074 = arith.muli %parallel_loop3A_1072, %parallel_loop3A_1073 : i32
      %parallel_loop3A_1075 = arith.index_cast %parallel_loop3A_1074 : i32 to index
      %parallel_loop3A_1076 = tpu.vector_load %arg4[%parallel_loop3A_1075] {strides = array<i32>} : memref<32768xf32, #tpu.memory_space<vmem>>, vector<16xf32>,
      %parallel_loop3A_1077 = arith.maximumf %parallel_loop3A_1039, %parallel_loop3A_1076 : vector<16xf32>
      %parallel_loop3A_1078 = arith.constant 5 : i32
      %parallel_loop3A_1079 = arith.addi %parallel_loop3A_1034, %parallel_loop3A_1078 : i32
      %parallel_loop3A_1080 = arith.constant 16 : i32
      %parallel_loop3A_1081 = arith.muli %parallel_loop3A_1079, %parallel_loop3A_1080 : i32
      %parallel_loop3A_1082 = arith.index_cast %parallel_loop3A_1081 : i32 to index
      %parallel_loop3A_1083 = tpu.vector_load %arg4[%parallel_loop3A_1082] {strides = array<i32>} : memref<32768xf32, #tpu.memory_space<vmem>>, vector<16xf32>,
      %parallel_loop3A_1084 = arith.maximumf %parallel_loop3A_1040, %parallel_loop3A_1083 : vector<16xf32>
      %parallel_loop3A_1085 = arith.constant 6 : i32
      %parallel_loop3A_1086 = arith.addi %parallel_loop3A_1034, %parallel_loop3A_1085 : i32
      %parallel_loop3A_1087 = arith.constant 16 : i32
      %parallel_loop3A_1088 = arith.muli %parallel_loop3A_1086, %parallel_loop3A_1087 : i32
      %parallel_loop3A_1089 = arith.index_cast %parallel_loop3A_1088 : i32 to index
      %parallel_loop3A_1090 = tpu.vector_load %arg4[%parallel_loop3A_1089] {strides = array<i32>} : memref<32768xf32, #tpu.memory_space<vmem>>, vector<16xf32>,
      %parallel_loop3A_1091 = arith.maximumf %parallel_loop3A_1041, %parallel_loop3A_1090 : vector<16xf32>
      %parallel_loop3A_1092 = arith.constant 7 : i32
      %parallel_loop3A_1093 = arith.addi %parallel_loop3A_1034, %parallel_loop3A_1092 : i32
      %parallel_loop3A_1094 = arith.constant 16 : i32
      %parallel_loop3A_1095 = arith.muli %parallel_loop3A_1093, %parallel_loop3A_1094 : i32
      %parallel_loop3A_1096 = arith.index_cast %parallel_loop3A_1095 : i32 to index
      %parallel_loop3A_1097 = tpu.vector_load %arg4[%parallel_loop3A_1096] {strides = array<i32>} : memref<32768xf32, #tpu.memory_space<vmem>>, vector<16xf32>,
      %parallel_loop3A_1098 = arith.maximumf %parallel_loop3A_1042, %parallel_loop3A_1097 : vector<16xf32>
      scf.yield %parallel_loop3A_1049, %parallel_loop3A_1056, %parallel_loop3A_1063, %parallel_loop3A_1070, %parallel_loop3A_1077, %parallel_loop3A_1084, %parallel_loop3A_1091, %parallel_loop3A_1098 : vector<16xf32>, vector<16xf32>, vector<16xf32>, vector<16xf32>, vector<16xf32>, vector<16xf32>, vector<16xf32>, vector<16xf32>
    } {sc.loop_unroll_factor = 1 : i64, sc.parallel_access}
    %max3A = arith.maximumf %parallel_loop3A_20#0, %parallel_loop3A_20#1 : vector<16xf32>
    %max3A_21 = arith.maximumf %max3A, %parallel_loop3A_20#2 : vector<16xf32>
    %max3A_22 = arith.maximumf %max3A_21, %parallel_loop3A_20#3 : vector<16xf32>
    %max3A_23 = arith.maximumf %max3A_22, %parallel_loop3A_20#4 : vector<16xf32>
    %max3A_24 = arith.maximumf %max3A_23, %parallel_loop3A_20#5 : vector<16xf32>
    %max3A_25 = arith.maximumf %max3A_24, %parallel_loop3A_20#6 : vector<16xf32>
    %max3A_26 = arith.maximumf %max3A_25, %parallel_loop3A_20#7 : vector<16xf32>
    %broadcast_in_dim3A_27 = arith.constant true
    %broadcast_in_dim3A_28 = vector.broadcast %broadcast_in_dim3A_27 : i1 to vector<16xi1>
    %masked_cummax3A = tpu.scan <max>, %max3A_26 masked %broadcast_in_dim3A_28 : vector<16xf32>, vector<16xi1> -> vector<16xf32>
    %slice3A = vector.extract_strided_slice %masked_cummax3A {offsets = [15], sizes = [1], strides = [1]} : vector<16xf32> to vector<1xf32>
    %squeeze3A = vector.extract %slice3A[0] : f32 from vector<1xf32>
    %sub3A_29 = arith.constant 1.000000e+00 : f32
    %sub3A_30 = arith.subf %squeeze3A, %sub3A_29 : f32
    %parallel_loop3A_31 = arith.constant 0 : i32
    %parallel_loop3A_32 = arith.constant 32 : i32
    %parallel_loop3A_33 = arith.constant 8 : i32
    scf.for %parallel_loop3A_1034 = %parallel_loop3A_31 to %parallel_loop3A_32 step %parallel_loop3A_33  : i32 {
      %parallel_loop3A_1035 = arith.constant 0 : i32
      %parallel_loop3A_1036 = arith.addi %parallel_loop3A_1034, %parallel_loop3A_1035 : i32
      %parallel_loop3A_1037 = arith.constant 16 : i32
      %parallel_loop3A_1038 = arith.muli %parallel_loop3A_1036, %parallel_loop3A_1037 : i32
      %parallel_loop3A_1039 = arith.index_cast %parallel_loop3A_1038 : i32 to index
      %parallel_loop3A_1040 = tpu.vector_load %arg7[%parallel_loop3A_1039] {strides = array<i32>} : memref<512xf32, #tpu.memory_space<vmem>>, vector<16xf32>,
      tpu.vector_store %arg7[%parallel_loop3A_1039], %broadcast_in_dim3A_15 {strides = array<i32>} : memref<512xf32, #tpu.memory_space<vmem>>, vector<16xf32>,
      %parallel_loop3A_1041 = arith.constant 0 : i32
      %parallel_loop3A_1042 = arith.addi %parallel_loop3A_1034, %parallel_loop3A_1041 : i32
      %parallel_loop3A_1043 = arith.constant 16 : i32
      %parallel_loop3A_1044 = arith.muli %parallel_loop3A_1042, %parallel_loop3A_1043 : i32
      %parallel_loop3A_1045 = arith.index_cast %parallel_loop3A_1044 : i32 to index
      %parallel_loop3A_1046 = tpu.vector_load %arg8[%parallel_loop3A_1045] {strides = array<i32>} : memref<512xf32, #tpu.memory_space<vmem>>, vector<16xf32>,
      tpu.vector_store %arg8[%parallel_loop3A_1045], %broadcast_in_dim3A_15 {strides = array<i32>} : memref<512xf32, #tpu.memory_space<vmem>>, vector<16xf32>,
      %parallel_loop3A_1047 = arith.constant 1 : i32
      %parallel_loop3A_1048 = arith.addi %parallel_loop3A_1034, %parallel_loop3A_1047 : i32
      %parallel_loop3A_1049 = arith.constant 16 : i32
      %parallel_loop3A_1050 = arith.muli %parallel_loop3A_1048, %parallel_loop3A_1049 : i32
      %parallel_loop3A_1051 = arith.index_cast %parallel_loop3A_1050 : i32 to index
      %parallel_loop3A_1052 = tpu.vector_load %arg7[%parallel_loop3A_1051] {strides = array<i32>} : memref<512xf32, #tpu.memory_space<vmem>>, vector<16xf32>,
      tpu.vector_store %arg7[%parallel_loop3A_1051], %broadcast_in_dim3A_15 {strides = array<i32>} : memref<512xf32, #tpu.memory_space<vmem>>, vector<16xf32>,
      %parallel_loop3A_1053 = arith.constant 1 : i32
      %parallel_loop3A_1054 = arith.addi %parallel_loop3A_1034, %parallel_loop3A_1053 : i32
      %parallel_loop3A_1055 = arith.constant 16 : i32
      %parallel_loop3A_1056 = arith.muli %parallel_loop3A_1054, %parallel_loop3A_1055 : i32
      %parallel_loop3A_1057 = arith.index_cast %parallel_loop3A_1056 : i32 to index
      %parallel_loop3A_1058 = tpu.vector_load %arg8[%parallel_loop3A_1057] {strides = array<i32>} : memref<512xf32, #tpu.memory_space<vmem>>, vector<16xf32>,
      tpu.vector_store %arg8[%parallel_loop3A_1057], %broadcast_in_dim3A_15 {strides = array<i32>} : memref<512xf32, #tpu.memory_space<vmem>>, vector<16xf32>,
      %parallel_loop3A_1059 = arith.constant 2 : i32
      %parallel_loop3A_1060 = arith.addi %parallel_loop3A_1034, %parallel_loop3A_1059 : i32
      %parallel_loop3A_1061 = arith.constant 16 : i32
      %parallel_loop3A_1062 = arith.muli %parallel_loop3A_1060, %parallel_loop3A_1061 : i32
      %parallel_loop3A_1063 = arith.index_cast %parallel_loop3A_1062 : i32 to index
      %parallel_loop3A_1064 = tpu.vector_load %arg7[%parallel_loop3A_1063] {strides = array<i32>} : memref<512xf32, #tpu.memory_space<vmem>>, vector<16xf32>,
      tpu.vector_store %arg7[%parallel_loop3A_1063], %broadcast_in_dim3A_15 {strides = array<i32>} : memref<512xf32, #tpu.memory_space<vmem>>, vector<16xf32>,
      %parallel_loop3A_1065 = arith.constant 2 : i32
      %parallel_loop3A_1066 = arith.addi %parallel_loop3A_1034, %parallel_loop3A_1065 : i32
      %parallel_loop3A_1067 = arith.constant 16 : i32
      %parallel_loop3A_1068 = arith.muli %parallel_loop3A_1066, %parallel_loop3A_1067 : i32
      %parallel_loop3A_1069 = arith.index_cast %parallel_loop3A_1068 : i32 to index
      %parallel_loop3A_1070 = tpu.vector_load %arg8[%parallel_loop3A_1069] {strides = array<i32>} : memref<512xf32, #tpu.memory_space<vmem>>, vector<16xf32>,
      tpu.vector_store %arg8[%parallel_loop3A_1069], %broadcast_in_dim3A_15 {strides = array<i32>} : memref<512xf32, #tpu.memory_space<vmem>>, vector<16xf32>,
      %parallel_loop3A_1071 = arith.constant 3 : i32
      %parallel_loop3A_1072 = arith.addi %parallel_loop3A_1034, %parallel_loop3A_1071 : i32
      %parallel_loop3A_1073 = arith.constant 16 : i32
      %parallel_loop3A_1074 = arith.muli %parallel_loop3A_1072, %parallel_loop3A_1073 : i32
      %parallel_loop3A_1075 = arith.index_cast %parallel_loop3A_1074 : i32 to index
      %parallel_loop3A_1076 = tpu.vector_load %arg7[%parallel_loop3A_1075] {strides = array<i32>} : memref<512xf32, #tpu.memory_space<vmem>>, vector<16xf32>,
      tpu.vector_store %arg7[%parallel_loop3A_1075], %broadcast_in_dim3A_15 {strides = array<i32>} : memref<512xf32, #tpu.memory_space<vmem>>, vector<16xf32>,
      %parallel_loop3A_1077 = arith.constant 3 : i32
      %parallel_loop3A_1078 = arith.addi %parallel_loop3A_1034, %parallel_loop3A_1077 : i32
      %parallel_loop3A_1079 = arith.constant 16 : i32
      %parallel_loop3A_1080 = arith.muli %parallel_loop3A_1078, %parallel_loop3A_1079 : i32
      %parallel_loop3A_1081 = arith.index_cast %parallel_loop3A_1080 : i32 to index
      %parallel_loop3A_1082 = tpu.vector_load %arg8[%parallel_loop3A_1081] {strides = array<i32>} : memref<512xf32, #tpu.memory_space<vmem>>, vector<16xf32>,
      tpu.vector_store %arg8[%parallel_loop3A_1081], %broadcast_in_dim3A_15 {strides = array<i32>} : memref<512xf32, #tpu.memory_space<vmem>>, vector<16xf32>,
      %parallel_loop3A_1083 = arith.constant 4 : i32
      %parallel_loop3A_1084 = arith.addi %parallel_loop3A_1034, %parallel_loop3A_1083 : i32
      %parallel_loop3A_1085 = arith.constant 16 : i32
      %parallel_loop3A_1086 = arith.muli %parallel_loop3A_1084, %parallel_loop3A_1085 : i32
      %parallel_loop3A_1087 = arith.index_cast %parallel_loop3A_1086 : i32 to index
      %parallel_loop3A_1088 = tpu.vector_load %arg7[%parallel_loop3A_1087] {strides = array<i32>} : memref<512xf32, #tpu.memory_space<vmem>>, vector<16xf32>,
      tpu.vector_store %arg7[%parallel_loop3A_1087], %broadcast_in_dim3A_15 {strides = array<i32>} : memref<512xf32, #tpu.memory_space<vmem>>, vector<16xf32>,
      %parallel_loop3A_1089 = arith.constant 4 : i32
      %parallel_loop3A_1090 = arith.addi %parallel_loop3A_1034, %parallel_loop3A_1089 : i32
      %parallel_loop3A_1091 = arith.constant 16 : i32
      %parallel_loop3A_1092 = arith.muli %parallel_loop3A_1090, %parallel_loop3A_1091 : i32
      %parallel_loop3A_1093 = arith.index_cast %parallel_loop3A_1092 : i32 to index
      %parallel_loop3A_1094 = tpu.vector_load %arg8[%parallel_loop3A_1093] {strides = array<i32>} : memref<512xf32, #tpu.memory_space<vmem>>, vector<16xf32>,
      tpu.vector_store %arg8[%parallel_loop3A_1093], %broadcast_in_dim3A_15 {strides = array<i32>} : memref<512xf32, #tpu.memory_space<vmem>>, vector<16xf32>,
      %parallel_loop3A_1095 = arith.constant 5 : i32
      %parallel_loop3A_1096 = arith.addi %parallel_loop3A_1034, %parallel_loop3A_1095 : i32
      %parallel_loop3A_1097 = arith.constant 16 : i32
      %parallel_loop3A_1098 = arith.muli %parallel_loop3A_1096, %parallel_loop3A_1097 : i32
      %parallel_loop3A_1099 = arith.index_cast %parallel_loop3A_1098 : i32 to index
      %parallel_loop3A_1100 = tpu.vector_load %arg7[%parallel_loop3A_1099] {strides = array<i32>} : memref<512xf32, #tpu.memory_space<vmem>>, vector<16xf32>,
      tpu.vector_store %arg7[%parallel_loop3A_1099], %broadcast_in_dim3A_15 {strides = array<i32>} : memref<512xf32, #tpu.memory_space<vmem>>, vector<16xf32>,
      %parallel_loop3A_1101 = arith.constant 5 : i32
      %parallel_loop3A_1102 = arith.addi %parallel_loop3A_1034, %parallel_loop3A_1101 : i32
      %parallel_loop3A_1103 = arith.constant 16 : i32
      %parallel_loop3A_1104 = arith.muli %parallel_loop3A_1102, %parallel_loop3A_1103 : i32
      %parallel_loop3A_1105 = arith.index_cast %parallel_loop3A_1104 : i32 to index
      %parallel_loop3A_1106 = tpu.vector_load %arg8[%parallel_loop3A_1105] {strides = array<i32>} : memref<512xf32, #tpu.memory_space<vmem>>, vector<16xf32>,
      tpu.vector_store %arg8[%parallel_loop3A_1105], %broadcast_in_dim3A_15 {strides = array<i32>} : memref<512xf32, #tpu.memory_space<vmem>>, vector<16xf32>,
      %parallel_loop3A_1107 = arith.constant 6 : i32
      %parallel_loop3A_1108 = arith.addi %parallel_loop3A_1034, %parallel_loop3A_1107 : i32
      %parallel_loop3A_1109 = arith.constant 16 : i32
      %parallel_loop3A_1110 = arith.muli %parallel_loop3A_1108, %parallel_loop3A_1109 : i32
      %parallel_loop3A_1111 = arith.index_cast %parallel_loop3A_1110 : i32 to index
      %parallel_loop3A_1112 = tpu.vector_load %arg7[%parallel_loop3A_1111] {strides = array<i32>} : memref<512xf32, #tpu.memory_space<vmem>>, vector<16xf32>,
      tpu.vector_store %arg7[%parallel_loop3A_1111], %broadcast_in_dim3A_15 {strides = array<i32>} : memref<512xf32, #tpu.memory_space<vmem>>, vector<16xf32>,
      %parallel_loop3A_1113 = arith.constant 6 : i32
      %parallel_loop3A_1114 = arith.addi %parallel_loop3A_1034, %parallel_loop3A_1113 : i32
      %parallel_loop3A_1115 = arith.constant 16 : i32
      %parallel_loop3A_1116 = arith.muli %parallel_loop3A_1114, %parallel_loop3A_1115 : i32
      %parallel_loop3A_1117 = arith.index_cast %parallel_loop3A_1116 : i32 to index
      %parallel_loop3A_1118 = tpu.vector_load %arg8[%parallel_loop3A_1117] {strides = array<i32>} : memref<512xf32, #tpu.memory_space<vmem>>, vector<16xf32>,
      tpu.vector_store %arg8[%parallel_loop3A_1117], %broadcast_in_dim3A_15 {strides = array<i32>} : memref<512xf32, #tpu.memory_space<vmem>>, vector<16xf32>,
      %parallel_loop3A_1119 = arith.constant 7 : i32
      %parallel_loop3A_1120 = arith.addi %parallel_loop3A_1034, %parallel_loop3A_1119 : i32
      %parallel_loop3A_1121 = arith.constant 16 : i32
      %parallel_loop3A_1122 = arith.muli %parallel_loop3A_1120, %parallel_loop3A_1121 : i32
      %parallel_loop3A_1123 = arith.index_cast %parallel_loop3A_1122 : i32 to index
      %parallel_loop3A_1124 = tpu.vector_load %arg7[%parallel_loop3A_1123] {strides = array<i32>} : memref<512xf32, #tpu.memory_space<vmem>>, vector<16xf32>,
      tpu.vector_store %arg7[%parallel_loop3A_1123], %broadcast_in_dim3A_15 {strides = array<i32>} : memref<512xf32, #tpu.memory_space<vmem>>, vector<16xf32>,
      %parallel_loop3A_1125 = arith.constant 7 : i32
      %parallel_loop3A_1126 = arith.addi %parallel_loop3A_1034, %parallel_loop3A_1125 : i32
      %parallel_loop3A_1127 = arith.constant 16 : i32
      %parallel_loop3A_1128 = arith.muli %parallel_loop3A_1126, %parallel_loop3A_1127 : i32
      %parallel_loop3A_1129 = arith.index_cast %parallel_loop3A_1128 : i32 to index
      %parallel_loop3A_1130 = tpu.vector_load %arg8[%parallel_loop3A_1129] {strides = array<i32>} : memref<512xf32, #tpu.memory_space<vmem>>, vector<16xf32>,
      tpu.vector_store %arg8[%parallel_loop3A_1129], %broadcast_in_dim3A_15 {strides = array<i32>} : memref<512xf32, #tpu.memory_space<vmem>>, vector<16xf32>,
    } {sc.loop_unroll_factor = 1 : i64, sc.parallel_access}
    %iota3A = tpu.iota {dimensions = array<i32: 0>} : vector<16xi32>
    %parallel_loop3A_34 = arith.constant 0 : i32
    %parallel_loop3A_35 = arith.constant 2048 : i32
    %parallel_loop3A_36 = arith.constant 1 : i32
    %parallel_loop3A_37 = scf.for %parallel_loop3A_1034 = %parallel_loop3A_34 to %parallel_loop3A_35 step %parallel_loop3A_36 iter_args(%parallel_loop3A_1035 = %iota3A) -> (vector<16xi32>)  : i32 {
      %parallel_loop3A_1036 = arith.constant 16 : i32
      %parallel_loop3A_1037 = arith.muli %parallel_loop3A_1034, %parallel_loop3A_1036 : i32
      %parallel_loop3A_1038 = arith.index_cast %parallel_loop3A_1037 : i32 to index
      %parallel_loop3A_1039 = tpu.vector_load %arg4[%parallel_loop3A_1038] {strides = array<i32>} : memref<32768xf32, #tpu.memory_space<vmem>>, vector<16xf32>,
      %parallel_loop3A_1040 = vector.broadcast %sub3A_30 : f32 to vector<16xf32>
      %parallel_loop3A_1041 = arith.subf %parallel_loop3A_1039, %parallel_loop3A_1040 : vector<16xf32>
      %parallel_loop3A_1042 = arith.constant 0.000000e+00 : f32
      %parallel_loop3A_1043 = vector.broadcast %parallel_loop3A_1042 : f32 to vector<16xf32>
      %parallel_loop3A_1044 = arith.cmpf ogt, %parallel_loop3A_1041, %parallel_loop3A_1043 : vector<16xf32>
      %parallel_loop3A_1045 = tpu.all_reduce %parallel_loop3A_1044 {dim = 0 : i64, kind = #tpu.reduction_kind<sum>} : vector<16xi1> -> vector<16xi32>
      %parallel_loop3A_1046 = arith.constant 0 : i32
      %parallel_loop3A_1047 = vector.broadcast %parallel_loop3A_1046 : i32 to vector<16xi32>
      %parallel_loop3A_1048 = arith.cmpi sgt, %parallel_loop3A_1045, %parallel_loop3A_1047 : vector<16xi32>
      tpu.vector_store_idx %arg6[%parallel_loop3A_1035], %parallel_loop3A_1041 masked %parallel_loop3A_1048 : memref<32784xf32, #tpu.memory_space<vmem>>[vector<16xi32>], vector<16xf32>, vector<16xi1>
      %parallel_loop3A_1049 = arith.constant 16 : i32
      %parallel_loop3A_1050 = arith.constant 0 : i32
      %parallel_loop3A_1051 = vector.broadcast %parallel_loop3A_1049 : i32 to vector<16xi32>
      %parallel_loop3A_1052 = vector.broadcast %parallel_loop3A_1050 : i32 to vector<16xi32>
      %parallel_loop3A_1053 = arith.select %parallel_loop3A_1048, %parallel_loop3A_1051, %parallel_loop3A_1052 : vector<16xi1>, vector<16xi32>
      %parallel_loop3A_1054 = arith.addi %parallel_loop3A_1035, %parallel_loop3A_1053 : vector<16xi32>
      scf.yield %parallel_loop3A_1054 : vector<16xi32>
    } {sc.loop_unroll_factor = 8 : i64, sc.parallel_access}
    %slice3A_38 = vector.extract_strided_slice %parallel_loop3A_37 {offsets = [0], sizes = [1], strides = [1]} : vector<16xi32> to vector<1xi32>
    %squeeze3A_39 = vector.extract %slice3A_38[0] : i32 from vector<1xi32>
    %swap3A = arith.index_cast %squeeze3A_39 : i32 to index
    %swap3A_40 = tpu.vector_load %arg6[%swap3A] {strides = array<i32>} : memref<32784xf32, #tpu.memory_space<vmem>>, vector<16xf32>,
    tpu.vector_store %arg6[%swap3A], %broadcast_in_dim3A_15 {strides = array<i32>} : memref<32784xf32, #tpu.memory_space<vmem>>, vector<16xf32>,
    %add3A_41 = arith.constant 15 : i32
    %add3A_42 = arith.addi %squeeze3A_39, %add3A_41 : i32
    %shift_right_logical3A = arith.constant 4 : i32
    %shift_right_logical3A_43 = arith.shrui %add3A_42, %shift_right_logical3A : i32
    %while3A = arith.constant 0 : i32
    %while3A_44 = arith.constant 0 : i32
    %while3A_45 = arith.subi %shift_right_logical3A_43, %while3A : i32
    %while3A_46 = arith.addi %while3A, %while3A_45 : i32
    %while3A_47 = arith.constant 1 : i32
    %while3A_48 = arith.divsi %while3A_45, %while3A_47 : i32
    %while3A_49 = arith.muli %while3A_48, %while3A_47 : i32
    %while3A_50 = arith.addi %while3A, %while3A_49 : i32
    %while3A_51 = arith.constant 1 : i32
    %while3A_52 = scf.for %while3A_1034 = %while3A to %while3A_50 step %while3A_51 iter_args(%while3A_1035 = %while3A_44) -> (i32)  : i32 {
      %mul3A_1036 = arith.constant 16 : i32
      %mul3A_1037 = arith.muli %while3A_1034, %mul3A_1036 : i32
      %get3A = arith.index_cast %mul3A_1037 : i32 to index
      %get3A_1038 = tpu.vector_load %arg6[%get3A] {strides = array<i32>} : memref<32784xf32, #tpu.memory_space<vmem>>, vector<16xf32>,
      %mul3A_1039 = arith.constant 5.120000e+02 : f32
      %mul3A_1040 = vector.broadcast %mul3A_1039 : f32 to vector<16xf32>
      %mul3A_1041 = arith.mulf %get3A_1038, %mul3A_1040 : vector<16xf32>
      %jit3A = arith.constant 0.000000e+00 : f32
      %jit3A_1042 = arith.constant 5.110000e+02 : f32
      %max3A_1043 = vector.broadcast %jit3A : f32 to vector<16xf32>
      %max3A_1044 = arith.maximumf %max3A_1043, %mul3A_1041 : vector<16xf32>
      %min3A = vector.broadcast %jit3A_1042 : f32 to vector<16xf32>
      %min3A_1045 = arith.minimumf %min3A, %max3A_1044 : vector<16xf32>
      %convert_element_type3A_1046 = arith.fptosi %min3A_1045 : vector<16xf32> to vector<16xi32>
      %gt3A = arith.constant 0.000000e+00 : f32
      %gt3A_1047 = vector.broadcast %gt3A : f32 to vector<16xf32>
      %gt3A_1048 = arith.cmpf ogt, %get3A_1038, %gt3A_1047 : vector<16xf32>
      tpu.vector_store_idx %arg7[%convert_element_type3A_1046], %broadcast_in_dim3A_13 masked %gt3A_1048 {add = true} : memref<512xf32, #tpu.memory_space<vmem>>[vector<16xi32>], vector<16xf32>, vector<16xi1>
      tpu.vector_store_idx %arg8[%convert_element_type3A_1046], %get3A_1038 masked %gt3A_1048 {add = true} : memref<512xf32, #tpu.memory_space<vmem>>[vector<16xi32>], vector<16xf32>, vector<16xi1>
      %while3A_1049 = arith.constant 0 : i32
      scf.yield %while3A_1049 : i32
    }
    %while3A_53 = arith.constant 1 : i32
    %while3A_54 = scf.for %while3A_1034 = %while3A_50 to %while3A_46 step %while3A_53 iter_args(%while3A_1035 = %while3A_52) -> (i32)  : i32 {
      %mul3A_1036 = arith.constant 16 : i32
      %mul3A_1037 = arith.muli %while3A_1034, %mul3A_1036 : i32
      %get3A = arith.index_cast %mul3A_1037 : i32 to index
      %get3A_1038 = tpu.vector_load %arg6[%get3A] {strides = array<i32>} : memref<32784xf32, #tpu.memory_space<vmem>>, vector<16xf32>,
      %mul3A_1039 = arith.constant 5.120000e+02 : f32
      %mul3A_1040 = vector.broadcast %mul3A_1039 : f32 to vector<16xf32>
      %mul3A_1041 = arith.mulf %get3A_1038, %mul3A_1040 : vector<16xf32>
      %jit3A = arith.constant 0.000000e+00 : f32
      %jit3A_1042 = arith.constant 5.110000e+02 : f32
      %max3A_1043 = vector.broadcast %jit3A : f32 to vector<16xf32>
      %max3A_1044 = arith.maximumf %max3A_1043, %mul3A_1041 : vector<16xf32>
      %min3A = vector.broadcast %jit3A_1042 : f32 to vector<16xf32>
      %min3A_1045 = arith.minimumf %min3A, %max3A_1044 : vector<16xf32>
      %convert_element_type3A_1046 = arith.fptosi %min3A_1045 : vector<16xf32> to vector<16xi32>
      %gt3A = arith.constant 0.000000e+00 : f32
      %gt3A_1047 = vector.broadcast %gt3A : f32 to vector<16xf32>
      %gt3A_1048 = arith.cmpf ogt, %get3A_1038, %gt3A_1047 : vector<16xf32>
      tpu.vector_store_idx %arg7[%convert_element_type3A_1046], %broadcast_in_dim3A_13 masked %gt3A_1048 {add = true} : memref<512xf32, #tpu.memory_space<vmem>>[vector<16xi32>], vector<16xf32>, vector<16xi1>
      tpu.vector_store_idx %arg8[%convert_element_type3A_1046], %get3A_1038 masked %gt3A_1048 {add = true} : memref<512xf32, #tpu.memory_space<vmem>>[vector<16xi32>], vector<16xf32>, vector<16xi1>
      %while3A_1049 = arith.constant 0 : i32
      scf.yield %while3A_1049 : i32
    }
    %iota3A_55 = tpu.iota {dimensions = array<i32: 0>} : vector<16xi32>
    %convert_element_type3A = arith.sitofp %iota3A_55 : vector<16xi32> to vector<16xf32>
    %broadcast_in_dim3A_56 = arith.constant -1.000000e+00 : f32
    %broadcast_in_dim3A_57 = vector.broadcast %broadcast_in_dim3A_56 : f32 to vector<16xf32>
    %scan3A = arith.constant 0.000000e+00 : f32
    %scan3A_58 = arith.constant 0.000000e+00 : f32
    %scan3A_59 = arith.constant 0 : i32
    %scan3A_60 = arith.constant 32 : i32
    %scan3A_61 = arith.addi %scan3A_59, %scan3A_60 : i32
    %scan3A_62 = arith.constant 1 : i32
    %scan3A_63:3 = scf.for %scan3A_1034 = %scan3A_59 to %scan3A_61 step %scan3A_62 iter_args(%scan3A_1035 = %scan3A, %scan3A_1036 = %scan3A_58, %scan3A_1037 = %broadcast_in_dim3A_57) -> (f32, f32, vector<16xf32>)  : i32 {
      %sub3A_1038 = arith.constant 31 : i32
      %sub3A_1039 = arith.subi %sub3A_1038, %scan3A_1034 : i32
      %mul3A_1040 = arith.constant 16 : i32
      %mul3A_1041 = arith.muli %sub3A_1039, %mul3A_1040 : i32
      %get3A = arith.index_cast %mul3A_1041 : i32 to index
      %get3A_1042 = tpu.vector_load %arg7[%get3A] {strides = array<i32>} : memref<512xf32, #tpu.memory_space<vmem>>, vector<16xf32>,
      %mul3A_1043 = arith.constant 16 : i32
      %mul3A_1044 = arith.muli %sub3A_1039, %mul3A_1043 : i32
      %get3A_1045 = arith.index_cast %mul3A_1044 : i32 to index
      %get3A_1046 = tpu.vector_load %arg8[%get3A_1045] {strides = array<i32>} : memref<512xf32, #tpu.memory_space<vmem>>, vector<16xf32>,
      %rev3A = arith.constant 15 : i32
      %rev3A_1047 = vector.broadcast %rev3A : i32 to vector<16xi32>
      %rev3A_1048 = tpu.iota {dimensions = array<i32: 0>} : vector<16xi32>
      %rev3A_1049 = arith.subi %rev3A_1047, %rev3A_1048 : vector<16xi32>
      %rev3A_1050 = tpu.dynamic_gather %get3A_1042[%rev3A_1049] in [0] : vector<16xf32>, vector<16xi32> -> vector<16xf32>
      %broadcast_in_dim3A_1051 = arith.constant true
      %broadcast_in_dim3A_1052 = vector.broadcast %broadcast_in_dim3A_1051 : i1 to vector<16xi1>
      %masked_cumsum3A_1053 = tpu.scan <sum>, %rev3A_1050 masked %broadcast_in_dim3A_1052 : vector<16xf32>, vector<16xi1> -> vector<16xf32>
      %rev3A_1054 = arith.constant 15 : i32
      %rev3A_1055 = vector.broadcast %rev3A_1054 : i32 to vector<16xi32>
      %rev3A_1056 = tpu.iota {dimensions = array<i32: 0>} : vector<16xi32>
      %rev3A_1057 = arith.subi %rev3A_1055, %rev3A_1056 : vector<16xi32>
      %rev3A_1058 = tpu.dynamic_gather %masked_cumsum3A_1053[%rev3A_1057] in [0] : vector<16xf32>, vector<16xi32> -> vector<16xf32>
      %rev3A_1059 = arith.constant 15 : i32
      %rev3A_1060 = vector.broadcast %rev3A_1059 : i32 to vector<16xi32>
      %rev3A_1061 = tpu.iota {dimensions = array<i32: 0>} : vector<16xi32>
      %rev3A_1062 = arith.subi %rev3A_1060, %rev3A_1061 : vector<16xi32>
      %rev3A_1063 = tpu.dynamic_gather %get3A_1046[%rev3A_1062] in [0] : vector<16xf32>, vector<16xi32> -> vector<16xf32>
      %broadcast_in_dim3A_1064 = arith.constant true
      %broadcast_in_dim3A_1065 = vector.broadcast %broadcast_in_dim3A_1064 : i1 to vector<16xi1>
      %masked_cumsum3A_1066 = tpu.scan <sum>, %rev3A_1063 masked %broadcast_in_dim3A_1065 : vector<16xf32>, vector<16xi1> -> vector<16xf32>
      %rev3A_1067 = arith.constant 15 : i32
      %rev3A_1068 = vector.broadcast %rev3A_1067 : i32 to vector<16xi32>
      %rev3A_1069 = tpu.iota {dimensions = array<i32: 0>} : vector<16xi32>
      %rev3A_1070 = arith.subi %rev3A_1068, %rev3A_1069 : vector<16xi32>
      %rev3A_1071 = tpu.dynamic_gather %masked_cumsum3A_1066[%rev3A_1070] in [0] : vector<16xf32>, vector<16xi32> -> vector<16xf32>
      %slice3A_1072 = vector.extract_strided_slice %rev3A_1058 {offsets = [0], sizes = [1], strides = [1]} : vector<16xf32> to vector<1xf32>
      %squeeze3A_1073 = vector.extract %slice3A_1072[0] : f32 from vector<1xf32>
      %slice3A_1074 = vector.extract_strided_slice %rev3A_1071 {offsets = [0], sizes = [1], strides = [1]} : vector<16xf32> to vector<1xf32>
      %squeeze3A_1075 = vector.extract %slice3A_1074[0] : f32 from vector<1xf32>
      %mul3A_1076 = arith.constant 16 : i32
      %mul3A_1077 = arith.muli %sub3A_1039, %mul3A_1076 : i32
      %convert_element_type3A_1078 = arith.sitofp %mul3A_1077 : i32 to f32
      %add3A_1079 = vector.broadcast %convert_element_type3A_1078 : f32 to vector<16xf32>
      %add3A_1080 = arith.addf %convert_element_type3A, %add3A_1079 : vector<16xf32>
      %sub3A_1081 = arith.constant 2.000000e+00 : f32
      %sub3A_1082 = vector.broadcast %sub3A_1081 : f32 to vector<16xf32>
      %sub3A_1083 = arith.subf %add3A_1080, %sub3A_1082 : vector<16xf32>
      %mul3A_1084 = arith.constant 0.001953125 : f32
      %mul3A_1085 = vector.broadcast %mul3A_1084 : f32 to vector<16xf32>
      %mul3A_1086 = arith.mulf %sub3A_1083, %mul3A_1085 : vector<16xf32>
      %add3A_1087 = vector.broadcast %scan3A_1036 : f32 to vector<16xf32>
      %add3A_1088 = arith.addf %rev3A_1071, %add3A_1087 : vector<16xf32>
      %add3A_1089 = vector.broadcast %scan3A_1035 : f32 to vector<16xf32>
      %add3A_1090 = arith.addf %rev3A_1058, %add3A_1089 : vector<16xf32>
      %mul3A_1091 = arith.mulf %add3A_1090, %mul3A_1086 : vector<16xf32>
      %sub3A_1092 = arith.subf %add3A_1088, %mul3A_1091 : vector<16xf32>
      %sub3A_1093 = arith.constant 1.000000e+00 : f32
      %sub3A_1094 = vector.broadcast %sub3A_1093 : f32 to vector<16xf32>
      %sub3A_1095 = arith.subf %sub3A_1092, %sub3A_1094 : vector<16xf32>
      %gt3A = arith.constant 0.000000e+00 : f32
      %gt3A_1096 = vector.broadcast %gt3A : f32 to vector<16xf32>
      %gt3A_1097 = arith.cmpf ogt, %sub3A_1095, %gt3A_1096 : vector<16xf32>
      %jit3A = arith.constant -1.000000e+00 : f32
      %broadcast_in_dim3A_1098 = vector.broadcast %jit3A : f32 to vector<16xf32>
      %select_n3A = arith.select %gt3A_1097, %add3A_1080, %broadcast_in_dim3A_1098 : vector<16xi1>, vector<16xf32>
      %max3A_1099 = arith.maximumf %scan3A_1037, %select_n3A : vector<16xf32>
      %add3A_1100 = arith.addf %scan3A_1035, %squeeze3A_1073 : f32
      %add3A_1101 = arith.addf %scan3A_1036, %squeeze3A_1075 : f32
      scf.yield %add3A_1100, %add3A_1101, %max3A_1099 : f32, f32, vector<16xf32>
    }
    %scan3A_64 = arith.constant 32 : i32
    %broadcast_in_dim3A_65 = arith.constant true
    %broadcast_in_dim3A_66 = vector.broadcast %broadcast_in_dim3A_65 : i1 to vector<16xi1>
    %masked_cummax3A_67 = tpu.scan <max>, %scan3A_63#2 masked %broadcast_in_dim3A_66 : vector<16xf32>, vector<16xi1> -> vector<16xf32>
    %slice3A_68 = vector.extract_strided_slice %masked_cummax3A_67 {offsets = [15], sizes = [1], strides = [1]} : vector<16xf32> to vector<1xf32>
    %squeeze3A_69 = vector.extract %slice3A_68[0] : f32 from vector<1xf32>
    %broadcast_in_dim3A_70 = arith.constant 1.000000e+00 : f32
    %broadcast_in_dim3A_71 = vector.broadcast %broadcast_in_dim3A_70 : f32 to vector<16xf32>
    %sub3A_72 = arith.constant 2.000000e+00 : f32
    %sub3A_73 = arith.subf %squeeze3A_69, %sub3A_72 : f32
    %mul3A_74 = arith.constant 0.001953125 : f32
    %mul3A_75 = arith.mulf %sub3A_73, %mul3A_74 : f32
    %max3A_76 = arith.constant 0.000000e+00 : f32
    %max3A_77 = arith.maximumf %mul3A_75, %max3A_76 : f32
    %mul3A_78 = vector.broadcast %max3A_77 : f32 to vector<16xf32>
    %mul3A_79 = arith.mulf %broadcast_in_dim3A_71, %mul3A_78 : vector<16xf32>
    %while3A_80 = arith.constant 0 : i32
    %while3A_81 = arith.subi %shift_right_logical3A_43, %while3A_80 : i32
    %while3A_82 = arith.addi %while3A_80, %while3A_81 : i32
    %while3A_83 = arith.constant 1 : i32
    %while3A_84 = arith.divsi %while3A_81, %while3A_83 : i32
    %while3A_85 = arith.muli %while3A_84, %while3A_83 : i32
    %while3A_86 = arith.addi %while3A_80, %while3A_85 : i32
    %while3A_87 = arith.constant 1 : i32
    %while3A_88:2 = scf.for %while3A_1034 = %while3A_80 to %while3A_86 step %while3A_87 iter_args(%while3A_1035 = %broadcast_in_dim3A_15, %while3A_1036 = %broadcast_in_dim3A_15) -> (vector<16xf32>, vector<16xf32>)  : i32 {
      %mul3A_1037 = arith.constant 16 : i32
      %mul3A_1038 = arith.muli %while3A_1034, %mul3A_1037 : i32
      %get3A = arith.index_cast %mul3A_1038 : i32 to index
      %get3A_1039 = tpu.vector_load %arg6[%get3A] {strides = array<i32>} : memref<32784xf32, #tpu.memory_space<vmem>>, vector<16xf32>,
      %sub3A_1040 = arith.subf %get3A_1039, %mul3A_79 : vector<16xf32>
      %max3A_1041 = arith.constant 0.000000e+00 : f32
      %max3A_1042 = vector.broadcast %max3A_1041 : f32 to vector<16xf32>
      %max3A_1043 = arith.maximumf %sub3A_1040, %max3A_1042 : vector<16xf32>
      %add3A_1044 = arith.addf %while3A_1035, %max3A_1043 : vector<16xf32>
      %gt3A = arith.constant 0.000000e+00 : f32
      %gt3A_1045 = vector.broadcast %gt3A : f32 to vector<16xf32>
      %gt3A_1046 = arith.cmpf ogt, %max3A_1043, %gt3A_1045 : vector<16xf32>
      %jit3A = arith.constant 1.000000e+00 : f32
      %jit3A_1047 = arith.constant 0.000000e+00 : f32
      %broadcast_in_dim3A_1048 = vector.broadcast %jit3A : f32 to vector<16xf32>
      %broadcast_in_dim3A_1049 = vector.broadcast %jit3A_1047 : f32 to vector<16xf32>
      %select_n3A = arith.select %gt3A_1046, %broadcast_in_dim3A_1048, %broadcast_in_dim3A_1049 : vector<16xi1>, vector<16xf32>
      %add3A_1050 = arith.addf %while3A_1036, %select_n3A : vector<16xf32>
      scf.yield %add3A_1044, %add3A_1050 : vector<16xf32>, vector<16xf32>
    }
    %while3A_89 = arith.constant 1 : i32
    %while3A_90:2 = scf.for %while3A_1034 = %while3A_86 to %while3A_82 step %while3A_89 iter_args(%while3A_1035 = %while3A_88#0, %while3A_1036 = %while3A_88#1) -> (vector<16xf32>, vector<16xf32>)  : i32 {
      %mul3A_1037 = arith.constant 16 : i32
      %mul3A_1038 = arith.muli %while3A_1034, %mul3A_1037 : i32
      %get3A = arith.index_cast %mul3A_1038 : i32 to index
      %get3A_1039 = tpu.vector_load %arg6[%get3A] {strides = array<i32>} : memref<32784xf32, #tpu.memory_space<vmem>>, vector<16xf32>,
      %sub3A_1040 = arith.subf %get3A_1039, %mul3A_79 : vector<16xf32>
      %max3A_1041 = arith.constant 0.000000e+00 : f32
      %max3A_1042 = vector.broadcast %max3A_1041 : f32 to vector<16xf32>
      %max3A_1043 = arith.maximumf %sub3A_1040, %max3A_1042 : vector<16xf32>
      %add3A_1044 = arith.addf %while3A_1035, %max3A_1043 : vector<16xf32>
      %gt3A = arith.constant 0.000000e+00 : f32
      %gt3A_1045 = vector.broadcast %gt3A : f32 to vector<16xf32>
      %gt3A_1046 = arith.cmpf ogt, %max3A_1043, %gt3A_1045 : vector<16xf32>
      %jit3A = arith.constant 1.000000e+00 : f32
      %jit3A_1047 = arith.constant 0.000000e+00 : f32
      %broadcast_in_dim3A_1048 = vector.broadcast %jit3A : f32 to vector<16xf32>
      %broadcast_in_dim3A_1049 = vector.broadcast %jit3A_1047 : f32 to vector<16xf32>
      %select_n3A = arith.select %gt3A_1046, %broadcast_in_dim3A_1048, %broadcast_in_dim3A_1049 : vector<16xi1>, vector<16xf32>
      %add3A_1050 = arith.addf %while3A_1036, %select_n3A : vector<16xf32>
      scf.yield %add3A_1044, %add3A_1050 : vector<16xf32>, vector<16xf32>
    }
    %broadcast_in_dim3A_91 = arith.constant true
    %broadcast_in_dim3A_92 = vector.broadcast %broadcast_in_dim3A_91 : i1 to vector<16xi1>
    %masked_cumsum3A = tpu.scan <sum>, %while3A_90#0 masked %broadcast_in_dim3A_92 : vector<16xf32>, vector<16xi1> -> vector<16xf32>
    %slice3A_93 = vector.extract_strided_slice %masked_cumsum3A {offsets = [15], sizes = [1], strides = [1]} : vector<16xf32> to vector<1xf32>
    %squeeze3A_94 = vector.extract %slice3A_93[0] : f32 from vector<1xf32>
    %broadcast_in_dim3A_95 = arith.constant true
    %broadcast_in_dim3A_96 = vector.broadcast %broadcast_in_dim3A_95 : i1 to vector<16xi1>
    %masked_cumsum3A_97 = tpu.scan <sum>, %while3A_90#1 masked %broadcast_in_dim3A_96 : vector<16xf32>, vector<16xi1> -> vector<16xf32>
    %slice3A_98 = vector.extract_strided_slice %masked_cumsum3A_97 {offsets = [15], sizes = [1], strides = [1]} : vector<16xf32> to vector<1xf32>
    %squeeze3A_99 = vector.extract %slice3A_98[0] : f32 from vector<1xf32>
    %broadcast_in_dim3A_100 = arith.constant 1.000000e+00 : f32
    %broadcast_in_dim3A_101 = vector.broadcast %broadcast_in_dim3A_100 : f32 to vector<16xf32>
    %mul3A_102 = vector.broadcast %squeeze3A_94 : f32 to vector<16xf32>
    %mul3A_103 = arith.mulf %broadcast_in_dim3A_101, %mul3A_102 : vector<16xf32>
    %broadcast_in_dim3A_104 = arith.constant 1.000000e+00 : f32
    %broadcast_in_dim3A_105 = vector.broadcast %broadcast_in_dim3A_104 : f32 to vector<16xf32>
    %mul3A_106 = vector.broadcast %squeeze3A_99 : f32 to vector<16xf32>
    %mul3A_107 = arith.mulf %broadcast_in_dim3A_105, %mul3A_106 : vector<16xf32>
    %sub3A_108 = arith.constant 1.000000e+00 : f32
    %sub3A_109 = vector.broadcast %sub3A_108 : f32 to vector<16xf32>
    %sub3A_110 = arith.subf %mul3A_103, %sub3A_109 : vector<16xf32>
    %max3A_111 = arith.constant 1.000000e+00 : f32
    %max3A_112 = vector.broadcast %max3A_111 : f32 to vector<16xf32>
    %max3A_113 = arith.maximumf %mul3A_107, %max3A_112 : vector<16xf32>
    %div3A = arith.divf %sub3A_110, %max3A_113 : vector<16xf32>
    %add3A_114 = arith.addf %mul3A_79, %div3A : vector<16xf32>
    %while3A_115 = arith.constant 0 : i32
    %while3A_116 = arith.subi %shift_right_logical3A_43, %while3A_115 : i32
    %while3A_117 = arith.addi %while3A_115, %while3A_116 : i32
    %while3A_118 = arith.constant 1 : i32
    %while3A_119 = arith.divsi %while3A_116, %while3A_118 : i32
    %while3A_120 = arith.muli %while3A_119, %while3A_118 : i32
    %while3A_121 = arith.addi %while3A_115, %while3A_120 : i32
    %while3A_122 = arith.constant 1 : i32
    %while3A_123:2 = scf.for %while3A_1034 = %while3A_115 to %while3A_121 step %while3A_122 iter_args(%while3A_1035 = %broadcast_in_dim3A_15, %while3A_1036 = %broadcast_in_dim3A_15) -> (vector<16xf32>, vector<16xf32>)  : i32 {
      %mul3A_1037 = arith.constant 16 : i32
      %mul3A_1038 = arith.muli %while3A_1034, %mul3A_1037 : i32
      %get3A = arith.index_cast %mul3A_1038 : i32 to index
      %get3A_1039 = tpu.vector_load %arg6[%get3A] {strides = array<i32>} : memref<32784xf32, #tpu.memory_space<vmem>>, vector<16xf32>,
      %sub3A_1040 = arith.subf %get3A_1039, %add3A_114 : vector<16xf32>
      %max3A_1041 = arith.constant 0.000000e+00 : f32
      %max3A_1042 = vector.broadcast %max3A_1041 : f32 to vector<16xf32>
      %max3A_1043 = arith.maximumf %sub3A_1040, %max3A_1042 : vector<16xf32>
      %add3A_1044 = arith.addf %while3A_1035, %max3A_1043 : vector<16xf32>
      %gt3A = arith.constant 0.000000e+00 : f32
      %gt3A_1045 = vector.broadcast %gt3A : f32 to vector<16xf32>
      %gt3A_1046 = arith.cmpf ogt, %max3A_1043, %gt3A_1045 : vector<16xf32>
      %jit3A = arith.constant 1.000000e+00 : f32
      %jit3A_1047 = arith.constant 0.000000e+00 : f32
      %broadcast_in_dim3A_1048 = vector.broadcast %jit3A : f32 to vector<16xf32>
      %broadcast_in_dim3A_1049 = vector.broadcast %jit3A_1047 : f32 to vector<16xf32>
      %select_n3A = arith.select %gt3A_1046, %broadcast_in_dim3A_1048, %broadcast_in_dim3A_1049 : vector<16xi1>, vector<16xf32>
      %add3A_1050 = arith.addf %while3A_1036, %select_n3A : vector<16xf32>
      scf.yield %add3A_1044, %add3A_1050 : vector<16xf32>, vector<16xf32>
    }
    %while3A_124 = arith.constant 1 : i32
    %while3A_125:2 = scf.for %while3A_1034 = %while3A_121 to %while3A_117 step %while3A_124 iter_args(%while3A_1035 = %while3A_123#0, %while3A_1036 = %while3A_123#1) -> (vector<16xf32>, vector<16xf32>)  : i32 {
      %mul3A_1037 = arith.constant 16 : i32
      %mul3A_1038 = arith.muli %while3A_1034, %mul3A_1037 : i32
      %get3A = arith.index_cast %mul3A_1038 : i32 to index
      %get3A_1039 = tpu.vector_load %arg6[%get3A] {strides = array<i32>} : memref<32784xf32, #tpu.memory_space<vmem>>, vector<16xf32>,
      %sub3A_1040 = arith.subf %get3A_1039, %add3A_114 : vector<16xf32>
      %max3A_1041 = arith.constant 0.000000e+00 : f32
      %max3A_1042 = vector.broadcast %max3A_1041 : f32 to vector<16xf32>
      %max3A_1043 = arith.maximumf %sub3A_1040, %max3A_1042 : vector<16xf32>
      %add3A_1044 = arith.addf %while3A_1035, %max3A_1043 : vector<16xf32>
      %gt3A = arith.constant 0.000000e+00 : f32
      %gt3A_1045 = vector.broadcast %gt3A : f32 to vector<16xf32>
      %gt3A_1046 = arith.cmpf ogt, %max3A_1043, %gt3A_1045 : vector<16xf32>
      %jit3A = arith.constant 1.000000e+00 : f32
      %jit3A_1047 = arith.constant 0.000000e+00 : f32
      %broadcast_in_dim3A_1048 = vector.broadcast %jit3A : f32 to vector<16xf32>
      %broadcast_in_dim3A_1049 = vector.broadcast %jit3A_1047 : f32 to vector<16xf32>
      %select_n3A = arith.select %gt3A_1046, %broadcast_in_dim3A_1048, %broadcast_in_dim3A_1049 : vector<16xi1>, vector<16xf32>
      %add3A_1050 = arith.addf %while3A_1036, %select_n3A : vector<16xf32>
      scf.yield %add3A_1044, %add3A_1050 : vector<16xf32>, vector<16xf32>
    }
    %broadcast_in_dim3A_126 = arith.constant true
    %broadcast_in_dim3A_127 = vector.broadcast %broadcast_in_dim3A_126 : i1 to vector<16xi1>
    %masked_cumsum3A_128 = tpu.scan <sum>, %while3A_125#0 masked %broadcast_in_dim3A_127 : vector<16xf32>, vector<16xi1> -> vector<16xf32>
    %slice3A_129 = vector.extract_strided_slice %masked_cumsum3A_128 {offsets = [15], sizes = [1], strides = [1]} : vector<16xf32> to vector<1xf32>
    %squeeze3A_130 = vector.extract %slice3A_129[0] : f32 from vector<1xf32>
    %broadcast_in_dim3A_131 = arith.constant true
    %broadcast_in_dim3A_132 = vector.broadcast %broadcast_in_dim3A_131 : i1 to vector<16xi1>
    %masked_cumsum3A_133 = tpu.scan <sum>, %while3A_125#1 masked %broadcast_in_dim3A_132 : vector<16xf32>, vector<16xi1> -> vector<16xf32>
    %slice3A_134 = vector.extract_strided_slice %masked_cumsum3A_133 {offsets = [15], sizes = [1], strides = [1]} : vector<16xf32> to vector<1xf32>
    %squeeze3A_135 = vector.extract %slice3A_134[0] : f32 from vector<1xf32>
    %broadcast_in_dim3A_136 = arith.constant 1.000000e+00 : f32
    %broadcast_in_dim3A_137 = vector.broadcast %broadcast_in_dim3A_136 : f32 to vector<16xf32>
    %mul3A_138 = vector.broadcast %squeeze3A_130 : f32 to vector<16xf32>
    %mul3A_139 = arith.mulf %broadcast_in_dim3A_137, %mul3A_138 : vector<16xf32>
    %broadcast_in_dim3A_140 = arith.constant 1.000000e+00 : f32
    %broadcast_in_dim3A_141 = vector.broadcast %broadcast_in_dim3A_140 : f32 to vector<16xf32>
    %mul3A_142 = vector.broadcast %squeeze3A_135 : f32 to vector<16xf32>
    %mul3A_143 = arith.mulf %broadcast_in_dim3A_141, %mul3A_142 : vector<16xf32>
    %sub3A_144 = arith.constant 1.000000e+00 : f32
    %sub3A_145 = vector.broadcast %sub3A_144 : f32 to vector<16xf32>
    %sub3A_146 = arith.subf %mul3A_139, %sub3A_145 : vector<16xf32>
    %max3A_147 = arith.constant 1.000000e+00 : f32
    %max3A_148 = vector.broadcast %max3A_147 : f32 to vector<16xf32>
    %max3A_149 = arith.maximumf %mul3A_143, %max3A_148 : vector<16xf32>
    %div3A_150 = arith.divf %sub3A_146, %max3A_149 : vector<16xf32>
    %add3A_151 = arith.addf %add3A_114, %div3A_150 : vector<16xf32>
    %while3A_152 = arith.constant 0 : i32
    %while3A_153 = arith.subi %shift_right_logical3A_43, %while3A_152 : i32
    %while3A_154 = arith.addi %while3A_152, %while3A_153 : i32
    %while3A_155 = arith.constant 1 : i32
    %while3A_156 = arith.divsi %while3A_153, %while3A_155 : i32
    %while3A_157 = arith.muli %while3A_156, %while3A_155 : i32
    %while3A_158 = arith.addi %while3A_152, %while3A_157 : i32
    %while3A_159 = arith.constant 1 : i32
    %while3A_160:2 = scf.for %while3A_1034 = %while3A_152 to %while3A_158 step %while3A_159 iter_args(%while3A_1035 = %broadcast_in_dim3A_15, %while3A_1036 = %broadcast_in_dim3A_15) -> (vector<16xf32>, vector<16xf32>)  : i32 {
      %mul3A_1037 = arith.constant 16 : i32
      %mul3A_1038 = arith.muli %while3A_1034, %mul3A_1037 : i32
      %get3A = arith.index_cast %mul3A_1038 : i32 to index
      %get3A_1039 = tpu.vector_load %arg6[%get3A] {strides = array<i32>} : memref<32784xf32, #tpu.memory_space<vmem>>, vector<16xf32>,
      %sub3A_1040 = arith.subf %get3A_1039, %add3A_151 : vector<16xf32>
      %max3A_1041 = arith.constant 0.000000e+00 : f32
      %max3A_1042 = vector.broadcast %max3A_1041 : f32 to vector<16xf32>
      %max3A_1043 = arith.maximumf %sub3A_1040, %max3A_1042 : vector<16xf32>
      %add3A_1044 = arith.addf %while3A_1035, %max3A_1043 : vector<16xf32>
      %gt3A = arith.constant 0.000000e+00 : f32
      %gt3A_1045 = vector.broadcast %gt3A : f32 to vector<16xf32>
      %gt3A_1046 = arith.cmpf ogt, %max3A_1043, %gt3A_1045 : vector<16xf32>
      %jit3A = arith.constant 1.000000e+00 : f32
      %jit3A_1047 = arith.constant 0.000000e+00 : f32
      %broadcast_in_dim3A_1048 = vector.broadcast %jit3A : f32 to vector<16xf32>
      %broadcast_in_dim3A_1049 = vector.broadcast %jit3A_1047 : f32 to vector<16xf32>
      %select_n3A = arith.select %gt3A_1046, %broadcast_in_dim3A_1048, %broadcast_in_dim3A_1049 : vector<16xi1>, vector<16xf32>
      %add3A_1050 = arith.addf %while3A_1036, %select_n3A : vector<16xf32>
      scf.yield %add3A_1044, %add3A_1050 : vector<16xf32>, vector<16xf32>
    }
    %while3A_161 = arith.constant 1 : i32
    %while3A_162:2 = scf.for %while3A_1034 = %while3A_158 to %while3A_154 step %while3A_161 iter_args(%while3A_1035 = %while3A_160#0, %while3A_1036 = %while3A_160#1) -> (vector<16xf32>, vector<16xf32>)  : i32 {
      %mul3A_1037 = arith.constant 16 : i32
      %mul3A_1038 = arith.muli %while3A_1034, %mul3A_1037 : i32
      %get3A = arith.index_cast %mul3A_1038 : i32 to index
      %get3A_1039 = tpu.vector_load %arg6[%get3A] {strides = array<i32>} : memref<32784xf32, #tpu.memory_space<vmem>>, vector<16xf32>,
      %sub3A_1040 = arith.subf %get3A_1039, %add3A_151 : vector<16xf32>
      %max3A_1041 = arith.constant 0.000000e+00 : f32
      %max3A_1042 = vector.broadcast %max3A_1041 : f32 to vector<16xf32>
      %max3A_1043 = arith.maximumf %sub3A_1040, %max3A_1042 : vector<16xf32>
      %add3A_1044 = arith.addf %while3A_1035, %max3A_1043 : vector<16xf32>
      %gt3A = arith.constant 0.000000e+00 : f32
      %gt3A_1045 = vector.broadcast %gt3A : f32 to vector<16xf32>
      %gt3A_1046 = arith.cmpf ogt, %max3A_1043, %gt3A_1045 : vector<16xf32>
      %jit3A = arith.constant 1.000000e+00 : f32
      %jit3A_1047 = arith.constant 0.000000e+00 : f32
      %broadcast_in_dim3A_1048 = vector.broadcast %jit3A : f32 to vector<16xf32>
      %broadcast_in_dim3A_1049 = vector.broadcast %jit3A_1047 : f32 to vector<16xf32>
      %select_n3A = arith.select %gt3A_1046, %broadcast_in_dim3A_1048, %broadcast_in_dim3A_1049 : vector<16xi1>, vector<16xf32>
      %add3A_1050 = arith.addf %while3A_1036, %select_n3A : vector<16xf32>
      scf.yield %add3A_1044, %add3A_1050 : vector<16xf32>, vector<16xf32>
    }
    %broadcast_in_dim3A_163 = arith.constant true
    %broadcast_in_dim3A_164 = vector.broadcast %broadcast_in_dim3A_163 : i1 to vector<16xi1>
    %masked_cumsum3A_165 = tpu.scan <sum>, %while3A_162#0 masked %broadcast_in_dim3A_164 : vector<16xf32>, vector<16xi1> -> vector<16xf32>
    %slice3A_166 = vector.extract_strided_slice %masked_cumsum3A_165 {offsets = [15], sizes = [1], strides = [1]} : vector<16xf32> to vector<1xf32>
    %squeeze3A_167 = vector.extract %slice3A_166[0] : f32 from vector<1xf32>
    %broadcast_in_dim3A_168 = arith.constant true
    %broadcast_in_dim3A_169 = vector.broadcast %broadcast_in_dim3A_168 : i1 to vector<16xi1>
    %masked_cumsum3A_170 = tpu.scan <sum>, %while3A_162#1 masked %broadcast_in_dim3A_169 : vector<16xf32>, vector<16xi1> -> vector<16xf32>
    %slice3A_171 = vector.extract_strided_slice %masked_cumsum3A_170 {offsets = [15], sizes = [1], strides = [1]} : vector<16xf32> to vector<1xf32>
    %squeeze3A_172 = vector.extract %slice3A_171[0] : f32 from vector<1xf32>
    %broadcast_in_dim3A_173 = arith.constant 1.000000e+00 : f32
    %broadcast_in_dim3A_174 = vector.broadcast %broadcast_in_dim3A_173 : f32 to vector<16xf32>
    %mul3A_175 = vector.broadcast %squeeze3A_167 : f32 to vector<16xf32>
    %mul3A_176 = arith.mulf %broadcast_in_dim3A_174, %mul3A_175 : vector<16xf32>
    %broadcast_in_dim3A_177 = arith.constant 1.000000e+00 : f32
    %broadcast_in_dim3A_178 = vector.broadcast %broadcast_in_dim3A_177 : f32 to vector<16xf32>
    %mul3A_179 = vector.broadcast %squeeze3A_172 : f32 to vector<16xf32>
    %mul3A_180 = arith.mulf %broadcast_in_dim3A_178, %mul3A_179 : vector<16xf32>
    %sub3A_181 = arith.constant 1.000000e+00 : f32
    %sub3A_182 = vector.broadcast %sub3A_181 : f32 to vector<16xf32>
    %sub3A_183 = arith.subf %mul3A_176, %sub3A_182 : vector<16xf32>
    %max3A_184 = arith.constant 1.000000e+00 : f32
    %max3A_185 = vector.broadcast %max3A_184 : f32 to vector<16xf32>
    %max3A_186 = arith.maximumf %mul3A_180, %max3A_185 : vector<16xf32>
    %div3A_187 = arith.divf %sub3A_183, %max3A_186 : vector<16xf32>
    %add3A_188 = arith.addf %add3A_151, %div3A_187 : vector<16xf32>
    %while3A_189 = arith.constant 0 : i32
    %while3A_190 = arith.subi %shift_right_logical3A_43, %while3A_189 : i32
    %while3A_191 = arith.addi %while3A_189, %while3A_190 : i32
    %while3A_192 = arith.constant 1 : i32
    %while3A_193 = arith.divsi %while3A_190, %while3A_192 : i32
    %while3A_194 = arith.muli %while3A_193, %while3A_192 : i32
    %while3A_195 = arith.addi %while3A_189, %while3A_194 : i32
    %while3A_196 = arith.constant 1 : i32
    %while3A_197:2 = scf.for %while3A_1034 = %while3A_189 to %while3A_195 step %while3A_196 iter_args(%while3A_1035 = %broadcast_in_dim3A_15, %while3A_1036 = %broadcast_in_dim3A_15) -> (vector<16xf32>, vector<16xf32>)  : i32 {
      %mul3A_1037 = arith.constant 16 : i32
      %mul3A_1038 = arith.muli %while3A_1034, %mul3A_1037 : i32
      %get3A = arith.index_cast %mul3A_1038 : i32 to index
      %get3A_1039 = tpu.vector_load %arg6[%get3A] {strides = array<i32>} : memref<32784xf32, #tpu.memory_space<vmem>>, vector<16xf32>,
      %sub3A_1040 = arith.subf %get3A_1039, %add3A_188 : vector<16xf32>
      %max3A_1041 = arith.constant 0.000000e+00 : f32
      %max3A_1042 = vector.broadcast %max3A_1041 : f32 to vector<16xf32>
      %max3A_1043 = arith.maximumf %sub3A_1040, %max3A_1042 : vector<16xf32>
      %add3A_1044 = arith.addf %while3A_1035, %max3A_1043 : vector<16xf32>
      %gt3A = arith.constant 0.000000e+00 : f32
      %gt3A_1045 = vector.broadcast %gt3A : f32 to vector<16xf32>
      %gt3A_1046 = arith.cmpf ogt, %max3A_1043, %gt3A_1045 : vector<16xf32>
      %jit3A = arith.constant 1.000000e+00 : f32
      %jit3A_1047 = arith.constant 0.000000e+00 : f32
      %broadcast_in_dim3A_1048 = vector.broadcast %jit3A : f32 to vector<16xf32>
      %broadcast_in_dim3A_1049 = vector.broadcast %jit3A_1047 : f32 to vector<16xf32>
      %select_n3A = arith.select %gt3A_1046, %broadcast_in_dim3A_1048, %broadcast_in_dim3A_1049 : vector<16xi1>, vector<16xf32>
      %add3A_1050 = arith.addf %while3A_1036, %select_n3A : vector<16xf32>
      scf.yield %add3A_1044, %add3A_1050 : vector<16xf32>, vector<16xf32>
    }
    %while3A_198 = arith.constant 1 : i32
    %while3A_199:2 = scf.for %while3A_1034 = %while3A_195 to %while3A_191 step %while3A_198 iter_args(%while3A_1035 = %while3A_197#0, %while3A_1036 = %while3A_197#1) -> (vector<16xf32>, vector<16xf32>)  : i32 {
      %mul3A_1037 = arith.constant 16 : i32
      %mul3A_1038 = arith.muli %while3A_1034, %mul3A_1037 : i32
      %get3A = arith.index_cast %mul3A_1038 : i32 to index
      %get3A_1039 = tpu.vector_load %arg6[%get3A] {strides = array<i32>} : memref<32784xf32, #tpu.memory_space<vmem>>, vector<16xf32>,
      %sub3A_1040 = arith.subf %get3A_1039, %add3A_188 : vector<16xf32>
      %max3A_1041 = arith.constant 0.000000e+00 : f32
      %max3A_1042 = vector.broadcast %max3A_1041 : f32 to vector<16xf32>
      %max3A_1043 = arith.maximumf %sub3A_1040, %max3A_1042 : vector<16xf32>
      %add3A_1044 = arith.addf %while3A_1035, %max3A_1043 : vector<16xf32>
      %gt3A = arith.constant 0.000000e+00 : f32
      %gt3A_1045 = vector.broadcast %gt3A : f32 to vector<16xf32>
      %gt3A_1046 = arith.cmpf ogt, %max3A_1043, %gt3A_1045 : vector<16xf32>
      %jit3A = arith.constant 1.000000e+00 : f32
      %jit3A_1047 = arith.constant 0.000000e+00 : f32
      %broadcast_in_dim3A_1048 = vector.broadcast %jit3A : f32 to vector<16xf32>
      %broadcast_in_dim3A_1049 = vector.broadcast %jit3A_1047 : f32 to vector<16xf32>
      %select_n3A = arith.select %gt3A_1046, %broadcast_in_dim3A_1048, %broadcast_in_dim3A_1049 : vector<16xi1>, vector<16xf32>
      %add3A_1050 = arith.addf %while3A_1036, %select_n3A : vector<16xf32>
      scf.yield %add3A_1044, %add3A_1050 : vector<16xf32>, vector<16xf32>
    }
    %broadcast_in_dim3A_200 = arith.constant true
    %broadcast_in_dim3A_201 = vector.broadcast %broadcast_in_dim3A_200 : i1 to vector<16xi1>
    %masked_cumsum3A_202 = tpu.scan <sum>, %while3A_199#0 masked %broadcast_in_dim3A_201 : vector<16xf32>, vector<16xi1> -> vector<16xf32>
    %slice3A_203 = vector.extract_strided_slice %masked_cumsum3A_202 {offsets = [15], sizes = [1], strides = [1]} : vector<16xf32> to vector<1xf32>
    %squeeze3A_204 = vector.extract %slice3A_203[0] : f32 from vector<1xf32>
    %broadcast_in_dim3A_205 = arith.constant true
    %broadcast_in_dim3A_206 = vector.broadcast %broadcast_in_dim3A_205 : i1 to vector<16xi1>
    %masked_cumsum3A_207 = tpu.scan <sum>, %while3A_199#1 masked %broadcast_in_dim3A_206 : vector<16xf32>, vector<16xi1> -> vector<16xf32>
    %slice3A_208 = vector.extract_strided_slice %masked_cumsum3A_207 {offsets = [15], sizes = [1], strides = [1]} : vector<16xf32> to vector<1xf32>
    %squeeze3A_209 = vector.extract %slice3A_208[0] : f32 from vector<1xf32>
    %broadcast_in_dim3A_210 = arith.constant 1.000000e+00 : f32
    %broadcast_in_dim3A_211 = vector.broadcast %broadcast_in_dim3A_210 : f32 to vector<16xf32>
    %mul3A_212 = vector.broadcast %squeeze3A_204 : f32 to vector<16xf32>
    %mul3A_213 = arith.mulf %broadcast_in_dim3A_211, %mul3A_212 : vector<16xf32>
    %broadcast_in_dim3A_214 = arith.constant 1.000000e+00 : f32
    %broadcast_in_dim3A_215 = vector.broadcast %broadcast_in_dim3A_214 : f32 to vector<16xf32>
    %mul3A_216 = vector.broadcast %squeeze3A_209 : f32 to vector<16xf32>
    %mul3A_217 = arith.mulf %broadcast_in_dim3A_215, %mul3A_216 : vector<16xf32>
    %sub3A_218 = arith.constant 1.000000e+00 : f32
    %sub3A_219 = vector.broadcast %sub3A_218 : f32 to vector<16xf32>
    %sub3A_220 = arith.subf %mul3A_213, %sub3A_219 : vector<16xf32>
    %max3A_221 = arith.constant 1.000000e+00 : f32
    %max3A_222 = vector.broadcast %max3A_221 : f32 to vector<16xf32>
    %max3A_223 = arith.maximumf %mul3A_217, %max3A_222 : vector<16xf32>
    %div3A_224 = arith.divf %sub3A_220, %max3A_223 : vector<16xf32>
    %add3A_225 = arith.addf %add3A_188, %div3A_224 : vector<16xf32>
    %add3A_226 = vector.broadcast %sub3A_30 : f32 to vector<16xf32>
    %add3A_227 = arith.addf %add3A_226, %add3A_225 : vector<16xf32>
    %add3A_228 = arith.constant 0 : i32
    %add3A_229 = arith.addi %mul3A_2, %add3A_228 : i32
    %add3A_230 = arith.constant 1 : i32
    %add3A_231 = arith.addi %add3A_229, %add3A_230 : i32
    %dma_start3A_232 = arith.constant 0 : i32
    %dma_start3A_233 = tpu.memref_slice %arg2[%add3A_231, %dma_start3A_232] : memref<128x32768xf32, #tpu.memory_space<hbm>> -> memref<1x32768xf32, #tpu.memory_space<hbm>>
    %dma_start3A_234 = tpu.memref_squeeze %dma_start3A_233 : memref<1x32768xf32, #tpu.memory_space<hbm>> -> memref<32768xf32, #tpu.memory_space<hbm>>
    %dma_start3A_235 = arith.constant 0 : i32
    %dma_start3A_236 = tpu.memref_slice %arg2[%add3A_231, %dma_start3A_235] : memref<128x32768xf32, #tpu.memory_space<hbm>> -> memref<1x32768xf32, #tpu.memory_space<hbm>>
    %dma_start3A_237 = tpu.memref_squeeze %dma_start3A_236 : memref<1x32768xf32, #tpu.memory_space<hbm>> -> memref<32768xf32, #tpu.memory_space<hbm>>
    tpu.enqueue_dma source(%dma_start3A_237 : memref<32768xf32, #tpu.memory_space<hbm>>) target(%arg5 : memref<32768xf32, #tpu.memory_space<vmem>>) target_semaphore(%arg10 : memref<!tpu.dma_semaphore, #tpu.memory_space<semaphore_mem>>)
    %parallel_loop3A_238 = arith.constant 0 : i32
    %parallel_loop3A_239 = arith.constant 2048 : i32
    %parallel_loop3A_240 = arith.constant 8 : i32
    scf.for %parallel_loop3A_1034 = %parallel_loop3A_238 to %parallel_loop3A_239 step %parallel_loop3A_240  : i32 {
      %parallel_loop3A_1035 = arith.constant 0 : i32
      %parallel_loop3A_1036 = arith.addi %parallel_loop3A_1034, %parallel_loop3A_1035 : i32
      %parallel_loop3A_1037 = arith.constant 16 : i32
      %parallel_loop3A_1038 = arith.muli %parallel_loop3A_1036, %parallel_loop3A_1037 : i32
      %parallel_loop3A_1039 = arith.index_cast %parallel_loop3A_1038 : i32 to index
      %parallel_loop3A_1040 = tpu.vector_load %arg4[%parallel_loop3A_1039] {strides = array<i32>} : memref<32768xf32, #tpu.memory_space<vmem>>, vector<16xf32>,
      %parallel_loop3A_1041 = arith.subf %parallel_loop3A_1040, %add3A_227 : vector<16xf32>
      %parallel_loop3A_1042 = arith.constant 0.000000e+00 : f32
      %parallel_loop3A_1043 = vector.broadcast %parallel_loop3A_1042 : f32 to vector<16xf32>
      %parallel_loop3A_1044 = arith.maximumf %parallel_loop3A_1041, %parallel_loop3A_1043 : vector<16xf32>
      %parallel_loop3A_1045 = arith.index_cast %parallel_loop3A_1038 : i32 to index
      %parallel_loop3A_1046 = tpu.vector_load %arg4[%parallel_loop3A_1045] {strides = array<i32>} : memref<32768xf32, #tpu.memory_space<vmem>>, vector<16xf32>,
      tpu.vector_store %arg4[%parallel_loop3A_1045], %parallel_loop3A_1044 {strides = array<i32>} : memref<32768xf32, #tpu.memory_space<vmem>>, vector<16xf32>,
      %parallel_loop3A_1047 = arith.constant 1 : i32
      %parallel_loop3A_1048 = arith.addi %parallel_loop3A_1034, %parallel_loop3A_1047 : i32
      %parallel_loop3A_1049 = arith.constant 16 : i32
      %parallel_loop3A_1050 = arith.muli %parallel_loop3A_1048, %parallel_loop3A_1049 : i32
      %parallel_loop3A_1051 = arith.index_cast %parallel_loop3A_1050 : i32 to index
      %parallel_loop3A_1052 = tpu.vector_load %arg4[%parallel_loop3A_1051] {strides = array<i32>} : memref<32768xf32, #tpu.memory_space<vmem>>, vector<16xf32>,
      %parallel_loop3A_1053 = arith.subf %parallel_loop3A_1052, %add3A_227 : vector<16xf32>
      %parallel_loop3A_1054 = arith.constant 0.000000e+00 : f32
      %parallel_loop3A_1055 = vector.broadcast %parallel_loop3A_1054 : f32 to vector<16xf32>
      %parallel_loop3A_1056 = arith.maximumf %parallel_loop3A_1053, %parallel_loop3A_1055 : vector<16xf32>
      %parallel_loop3A_1057 = arith.index_cast %parallel_loop3A_1050 : i32 to index
      %parallel_loop3A_1058 = tpu.vector_load %arg4[%parallel_loop3A_1057] {strides = array<i32>} : memref<32768xf32, #tpu.memory_space<vmem>>, vector<16xf32>,
      tpu.vector_store %arg4[%parallel_loop3A_1057], %parallel_loop3A_1056 {strides = array<i32>} : memref<32768xf32, #tpu.memory_space<vmem>>, vector<16xf32>,
      %parallel_loop3A_1059 = arith.constant 2 : i32
      %parallel_loop3A_1060 = arith.addi %parallel_loop3A_1034, %parallel_loop3A_1059 : i32
      %parallel_loop3A_1061 = arith.constant 16 : i32
      %parallel_loop3A_1062 = arith.muli %parallel_loop3A_1060, %parallel_loop3A_1061 : i32
      %parallel_loop3A_1063 = arith.index_cast %parallel_loop3A_1062 : i32 to index
      %parallel_loop3A_1064 = tpu.vector_load %arg4[%parallel_loop3A_1063] {strides = array<i32>} : memref<32768xf32, #tpu.memory_space<vmem>>, vector<16xf32>,
      %parallel_loop3A_1065 = arith.subf %parallel_loop3A_1064, %add3A_227 : vector<16xf32>
      %parallel_loop3A_1066 = arith.constant 0.000000e+00 : f32
      %parallel_loop3A_1067 = vector.broadcast %parallel_loop3A_1066 : f32 to vector<16xf32>
      %parallel_loop3A_1068 = arith.maximumf %parallel_loop3A_1065, %parallel_loop3A_1067 : vector<16xf32>
      %parallel_loop3A_1069 = arith.index_cast %parallel_loop3A_1062 : i32 to index
      %parallel_loop3A_1070 = tpu.vector_load %arg4[%parallel_loop3A_1069] {strides = array<i32>} : memref<32768xf32, #tpu.memory_space<vmem>>, vector<16xf32>,
      tpu.vector_store %arg4[%parallel_loop3A_1069], %parallel_loop3A_1068 {strides = array<i32>} : memref<32768xf32, #tpu.memory_space<vmem>>, vector<16xf32>,
      %parallel_loop3A_1071 = arith.constant 3 : i32
      %parallel_loop3A_1072 = arith.addi %parallel_loop3A_1034, %parallel_loop3A_1071 : i32
      %parallel_loop3A_1073 = arith.constant 16 : i32
      %parallel_loop3A_1074 = arith.muli %parallel_loop3A_1072, %parallel_loop3A_1073 : i32
      %parallel_loop3A_1075 = arith.index_cast %parallel_loop3A_1074 : i32 to index
      %parallel_loop3A_1076 = tpu.vector_load %arg4[%parallel_loop3A_1075] {strides = array<i32>} : memref<32768xf32, #tpu.memory_space<vmem>>, vector<16xf32>,
      %parallel_loop3A_1077 = arith.subf %parallel_loop3A_1076, %add3A_227 : vector<16xf32>
      %parallel_loop3A_1078 = arith.constant 0.000000e+00 : f32
      %parallel_loop3A_1079 = vector.broadcast %parallel_loop3A_1078 : f32 to vector<16xf32>
      %parallel_loop3A_1080 = arith.maximumf %parallel_loop3A_1077, %parallel_loop3A_1079 : vector<16xf32>
      %parallel_loop3A_1081 = arith.index_cast %parallel_loop3A_1074 : i32 to index
      %parallel_loop3A_1082 = tpu.vector_load %arg4[%parallel_loop3A_1081] {strides = array<i32>} : memref<32768xf32, #tpu.memory_space<vmem>>, vector<16xf32>,
      tpu.vector_store %arg4[%parallel_loop3A_1081], %parallel_loop3A_1080 {strides = array<i32>} : memref<32768xf32, #tpu.memory_space<vmem>>, vector<16xf32>,
      %parallel_loop3A_1083 = arith.constant 4 : i32
      %parallel_loop3A_1084 = arith.addi %parallel_loop3A_1034, %parallel_loop3A_1083 : i32
      %parallel_loop3A_1085 = arith.constant 16 : i32
      %parallel_loop3A_1086 = arith.muli %parallel_loop3A_1084, %parallel_loop3A_1085 : i32
      %parallel_loop3A_1087 = arith.index_cast %parallel_loop3A_1086 : i32 to index
      %parallel_loop3A_1088 = tpu.vector_load %arg4[%parallel_loop3A_1087] {strides = array<i32>} : memref<32768xf32, #tpu.memory_space<vmem>>, vector<16xf32>,
      %parallel_loop3A_1089 = arith.subf %parallel_loop3A_1088, %add3A_227 : vector<16xf32>
      %parallel_loop3A_1090 = arith.constant 0.000000e+00 : f32
      %parallel_loop3A_1091 = vector.broadcast %parallel_loop3A_1090 : f32 to vector<16xf32>
      %parallel_loop3A_1092 = arith.maximumf %parallel_loop3A_1089, %parallel_loop3A_1091 : vector<16xf32>
      %parallel_loop3A_1093 = arith.index_cast %parallel_loop3A_1086 : i32 to index
      %parallel_loop3A_1094 = tpu.vector_load %arg4[%parallel_loop3A_1093] {strides = array<i32>} : memref<32768xf32, #tpu.memory_space<vmem>>, vector<16xf32>,
      tpu.vector_store %arg4[%parallel_loop3A_1093], %parallel_loop3A_1092 {strides = array<i32>} : memref<32768xf32, #tpu.memory_space<vmem>>, vector<16xf32>,
      %parallel_loop3A_1095 = arith.constant 5 : i32
      %parallel_loop3A_1096 = arith.addi %parallel_loop3A_1034, %parallel_loop3A_1095 : i32
      %parallel_loop3A_1097 = arith.constant 16 : i32
      %parallel_loop3A_1098 = arith.muli %parallel_loop3A_1096, %parallel_loop3A_1097 : i32
      %parallel_loop3A_1099 = arith.index_cast %parallel_loop3A_1098 : i32 to index
      %parallel_loop3A_1100 = tpu.vector_load %arg4[%parallel_loop3A_1099] {strides = array<i32>} : memref<32768xf32, #tpu.memory_space<vmem>>, vector<16xf32>,
      %parallel_loop3A_1101 = arith.subf %parallel_loop3A_1100, %add3A_227 : vector<16xf32>
      %parallel_loop3A_1102 = arith.constant 0.000000e+00 : f32
      %parallel_loop3A_1103 = vector.broadcast %parallel_loop3A_1102 : f32 to vector<16xf32>
      %parallel_loop3A_1104 = arith.maximumf %parallel_loop3A_1101, %parallel_loop3A_1103 : vector<16xf32>
      %parallel_loop3A_1105 = arith.index_cast %parallel_loop3A_1098 : i32 to index
      %parallel_loop3A_1106 = tpu.vector_load %arg4[%parallel_loop3A_1105] {strides = array<i32>} : memref<32768xf32, #tpu.memory_space<vmem>>, vector<16xf32>,
      tpu.vector_store %arg4[%parallel_loop3A_1105], %parallel_loop3A_1104 {strides = array<i32>} : memref<32768xf32, #tpu.memory_space<vmem>>, vector<16xf32>,
      %parallel_loop3A_1107 = arith.constant 6 : i32
      %parallel_loop3A_1108 = arith.addi %parallel_loop3A_1034, %parallel_loop3A_1107 : i32
      %parallel_loop3A_1109 = arith.constant 16 : i32
      %parallel_loop3A_1110 = arith.muli %parallel_loop3A_1108, %parallel_loop3A_1109 : i32
      %parallel_loop3A_1111 = arith.index_cast %parallel_loop3A_1110 : i32 to index
      %parallel_loop3A_1112 = tpu.vector_load %arg4[%parallel_loop3A_1111] {strides = array<i32>} : memref<32768xf32, #tpu.memory_space<vmem>>, vector<16xf32>,
      %parallel_loop3A_1113 = arith.subf %parallel_loop3A_1112, %add3A_227 : vector<16xf32>
      %parallel_loop3A_1114 = arith.constant 0.000000e+00 : f32
      %parallel_loop3A_1115 = vector.broadcast %parallel_loop3A_1114 : f32 to vector<16xf32>
      %parallel_loop3A_1116 = arith.maximumf %parallel_loop3A_1113, %parallel_loop3A_1115 : vector<16xf32>
      %parallel_loop3A_1117 = arith.index_cast %parallel_loop3A_1110 : i32 to index
      %parallel_loop3A_1118 = tpu.vector_load %arg4[%parallel_loop3A_1117] {strides = array<i32>} : memref<32768xf32, #tpu.memory_space<vmem>>, vector<16xf32>,
      tpu.vector_store %arg4[%parallel_loop3A_1117], %parallel_loop3A_1116 {strides = array<i32>} : memref<32768xf32, #tpu.memory_space<vmem>>, vector<16xf32>,
      %parallel_loop3A_1119 = arith.constant 7 : i32
      %parallel_loop3A_1120 = arith.addi %parallel_loop3A_1034, %parallel_loop3A_1119 : i32
      %parallel_loop3A_1121 = arith.constant 16 : i32
      %parallel_loop3A_1122 = arith.muli %parallel_loop3A_1120, %parallel_loop3A_1121 : i32
      %parallel_loop3A_1123 = arith.index_cast %parallel_loop3A_1122 : i32 to index
      %parallel_loop3A_1124 = tpu.vector_load %arg4[%parallel_loop3A_1123] {strides = array<i32>} : memref<32768xf32, #tpu.memory_space<vmem>>, vector<16xf32>,
      %parallel_loop3A_1125 = arith.subf %parallel_loop3A_1124, %add3A_227 : vector<16xf32>
      %parallel_loop3A_1126 = arith.constant 0.000000e+00 : f32
      %parallel_loop3A_1127 = vector.broadcast %parallel_loop3A_1126 : f32 to vector<16xf32>
      %parallel_loop3A_1128 = arith.maximumf %parallel_loop3A_1125, %parallel_loop3A_1127 : vector<16xf32>
      %parallel_loop3A_1129 = arith.index_cast %parallel_loop3A_1122 : i32 to index
      %parallel_loop3A_1130 = tpu.vector_load %arg4[%parallel_loop3A_1129] {strides = array<i32>} : memref<32768xf32, #tpu.memory_space<vmem>>, vector<16xf32>,
      tpu.vector_store %arg4[%parallel_loop3A_1129], %parallel_loop3A_1128 {strides = array<i32>} : memref<32768xf32, #tpu.memory_space<vmem>>, vector<16xf32>,
    } {sc.loop_unroll_factor = 1 : i64, sc.parallel_access}
    %add3A_241 = arith.constant 0 : i32
    %add3A_242 = arith.addi %mul3A_2, %add3A_241 : i32
    %dma_start3A_243 = arith.constant 0 : i32
    %dma_start3A_244 = tpu.memref_slice %arg3[%add3A_242, %dma_start3A_243] : memref<128x32768xf32, #tpu.memory_space<hbm>> -> memref<1x32768xf32, #tpu.memory_space<hbm>>
    %dma_start3A_245 = tpu.memref_squeeze %dma_start3A_244 : memref<1x32768xf32, #tpu.memory_space<hbm>> -> memref<32768xf32, #tpu.memory_space<hbm>>
    %dma_start3A_246 = arith.constant 0 : i32
    %dma_start3A_247 = tpu.memref_slice %arg3[%add3A_242, %dma_start3A_246] : memref<128x32768xf32, #tpu.memory_space<hbm>> -> memref<1x32768xf32, #tpu.memory_space<hbm>>
    %dma_start3A_248 = tpu.memref_squeeze %dma_start3A_247 : memref<1x32768xf32, #tpu.memory_space<hbm>> -> memref<32768xf32, #tpu.memory_space<hbm>>
    tpu.enqueue_dma source(%arg4 : memref<32768xf32, #tpu.memory_space<vmem>>) target(%dma_start3A_248 : memref<32768xf32, #tpu.memory_space<hbm>>) target_semaphore(%arg11 : memref<!tpu.dma_semaphore, #tpu.memory_space<semaphore_mem>>)
    %dma_wait3A_249 = arith.constant 0 : i32
    %dma_wait3A_250 = tpu.memref_slice %arg2[%add3A_231, %dma_wait3A_249] : memref<128x32768xf32, #tpu.memory_space<hbm>> -> memref<1x32768xf32, #tpu.memory_space<hbm>>
    %dma_wait3A_251 = tpu.memref_squeeze %dma_wait3A_250 : memref<1x32768xf32, #tpu.memory_space<hbm>> -> memref<32768xf32, #tpu.memory_space<hbm>>
    %dma_wait3A_252 = arith.constant 0 : i32
    %dma_wait3A_253 = tpu.memref_slice %arg2[%add3A_231, %dma_wait3A_252] : memref<128x32768xf32, #tpu.memory_space<hbm>> -> memref<1x32768xf32, #tpu.memory_space<hbm>>
    %dma_wait3A_254 = tpu.memref_squeeze %dma_wait3A_253 : memref<1x32768xf32, #tpu.memory_space<hbm>> -> memref<32768xf32, #tpu.memory_space<hbm>>
    tpu.wait_dma2 semaphore(%arg10 : memref<!tpu.dma_semaphore, #tpu.memory_space<semaphore_mem>>) src(%dma_wait3A_254 : memref<32768xf32, #tpu.memory_space<hbm>>) dst(%arg5 : memref<32768xf32, #tpu.memory_space<vmem>>)
    %broadcast_in_dim3A_255 = arith.constant 1.000000e+00 : f32
    %broadcast_in_dim3A_256 = vector.broadcast %broadcast_in_dim3A_255 : f32 to vector<16xf32>
    %broadcast_in_dim3A_257 = arith.constant 0.000000e+00 : f32
    %broadcast_in_dim3A_258 = vector.broadcast %broadcast_in_dim3A_257 : f32 to vector<16xf32>
    %sub3A_259 = arith.constant 0x7F800000 : f32
    %sub3A_260 = vector.broadcast %sub3A_259 : f32 to vector<16xf32>
    %sub3A_261 = arith.subf %broadcast_in_dim3A_258, %sub3A_260 : vector<16xf32>
    %parallel_loop3A_262 = arith.constant 0 : i32
    %parallel_loop3A_263 = arith.constant 2048 : i32
    %parallel_loop3A_264 = arith.constant 8 : i32
    %parallel_loop3A_265:8 = scf.for %parallel_loop3A_1034 = %parallel_loop3A_262 to %parallel_loop3A_263 step %parallel_loop3A_264 iter_args(%parallel_loop3A_1035 = %sub3A_261, %parallel_loop3A_1036 = %sub3A_261, %parallel_loop3A_1037 = %sub3A_261, %parallel_loop3A_1038 = %sub3A_261, %parallel_loop3A_1039 = %sub3A_261, %parallel_loop3A_1040 = %sub3A_261, %parallel_loop3A_1041 = %sub3A_261, %parallel_loop3A_1042 = %sub3A_261) -> (vector<16xf32>, vector<16xf32>, vector<16xf32>, vector<16xf32>, vector<16xf32>, vector<16xf32>, vector<16xf32>, vector<16xf32>)  : i32 {
      %parallel_loop3A_1043 = arith.constant 0 : i32
      %parallel_loop3A_1044 = arith.addi %parallel_loop3A_1034, %parallel_loop3A_1043 : i32
      %parallel_loop3A_1045 = arith.constant 16 : i32
      %parallel_loop3A_1046 = arith.muli %parallel_loop3A_1044, %parallel_loop3A_1045 : i32
      %parallel_loop3A_1047 = arith.index_cast %parallel_loop3A_1046 : i32 to index
      %parallel_loop3A_1048 = tpu.vector_load %arg5[%parallel_loop3A_1047] {strides = array<i32>} : memref<32768xf32, #tpu.memory_space<vmem>>, vector<16xf32>,
      %parallel_loop3A_1049 = arith.maximumf %parallel_loop3A_1035, %parallel_loop3A_1048 : vector<16xf32>
      %parallel_loop3A_1050 = arith.constant 1 : i32
      %parallel_loop3A_1051 = arith.addi %parallel_loop3A_1034, %parallel_loop3A_1050 : i32
      %parallel_loop3A_1052 = arith.constant 16 : i32
      %parallel_loop3A_1053 = arith.muli %parallel_loop3A_1051, %parallel_loop3A_1052 : i32
      %parallel_loop3A_1054 = arith.index_cast %parallel_loop3A_1053 : i32 to index
      %parallel_loop3A_1055 = tpu.vector_load %arg5[%parallel_loop3A_1054] {strides = array<i32>} : memref<32768xf32, #tpu.memory_space<vmem>>, vector<16xf32>,
      %parallel_loop3A_1056 = arith.maximumf %parallel_loop3A_1036, %parallel_loop3A_1055 : vector<16xf32>
      %parallel_loop3A_1057 = arith.constant 2 : i32
      %parallel_loop3A_1058 = arith.addi %parallel_loop3A_1034, %parallel_loop3A_1057 : i32
      %parallel_loop3A_1059 = arith.constant 16 : i32
      %parallel_loop3A_1060 = arith.muli %parallel_loop3A_1058, %parallel_loop3A_1059 : i32
      %parallel_loop3A_1061 = arith.index_cast %parallel_loop3A_1060 : i32 to index
      %parallel_loop3A_1062 = tpu.vector_load %arg5[%parallel_loop3A_1061] {strides = array<i32>} : memref<32768xf32, #tpu.memory_space<vmem>>, vector<16xf32>,
      %parallel_loop3A_1063 = arith.maximumf %parallel_loop3A_1037, %parallel_loop3A_1062 : vector<16xf32>
      %parallel_loop3A_1064 = arith.constant 3 : i32
      %parallel_loop3A_1065 = arith.addi %parallel_loop3A_1034, %parallel_loop3A_1064 : i32
      %parallel_loop3A_1066 = arith.constant 16 : i32
      %parallel_loop3A_1067 = arith.muli %parallel_loop3A_1065, %parallel_loop3A_1066 : i32
      %parallel_loop3A_1068 = arith.index_cast %parallel_loop3A_1067 : i32 to index
      %parallel_loop3A_1069 = tpu.vector_load %arg5[%parallel_loop3A_1068] {strides = array<i32>} : memref<32768xf32, #tpu.memory_space<vmem>>, vector<16xf32>,
      %parallel_loop3A_1070 = arith.maximumf %parallel_loop3A_1038, %parallel_loop3A_1069 : vector<16xf32>
      %parallel_loop3A_1071 = arith.constant 4 : i32
      %parallel_loop3A_1072 = arith.addi %parallel_loop3A_1034, %parallel_loop3A_1071 : i32
      %parallel_loop3A_1073 = arith.constant 16 : i32
      %parallel_loop3A_1074 = arith.muli %parallel_loop3A_1072, %parallel_loop3A_1073 : i32
      %parallel_loop3A_1075 = arith.index_cast %parallel_loop3A_1074 : i32 to index
      %parallel_loop3A_1076 = tpu.vector_load %arg5[%parallel_loop3A_1075] {strides = array<i32>} : memref<32768xf32, #tpu.memory_space<vmem>>, vector<16xf32>,
      %parallel_loop3A_1077 = arith.maximumf %parallel_loop3A_1039, %parallel_loop3A_1076 : vector<16xf32>
      %parallel_loop3A_1078 = arith.constant 5 : i32
      %parallel_loop3A_1079 = arith.addi %parallel_loop3A_1034, %parallel_loop3A_1078 : i32
      %parallel_loop3A_1080 = arith.constant 16 : i32
      %parallel_loop3A_1081 = arith.muli %parallel_loop3A_1079, %parallel_loop3A_1080 : i32
      %parallel_loop3A_1082 = arith.index_cast %parallel_loop3A_1081 : i32 to index
      %parallel_loop3A_1083 = tpu.vector_load %arg5[%parallel_loop3A_1082] {strides = array<i32>} : memref<32768xf32, #tpu.memory_space<vmem>>, vector<16xf32>,
      %parallel_loop3A_1084 = arith.maximumf %parallel_loop3A_1040, %parallel_loop3A_1083 : vector<16xf32>
      %parallel_loop3A_1085 = arith.constant 6 : i32
      %parallel_loop3A_1086 = arith.addi %parallel_loop3A_1034, %parallel_loop3A_1085 : i32
      %parallel_loop3A_1087 = arith.constant 16 : i32
      %parallel_loop3A_1088 = arith.muli %parallel_loop3A_1086, %parallel_loop3A_1087 : i32
      %parallel_loop3A_1089 = arith.index_cast %parallel_loop3A_1088 : i32 to index
      %parallel_loop3A_1090 = tpu.vector_load %arg5[%parallel_loop3A_1089] {strides = array<i32>} : memref<32768xf32, #tpu.memory_space<vmem>>, vector<16xf32>,
      %parallel_loop3A_1091 = arith.maximumf %parallel_loop3A_1041, %parallel_loop3A_1090 : vector<16xf32>
      %parallel_loop3A_1092 = arith.constant 7 : i32
      %parallel_loop3A_1093 = arith.addi %parallel_loop3A_1034, %parallel_loop3A_1092 : i32
      %parallel_loop3A_1094 = arith.constant 16 : i32
      %parallel_loop3A_1095 = arith.muli %parallel_loop3A_1093, %parallel_loop3A_1094 : i32
      %parallel_loop3A_1096 = arith.index_cast %parallel_loop3A_1095 : i32 to index
      %parallel_loop3A_1097 = tpu.vector_load %arg5[%parallel_loop3A_1096] {strides = array<i32>} : memref<32768xf32, #tpu.memory_space<vmem>>, vector<16xf32>,
      %parallel_loop3A_1098 = arith.maximumf %parallel_loop3A_1042, %parallel_loop3A_1097 : vector<16xf32>
      scf.yield %parallel_loop3A_1049, %parallel_loop3A_1056, %parallel_loop3A_1063, %parallel_loop3A_1070, %parallel_loop3A_1077, %parallel_loop3A_1084, %parallel_loop3A_1091, %parallel_loop3A_1098 : vector<16xf32>, vector<16xf32>, vector<16xf32>, vector<16xf32>, vector<16xf32>, vector<16xf32>, vector<16xf32>, vector<16xf32>
    } {sc.loop_unroll_factor = 1 : i64, sc.parallel_access}
    %max3A_266 = arith.maximumf %parallel_loop3A_265#0, %parallel_loop3A_265#1 : vector<16xf32>
    %max3A_267 = arith.maximumf %max3A_266, %parallel_loop3A_265#2 : vector<16xf32>
    %max3A_268 = arith.maximumf %max3A_267, %parallel_loop3A_265#3 : vector<16xf32>
    %max3A_269 = arith.maximumf %max3A_268, %parallel_loop3A_265#4 : vector<16xf32>
    %max3A_270 = arith.maximumf %max3A_269, %parallel_loop3A_265#5 : vector<16xf32>
    %max3A_271 = arith.maximumf %max3A_270, %parallel_loop3A_265#6 : vector<16xf32>
    %max3A_272 = arith.maximumf %max3A_271, %parallel_loop3A_265#7 : vector<16xf32>
    %broadcast_in_dim3A_273 = arith.constant true
    %broadcast_in_dim3A_274 = vector.broadcast %broadcast_in_dim3A_273 : i1 to vector<16xi1>
    %masked_cummax3A_275 = tpu.scan <max>, %max3A_272 masked %broadcast_in_dim3A_274 : vector<16xf32>, vector<16xi1> -> vector<16xf32>
    %slice3A_276 = vector.extract_strided_slice %masked_cummax3A_275 {offsets = [15], sizes = [1], strides = [1]} : vector<16xf32> to vector<1xf32>
    %squeeze3A_277 = vector.extract %slice3A_276[0] : f32 from vector<1xf32>
    %sub3A_278 = arith.constant 1.000000e+00 : f32
    %sub3A_279 = arith.subf %squeeze3A_277, %sub3A_278 : f32
    %parallel_loop3A_280 = arith.constant 0 : i32
    %parallel_loop3A_281 = arith.constant 32 : i32
    %parallel_loop3A_282 = arith.constant 8 : i32
    scf.for %parallel_loop3A_1034 = %parallel_loop3A_280 to %parallel_loop3A_281 step %parallel_loop3A_282  : i32 {
      %parallel_loop3A_1035 = arith.constant 0 : i32
      %parallel_loop3A_1036 = arith.addi %parallel_loop3A_1034, %parallel_loop3A_1035 : i32
      %parallel_loop3A_1037 = arith.constant 16 : i32
      %parallel_loop3A_1038 = arith.muli %parallel_loop3A_1036, %parallel_loop3A_1037 : i32
      %parallel_loop3A_1039 = arith.index_cast %parallel_loop3A_1038 : i32 to index
      %parallel_loop3A_1040 = tpu.vector_load %arg7[%parallel_loop3A_1039] {strides = array<i32>} : memref<512xf32, #tpu.memory_space<vmem>>, vector<16xf32>,
      tpu.vector_store %arg7[%parallel_loop3A_1039], %broadcast_in_dim3A_258 {strides = array<i32>} : memref<512xf32, #tpu.memory_space<vmem>>, vector<16xf32>,
      %parallel_loop3A_1041 = arith.constant 0 : i32
      %parallel_loop3A_1042 = arith.addi %parallel_loop3A_1034, %parallel_loop3A_1041 : i32
      %parallel_loop3A_1043 = arith.constant 16 : i32
      %parallel_loop3A_1044 = arith.muli %parallel_loop3A_1042, %parallel_loop3A_1043 : i32
      %parallel_loop3A_1045 = arith.index_cast %parallel_loop3A_1044 : i32 to index
      %parallel_loop3A_1046 = tpu.vector_load %arg8[%parallel_loop3A_1045] {strides = array<i32>} : memref<512xf32, #tpu.memory_space<vmem>>, vector<16xf32>,
      tpu.vector_store %arg8[%parallel_loop3A_1045], %broadcast_in_dim3A_258 {strides = array<i32>} : memref<512xf32, #tpu.memory_space<vmem>>, vector<16xf32>,
      %parallel_loop3A_1047 = arith.constant 1 : i32
      %parallel_loop3A_1048 = arith.addi %parallel_loop3A_1034, %parallel_loop3A_1047 : i32
      %parallel_loop3A_1049 = arith.constant 16 : i32
      %parallel_loop3A_1050 = arith.muli %parallel_loop3A_1048, %parallel_loop3A_1049 : i32
      %parallel_loop3A_1051 = arith.index_cast %parallel_loop3A_1050 : i32 to index
      %parallel_loop3A_1052 = tpu.vector_load %arg7[%parallel_loop3A_1051] {strides = array<i32>} : memref<512xf32, #tpu.memory_space<vmem>>, vector<16xf32>,
      tpu.vector_store %arg7[%parallel_loop3A_1051], %broadcast_in_dim3A_258 {strides = array<i32>} : memref<512xf32, #tpu.memory_space<vmem>>, vector<16xf32>,
      %parallel_loop3A_1053 = arith.constant 1 : i32
      %parallel_loop3A_1054 = arith.addi %parallel_loop3A_1034, %parallel_loop3A_1053 : i32
      %parallel_loop3A_1055 = arith.constant 16 : i32
      %parallel_loop3A_1056 = arith.muli %parallel_loop3A_1054, %parallel_loop3A_1055 : i32
      %parallel_loop3A_1057 = arith.index_cast %parallel_loop3A_1056 : i32 to index
      %parallel_loop3A_1058 = tpu.vector_load %arg8[%parallel_loop3A_1057] {strides = array<i32>} : memref<512xf32, #tpu.memory_space<vmem>>, vector<16xf32>,
      tpu.vector_store %arg8[%parallel_loop3A_1057], %broadcast_in_dim3A_258 {strides = array<i32>} : memref<512xf32, #tpu.memory_space<vmem>>, vector<16xf32>,
      %parallel_loop3A_1059 = arith.constant 2 : i32
      %parallel_loop3A_1060 = arith.addi %parallel_loop3A_1034, %parallel_loop3A_1059 : i32
      %parallel_loop3A_1061 = arith.constant 16 : i32
      %parallel_loop3A_1062 = arith.muli %parallel_loop3A_1060, %parallel_loop3A_1061 : i32
      %parallel_loop3A_1063 = arith.index_cast %parallel_loop3A_1062 : i32 to index
      %parallel_loop3A_1064 = tpu.vector_load %arg7[%parallel_loop3A_1063] {strides = array<i32>} : memref<512xf32, #tpu.memory_space<vmem>>, vector<16xf32>,
      tpu.vector_store %arg7[%parallel_loop3A_1063], %broadcast_in_dim3A_258 {strides = array<i32>} : memref<512xf32, #tpu.memory_space<vmem>>, vector<16xf32>,
      %parallel_loop3A_1065 = arith.constant 2 : i32
      %parallel_loop3A_1066 = arith.addi %parallel_loop3A_1034, %parallel_loop3A_1065 : i32
      %parallel_loop3A_1067 = arith.constant 16 : i32
      %parallel_loop3A_1068 = arith.muli %parallel_loop3A_1066, %parallel_loop3A_1067 : i32
      %parallel_loop3A_1069 = arith.index_cast %parallel_loop3A_1068 : i32 to index
      %parallel_loop3A_1070 = tpu.vector_load %arg8[%parallel_loop3A_1069] {strides = array<i32>} : memref<512xf32, #tpu.memory_space<vmem>>, vector<16xf32>,
      tpu.vector_store %arg8[%parallel_loop3A_1069], %broadcast_in_dim3A_258 {strides = array<i32>} : memref<512xf32, #tpu.memory_space<vmem>>, vector<16xf32>,
      %parallel_loop3A_1071 = arith.constant 3 : i32
      %parallel_loop3A_1072 = arith.addi %parallel_loop3A_1034, %parallel_loop3A_1071 : i32
      %parallel_loop3A_1073 = arith.constant 16 : i32
      %parallel_loop3A_1074 = arith.muli %parallel_loop3A_1072, %parallel_loop3A_1073 : i32
      %parallel_loop3A_1075 = arith.index_cast %parallel_loop3A_1074 : i32 to index
      %parallel_loop3A_1076 = tpu.vector_load %arg7[%parallel_loop3A_1075] {strides = array<i32>} : memref<512xf32, #tpu.memory_space<vmem>>, vector<16xf32>,
      tpu.vector_store %arg7[%parallel_loop3A_1075], %broadcast_in_dim3A_258 {strides = array<i32>} : memref<512xf32, #tpu.memory_space<vmem>>, vector<16xf32>,
      %parallel_loop3A_1077 = arith.constant 3 : i32
      %parallel_loop3A_1078 = arith.addi %parallel_loop3A_1034, %parallel_loop3A_1077 : i32
      %parallel_loop3A_1079 = arith.constant 16 : i32
      %parallel_loop3A_1080 = arith.muli %parallel_loop3A_1078, %parallel_loop3A_1079 : i32
      %parallel_loop3A_1081 = arith.index_cast %parallel_loop3A_1080 : i32 to index
      %parallel_loop3A_1082 = tpu.vector_load %arg8[%parallel_loop3A_1081] {strides = array<i32>} : memref<512xf32, #tpu.memory_space<vmem>>, vector<16xf32>,
      tpu.vector_store %arg8[%parallel_loop3A_1081], %broadcast_in_dim3A_258 {strides = array<i32>} : memref<512xf32, #tpu.memory_space<vmem>>, vector<16xf32>,
      %parallel_loop3A_1083 = arith.constant 4 : i32
      %parallel_loop3A_1084 = arith.addi %parallel_loop3A_1034, %parallel_loop3A_1083 : i32
      %parallel_loop3A_1085 = arith.constant 16 : i32
      %parallel_loop3A_1086 = arith.muli %parallel_loop3A_1084, %parallel_loop3A_1085 : i32
      %parallel_loop3A_1087 = arith.index_cast %parallel_loop3A_1086 : i32 to index
      %parallel_loop3A_1088 = tpu.vector_load %arg7[%parallel_loop3A_1087] {strides = array<i32>} : memref<512xf32, #tpu.memory_space<vmem>>, vector<16xf32>,
      tpu.vector_store %arg7[%parallel_loop3A_1087], %broadcast_in_dim3A_258 {strides = array<i32>} : memref<512xf32, #tpu.memory_space<vmem>>, vector<16xf32>,
      %parallel_loop3A_1089 = arith.constant 4 : i32
      %parallel_loop3A_1090 = arith.addi %parallel_loop3A_1034, %parallel_loop3A_1089 : i32
      %parallel_loop3A_1091 = arith.constant 16 : i32
      %parallel_loop3A_1092 = arith.muli %parallel_loop3A_1090, %parallel_loop3A_1091 : i32
      %parallel_loop3A_1093 = arith.index_cast %parallel_loop3A_1092 : i32 to index
      %parallel_loop3A_1094 = tpu.vector_load %arg8[%parallel_loop3A_1093] {strides = array<i32>} : memref<512xf32, #tpu.memory_space<vmem>>, vector<16xf32>,
      tpu.vector_store %arg8[%parallel_loop3A_1093], %broadcast_in_dim3A_258 {strides = array<i32>} : memref<512xf32, #tpu.memory_space<vmem>>, vector<16xf32>,
      %parallel_loop3A_1095 = arith.constant 5 : i32
      %parallel_loop3A_1096 = arith.addi %parallel_loop3A_1034, %parallel_loop3A_1095 : i32
      %parallel_loop3A_1097 = arith.constant 16 : i32
      %parallel_loop3A_1098 = arith.muli %parallel_loop3A_1096, %parallel_loop3A_1097 : i32
      %parallel_loop3A_1099 = arith.index_cast %parallel_loop3A_1098 : i32 to index
      %parallel_loop3A_1100 = tpu.vector_load %arg7[%parallel_loop3A_1099] {strides = array<i32>} : memref<512xf32, #tpu.memory_space<vmem>>, vector<16xf32>,
      tpu.vector_store %arg7[%parallel_loop3A_1099], %broadcast_in_dim3A_258 {strides = array<i32>} : memref<512xf32, #tpu.memory_space<vmem>>, vector<16xf32>,
      %parallel_loop3A_1101 = arith.constant 5 : i32
      %parallel_loop3A_1102 = arith.addi %parallel_loop3A_1034, %parallel_loop3A_1101 : i32
      %parallel_loop3A_1103 = arith.constant 16 : i32
      %parallel_loop3A_1104 = arith.muli %parallel_loop3A_1102, %parallel_loop3A_1103 : i32
      %parallel_loop3A_1105 = arith.index_cast %parallel_loop3A_1104 : i32 to index
      %parallel_loop3A_1106 = tpu.vector_load %arg8[%parallel_loop3A_1105] {strides = array<i32>} : memref<512xf32, #tpu.memory_space<vmem>>, vector<16xf32>,
      tpu.vector_store %arg8[%parallel_loop3A_1105], %broadcast_in_dim3A_258 {strides = array<i32>} : memref<512xf32, #tpu.memory_space<vmem>>, vector<16xf32>,
      %parallel_loop3A_1107 = arith.constant 6 : i32
      %parallel_loop3A_1108 = arith.addi %parallel_loop3A_1034, %parallel_loop3A_1107 : i32
      %parallel_loop3A_1109 = arith.constant 16 : i32
      %parallel_loop3A_1110 = arith.muli %parallel_loop3A_1108, %parallel_loop3A_1109 : i32
      %parallel_loop3A_1111 = arith.index_cast %parallel_loop3A_1110 : i32 to index
      %parallel_loop3A_1112 = tpu.vector_load %arg7[%parallel_loop3A_1111] {strides = array<i32>} : memref<512xf32, #tpu.memory_space<vmem>>, vector<16xf32>,
      tpu.vector_store %arg7[%parallel_loop3A_1111], %broadcast_in_dim3A_258 {strides = array<i32>} : memref<512xf32, #tpu.memory_space<vmem>>, vector<16xf32>,
      %parallel_loop3A_1113 = arith.constant 6 : i32
      %parallel_loop3A_1114 = arith.addi %parallel_loop3A_1034, %parallel_loop3A_1113 : i32
      %parallel_loop3A_1115 = arith.constant 16 : i32
      %parallel_loop3A_1116 = arith.muli %parallel_loop3A_1114, %parallel_loop3A_1115 : i32
      %parallel_loop3A_1117 = arith.index_cast %parallel_loop3A_1116 : i32 to index
      %parallel_loop3A_1118 = tpu.vector_load %arg8[%parallel_loop3A_1117] {strides = array<i32>} : memref<512xf32, #tpu.memory_space<vmem>>, vector<16xf32>,
      tpu.vector_store %arg8[%parallel_loop3A_1117], %broadcast_in_dim3A_258 {strides = array<i32>} : memref<512xf32, #tpu.memory_space<vmem>>, vector<16xf32>,
      %parallel_loop3A_1119 = arith.constant 7 : i32
      %parallel_loop3A_1120 = arith.addi %parallel_loop3A_1034, %parallel_loop3A_1119 : i32
      %parallel_loop3A_1121 = arith.constant 16 : i32
      %parallel_loop3A_1122 = arith.muli %parallel_loop3A_1120, %parallel_loop3A_1121 : i32
      %parallel_loop3A_1123 = arith.index_cast %parallel_loop3A_1122 : i32 to index
      %parallel_loop3A_1124 = tpu.vector_load %arg7[%parallel_loop3A_1123] {strides = array<i32>} : memref<512xf32, #tpu.memory_space<vmem>>, vector<16xf32>,
      tpu.vector_store %arg7[%parallel_loop3A_1123], %broadcast_in_dim3A_258 {strides = array<i32>} : memref<512xf32, #tpu.memory_space<vmem>>, vector<16xf32>,
      %parallel_loop3A_1125 = arith.constant 7 : i32
      %parallel_loop3A_1126 = arith.addi %parallel_loop3A_1034, %parallel_loop3A_1125 : i32
      %parallel_loop3A_1127 = arith.constant 16 : i32
      %parallel_loop3A_1128 = arith.muli %parallel_loop3A_1126, %parallel_loop3A_1127 : i32
      %parallel_loop3A_1129 = arith.index_cast %parallel_loop3A_1128 : i32 to index
      %parallel_loop3A_1130 = tpu.vector_load %arg8[%parallel_loop3A_1129] {strides = array<i32>} : memref<512xf32, #tpu.memory_space<vmem>>, vector<16xf32>,
      tpu.vector_store %arg8[%parallel_loop3A_1129], %broadcast_in_dim3A_258 {strides = array<i32>} : memref<512xf32, #tpu.memory_space<vmem>>, vector<16xf32>,
    } {sc.loop_unroll_factor = 1 : i64, sc.parallel_access}
    %iota3A_283 = tpu.iota {dimensions = array<i32: 0>} : vector<16xi32>
    %parallel_loop3A_284 = arith.constant 0 : i32
    %parallel_loop3A_285 = arith.constant 2048 : i32
    %parallel_loop3A_286 = arith.constant 1 : i32
    %parallel_loop3A_287 = scf.for %parallel_loop3A_1034 = %parallel_loop3A_284 to %parallel_loop3A_285 step %parallel_loop3A_286 iter_args(%parallel_loop3A_1035 = %iota3A_283) -> (vector<16xi32>)  : i32 {
      %parallel_loop3A_1036 = arith.constant 16 : i32
      %parallel_loop3A_1037 = arith.muli %parallel_loop3A_1034, %parallel_loop3A_1036 : i32
      %parallel_loop3A_1038 = arith.index_cast %parallel_loop3A_1037 : i32 to index
      %parallel_loop3A_1039 = tpu.vector_load %arg5[%parallel_loop3A_1038] {strides = array<i32>} : memref<32768xf32, #tpu.memory_space<vmem>>, vector<16xf32>,
      %parallel_loop3A_1040 = vector.broadcast %sub3A_279 : f32 to vector<16xf32>
      %parallel_loop3A_1041 = arith.subf %parallel_loop3A_1039, %parallel_loop3A_1040 : vector<16xf32>
      %parallel_loop3A_1042 = arith.constant 0.000000e+00 : f32
      %parallel_loop3A_1043 = vector.broadcast %parallel_loop3A_1042 : f32 to vector<16xf32>
      %parallel_loop3A_1044 = arith.cmpf ogt, %parallel_loop3A_1041, %parallel_loop3A_1043 : vector<16xf32>
      %parallel_loop3A_1045 = tpu.all_reduce %parallel_loop3A_1044 {dim = 0 : i64, kind = #tpu.reduction_kind<sum>} : vector<16xi1> -> vector<16xi32>
      %parallel_loop3A_1046 = arith.constant 0 : i32
      %parallel_loop3A_1047 = vector.broadcast %parallel_loop3A_1046 : i32 to vector<16xi32>
      %parallel_loop3A_1048 = arith.cmpi sgt, %parallel_loop3A_1045, %parallel_loop3A_1047 : vector<16xi32>
      tpu.vector_store_idx %arg6[%parallel_loop3A_1035], %parallel_loop3A_1041 masked %parallel_loop3A_1048 : memref<32784xf32, #tpu.memory_space<vmem>>[vector<16xi32>], vector<16xf32>, vector<16xi1>
      %parallel_loop3A_1049 = arith.constant 16 : i32
      %parallel_loop3A_1050 = arith.constant 0 : i32
      %parallel_loop3A_1051 = vector.broadcast %parallel_loop3A_1049 : i32 to vector<16xi32>
      %parallel_loop3A_1052 = vector.broadcast %parallel_loop3A_1050 : i32 to vector<16xi32>
      %parallel_loop3A_1053 = arith.select %parallel_loop3A_1048, %parallel_loop3A_1051, %parallel_loop3A_1052 : vector<16xi1>, vector<16xi32>
      %parallel_loop3A_1054 = arith.addi %parallel_loop3A_1035, %parallel_loop3A_1053 : vector<16xi32>
      scf.yield %parallel_loop3A_1054 : vector<16xi32>
    } {sc.loop_unroll_factor = 8 : i64, sc.parallel_access}
    %slice3A_288 = vector.extract_strided_slice %parallel_loop3A_287 {offsets = [0], sizes = [1], strides = [1]} : vector<16xi32> to vector<1xi32>
    %squeeze3A_289 = vector.extract %slice3A_288[0] : i32 from vector<1xi32>
    %swap3A_290 = arith.index_cast %squeeze3A_289 : i32 to index
    %swap3A_291 = tpu.vector_load %arg6[%swap3A_290] {strides = array<i32>} : memref<32784xf32, #tpu.memory_space<vmem>>, vector<16xf32>,
    tpu.vector_store %arg6[%swap3A_290], %broadcast_in_dim3A_258 {strides = array<i32>} : memref<32784xf32, #tpu.memory_space<vmem>>, vector<16xf32>,
    %add3A_292 = arith.constant 15 : i32
    %add3A_293 = arith.addi %squeeze3A_289, %add3A_292 : i32
    %shift_right_logical3A_294 = arith.constant 4 : i32
    %shift_right_logical3A_295 = arith.shrui %add3A_293, %shift_right_logical3A_294 : i32
    %while3A_296 = arith.constant 0 : i32
    %while3A_297 = arith.constant 0 : i32
    %while3A_298 = arith.subi %shift_right_logical3A_295, %while3A_296 : i32
    %while3A_299 = arith.addi %while3A_296, %while3A_298 : i32
    %while3A_300 = arith.constant 1 : i32
    %while3A_301 = arith.divsi %while3A_298, %while3A_300 : i32
    %while3A_302 = arith.muli %while3A_301, %while3A_300 : i32
    %while3A_303 = arith.addi %while3A_296, %while3A_302 : i32
    %while3A_304 = arith.constant 1 : i32
    %while3A_305 = scf.for %while3A_1034 = %while3A_296 to %while3A_303 step %while3A_304 iter_args(%while3A_1035 = %while3A_297) -> (i32)  : i32 {
      %mul3A_1036 = arith.constant 16 : i32
      %mul3A_1037 = arith.muli %while3A_1034, %mul3A_1036 : i32
      %get3A = arith.index_cast %mul3A_1037 : i32 to index
      %get3A_1038 = tpu.vector_load %arg6[%get3A] {strides = array<i32>} : memref<32784xf32, #tpu.memory_space<vmem>>, vector<16xf32>,
      %mul3A_1039 = arith.constant 5.120000e+02 : f32
      %mul3A_1040 = vector.broadcast %mul3A_1039 : f32 to vector<16xf32>
      %mul3A_1041 = arith.mulf %get3A_1038, %mul3A_1040 : vector<16xf32>
      %jit3A = arith.constant 0.000000e+00 : f32
      %jit3A_1042 = arith.constant 5.110000e+02 : f32
      %max3A_1043 = vector.broadcast %jit3A : f32 to vector<16xf32>
      %max3A_1044 = arith.maximumf %max3A_1043, %mul3A_1041 : vector<16xf32>
      %min3A = vector.broadcast %jit3A_1042 : f32 to vector<16xf32>
      %min3A_1045 = arith.minimumf %min3A, %max3A_1044 : vector<16xf32>
      %convert_element_type3A_1046 = arith.fptosi %min3A_1045 : vector<16xf32> to vector<16xi32>
      %gt3A = arith.constant 0.000000e+00 : f32
      %gt3A_1047 = vector.broadcast %gt3A : f32 to vector<16xf32>
      %gt3A_1048 = arith.cmpf ogt, %get3A_1038, %gt3A_1047 : vector<16xf32>
      tpu.vector_store_idx %arg7[%convert_element_type3A_1046], %broadcast_in_dim3A_256 masked %gt3A_1048 {add = true} : memref<512xf32, #tpu.memory_space<vmem>>[vector<16xi32>], vector<16xf32>, vector<16xi1>
      tpu.vector_store_idx %arg8[%convert_element_type3A_1046], %get3A_1038 masked %gt3A_1048 {add = true} : memref<512xf32, #tpu.memory_space<vmem>>[vector<16xi32>], vector<16xf32>, vector<16xi1>
      %while3A_1049 = arith.constant 0 : i32
      scf.yield %while3A_1049 : i32
    }
    %while3A_306 = arith.constant 1 : i32
    %while3A_307 = scf.for %while3A_1034 = %while3A_303 to %while3A_299 step %while3A_306 iter_args(%while3A_1035 = %while3A_305) -> (i32)  : i32 {
      %mul3A_1036 = arith.constant 16 : i32
      %mul3A_1037 = arith.muli %while3A_1034, %mul3A_1036 : i32
      %get3A = arith.index_cast %mul3A_1037 : i32 to index
      %get3A_1038 = tpu.vector_load %arg6[%get3A] {strides = array<i32>} : memref<32784xf32, #tpu.memory_space<vmem>>, vector<16xf32>,
      %mul3A_1039 = arith.constant 5.120000e+02 : f32
      %mul3A_1040 = vector.broadcast %mul3A_1039 : f32 to vector<16xf32>
      %mul3A_1041 = arith.mulf %get3A_1038, %mul3A_1040 : vector<16xf32>
      %jit3A = arith.constant 0.000000e+00 : f32
      %jit3A_1042 = arith.constant 5.110000e+02 : f32
      %max3A_1043 = vector.broadcast %jit3A : f32 to vector<16xf32>
      %max3A_1044 = arith.maximumf %max3A_1043, %mul3A_1041 : vector<16xf32>
      %min3A = vector.broadcast %jit3A_1042 : f32 to vector<16xf32>
      %min3A_1045 = arith.minimumf %min3A, %max3A_1044 : vector<16xf32>
      %convert_element_type3A_1046 = arith.fptosi %min3A_1045 : vector<16xf32> to vector<16xi32>
      %gt3A = arith.constant 0.000000e+00 : f32
      %gt3A_1047 = vector.broadcast %gt3A : f32 to vector<16xf32>
      %gt3A_1048 = arith.cmpf ogt, %get3A_1038, %gt3A_1047 : vector<16xf32>
      tpu.vector_store_idx %arg7[%convert_element_type3A_1046], %broadcast_in_dim3A_256 masked %gt3A_1048 {add = true} : memref<512xf32, #tpu.memory_space<vmem>>[vector<16xi32>], vector<16xf32>, vector<16xi1>
      tpu.vector_store_idx %arg8[%convert_element_type3A_1046], %get3A_1038 masked %gt3A_1048 {add = true} : memref<512xf32, #tpu.memory_space<vmem>>[vector<16xi32>], vector<16xf32>, vector<16xi1>
      %while3A_1049 = arith.constant 0 : i32
      scf.yield %while3A_1049 : i32
    }
    %iota3A_308 = tpu.iota {dimensions = array<i32: 0>} : vector<16xi32>
    %convert_element_type3A_309 = arith.sitofp %iota3A_308 : vector<16xi32> to vector<16xf32>
    %broadcast_in_dim3A_310 = arith.constant -1.000000e+00 : f32
    %broadcast_in_dim3A_311 = vector.broadcast %broadcast_in_dim3A_310 : f32 to vector<16xf32>
    %scan3A_312 = arith.constant 0.000000e+00 : f32
    %scan3A_313 = arith.constant 0.000000e+00 : f32
    %scan3A_314 = arith.constant 0 : i32
    %scan3A_315 = arith.constant 32 : i32
    %scan3A_316 = arith.addi %scan3A_314, %scan3A_315 : i32
    %scan3A_317 = arith.constant 1 : i32
    %scan3A_318:3 = scf.for %scan3A_1034 = %scan3A_314 to %scan3A_316 step %scan3A_317 iter_args(%scan3A_1035 = %scan3A_312, %scan3A_1036 = %scan3A_313, %scan3A_1037 = %broadcast_in_dim3A_311) -> (f32, f32, vector<16xf32>)  : i32 {
      %sub3A_1038 = arith.constant 31 : i32
      %sub3A_1039 = arith.subi %sub3A_1038, %scan3A_1034 : i32
      %mul3A_1040 = arith.constant 16 : i32
      %mul3A_1041 = arith.muli %sub3A_1039, %mul3A_1040 : i32
      %get3A = arith.index_cast %mul3A_1041 : i32 to index
      %get3A_1042 = tpu.vector_load %arg7[%get3A] {strides = array<i32>} : memref<512xf32, #tpu.memory_space<vmem>>, vector<16xf32>,
      %mul3A_1043 = arith.constant 16 : i32
      %mul3A_1044 = arith.muli %sub3A_1039, %mul3A_1043 : i32
      %get3A_1045 = arith.index_cast %mul3A_1044 : i32 to index
      %get3A_1046 = tpu.vector_load %arg8[%get3A_1045] {strides = array<i32>} : memref<512xf32, #tpu.memory_space<vmem>>, vector<16xf32>,
      %rev3A = arith.constant 15 : i32
      %rev3A_1047 = vector.broadcast %rev3A : i32 to vector<16xi32>
      %rev3A_1048 = tpu.iota {dimensions = array<i32: 0>} : vector<16xi32>
      %rev3A_1049 = arith.subi %rev3A_1047, %rev3A_1048 : vector<16xi32>
      %rev3A_1050 = tpu.dynamic_gather %get3A_1042[%rev3A_1049] in [0] : vector<16xf32>, vector<16xi32> -> vector<16xf32>
      %broadcast_in_dim3A_1051 = arith.constant true
      %broadcast_in_dim3A_1052 = vector.broadcast %broadcast_in_dim3A_1051 : i1 to vector<16xi1>
      %masked_cumsum3A_1053 = tpu.scan <sum>, %rev3A_1050 masked %broadcast_in_dim3A_1052 : vector<16xf32>, vector<16xi1> -> vector<16xf32>
      %rev3A_1054 = arith.constant 15 : i32
      %rev3A_1055 = vector.broadcast %rev3A_1054 : i32 to vector<16xi32>
      %rev3A_1056 = tpu.iota {dimensions = array<i32: 0>} : vector<16xi32>
      %rev3A_1057 = arith.subi %rev3A_1055, %rev3A_1056 : vector<16xi32>
      %rev3A_1058 = tpu.dynamic_gather %masked_cumsum3A_1053[%rev3A_1057] in [0] : vector<16xf32>, vector<16xi32> -> vector<16xf32>
      %rev3A_1059 = arith.constant 15 : i32
      %rev3A_1060 = vector.broadcast %rev3A_1059 : i32 to vector<16xi32>
      %rev3A_1061 = tpu.iota {dimensions = array<i32: 0>} : vector<16xi32>
      %rev3A_1062 = arith.subi %rev3A_1060, %rev3A_1061 : vector<16xi32>
      %rev3A_1063 = tpu.dynamic_gather %get3A_1046[%rev3A_1062] in [0] : vector<16xf32>, vector<16xi32> -> vector<16xf32>
      %broadcast_in_dim3A_1064 = arith.constant true
      %broadcast_in_dim3A_1065 = vector.broadcast %broadcast_in_dim3A_1064 : i1 to vector<16xi1>
      %masked_cumsum3A_1066 = tpu.scan <sum>, %rev3A_1063 masked %broadcast_in_dim3A_1065 : vector<16xf32>, vector<16xi1> -> vector<16xf32>
      %rev3A_1067 = arith.constant 15 : i32
      %rev3A_1068 = vector.broadcast %rev3A_1067 : i32 to vector<16xi32>
      %rev3A_1069 = tpu.iota {dimensions = array<i32: 0>} : vector<16xi32>
      %rev3A_1070 = arith.subi %rev3A_1068, %rev3A_1069 : vector<16xi32>
      %rev3A_1071 = tpu.dynamic_gather %masked_cumsum3A_1066[%rev3A_1070] in [0] : vector<16xf32>, vector<16xi32> -> vector<16xf32>
      %slice3A_1072 = vector.extract_strided_slice %rev3A_1058 {offsets = [0], sizes = [1], strides = [1]} : vector<16xf32> to vector<1xf32>
      %squeeze3A_1073 = vector.extract %slice3A_1072[0] : f32 from vector<1xf32>
      %slice3A_1074 = vector.extract_strided_slice %rev3A_1071 {offsets = [0], sizes = [1], strides = [1]} : vector<16xf32> to vector<1xf32>
      %squeeze3A_1075 = vector.extract %slice3A_1074[0] : f32 from vector<1xf32>
      %mul3A_1076 = arith.constant 16 : i32
      %mul3A_1077 = arith.muli %sub3A_1039, %mul3A_1076 : i32
      %convert_element_type3A_1078 = arith.sitofp %mul3A_1077 : i32 to f32
      %add3A_1079 = vector.broadcast %convert_element_type3A_1078 : f32 to vector<16xf32>
      %add3A_1080 = arith.addf %convert_element_type3A_309, %add3A_1079 : vector<16xf32>
      %sub3A_1081 = arith.constant 2.000000e+00 : f32
      %sub3A_1082 = vector.broadcast %sub3A_1081 : f32 to vector<16xf32>
      %sub3A_1083 = arith.subf %add3A_1080, %sub3A_1082 : vector<16xf32>
      %mul3A_1084 = arith.constant 0.001953125 : f32
      %mul3A_1085 = vector.broadcast %mul3A_1084 : f32 to vector<16xf32>
      %mul3A_1086 = arith.mulf %sub3A_1083, %mul3A_1085 : vector<16xf32>
      %add3A_1087 = vector.broadcast %scan3A_1036 : f32 to vector<16xf32>
      %add3A_1088 = arith.addf %rev3A_1071, %add3A_1087 : vector<16xf32>
      %add3A_1089 = vector.broadcast %scan3A_1035 : f32 to vector<16xf32>
      %add3A_1090 = arith.addf %rev3A_1058, %add3A_1089 : vector<16xf32>
      %mul3A_1091 = arith.mulf %add3A_1090, %mul3A_1086 : vector<16xf32>
      %sub3A_1092 = arith.subf %add3A_1088, %mul3A_1091 : vector<16xf32>
      %sub3A_1093 = arith.constant 1.000000e+00 : f32
      %sub3A_1094 = vector.broadcast %sub3A_1093 : f32 to vector<16xf32>
      %sub3A_1095 = arith.subf %sub3A_1092, %sub3A_1094 : vector<16xf32>
      %gt3A = arith.constant 0.000000e+00 : f32
      %gt3A_1096 = vector.broadcast %gt3A : f32 to vector<16xf32>
      %gt3A_1097 = arith.cmpf ogt, %sub3A_1095, %gt3A_1096 : vector<16xf32>
      %jit3A = arith.constant -1.000000e+00 : f32
      %broadcast_in_dim3A_1098 = vector.broadcast %jit3A : f32 to vector<16xf32>
      %select_n3A = arith.select %gt3A_1097, %add3A_1080, %broadcast_in_dim3A_1098 : vector<16xi1>, vector<16xf32>
      %max3A_1099 = arith.maximumf %scan3A_1037, %select_n3A : vector<16xf32>
      %add3A_1100 = arith.addf %scan3A_1035, %squeeze3A_1073 : f32
      %add3A_1101 = arith.addf %scan3A_1036, %squeeze3A_1075 : f32
      scf.yield %add3A_1100, %add3A_1101, %max3A_1099 : f32, f32, vector<16xf32>
    }
    %scan3A_319 = arith.constant 32 : i32
    %broadcast_in_dim3A_320 = arith.constant true
    %broadcast_in_dim3A_321 = vector.broadcast %broadcast_in_dim3A_320 : i1 to vector<16xi1>
    %masked_cummax3A_322 = tpu.scan <max>, %scan3A_318#2 masked %broadcast_in_dim3A_321 : vector<16xf32>, vector<16xi1> -> vector<16xf32>
    %slice3A_323 = vector.extract_strided_slice %masked_cummax3A_322 {offsets = [15], sizes = [1], strides = [1]} : vector<16xf32> to vector<1xf32>
    %squeeze3A_324 = vector.extract %slice3A_323[0] : f32 from vector<1xf32>
    %broadcast_in_dim3A_325 = arith.constant 1.000000e+00 : f32
    %broadcast_in_dim3A_326 = vector.broadcast %broadcast_in_dim3A_325 : f32 to vector<16xf32>
    %sub3A_327 = arith.constant 2.000000e+00 : f32
    %sub3A_328 = arith.subf %squeeze3A_324, %sub3A_327 : f32
    %mul3A_329 = arith.constant 0.001953125 : f32
    %mul3A_330 = arith.mulf %sub3A_328, %mul3A_329 : f32
    %max3A_331 = arith.constant 0.000000e+00 : f32
    %max3A_332 = arith.maximumf %mul3A_330, %max3A_331 : f32
    %mul3A_333 = vector.broadcast %max3A_332 : f32 to vector<16xf32>
    %mul3A_334 = arith.mulf %broadcast_in_dim3A_326, %mul3A_333 : vector<16xf32>
    %while3A_335 = arith.constant 0 : i32
    %while3A_336 = arith.subi %shift_right_logical3A_295, %while3A_335 : i32
    %while3A_337 = arith.addi %while3A_335, %while3A_336 : i32
    %while3A_338 = arith.constant 1 : i32
    %while3A_339 = arith.divsi %while3A_336, %while3A_338 : i32
    %while3A_340 = arith.muli %while3A_339, %while3A_338 : i32
    %while3A_341 = arith.addi %while3A_335, %while3A_340 : i32
    %while3A_342 = arith.constant 1 : i32
    %while3A_343:2 = scf.for %while3A_1034 = %while3A_335 to %while3A_341 step %while3A_342 iter_args(%while3A_1035 = %broadcast_in_dim3A_258, %while3A_1036 = %broadcast_in_dim3A_258) -> (vector<16xf32>, vector<16xf32>)  : i32 {
      %mul3A_1037 = arith.constant 16 : i32
      %mul3A_1038 = arith.muli %while3A_1034, %mul3A_1037 : i32
      %get3A = arith.index_cast %mul3A_1038 : i32 to index
      %get3A_1039 = tpu.vector_load %arg6[%get3A] {strides = array<i32>} : memref<32784xf32, #tpu.memory_space<vmem>>, vector<16xf32>,
      %sub3A_1040 = arith.subf %get3A_1039, %mul3A_334 : vector<16xf32>
      %max3A_1041 = arith.constant 0.000000e+00 : f32
      %max3A_1042 = vector.broadcast %max3A_1041 : f32 to vector<16xf32>
      %max3A_1043 = arith.maximumf %sub3A_1040, %max3A_1042 : vector<16xf32>
      %add3A_1044 = arith.addf %while3A_1035, %max3A_1043 : vector<16xf32>
      %gt3A = arith.constant 0.000000e+00 : f32
      %gt3A_1045 = vector.broadcast %gt3A : f32 to vector<16xf32>
      %gt3A_1046 = arith.cmpf ogt, %max3A_1043, %gt3A_1045 : vector<16xf32>
      %jit3A = arith.constant 1.000000e+00 : f32
      %jit3A_1047 = arith.constant 0.000000e+00 : f32
      %broadcast_in_dim3A_1048 = vector.broadcast %jit3A : f32 to vector<16xf32>
      %broadcast_in_dim3A_1049 = vector.broadcast %jit3A_1047 : f32 to vector<16xf32>
      %select_n3A = arith.select %gt3A_1046, %broadcast_in_dim3A_1048, %broadcast_in_dim3A_1049 : vector<16xi1>, vector<16xf32>
      %add3A_1050 = arith.addf %while3A_1036, %select_n3A : vector<16xf32>
      scf.yield %add3A_1044, %add3A_1050 : vector<16xf32>, vector<16xf32>
    }
    %while3A_344 = arith.constant 1 : i32
    %while3A_345:2 = scf.for %while3A_1034 = %while3A_341 to %while3A_337 step %while3A_344 iter_args(%while3A_1035 = %while3A_343#0, %while3A_1036 = %while3A_343#1) -> (vector<16xf32>, vector<16xf32>)  : i32 {
      %mul3A_1037 = arith.constant 16 : i32
      %mul3A_1038 = arith.muli %while3A_1034, %mul3A_1037 : i32
      %get3A = arith.index_cast %mul3A_1038 : i32 to index
      %get3A_1039 = tpu.vector_load %arg6[%get3A] {strides = array<i32>} : memref<32784xf32, #tpu.memory_space<vmem>>, vector<16xf32>,
      %sub3A_1040 = arith.subf %get3A_1039, %mul3A_334 : vector<16xf32>
      %max3A_1041 = arith.constant 0.000000e+00 : f32
      %max3A_1042 = vector.broadcast %max3A_1041 : f32 to vector<16xf32>
      %max3A_1043 = arith.maximumf %sub3A_1040, %max3A_1042 : vector<16xf32>
      %add3A_1044 = arith.addf %while3A_1035, %max3A_1043 : vector<16xf32>
      %gt3A = arith.constant 0.000000e+00 : f32
      %gt3A_1045 = vector.broadcast %gt3A : f32 to vector<16xf32>
      %gt3A_1046 = arith.cmpf ogt, %max3A_1043, %gt3A_1045 : vector<16xf32>
      %jit3A = arith.constant 1.000000e+00 : f32
      %jit3A_1047 = arith.constant 0.000000e+00 : f32
      %broadcast_in_dim3A_1048 = vector.broadcast %jit3A : f32 to vector<16xf32>
      %broadcast_in_dim3A_1049 = vector.broadcast %jit3A_1047 : f32 to vector<16xf32>
      %select_n3A = arith.select %gt3A_1046, %broadcast_in_dim3A_1048, %broadcast_in_dim3A_1049 : vector<16xi1>, vector<16xf32>
      %add3A_1050 = arith.addf %while3A_1036, %select_n3A : vector<16xf32>
      scf.yield %add3A_1044, %add3A_1050 : vector<16xf32>, vector<16xf32>
    }
    %broadcast_in_dim3A_346 = arith.constant true
    %broadcast_in_dim3A_347 = vector.broadcast %broadcast_in_dim3A_346 : i1 to vector<16xi1>
    %masked_cumsum3A_348 = tpu.scan <sum>, %while3A_345#0 masked %broadcast_in_dim3A_347 : vector<16xf32>, vector<16xi1> -> vector<16xf32>
    %slice3A_349 = vector.extract_strided_slice %masked_cumsum3A_348 {offsets = [15], sizes = [1], strides = [1]} : vector<16xf32> to vector<1xf32>
    %squeeze3A_350 = vector.extract %slice3A_349[0] : f32 from vector<1xf32>
    %broadcast_in_dim3A_351 = arith.constant true
    %broadcast_in_dim3A_352 = vector.broadcast %broadcast_in_dim3A_351 : i1 to vector<16xi1>
    %masked_cumsum3A_353 = tpu.scan <sum>, %while3A_345#1 masked %broadcast_in_dim3A_352 : vector<16xf32>, vector<16xi1> -> vector<16xf32>
    %slice3A_354 = vector.extract_strided_slice %masked_cumsum3A_353 {offsets = [15], sizes = [1], strides = [1]} : vector<16xf32> to vector<1xf32>
    %squeeze3A_355 = vector.extract %slice3A_354[0] : f32 from vector<1xf32>
    %broadcast_in_dim3A_356 = arith.constant 1.000000e+00 : f32
    %broadcast_in_dim3A_357 = vector.broadcast %broadcast_in_dim3A_356 : f32 to vector<16xf32>
    %mul3A_358 = vector.broadcast %squeeze3A_350 : f32 to vector<16xf32>
    %mul3A_359 = arith.mulf %broadcast_in_dim3A_357, %mul3A_358 : vector<16xf32>
    %broadcast_in_dim3A_360 = arith.constant 1.000000e+00 : f32
    %broadcast_in_dim3A_361 = vector.broadcast %broadcast_in_dim3A_360 : f32 to vector<16xf32>
    %mul3A_362 = vector.broadcast %squeeze3A_355 : f32 to vector<16xf32>
    %mul3A_363 = arith.mulf %broadcast_in_dim3A_361, %mul3A_362 : vector<16xf32>
    %sub3A_364 = arith.constant 1.000000e+00 : f32
    %sub3A_365 = vector.broadcast %sub3A_364 : f32 to vector<16xf32>
    %sub3A_366 = arith.subf %mul3A_359, %sub3A_365 : vector<16xf32>
    %max3A_367 = arith.constant 1.000000e+00 : f32
    %max3A_368 = vector.broadcast %max3A_367 : f32 to vector<16xf32>
    %max3A_369 = arith.maximumf %mul3A_363, %max3A_368 : vector<16xf32>
    %div3A_370 = arith.divf %sub3A_366, %max3A_369 : vector<16xf32>
    %add3A_371 = arith.addf %mul3A_334, %div3A_370 : vector<16xf32>
    %while3A_372 = arith.constant 0 : i32
    %while3A_373 = arith.subi %shift_right_logical3A_295, %while3A_372 : i32
    %while3A_374 = arith.addi %while3A_372, %while3A_373 : i32
    %while3A_375 = arith.constant 1 : i32
    %while3A_376 = arith.divsi %while3A_373, %while3A_375 : i32
    %while3A_377 = arith.muli %while3A_376, %while3A_375 : i32
    %while3A_378 = arith.addi %while3A_372, %while3A_377 : i32
    %while3A_379 = arith.constant 1 : i32
    %while3A_380:2 = scf.for %while3A_1034 = %while3A_372 to %while3A_378 step %while3A_379 iter_args(%while3A_1035 = %broadcast_in_dim3A_258, %while3A_1036 = %broadcast_in_dim3A_258) -> (vector<16xf32>, vector<16xf32>)  : i32 {
      %mul3A_1037 = arith.constant 16 : i32
      %mul3A_1038 = arith.muli %while3A_1034, %mul3A_1037 : i32
      %get3A = arith.index_cast %mul3A_1038 : i32 to index
      %get3A_1039 = tpu.vector_load %arg6[%get3A] {strides = array<i32>} : memref<32784xf32, #tpu.memory_space<vmem>>, vector<16xf32>,
      %sub3A_1040 = arith.subf %get3A_1039, %add3A_371 : vector<16xf32>
      %max3A_1041 = arith.constant 0.000000e+00 : f32
      %max3A_1042 = vector.broadcast %max3A_1041 : f32 to vector<16xf32>
      %max3A_1043 = arith.maximumf %sub3A_1040, %max3A_1042 : vector<16xf32>
      %add3A_1044 = arith.addf %while3A_1035, %max3A_1043 : vector<16xf32>
      %gt3A = arith.constant 0.000000e+00 : f32
      %gt3A_1045 = vector.broadcast %gt3A : f32 to vector<16xf32>
      %gt3A_1046 = arith.cmpf ogt, %max3A_1043, %gt3A_1045 : vector<16xf32>
      %jit3A = arith.constant 1.000000e+00 : f32
      %jit3A_1047 = arith.constant 0.000000e+00 : f32
      %broadcast_in_dim3A_1048 = vector.broadcast %jit3A : f32 to vector<16xf32>
      %broadcast_in_dim3A_1049 = vector.broadcast %jit3A_1047 : f32 to vector<16xf32>
      %select_n3A = arith.select %gt3A_1046, %broadcast_in_dim3A_1048, %broadcast_in_dim3A_1049 : vector<16xi1>, vector<16xf32>
      %add3A_1050 = arith.addf %while3A_1036, %select_n3A : vector<16xf32>
      scf.yield %add3A_1044, %add3A_1050 : vector<16xf32>, vector<16xf32>
    }
    %while3A_381 = arith.constant 1 : i32
    %while3A_382:2 = scf.for %while3A_1034 = %while3A_378 to %while3A_374 step %while3A_381 iter_args(%while3A_1035 = %while3A_380#0, %while3A_1036 = %while3A_380#1) -> (vector<16xf32>, vector<16xf32>)  : i32 {
      %mul3A_1037 = arith.constant 16 : i32
      %mul3A_1038 = arith.muli %while3A_1034, %mul3A_1037 : i32
      %get3A = arith.index_cast %mul3A_1038 : i32 to index
      %get3A_1039 = tpu.vector_load %arg6[%get3A] {strides = array<i32>} : memref<32784xf32, #tpu.memory_space<vmem>>, vector<16xf32>,
      %sub3A_1040 = arith.subf %get3A_1039, %add3A_371 : vector<16xf32>
      %max3A_1041 = arith.constant 0.000000e+00 : f32
      %max3A_1042 = vector.broadcast %max3A_1041 : f32 to vector<16xf32>
      %max3A_1043 = arith.maximumf %sub3A_1040, %max3A_1042 : vector<16xf32>
      %add3A_1044 = arith.addf %while3A_1035, %max3A_1043 : vector<16xf32>
      %gt3A = arith.constant 0.000000e+00 : f32
      %gt3A_1045 = vector.broadcast %gt3A : f32 to vector<16xf32>
      %gt3A_1046 = arith.cmpf ogt, %max3A_1043, %gt3A_1045 : vector<16xf32>
      %jit3A = arith.constant 1.000000e+00 : f32
      %jit3A_1047 = arith.constant 0.000000e+00 : f32
      %broadcast_in_dim3A_1048 = vector.broadcast %jit3A : f32 to vector<16xf32>
      %broadcast_in_dim3A_1049 = vector.broadcast %jit3A_1047 : f32 to vector<16xf32>
      %select_n3A = arith.select %gt3A_1046, %broadcast_in_dim3A_1048, %broadcast_in_dim3A_1049 : vector<16xi1>, vector<16xf32>
      %add3A_1050 = arith.addf %while3A_1036, %select_n3A : vector<16xf32>
      scf.yield %add3A_1044, %add3A_1050 : vector<16xf32>, vector<16xf32>
    }
    %broadcast_in_dim3A_383 = arith.constant true
    %broadcast_in_dim3A_384 = vector.broadcast %broadcast_in_dim3A_383 : i1 to vector<16xi1>
    %masked_cumsum3A_385 = tpu.scan <sum>, %while3A_382#0 masked %broadcast_in_dim3A_384 : vector<16xf32>, vector<16xi1> -> vector<16xf32>
    %slice3A_386 = vector.extract_strided_slice %masked_cumsum3A_385 {offsets = [15], sizes = [1], strides = [1]} : vector<16xf32> to vector<1xf32>
    %squeeze3A_387 = vector.extract %slice3A_386[0] : f32 from vector<1xf32>
    %broadcast_in_dim3A_388 = arith.constant true
    %broadcast_in_dim3A_389 = vector.broadcast %broadcast_in_dim3A_388 : i1 to vector<16xi1>
    %masked_cumsum3A_390 = tpu.scan <sum>, %while3A_382#1 masked %broadcast_in_dim3A_389 : vector<16xf32>, vector<16xi1> -> vector<16xf32>
    %slice3A_391 = vector.extract_strided_slice %masked_cumsum3A_390 {offsets = [15], sizes = [1], strides = [1]} : vector<16xf32> to vector<1xf32>
    %squeeze3A_392 = vector.extract %slice3A_391[0] : f32 from vector<1xf32>
    %broadcast_in_dim3A_393 = arith.constant 1.000000e+00 : f32
    %broadcast_in_dim3A_394 = vector.broadcast %broadcast_in_dim3A_393 : f32 to vector<16xf32>
    %mul3A_395 = vector.broadcast %squeeze3A_387 : f32 to vector<16xf32>
    %mul3A_396 = arith.mulf %broadcast_in_dim3A_394, %mul3A_395 : vector<16xf32>
    %broadcast_in_dim3A_397 = arith.constant 1.000000e+00 : f32
    %broadcast_in_dim3A_398 = vector.broadcast %broadcast_in_dim3A_397 : f32 to vector<16xf32>
    %mul3A_399 = vector.broadcast %squeeze3A_392 : f32 to vector<16xf32>
    %mul3A_400 = arith.mulf %broadcast_in_dim3A_398, %mul3A_399 : vector<16xf32>
    %sub3A_401 = arith.constant 1.000000e+00 : f32
    %sub3A_402 = vector.broadcast %sub3A_401 : f32 to vector<16xf32>
    %sub3A_403 = arith.subf %mul3A_396, %sub3A_402 : vector<16xf32>
    %max3A_404 = arith.constant 1.000000e+00 : f32
    %max3A_405 = vector.broadcast %max3A_404 : f32 to vector<16xf32>
    %max3A_406 = arith.maximumf %mul3A_400, %max3A_405 : vector<16xf32>
    %div3A_407 = arith.divf %sub3A_403, %max3A_406 : vector<16xf32>
    %add3A_408 = arith.addf %add3A_371, %div3A_407 : vector<16xf32>
    %while3A_409 = arith.constant 0 : i32
    %while3A_410 = arith.subi %shift_right_logical3A_295, %while3A_409 : i32
    %while3A_411 = arith.addi %while3A_409, %while3A_410 : i32
    %while3A_412 = arith.constant 1 : i32
    %while3A_413 = arith.divsi %while3A_410, %while3A_412 : i32
    %while3A_414 = arith.muli %while3A_413, %while3A_412 : i32
    %while3A_415 = arith.addi %while3A_409, %while3A_414 : i32
    %while3A_416 = arith.constant 1 : i32
    %while3A_417:2 = scf.for %while3A_1034 = %while3A_409 to %while3A_415 step %while3A_416 iter_args(%while3A_1035 = %broadcast_in_dim3A_258, %while3A_1036 = %broadcast_in_dim3A_258) -> (vector<16xf32>, vector<16xf32>)  : i32 {
      %mul3A_1037 = arith.constant 16 : i32
      %mul3A_1038 = arith.muli %while3A_1034, %mul3A_1037 : i32
      %get3A = arith.index_cast %mul3A_1038 : i32 to index
      %get3A_1039 = tpu.vector_load %arg6[%get3A] {strides = array<i32>} : memref<32784xf32, #tpu.memory_space<vmem>>, vector<16xf32>,
      %sub3A_1040 = arith.subf %get3A_1039, %add3A_408 : vector<16xf32>
      %max3A_1041 = arith.constant 0.000000e+00 : f32
      %max3A_1042 = vector.broadcast %max3A_1041 : f32 to vector<16xf32>
      %max3A_1043 = arith.maximumf %sub3A_1040, %max3A_1042 : vector<16xf32>
      %add3A_1044 = arith.addf %while3A_1035, %max3A_1043 : vector<16xf32>
      %gt3A = arith.constant 0.000000e+00 : f32
      %gt3A_1045 = vector.broadcast %gt3A : f32 to vector<16xf32>
      %gt3A_1046 = arith.cmpf ogt, %max3A_1043, %gt3A_1045 : vector<16xf32>
      %jit3A = arith.constant 1.000000e+00 : f32
      %jit3A_1047 = arith.constant 0.000000e+00 : f32
      %broadcast_in_dim3A_1048 = vector.broadcast %jit3A : f32 to vector<16xf32>
      %broadcast_in_dim3A_1049 = vector.broadcast %jit3A_1047 : f32 to vector<16xf32>
      %select_n3A = arith.select %gt3A_1046, %broadcast_in_dim3A_1048, %broadcast_in_dim3A_1049 : vector<16xi1>, vector<16xf32>
      %add3A_1050 = arith.addf %while3A_1036, %select_n3A : vector<16xf32>
      scf.yield %add3A_1044, %add3A_1050 : vector<16xf32>, vector<16xf32>
    }
    %while3A_418 = arith.constant 1 : i32
    %while3A_419:2 = scf.for %while3A_1034 = %while3A_415 to %while3A_411 step %while3A_418 iter_args(%while3A_1035 = %while3A_417#0, %while3A_1036 = %while3A_417#1) -> (vector<16xf32>, vector<16xf32>)  : i32 {
      %mul3A_1037 = arith.constant 16 : i32
      %mul3A_1038 = arith.muli %while3A_1034, %mul3A_1037 : i32
      %get3A = arith.index_cast %mul3A_1038 : i32 to index
      %get3A_1039 = tpu.vector_load %arg6[%get3A] {strides = array<i32>} : memref<32784xf32, #tpu.memory_space<vmem>>, vector<16xf32>,
      %sub3A_1040 = arith.subf %get3A_1039, %add3A_408 : vector<16xf32>
      %max3A_1041 = arith.constant 0.000000e+00 : f32
      %max3A_1042 = vector.broadcast %max3A_1041 : f32 to vector<16xf32>
      %max3A_1043 = arith.maximumf %sub3A_1040, %max3A_1042 : vector<16xf32>
      %add3A_1044 = arith.addf %while3A_1035, %max3A_1043 : vector<16xf32>
      %gt3A = arith.constant 0.000000e+00 : f32
      %gt3A_1045 = vector.broadcast %gt3A : f32 to vector<16xf32>
      %gt3A_1046 = arith.cmpf ogt, %max3A_1043, %gt3A_1045 : vector<16xf32>
      %jit3A = arith.constant 1.000000e+00 : f32
      %jit3A_1047 = arith.constant 0.000000e+00 : f32
      %broadcast_in_dim3A_1048 = vector.broadcast %jit3A : f32 to vector<16xf32>
      %broadcast_in_dim3A_1049 = vector.broadcast %jit3A_1047 : f32 to vector<16xf32>
      %select_n3A = arith.select %gt3A_1046, %broadcast_in_dim3A_1048, %broadcast_in_dim3A_1049 : vector<16xi1>, vector<16xf32>
      %add3A_1050 = arith.addf %while3A_1036, %select_n3A : vector<16xf32>
      scf.yield %add3A_1044, %add3A_1050 : vector<16xf32>, vector<16xf32>
    }
    %broadcast_in_dim3A_420 = arith.constant true
    %broadcast_in_dim3A_421 = vector.broadcast %broadcast_in_dim3A_420 : i1 to vector<16xi1>
    %masked_cumsum3A_422 = tpu.scan <sum>, %while3A_419#0 masked %broadcast_in_dim3A_421 : vector<16xf32>, vector<16xi1> -> vector<16xf32>
    %slice3A_423 = vector.extract_strided_slice %masked_cumsum3A_422 {offsets = [15], sizes = [1], strides = [1]} : vector<16xf32> to vector<1xf32>
    %squeeze3A_424 = vector.extract %slice3A_423[0] : f32 from vector<1xf32>
    %broadcast_in_dim3A_425 = arith.constant true
    %broadcast_in_dim3A_426 = vector.broadcast %broadcast_in_dim3A_425 : i1 to vector<16xi1>
    %masked_cumsum3A_427 = tpu.scan <sum>, %while3A_419#1 masked %broadcast_in_dim3A_426 : vector<16xf32>, vector<16xi1> -> vector<16xf32>
    %slice3A_428 = vector.extract_strided_slice %masked_cumsum3A_427 {offsets = [15], sizes = [1], strides = [1]} : vector<16xf32> to vector<1xf32>
    %squeeze3A_429 = vector.extract %slice3A_428[0] : f32 from vector<1xf32>
    %broadcast_in_dim3A_430 = arith.constant 1.000000e+00 : f32
    %broadcast_in_dim3A_431 = vector.broadcast %broadcast_in_dim3A_430 : f32 to vector<16xf32>
    %mul3A_432 = vector.broadcast %squeeze3A_424 : f32 to vector<16xf32>
    %mul3A_433 = arith.mulf %broadcast_in_dim3A_431, %mul3A_432 : vector<16xf32>
    %broadcast_in_dim3A_434 = arith.constant 1.000000e+00 : f32
    %broadcast_in_dim3A_435 = vector.broadcast %broadcast_in_dim3A_434 : f32 to vector<16xf32>
    %mul3A_436 = vector.broadcast %squeeze3A_429 : f32 to vector<16xf32>
    %mul3A_437 = arith.mulf %broadcast_in_dim3A_435, %mul3A_436 : vector<16xf32>
    %sub3A_438 = arith.constant 1.000000e+00 : f32
    %sub3A_439 = vector.broadcast %sub3A_438 : f32 to vector<16xf32>
    %sub3A_440 = arith.subf %mul3A_433, %sub3A_439 : vector<16xf32>
    %max3A_441 = arith.constant 1.000000e+00 : f32
    %max3A_442 = vector.broadcast %max3A_441 : f32 to vector<16xf32>
    %max3A_443 = arith.maximumf %mul3A_437, %max3A_442 : vector<16xf32>
    %div3A_444 = arith.divf %sub3A_440, %max3A_443 : vector<16xf32>
    %add3A_445 = arith.addf %add3A_408, %div3A_444 : vector<16xf32>
    %while3A_446 = arith.constant 0 : i32
    %while3A_447 = arith.subi %shift_right_logical3A_295, %while3A_446 : i32
    %while3A_448 = arith.addi %while3A_446, %while3A_447 : i32
    %while3A_449 = arith.constant 1 : i32
    %while3A_450 = arith.divsi %while3A_447, %while3A_449 : i32
    %while3A_451 = arith.muli %while3A_450, %while3A_449 : i32
    %while3A_452 = arith.addi %while3A_446, %while3A_451 : i32
    %while3A_453 = arith.constant 1 : i32
    %while3A_454:2 = scf.for %while3A_1034 = %while3A_446 to %while3A_452 step %while3A_453 iter_args(%while3A_1035 = %broadcast_in_dim3A_258, %while3A_1036 = %broadcast_in_dim3A_258) -> (vector<16xf32>, vector<16xf32>)  : i32 {
      %mul3A_1037 = arith.constant 16 : i32
      %mul3A_1038 = arith.muli %while3A_1034, %mul3A_1037 : i32
      %get3A = arith.index_cast %mul3A_1038 : i32 to index
      %get3A_1039 = tpu.vector_load %arg6[%get3A] {strides = array<i32>} : memref<32784xf32, #tpu.memory_space<vmem>>, vector<16xf32>,
      %sub3A_1040 = arith.subf %get3A_1039, %add3A_445 : vector<16xf32>
      %max3A_1041 = arith.constant 0.000000e+00 : f32
      %max3A_1042 = vector.broadcast %max3A_1041 : f32 to vector<16xf32>
      %max3A_1043 = arith.maximumf %sub3A_1040, %max3A_1042 : vector<16xf32>
      %add3A_1044 = arith.addf %while3A_1035, %max3A_1043 : vector<16xf32>
      %gt3A = arith.constant 0.000000e+00 : f32
      %gt3A_1045 = vector.broadcast %gt3A : f32 to vector<16xf32>
      %gt3A_1046 = arith.cmpf ogt, %max3A_1043, %gt3A_1045 : vector<16xf32>
      %jit3A = arith.constant 1.000000e+00 : f32
      %jit3A_1047 = arith.constant 0.000000e+00 : f32
      %broadcast_in_dim3A_1048 = vector.broadcast %jit3A : f32 to vector<16xf32>
      %broadcast_in_dim3A_1049 = vector.broadcast %jit3A_1047 : f32 to vector<16xf32>
      %select_n3A = arith.select %gt3A_1046, %broadcast_in_dim3A_1048, %broadcast_in_dim3A_1049 : vector<16xi1>, vector<16xf32>
      %add3A_1050 = arith.addf %while3A_1036, %select_n3A : vector<16xf32>
      scf.yield %add3A_1044, %add3A_1050 : vector<16xf32>, vector<16xf32>
    }
    %while3A_455 = arith.constant 1 : i32
    %while3A_456:2 = scf.for %while3A_1034 = %while3A_452 to %while3A_448 step %while3A_455 iter_args(%while3A_1035 = %while3A_454#0, %while3A_1036 = %while3A_454#1) -> (vector<16xf32>, vector<16xf32>)  : i32 {
      %mul3A_1037 = arith.constant 16 : i32
      %mul3A_1038 = arith.muli %while3A_1034, %mul3A_1037 : i32
      %get3A = arith.index_cast %mul3A_1038 : i32 to index
      %get3A_1039 = tpu.vector_load %arg6[%get3A] {strides = array<i32>} : memref<32784xf32, #tpu.memory_space<vmem>>, vector<16xf32>,
      %sub3A_1040 = arith.subf %get3A_1039, %add3A_445 : vector<16xf32>
      %max3A_1041 = arith.constant 0.000000e+00 : f32
      %max3A_1042 = vector.broadcast %max3A_1041 : f32 to vector<16xf32>
      %max3A_1043 = arith.maximumf %sub3A_1040, %max3A_1042 : vector<16xf32>
      %add3A_1044 = arith.addf %while3A_1035, %max3A_1043 : vector<16xf32>
      %gt3A = arith.constant 0.000000e+00 : f32
      %gt3A_1045 = vector.broadcast %gt3A : f32 to vector<16xf32>
      %gt3A_1046 = arith.cmpf ogt, %max3A_1043, %gt3A_1045 : vector<16xf32>
      %jit3A = arith.constant 1.000000e+00 : f32
      %jit3A_1047 = arith.constant 0.000000e+00 : f32
      %broadcast_in_dim3A_1048 = vector.broadcast %jit3A : f32 to vector<16xf32>
      %broadcast_in_dim3A_1049 = vector.broadcast %jit3A_1047 : f32 to vector<16xf32>
      %select_n3A = arith.select %gt3A_1046, %broadcast_in_dim3A_1048, %broadcast_in_dim3A_1049 : vector<16xi1>, vector<16xf32>
      %add3A_1050 = arith.addf %while3A_1036, %select_n3A : vector<16xf32>
      scf.yield %add3A_1044, %add3A_1050 : vector<16xf32>, vector<16xf32>
    }
    %broadcast_in_dim3A_457 = arith.constant true
    %broadcast_in_dim3A_458 = vector.broadcast %broadcast_in_dim3A_457 : i1 to vector<16xi1>
    %masked_cumsum3A_459 = tpu.scan <sum>, %while3A_456#0 masked %broadcast_in_dim3A_458 : vector<16xf32>, vector<16xi1> -> vector<16xf32>
    %slice3A_460 = vector.extract_strided_slice %masked_cumsum3A_459 {offsets = [15], sizes = [1], strides = [1]} : vector<16xf32> to vector<1xf32>
    %squeeze3A_461 = vector.extract %slice3A_460[0] : f32 from vector<1xf32>
    %broadcast_in_dim3A_462 = arith.constant true
    %broadcast_in_dim3A_463 = vector.broadcast %broadcast_in_dim3A_462 : i1 to vector<16xi1>
    %masked_cumsum3A_464 = tpu.scan <sum>, %while3A_456#1 masked %broadcast_in_dim3A_463 : vector<16xf32>, vector<16xi1> -> vector<16xf32>
    %slice3A_465 = vector.extract_strided_slice %masked_cumsum3A_464 {offsets = [15], sizes = [1], strides = [1]} : vector<16xf32> to vector<1xf32>
    %squeeze3A_466 = vector.extract %slice3A_465[0] : f32 from vector<1xf32>
    %broadcast_in_dim3A_467 = arith.constant 1.000000e+00 : f32
    %broadcast_in_dim3A_468 = vector.broadcast %broadcast_in_dim3A_467 : f32 to vector<16xf32>
    %mul3A_469 = vector.broadcast %squeeze3A_461 : f32 to vector<16xf32>
    %mul3A_470 = arith.mulf %broadcast_in_dim3A_468, %mul3A_469 : vector<16xf32>
    %broadcast_in_dim3A_471 = arith.constant 1.000000e+00 : f32
    %broadcast_in_dim3A_472 = vector.broadcast %broadcast_in_dim3A_471 : f32 to vector<16xf32>
    %mul3A_473 = vector.broadcast %squeeze3A_466 : f32 to vector<16xf32>
    %mul3A_474 = arith.mulf %broadcast_in_dim3A_472, %mul3A_473 : vector<16xf32>
    %sub3A_475 = arith.constant 1.000000e+00 : f32
    %sub3A_476 = vector.broadcast %sub3A_475 : f32 to vector<16xf32>
    %sub3A_477 = arith.subf %mul3A_470, %sub3A_476 : vector<16xf32>
    %max3A_478 = arith.constant 1.000000e+00 : f32
    %max3A_479 = vector.broadcast %max3A_478 : f32 to vector<16xf32>
    %max3A_480 = arith.maximumf %mul3A_474, %max3A_479 : vector<16xf32>
    %div3A_481 = arith.divf %sub3A_477, %max3A_480 : vector<16xf32>
    %add3A_482 = arith.addf %add3A_445, %div3A_481 : vector<16xf32>
    %add3A_483 = vector.broadcast %sub3A_279 : f32 to vector<16xf32>
    %add3A_484 = arith.addf %add3A_483, %add3A_482 : vector<16xf32>
    %dma_wait3A_485 = arith.constant 0 : i32
    %dma_wait3A_486 = tpu.memref_slice %arg3[%add3A_242, %dma_wait3A_485] : memref<128x32768xf32, #tpu.memory_space<hbm>> -> memref<1x32768xf32, #tpu.memory_space<hbm>>
    %dma_wait3A_487 = tpu.memref_squeeze %dma_wait3A_486 : memref<1x32768xf32, #tpu.memory_space<hbm>> -> memref<32768xf32, #tpu.memory_space<hbm>>
    %dma_wait3A_488 = arith.constant 0 : i32
    %dma_wait3A_489 = tpu.memref_slice %arg3[%add3A_242, %dma_wait3A_488] : memref<128x32768xf32, #tpu.memory_space<hbm>> -> memref<1x32768xf32, #tpu.memory_space<hbm>>
    %dma_wait3A_490 = tpu.memref_squeeze %dma_wait3A_489 : memref<1x32768xf32, #tpu.memory_space<hbm>> -> memref<32768xf32, #tpu.memory_space<hbm>>
    tpu.wait_dma2 semaphore(%arg11 : memref<!tpu.dma_semaphore, #tpu.memory_space<semaphore_mem>>) src(%arg4 : memref<32768xf32, #tpu.memory_space<vmem>>) dst(%dma_wait3A_490 : memref<32768xf32, #tpu.memory_space<hbm>>)
    %add3A_491 = arith.constant 1 : i32
    %add3A_492 = arith.addi %mul3A_2, %add3A_491 : i32
    %add3A_493 = arith.constant 1 : i32
    %add3A_494 = arith.addi %add3A_492, %add3A_493 : i32
    %dma_start3A_495 = arith.constant 0 : i32
    %dma_start3A_496 = tpu.memref_slice %arg2[%add3A_494, %dma_start3A_495] : memref<128x32768xf32, #tpu.memory_space<hbm>> -> memref<1x32768xf32, #tpu.memory_space<hbm>>
    %dma_start3A_497 = tpu.memref_squeeze %dma_start3A_496 : memref<1x32768xf32, #tpu.memory_space<hbm>> -> memref<32768xf32, #tpu.memory_space<hbm>>
    %dma_start3A_498 = arith.constant 0 : i32
    %dma_start3A_499 = tpu.memref_slice %arg2[%add3A_494, %dma_start3A_498] : memref<128x32768xf32, #tpu.memory_space<hbm>> -> memref<1x32768xf32, #tpu.memory_space<hbm>>
    %dma_start3A_500 = tpu.memref_squeeze %dma_start3A_499 : memref<1x32768xf32, #tpu.memory_space<hbm>> -> memref<32768xf32, #tpu.memory_space<hbm>>
    tpu.enqueue_dma source(%dma_start3A_500 : memref<32768xf32, #tpu.memory_space<hbm>>) target(%arg4 : memref<32768xf32, #tpu.memory_space<vmem>>) target_semaphore(%arg9 : memref<!tpu.dma_semaphore, #tpu.memory_space<semaphore_mem>>)
    %parallel_loop3A_501 = arith.constant 0 : i32
    %parallel_loop3A_502 = arith.constant 2048 : i32
    %parallel_loop3A_503 = arith.constant 8 : i32
    scf.for %parallel_loop3A_1034 = %parallel_loop3A_501 to %parallel_loop3A_502 step %parallel_loop3A_503  : i32 {
      %parallel_loop3A_1035 = arith.constant 0 : i32
      %parallel_loop3A_1036 = arith.addi %parallel_loop3A_1034, %parallel_loop3A_1035 : i32
      %parallel_loop3A_1037 = arith.constant 16 : i32
      %parallel_loop3A_1038 = arith.muli %parallel_loop3A_1036, %parallel_loop3A_1037 : i32
      %parallel_loop3A_1039 = arith.index_cast %parallel_loop3A_1038 : i32 to index
      %parallel_loop3A_1040 = tpu.vector_load %arg5[%parallel_loop3A_1039] {strides = array<i32>} : memref<32768xf32, #tpu.memory_space<vmem>>, vector<16xf32>,
      %parallel_loop3A_1041 = arith.subf %parallel_loop3A_1040, %add3A_484 : vector<16xf32>
      %parallel_loop3A_1042 = arith.constant 0.000000e+00 : f32
      %parallel_loop3A_1043 = vector.broadcast %parallel_loop3A_1042 : f32 to vector<16xf32>
      %parallel_loop3A_1044 = arith.maximumf %parallel_loop3A_1041, %parallel_loop3A_1043 : vector<16xf32>
      %parallel_loop3A_1045 = arith.index_cast %parallel_loop3A_1038 : i32 to index
      %parallel_loop3A_1046 = tpu.vector_load %arg5[%parallel_loop3A_1045] {strides = array<i32>} : memref<32768xf32, #tpu.memory_space<vmem>>, vector<16xf32>,
      tpu.vector_store %arg5[%parallel_loop3A_1045], %parallel_loop3A_1044 {strides = array<i32>} : memref<32768xf32, #tpu.memory_space<vmem>>, vector<16xf32>,
      %parallel_loop3A_1047 = arith.constant 1 : i32
      %parallel_loop3A_1048 = arith.addi %parallel_loop3A_1034, %parallel_loop3A_1047 : i32
      %parallel_loop3A_1049 = arith.constant 16 : i32
      %parallel_loop3A_1050 = arith.muli %parallel_loop3A_1048, %parallel_loop3A_1049 : i32
      %parallel_loop3A_1051 = arith.index_cast %parallel_loop3A_1050 : i32 to index
      %parallel_loop3A_1052 = tpu.vector_load %arg5[%parallel_loop3A_1051] {strides = array<i32>} : memref<32768xf32, #tpu.memory_space<vmem>>, vector<16xf32>,
      %parallel_loop3A_1053 = arith.subf %parallel_loop3A_1052, %add3A_484 : vector<16xf32>
      %parallel_loop3A_1054 = arith.constant 0.000000e+00 : f32
      %parallel_loop3A_1055 = vector.broadcast %parallel_loop3A_1054 : f32 to vector<16xf32>
      %parallel_loop3A_1056 = arith.maximumf %parallel_loop3A_1053, %parallel_loop3A_1055 : vector<16xf32>
      %parallel_loop3A_1057 = arith.index_cast %parallel_loop3A_1050 : i32 to index
      %parallel_loop3A_1058 = tpu.vector_load %arg5[%parallel_loop3A_1057] {strides = array<i32>} : memref<32768xf32, #tpu.memory_space<vmem>>, vector<16xf32>,
      tpu.vector_store %arg5[%parallel_loop3A_1057], %parallel_loop3A_1056 {strides = array<i32>} : memref<32768xf32, #tpu.memory_space<vmem>>, vector<16xf32>,
      %parallel_loop3A_1059 = arith.constant 2 : i32
      %parallel_loop3A_1060 = arith.addi %parallel_loop3A_1034, %parallel_loop3A_1059 : i32
      %parallel_loop3A_1061 = arith.constant 16 : i32
      %parallel_loop3A_1062 = arith.muli %parallel_loop3A_1060, %parallel_loop3A_1061 : i32
      %parallel_loop3A_1063 = arith.index_cast %parallel_loop3A_1062 : i32 to index
      %parallel_loop3A_1064 = tpu.vector_load %arg5[%parallel_loop3A_1063] {strides = array<i32>} : memref<32768xf32, #tpu.memory_space<vmem>>, vector<16xf32>,
      %parallel_loop3A_1065 = arith.subf %parallel_loop3A_1064, %add3A_484 : vector<16xf32>
      %parallel_loop3A_1066 = arith.constant 0.000000e+00 : f32
      %parallel_loop3A_1067 = vector.broadcast %parallel_loop3A_1066 : f32 to vector<16xf32>
      %parallel_loop3A_1068 = arith.maximumf %parallel_loop3A_1065, %parallel_loop3A_1067 : vector<16xf32>
      %parallel_loop3A_1069 = arith.index_cast %parallel_loop3A_1062 : i32 to index
      %parallel_loop3A_1070 = tpu.vector_load %arg5[%parallel_loop3A_1069] {strides = array<i32>} : memref<32768xf32, #tpu.memory_space<vmem>>, vector<16xf32>,
      tpu.vector_store %arg5[%parallel_loop3A_1069], %parallel_loop3A_1068 {strides = array<i32>} : memref<32768xf32, #tpu.memory_space<vmem>>, vector<16xf32>,
      %parallel_loop3A_1071 = arith.constant 3 : i32
      %parallel_loop3A_1072 = arith.addi %parallel_loop3A_1034, %parallel_loop3A_1071 : i32
      %parallel_loop3A_1073 = arith.constant 16 : i32
      %parallel_loop3A_1074 = arith.muli %parallel_loop3A_1072, %parallel_loop3A_1073 : i32
      %parallel_loop3A_1075 = arith.index_cast %parallel_loop3A_1074 : i32 to index
      %parallel_loop3A_1076 = tpu.vector_load %arg5[%parallel_loop3A_1075] {strides = array<i32>} : memref<32768xf32, #tpu.memory_space<vmem>>, vector<16xf32>,
      %parallel_loop3A_1077 = arith.subf %parallel_loop3A_1076, %add3A_484 : vector<16xf32>
      %parallel_loop3A_1078 = arith.constant 0.000000e+00 : f32
      %parallel_loop3A_1079 = vector.broadcast %parallel_loop3A_1078 : f32 to vector<16xf32>
      %parallel_loop3A_1080 = arith.maximumf %parallel_loop3A_1077, %parallel_loop3A_1079 : vector<16xf32>
      %parallel_loop3A_1081 = arith.index_cast %parallel_loop3A_1074 : i32 to index
      %parallel_loop3A_1082 = tpu.vector_load %arg5[%parallel_loop3A_1081] {strides = array<i32>} : memref<32768xf32, #tpu.memory_space<vmem>>, vector<16xf32>,
      tpu.vector_store %arg5[%parallel_loop3A_1081], %parallel_loop3A_1080 {strides = array<i32>} : memref<32768xf32, #tpu.memory_space<vmem>>, vector<16xf32>,
      %parallel_loop3A_1083 = arith.constant 4 : i32
      %parallel_loop3A_1084 = arith.addi %parallel_loop3A_1034, %parallel_loop3A_1083 : i32
      %parallel_loop3A_1085 = arith.constant 16 : i32
      %parallel_loop3A_1086 = arith.muli %parallel_loop3A_1084, %parallel_loop3A_1085 : i32
      %parallel_loop3A_1087 = arith.index_cast %parallel_loop3A_1086 : i32 to index
      %parallel_loop3A_1088 = tpu.vector_load %arg5[%parallel_loop3A_1087] {strides = array<i32>} : memref<32768xf32, #tpu.memory_space<vmem>>, vector<16xf32>,
      %parallel_loop3A_1089 = arith.subf %parallel_loop3A_1088, %add3A_484 : vector<16xf32>
      %parallel_loop3A_1090 = arith.constant 0.000000e+00 : f32
      %parallel_loop3A_1091 = vector.broadcast %parallel_loop3A_1090 : f32 to vector<16xf32>
      %parallel_loop3A_1092 = arith.maximumf %parallel_loop3A_1089, %parallel_loop3A_1091 : vector<16xf32>
      %parallel_loop3A_1093 = arith.index_cast %parallel_loop3A_1086 : i32 to index
      %parallel_loop3A_1094 = tpu.vector_load %arg5[%parallel_loop3A_1093] {strides = array<i32>} : memref<32768xf32, #tpu.memory_space<vmem>>, vector<16xf32>,
      tpu.vector_store %arg5[%parallel_loop3A_1093], %parallel_loop3A_1092 {strides = array<i32>} : memref<32768xf32, #tpu.memory_space<vmem>>, vector<16xf32>,
      %parallel_loop3A_1095 = arith.constant 5 : i32
      %parallel_loop3A_1096 = arith.addi %parallel_loop3A_1034, %parallel_loop3A_1095 : i32
      %parallel_loop3A_1097 = arith.constant 16 : i32
      %parallel_loop3A_1098 = arith.muli %parallel_loop3A_1096, %parallel_loop3A_1097 : i32
      %parallel_loop3A_1099 = arith.index_cast %parallel_loop3A_1098 : i32 to index
      %parallel_loop3A_1100 = tpu.vector_load %arg5[%parallel_loop3A_1099] {strides = array<i32>} : memref<32768xf32, #tpu.memory_space<vmem>>, vector<16xf32>,
      %parallel_loop3A_1101 = arith.subf %parallel_loop3A_1100, %add3A_484 : vector<16xf32>
      %parallel_loop3A_1102 = arith.constant 0.000000e+00 : f32
      %parallel_loop3A_1103 = vector.broadcast %parallel_loop3A_1102 : f32 to vector<16xf32>
      %parallel_loop3A_1104 = arith.maximumf %parallel_loop3A_1101, %parallel_loop3A_1103 : vector<16xf32>
      %parallel_loop3A_1105 = arith.index_cast %parallel_loop3A_1098 : i32 to index
      %parallel_loop3A_1106 = tpu.vector_load %arg5[%parallel_loop3A_1105] {strides = array<i32>} : memref<32768xf32, #tpu.memory_space<vmem>>, vector<16xf32>,
      tpu.vector_store %arg5[%parallel_loop3A_1105], %parallel_loop3A_1104 {strides = array<i32>} : memref<32768xf32, #tpu.memory_space<vmem>>, vector<16xf32>,
      %parallel_loop3A_1107 = arith.constant 6 : i32
      %parallel_loop3A_1108 = arith.addi %parallel_loop3A_1034, %parallel_loop3A_1107 : i32
      %parallel_loop3A_1109 = arith.constant 16 : i32
      %parallel_loop3A_1110 = arith.muli %parallel_loop3A_1108, %parallel_loop3A_1109 : i32
      %parallel_loop3A_1111 = arith.index_cast %parallel_loop3A_1110 : i32 to index
      %parallel_loop3A_1112 = tpu.vector_load %arg5[%parallel_loop3A_1111] {strides = array<i32>} : memref<32768xf32, #tpu.memory_space<vmem>>, vector<16xf32>,
      %parallel_loop3A_1113 = arith.subf %parallel_loop3A_1112, %add3A_484 : vector<16xf32>
      %parallel_loop3A_1114 = arith.constant 0.000000e+00 : f32
      %parallel_loop3A_1115 = vector.broadcast %parallel_loop3A_1114 : f32 to vector<16xf32>
      %parallel_loop3A_1116 = arith.maximumf %parallel_loop3A_1113, %parallel_loop3A_1115 : vector<16xf32>
      %parallel_loop3A_1117 = arith.index_cast %parallel_loop3A_1110 : i32 to index
      %parallel_loop3A_1118 = tpu.vector_load %arg5[%parallel_loop3A_1117] {strides = array<i32>} : memref<32768xf32, #tpu.memory_space<vmem>>, vector<16xf32>,
      tpu.vector_store %arg5[%parallel_loop3A_1117], %parallel_loop3A_1116 {strides = array<i32>} : memref<32768xf32, #tpu.memory_space<vmem>>, vector<16xf32>,
      %parallel_loop3A_1119 = arith.constant 7 : i32
      %parallel_loop3A_1120 = arith.addi %parallel_loop3A_1034, %parallel_loop3A_1119 : i32
      %parallel_loop3A_1121 = arith.constant 16 : i32
      %parallel_loop3A_1122 = arith.muli %parallel_loop3A_1120, %parallel_loop3A_1121 : i32
      %parallel_loop3A_1123 = arith.index_cast %parallel_loop3A_1122 : i32 to index
      %parallel_loop3A_1124 = tpu.vector_load %arg5[%parallel_loop3A_1123] {strides = array<i32>} : memref<32768xf32, #tpu.memory_space<vmem>>, vector<16xf32>,
      %parallel_loop3A_1125 = arith.subf %parallel_loop3A_1124, %add3A_484 : vector<16xf32>
      %parallel_loop3A_1126 = arith.constant 0.000000e+00 : f32
      %parallel_loop3A_1127 = vector.broadcast %parallel_loop3A_1126 : f32 to vector<16xf32>
      %parallel_loop3A_1128 = arith.maximumf %parallel_loop3A_1125, %parallel_loop3A_1127 : vector<16xf32>
      %parallel_loop3A_1129 = arith.index_cast %parallel_loop3A_1122 : i32 to index
      %parallel_loop3A_1130 = tpu.vector_load %arg5[%parallel_loop3A_1129] {strides = array<i32>} : memref<32768xf32, #tpu.memory_space<vmem>>, vector<16xf32>,
      tpu.vector_store %arg5[%parallel_loop3A_1129], %parallel_loop3A_1128 {strides = array<i32>} : memref<32768xf32, #tpu.memory_space<vmem>>, vector<16xf32>,
    } {sc.loop_unroll_factor = 1 : i64, sc.parallel_access}
    %add3A_504 = arith.constant 1 : i32
    %add3A_505 = arith.addi %mul3A_2, %add3A_504 : i32
    %dma_start3A_506 = arith.constant 0 : i32
    %dma_start3A_507 = tpu.memref_slice %arg3[%add3A_505, %dma_start3A_506] : memref<128x32768xf32, #tpu.memory_space<hbm>> -> memref<1x32768xf32, #tpu.memory_space<hbm>>
    %dma_start3A_508 = tpu.memref_squeeze %dma_start3A_507 : memref<1x32768xf32, #tpu.memory_space<hbm>> -> memref<32768xf32, #tpu.memory_space<hbm>>
    %dma_start3A_509 = arith.constant 0 : i32
    %dma_start3A_510 = tpu.memref_slice %arg3[%add3A_505, %dma_start3A_509] : memref<128x32768xf32, #tpu.memory_space<hbm>> -> memref<1x32768xf32, #tpu.memory_space<hbm>>
    %dma_start3A_511 = tpu.memref_squeeze %dma_start3A_510 : memref<1x32768xf32, #tpu.memory_space<hbm>> -> memref<32768xf32, #tpu.memory_space<hbm>>
    tpu.enqueue_dma source(%arg5 : memref<32768xf32, #tpu.memory_space<vmem>>) target(%dma_start3A_511 : memref<32768xf32, #tpu.memory_space<hbm>>) target_semaphore(%arg12 : memref<!tpu.dma_semaphore, #tpu.memory_space<semaphore_mem>>)
    %dma_wait3A_512 = arith.constant 0 : i32
    %dma_wait3A_513 = tpu.memref_slice %arg2[%add3A_494, %dma_wait3A_512] : memref<128x32768xf32, #tpu.memory_space<hbm>> -> memref<1x32768xf32, #tpu.memory_space<hbm>>
    %dma_wait3A_514 = tpu.memref_squeeze %dma_wait3A_513 : memref<1x32768xf32, #tpu.memory_space<hbm>> -> memref<32768xf32, #tpu.memory_space<hbm>>
    %dma_wait3A_515 = arith.constant 0 : i32
    %dma_wait3A_516 = tpu.memref_slice %arg2[%add3A_494, %dma_wait3A_515] : memref<128x32768xf32, #tpu.memory_space<hbm>> -> memref<1x32768xf32, #tpu.memory_space<hbm>>
    %dma_wait3A_517 = tpu.memref_squeeze %dma_wait3A_516 : memref<1x32768xf32, #tpu.memory_space<hbm>> -> memref<32768xf32, #tpu.memory_space<hbm>>
    tpu.wait_dma2 semaphore(%arg9 : memref<!tpu.dma_semaphore, #tpu.memory_space<semaphore_mem>>) src(%dma_wait3A_517 : memref<32768xf32, #tpu.memory_space<hbm>>) dst(%arg4 : memref<32768xf32, #tpu.memory_space<vmem>>)
    %broadcast_in_dim3A_518 = arith.constant 1.000000e+00 : f32
    %broadcast_in_dim3A_519 = vector.broadcast %broadcast_in_dim3A_518 : f32 to vector<16xf32>
    %broadcast_in_dim3A_520 = arith.constant 0.000000e+00 : f32
    %broadcast_in_dim3A_521 = vector.broadcast %broadcast_in_dim3A_520 : f32 to vector<16xf32>
    %sub3A_522 = arith.constant 0x7F800000 : f32
    %sub3A_523 = vector.broadcast %sub3A_522 : f32 to vector<16xf32>
    %sub3A_524 = arith.subf %broadcast_in_dim3A_521, %sub3A_523 : vector<16xf32>
    %parallel_loop3A_525 = arith.constant 0 : i32
    %parallel_loop3A_526 = arith.constant 2048 : i32
    %parallel_loop3A_527 = arith.constant 8 : i32
    %parallel_loop3A_528:8 = scf.for %parallel_loop3A_1034 = %parallel_loop3A_525 to %parallel_loop3A_526 step %parallel_loop3A_527 iter_args(%parallel_loop3A_1035 = %sub3A_524, %parallel_loop3A_1036 = %sub3A_524, %parallel_loop3A_1037 = %sub3A_524, %parallel_loop3A_1038 = %sub3A_524, %parallel_loop3A_1039 = %sub3A_524, %parallel_loop3A_1040 = %sub3A_524, %parallel_loop3A_1041 = %sub3A_524, %parallel_loop3A_1042 = %sub3A_524) -> (vector<16xf32>, vector<16xf32>, vector<16xf32>, vector<16xf32>, vector<16xf32>, vector<16xf32>, vector<16xf32>, vector<16xf32>)  : i32 {
      %parallel_loop3A_1043 = arith.constant 0 : i32
      %parallel_loop3A_1044 = arith.addi %parallel_loop3A_1034, %parallel_loop3A_1043 : i32
      %parallel_loop3A_1045 = arith.constant 16 : i32
      %parallel_loop3A_1046 = arith.muli %parallel_loop3A_1044, %parallel_loop3A_1045 : i32
      %parallel_loop3A_1047 = arith.index_cast %parallel_loop3A_1046 : i32 to index
      %parallel_loop3A_1048 = tpu.vector_load %arg4[%parallel_loop3A_1047] {strides = array<i32>} : memref<32768xf32, #tpu.memory_space<vmem>>, vector<16xf32>,
      %parallel_loop3A_1049 = arith.maximumf %parallel_loop3A_1035, %parallel_loop3A_1048 : vector<16xf32>
      %parallel_loop3A_1050 = arith.constant 1 : i32
      %parallel_loop3A_1051 = arith.addi %parallel_loop3A_1034, %parallel_loop3A_1050 : i32
      %parallel_loop3A_1052 = arith.constant 16 : i32
      %parallel_loop3A_1053 = arith.muli %parallel_loop3A_1051, %parallel_loop3A_1052 : i32
      %parallel_loop3A_1054 = arith.index_cast %parallel_loop3A_1053 : i32 to index
      %parallel_loop3A_1055 = tpu.vector_load %arg4[%parallel_loop3A_1054] {strides = array<i32>} : memref<32768xf32, #tpu.memory_space<vmem>>, vector<16xf32>,
      %parallel_loop3A_1056 = arith.maximumf %parallel_loop3A_1036, %parallel_loop3A_1055 : vector<16xf32>
      %parallel_loop3A_1057 = arith.constant 2 : i32
      %parallel_loop3A_1058 = arith.addi %parallel_loop3A_1034, %parallel_loop3A_1057 : i32
      %parallel_loop3A_1059 = arith.constant 16 : i32
      %parallel_loop3A_1060 = arith.muli %parallel_loop3A_1058, %parallel_loop3A_1059 : i32
      %parallel_loop3A_1061 = arith.index_cast %parallel_loop3A_1060 : i32 to index
      %parallel_loop3A_1062 = tpu.vector_load %arg4[%parallel_loop3A_1061] {strides = array<i32>} : memref<32768xf32, #tpu.memory_space<vmem>>, vector<16xf32>,
      %parallel_loop3A_1063 = arith.maximumf %parallel_loop3A_1037, %parallel_loop3A_1062 : vector<16xf32>
      %parallel_loop3A_1064 = arith.constant 3 : i32
      %parallel_loop3A_1065 = arith.addi %parallel_loop3A_1034, %parallel_loop3A_1064 : i32
      %parallel_loop3A_1066 = arith.constant 16 : i32
      %parallel_loop3A_1067 = arith.muli %parallel_loop3A_1065, %parallel_loop3A_1066 : i32
      %parallel_loop3A_1068 = arith.index_cast %parallel_loop3A_1067 : i32 to index
      %parallel_loop3A_1069 = tpu.vector_load %arg4[%parallel_loop3A_1068] {strides = array<i32>} : memref<32768xf32, #tpu.memory_space<vmem>>, vector<16xf32>,
      %parallel_loop3A_1070 = arith.maximumf %parallel_loop3A_1038, %parallel_loop3A_1069 : vector<16xf32>
      %parallel_loop3A_1071 = arith.constant 4 : i32
      %parallel_loop3A_1072 = arith.addi %parallel_loop3A_1034, %parallel_loop3A_1071 : i32
      %parallel_loop3A_1073 = arith.constant 16 : i32
      %parallel_loop3A_1074 = arith.muli %parallel_loop3A_1072, %parallel_loop3A_1073 : i32
      %parallel_loop3A_1075 = arith.index_cast %parallel_loop3A_1074 : i32 to index
      %parallel_loop3A_1076 = tpu.vector_load %arg4[%parallel_loop3A_1075] {strides = array<i32>} : memref<32768xf32, #tpu.memory_space<vmem>>, vector<16xf32>,
      %parallel_loop3A_1077 = arith.maximumf %parallel_loop3A_1039, %parallel_loop3A_1076 : vector<16xf32>
      %parallel_loop3A_1078 = arith.constant 5 : i32
      %parallel_loop3A_1079 = arith.addi %parallel_loop3A_1034, %parallel_loop3A_1078 : i32
      %parallel_loop3A_1080 = arith.constant 16 : i32
      %parallel_loop3A_1081 = arith.muli %parallel_loop3A_1079, %parallel_loop3A_1080 : i32
      %parallel_loop3A_1082 = arith.index_cast %parallel_loop3A_1081 : i32 to index
      %parallel_loop3A_1083 = tpu.vector_load %arg4[%parallel_loop3A_1082] {strides = array<i32>} : memref<32768xf32, #tpu.memory_space<vmem>>, vector<16xf32>,
      %parallel_loop3A_1084 = arith.maximumf %parallel_loop3A_1040, %parallel_loop3A_1083 : vector<16xf32>
      %parallel_loop3A_1085 = arith.constant 6 : i32
      %parallel_loop3A_1086 = arith.addi %parallel_loop3A_1034, %parallel_loop3A_1085 : i32
      %parallel_loop3A_1087 = arith.constant 16 : i32
      %parallel_loop3A_1088 = arith.muli %parallel_loop3A_1086, %parallel_loop3A_1087 : i32
      %parallel_loop3A_1089 = arith.index_cast %parallel_loop3A_1088 : i32 to index
      %parallel_loop3A_1090 = tpu.vector_load %arg4[%parallel_loop3A_1089] {strides = array<i32>} : memref<32768xf32, #tpu.memory_space<vmem>>, vector<16xf32>,
      %parallel_loop3A_1091 = arith.maximumf %parallel_loop3A_1041, %parallel_loop3A_1090 : vector<16xf32>
      %parallel_loop3A_1092 = arith.constant 7 : i32
      %parallel_loop3A_1093 = arith.addi %parallel_loop3A_1034, %parallel_loop3A_1092 : i32
      %parallel_loop3A_1094 = arith.constant 16 : i32
      %parallel_loop3A_1095 = arith.muli %parallel_loop3A_1093, %parallel_loop3A_1094 : i32
      %parallel_loop3A_1096 = arith.index_cast %parallel_loop3A_1095 : i32 to index
      %parallel_loop3A_1097 = tpu.vector_load %arg4[%parallel_loop3A_1096] {strides = array<i32>} : memref<32768xf32, #tpu.memory_space<vmem>>, vector<16xf32>,
      %parallel_loop3A_1098 = arith.maximumf %parallel_loop3A_1042, %parallel_loop3A_1097 : vector<16xf32>
      scf.yield %parallel_loop3A_1049, %parallel_loop3A_1056, %parallel_loop3A_1063, %parallel_loop3A_1070, %parallel_loop3A_1077, %parallel_loop3A_1084, %parallel_loop3A_1091, %parallel_loop3A_1098 : vector<16xf32>, vector<16xf32>, vector<16xf32>, vector<16xf32>, vector<16xf32>, vector<16xf32>, vector<16xf32>, vector<16xf32>
    } {sc.loop_unroll_factor = 1 : i64, sc.parallel_access}
    %max3A_529 = arith.maximumf %parallel_loop3A_528#0, %parallel_loop3A_528#1 : vector<16xf32>
    %max3A_530 = arith.maximumf %max3A_529, %parallel_loop3A_528#2 : vector<16xf32>
    %max3A_531 = arith.maximumf %max3A_530, %parallel_loop3A_528#3 : vector<16xf32>
    %max3A_532 = arith.maximumf %max3A_531, %parallel_loop3A_528#4 : vector<16xf32>
    %max3A_533 = arith.maximumf %max3A_532, %parallel_loop3A_528#5 : vector<16xf32>
    %max3A_534 = arith.maximumf %max3A_533, %parallel_loop3A_528#6 : vector<16xf32>
    %max3A_535 = arith.maximumf %max3A_534, %parallel_loop3A_528#7 : vector<16xf32>
    %broadcast_in_dim3A_536 = arith.constant true
    %broadcast_in_dim3A_537 = vector.broadcast %broadcast_in_dim3A_536 : i1 to vector<16xi1>
    %masked_cummax3A_538 = tpu.scan <max>, %max3A_535 masked %broadcast_in_dim3A_537 : vector<16xf32>, vector<16xi1> -> vector<16xf32>
    %slice3A_539 = vector.extract_strided_slice %masked_cummax3A_538 {offsets = [15], sizes = [1], strides = [1]} : vector<16xf32> to vector<1xf32>
    %squeeze3A_540 = vector.extract %slice3A_539[0] : f32 from vector<1xf32>
    %sub3A_541 = arith.constant 1.000000e+00 : f32
    %sub3A_542 = arith.subf %squeeze3A_540, %sub3A_541 : f32
    %parallel_loop3A_543 = arith.constant 0 : i32
    %parallel_loop3A_544 = arith.constant 32 : i32
    %parallel_loop3A_545 = arith.constant 8 : i32
    scf.for %parallel_loop3A_1034 = %parallel_loop3A_543 to %parallel_loop3A_544 step %parallel_loop3A_545  : i32 {
      %parallel_loop3A_1035 = arith.constant 0 : i32
      %parallel_loop3A_1036 = arith.addi %parallel_loop3A_1034, %parallel_loop3A_1035 : i32
      %parallel_loop3A_1037 = arith.constant 16 : i32
      %parallel_loop3A_1038 = arith.muli %parallel_loop3A_1036, %parallel_loop3A_1037 : i32
      %parallel_loop3A_1039 = arith.index_cast %parallel_loop3A_1038 : i32 to index
      %parallel_loop3A_1040 = tpu.vector_load %arg7[%parallel_loop3A_1039] {strides = array<i32>} : memref<512xf32, #tpu.memory_space<vmem>>, vector<16xf32>,
      tpu.vector_store %arg7[%parallel_loop3A_1039], %broadcast_in_dim3A_521 {strides = array<i32>} : memref<512xf32, #tpu.memory_space<vmem>>, vector<16xf32>,
      %parallel_loop3A_1041 = arith.constant 0 : i32
      %parallel_loop3A_1042 = arith.addi %parallel_loop3A_1034, %parallel_loop3A_1041 : i32
      %parallel_loop3A_1043 = arith.constant 16 : i32
      %parallel_loop3A_1044 = arith.muli %parallel_loop3A_1042, %parallel_loop3A_1043 : i32
      %parallel_loop3A_1045 = arith.index_cast %parallel_loop3A_1044 : i32 to index
      %parallel_loop3A_1046 = tpu.vector_load %arg8[%parallel_loop3A_1045] {strides = array<i32>} : memref<512xf32, #tpu.memory_space<vmem>>, vector<16xf32>,
      tpu.vector_store %arg8[%parallel_loop3A_1045], %broadcast_in_dim3A_521 {strides = array<i32>} : memref<512xf32, #tpu.memory_space<vmem>>, vector<16xf32>,
      %parallel_loop3A_1047 = arith.constant 1 : i32
      %parallel_loop3A_1048 = arith.addi %parallel_loop3A_1034, %parallel_loop3A_1047 : i32
      %parallel_loop3A_1049 = arith.constant 16 : i32
      %parallel_loop3A_1050 = arith.muli %parallel_loop3A_1048, %parallel_loop3A_1049 : i32
      %parallel_loop3A_1051 = arith.index_cast %parallel_loop3A_1050 : i32 to index
      %parallel_loop3A_1052 = tpu.vector_load %arg7[%parallel_loop3A_1051] {strides = array<i32>} : memref<512xf32, #tpu.memory_space<vmem>>, vector<16xf32>,
      tpu.vector_store %arg7[%parallel_loop3A_1051], %broadcast_in_dim3A_521 {strides = array<i32>} : memref<512xf32, #tpu.memory_space<vmem>>, vector<16xf32>,
      %parallel_loop3A_1053 = arith.constant 1 : i32
      %parallel_loop3A_1054 = arith.addi %parallel_loop3A_1034, %parallel_loop3A_1053 : i32
      %parallel_loop3A_1055 = arith.constant 16 : i32
      %parallel_loop3A_1056 = arith.muli %parallel_loop3A_1054, %parallel_loop3A_1055 : i32
      %parallel_loop3A_1057 = arith.index_cast %parallel_loop3A_1056 : i32 to index
      %parallel_loop3A_1058 = tpu.vector_load %arg8[%parallel_loop3A_1057] {strides = array<i32>} : memref<512xf32, #tpu.memory_space<vmem>>, vector<16xf32>,
      tpu.vector_store %arg8[%parallel_loop3A_1057], %broadcast_in_dim3A_521 {strides = array<i32>} : memref<512xf32, #tpu.memory_space<vmem>>, vector<16xf32>,
      %parallel_loop3A_1059 = arith.constant 2 : i32
      %parallel_loop3A_1060 = arith.addi %parallel_loop3A_1034, %parallel_loop3A_1059 : i32
      %parallel_loop3A_1061 = arith.constant 16 : i32
      %parallel_loop3A_1062 = arith.muli %parallel_loop3A_1060, %parallel_loop3A_1061 : i32
      %parallel_loop3A_1063 = arith.index_cast %parallel_loop3A_1062 : i32 to index
      %parallel_loop3A_1064 = tpu.vector_load %arg7[%parallel_loop3A_1063] {strides = array<i32>} : memref<512xf32, #tpu.memory_space<vmem>>, vector<16xf32>,
      tpu.vector_store %arg7[%parallel_loop3A_1063], %broadcast_in_dim3A_521 {strides = array<i32>} : memref<512xf32, #tpu.memory_space<vmem>>, vector<16xf32>,
      %parallel_loop3A_1065 = arith.constant 2 : i32
      %parallel_loop3A_1066 = arith.addi %parallel_loop3A_1034, %parallel_loop3A_1065 : i32
      %parallel_loop3A_1067 = arith.constant 16 : i32
      %parallel_loop3A_1068 = arith.muli %parallel_loop3A_1066, %parallel_loop3A_1067 : i32
      %parallel_loop3A_1069 = arith.index_cast %parallel_loop3A_1068 : i32 to index
      %parallel_loop3A_1070 = tpu.vector_load %arg8[%parallel_loop3A_1069] {strides = array<i32>} : memref<512xf32, #tpu.memory_space<vmem>>, vector<16xf32>,
      tpu.vector_store %arg8[%parallel_loop3A_1069], %broadcast_in_dim3A_521 {strides = array<i32>} : memref<512xf32, #tpu.memory_space<vmem>>, vector<16xf32>,
      %parallel_loop3A_1071 = arith.constant 3 : i32
      %parallel_loop3A_1072 = arith.addi %parallel_loop3A_1034, %parallel_loop3A_1071 : i32
      %parallel_loop3A_1073 = arith.constant 16 : i32
      %parallel_loop3A_1074 = arith.muli %parallel_loop3A_1072, %parallel_loop3A_1073 : i32
      %parallel_loop3A_1075 = arith.index_cast %parallel_loop3A_1074 : i32 to index
      %parallel_loop3A_1076 = tpu.vector_load %arg7[%parallel_loop3A_1075] {strides = array<i32>} : memref<512xf32, #tpu.memory_space<vmem>>, vector<16xf32>,
      tpu.vector_store %arg7[%parallel_loop3A_1075], %broadcast_in_dim3A_521 {strides = array<i32>} : memref<512xf32, #tpu.memory_space<vmem>>, vector<16xf32>,
      %parallel_loop3A_1077 = arith.constant 3 : i32
      %parallel_loop3A_1078 = arith.addi %parallel_loop3A_1034, %parallel_loop3A_1077 : i32
      %parallel_loop3A_1079 = arith.constant 16 : i32
      %parallel_loop3A_1080 = arith.muli %parallel_loop3A_1078, %parallel_loop3A_1079 : i32
      %parallel_loop3A_1081 = arith.index_cast %parallel_loop3A_1080 : i32 to index
      %parallel_loop3A_1082 = tpu.vector_load %arg8[%parallel_loop3A_1081] {strides = array<i32>} : memref<512xf32, #tpu.memory_space<vmem>>, vector<16xf32>,
      tpu.vector_store %arg8[%parallel_loop3A_1081], %broadcast_in_dim3A_521 {strides = array<i32>} : memref<512xf32, #tpu.memory_space<vmem>>, vector<16xf32>,
      %parallel_loop3A_1083 = arith.constant 4 : i32
      %parallel_loop3A_1084 = arith.addi %parallel_loop3A_1034, %parallel_loop3A_1083 : i32
      %parallel_loop3A_1085 = arith.constant 16 : i32
      %parallel_loop3A_1086 = arith.muli %parallel_loop3A_1084, %parallel_loop3A_1085 : i32
      %parallel_loop3A_1087 = arith.index_cast %parallel_loop3A_1086 : i32 to index
      %parallel_loop3A_1088 = tpu.vector_load %arg7[%parallel_loop3A_1087] {strides = array<i32>} : memref<512xf32, #tpu.memory_space<vmem>>, vector<16xf32>,
      tpu.vector_store %arg7[%parallel_loop3A_1087], %broadcast_in_dim3A_521 {strides = array<i32>} : memref<512xf32, #tpu.memory_space<vmem>>, vector<16xf32>,
      %parallel_loop3A_1089 = arith.constant 4 : i32
      %parallel_loop3A_1090 = arith.addi %parallel_loop3A_1034, %parallel_loop3A_1089 : i32
      %parallel_loop3A_1091 = arith.constant 16 : i32
      %parallel_loop3A_1092 = arith.muli %parallel_loop3A_1090, %parallel_loop3A_1091 : i32
      %parallel_loop3A_1093 = arith.index_cast %parallel_loop3A_1092 : i32 to index
      %parallel_loop3A_1094 = tpu.vector_load %arg8[%parallel_loop3A_1093] {strides = array<i32>} : memref<512xf32, #tpu.memory_space<vmem>>, vector<16xf32>,
      tpu.vector_store %arg8[%parallel_loop3A_1093], %broadcast_in_dim3A_521 {strides = array<i32>} : memref<512xf32, #tpu.memory_space<vmem>>, vector<16xf32>,
      %parallel_loop3A_1095 = arith.constant 5 : i32
      %parallel_loop3A_1096 = arith.addi %parallel_loop3A_1034, %parallel_loop3A_1095 : i32
      %parallel_loop3A_1097 = arith.constant 16 : i32
      %parallel_loop3A_1098 = arith.muli %parallel_loop3A_1096, %parallel_loop3A_1097 : i32
      %parallel_loop3A_1099 = arith.index_cast %parallel_loop3A_1098 : i32 to index
      %parallel_loop3A_1100 = tpu.vector_load %arg7[%parallel_loop3A_1099] {strides = array<i32>} : memref<512xf32, #tpu.memory_space<vmem>>, vector<16xf32>,
      tpu.vector_store %arg7[%parallel_loop3A_1099], %broadcast_in_dim3A_521 {strides = array<i32>} : memref<512xf32, #tpu.memory_space<vmem>>, vector<16xf32>,
      %parallel_loop3A_1101 = arith.constant 5 : i32
      %parallel_loop3A_1102 = arith.addi %parallel_loop3A_1034, %parallel_loop3A_1101 : i32
      %parallel_loop3A_1103 = arith.constant 16 : i32
      %parallel_loop3A_1104 = arith.muli %parallel_loop3A_1102, %parallel_loop3A_1103 : i32
      %parallel_loop3A_1105 = arith.index_cast %parallel_loop3A_1104 : i32 to index
      %parallel_loop3A_1106 = tpu.vector_load %arg8[%parallel_loop3A_1105] {strides = array<i32>} : memref<512xf32, #tpu.memory_space<vmem>>, vector<16xf32>,
      tpu.vector_store %arg8[%parallel_loop3A_1105], %broadcast_in_dim3A_521 {strides = array<i32>} : memref<512xf32, #tpu.memory_space<vmem>>, vector<16xf32>,
      %parallel_loop3A_1107 = arith.constant 6 : i32
      %parallel_loop3A_1108 = arith.addi %parallel_loop3A_1034, %parallel_loop3A_1107 : i32
      %parallel_loop3A_1109 = arith.constant 16 : i32
      %parallel_loop3A_1110 = arith.muli %parallel_loop3A_1108, %parallel_loop3A_1109 : i32
      %parallel_loop3A_1111 = arith.index_cast %parallel_loop3A_1110 : i32 to index
      %parallel_loop3A_1112 = tpu.vector_load %arg7[%parallel_loop3A_1111] {strides = array<i32>} : memref<512xf32, #tpu.memory_space<vmem>>, vector<16xf32>,
      tpu.vector_store %arg7[%parallel_loop3A_1111], %broadcast_in_dim3A_521 {strides = array<i32>} : memref<512xf32, #tpu.memory_space<vmem>>, vector<16xf32>,
      %parallel_loop3A_1113 = arith.constant 6 : i32
      %parallel_loop3A_1114 = arith.addi %parallel_loop3A_1034, %parallel_loop3A_1113 : i32
      %parallel_loop3A_1115 = arith.constant 16 : i32
      %parallel_loop3A_1116 = arith.muli %parallel_loop3A_1114, %parallel_loop3A_1115 : i32
      %parallel_loop3A_1117 = arith.index_cast %parallel_loop3A_1116 : i32 to index
      %parallel_loop3A_1118 = tpu.vector_load %arg8[%parallel_loop3A_1117] {strides = array<i32>} : memref<512xf32, #tpu.memory_space<vmem>>, vector<16xf32>,
      tpu.vector_store %arg8[%parallel_loop3A_1117], %broadcast_in_dim3A_521 {strides = array<i32>} : memref<512xf32, #tpu.memory_space<vmem>>, vector<16xf32>,
      %parallel_loop3A_1119 = arith.constant 7 : i32
      %parallel_loop3A_1120 = arith.addi %parallel_loop3A_1034, %parallel_loop3A_1119 : i32
      %parallel_loop3A_1121 = arith.constant 16 : i32
      %parallel_loop3A_1122 = arith.muli %parallel_loop3A_1120, %parallel_loop3A_1121 : i32
      %parallel_loop3A_1123 = arith.index_cast %parallel_loop3A_1122 : i32 to index
      %parallel_loop3A_1124 = tpu.vector_load %arg7[%parallel_loop3A_1123] {strides = array<i32>} : memref<512xf32, #tpu.memory_space<vmem>>, vector<16xf32>,
      tpu.vector_store %arg7[%parallel_loop3A_1123], %broadcast_in_dim3A_521 {strides = array<i32>} : memref<512xf32, #tpu.memory_space<vmem>>, vector<16xf32>,
      %parallel_loop3A_1125 = arith.constant 7 : i32
      %parallel_loop3A_1126 = arith.addi %parallel_loop3A_1034, %parallel_loop3A_1125 : i32
      %parallel_loop3A_1127 = arith.constant 16 : i32
      %parallel_loop3A_1128 = arith.muli %parallel_loop3A_1126, %parallel_loop3A_1127 : i32
      %parallel_loop3A_1129 = arith.index_cast %parallel_loop3A_1128 : i32 to index
      %parallel_loop3A_1130 = tpu.vector_load %arg8[%parallel_loop3A_1129] {strides = array<i32>} : memref<512xf32, #tpu.memory_space<vmem>>, vector<16xf32>,
      tpu.vector_store %arg8[%parallel_loop3A_1129], %broadcast_in_dim3A_521 {strides = array<i32>} : memref<512xf32, #tpu.memory_space<vmem>>, vector<16xf32>,
    } {sc.loop_unroll_factor = 1 : i64, sc.parallel_access}
    %iota3A_546 = tpu.iota {dimensions = array<i32: 0>} : vector<16xi32>
    %parallel_loop3A_547 = arith.constant 0 : i32
    %parallel_loop3A_548 = arith.constant 2048 : i32
    %parallel_loop3A_549 = arith.constant 1 : i32
    %parallel_loop3A_550 = scf.for %parallel_loop3A_1034 = %parallel_loop3A_547 to %parallel_loop3A_548 step %parallel_loop3A_549 iter_args(%parallel_loop3A_1035 = %iota3A_546) -> (vector<16xi32>)  : i32 {
      %parallel_loop3A_1036 = arith.constant 16 : i32
      %parallel_loop3A_1037 = arith.muli %parallel_loop3A_1034, %parallel_loop3A_1036 : i32
      %parallel_loop3A_1038 = arith.index_cast %parallel_loop3A_1037 : i32 to index
      %parallel_loop3A_1039 = tpu.vector_load %arg4[%parallel_loop3A_1038] {strides = array<i32>} : memref<32768xf32, #tpu.memory_space<vmem>>, vector<16xf32>,
      %parallel_loop3A_1040 = vector.broadcast %sub3A_542 : f32 to vector<16xf32>
      %parallel_loop3A_1041 = arith.subf %parallel_loop3A_1039, %parallel_loop3A_1040 : vector<16xf32>
      %parallel_loop3A_1042 = arith.constant 0.000000e+00 : f32
      %parallel_loop3A_1043 = vector.broadcast %parallel_loop3A_1042 : f32 to vector<16xf32>
      %parallel_loop3A_1044 = arith.cmpf ogt, %parallel_loop3A_1041, %parallel_loop3A_1043 : vector<16xf32>
      %parallel_loop3A_1045 = tpu.all_reduce %parallel_loop3A_1044 {dim = 0 : i64, kind = #tpu.reduction_kind<sum>} : vector<16xi1> -> vector<16xi32>
      %parallel_loop3A_1046 = arith.constant 0 : i32
      %parallel_loop3A_1047 = vector.broadcast %parallel_loop3A_1046 : i32 to vector<16xi32>
      %parallel_loop3A_1048 = arith.cmpi sgt, %parallel_loop3A_1045, %parallel_loop3A_1047 : vector<16xi32>
      tpu.vector_store_idx %arg6[%parallel_loop3A_1035], %parallel_loop3A_1041 masked %parallel_loop3A_1048 : memref<32784xf32, #tpu.memory_space<vmem>>[vector<16xi32>], vector<16xf32>, vector<16xi1>
      %parallel_loop3A_1049 = arith.constant 16 : i32
      %parallel_loop3A_1050 = arith.constant 0 : i32
      %parallel_loop3A_1051 = vector.broadcast %parallel_loop3A_1049 : i32 to vector<16xi32>
      %parallel_loop3A_1052 = vector.broadcast %parallel_loop3A_1050 : i32 to vector<16xi32>
      %parallel_loop3A_1053 = arith.select %parallel_loop3A_1048, %parallel_loop3A_1051, %parallel_loop3A_1052 : vector<16xi1>, vector<16xi32>
      %parallel_loop3A_1054 = arith.addi %parallel_loop3A_1035, %parallel_loop3A_1053 : vector<16xi32>
      scf.yield %parallel_loop3A_1054 : vector<16xi32>
    } {sc.loop_unroll_factor = 8 : i64, sc.parallel_access}
    %slice3A_551 = vector.extract_strided_slice %parallel_loop3A_550 {offsets = [0], sizes = [1], strides = [1]} : vector<16xi32> to vector<1xi32>
    %squeeze3A_552 = vector.extract %slice3A_551[0] : i32 from vector<1xi32>
    %swap3A_553 = arith.index_cast %squeeze3A_552 : i32 to index
    %swap3A_554 = tpu.vector_load %arg6[%swap3A_553] {strides = array<i32>} : memref<32784xf32, #tpu.memory_space<vmem>>, vector<16xf32>,
    tpu.vector_store %arg6[%swap3A_553], %broadcast_in_dim3A_521 {strides = array<i32>} : memref<32784xf32, #tpu.memory_space<vmem>>, vector<16xf32>,
    %add3A_555 = arith.constant 15 : i32
    %add3A_556 = arith.addi %squeeze3A_552, %add3A_555 : i32
    %shift_right_logical3A_557 = arith.constant 4 : i32
    %shift_right_logical3A_558 = arith.shrui %add3A_556, %shift_right_logical3A_557 : i32
    %while3A_559 = arith.constant 0 : i32
    %while3A_560 = arith.constant 0 : i32
    %while3A_561 = arith.subi %shift_right_logical3A_558, %while3A_559 : i32
    %while3A_562 = arith.addi %while3A_559, %while3A_561 : i32
    %while3A_563 = arith.constant 1 : i32
    %while3A_564 = arith.divsi %while3A_561, %while3A_563 : i32
    %while3A_565 = arith.muli %while3A_564, %while3A_563 : i32
    %while3A_566 = arith.addi %while3A_559, %while3A_565 : i32
    %while3A_567 = arith.constant 1 : i32
    %while3A_568 = scf.for %while3A_1034 = %while3A_559 to %while3A_566 step %while3A_567 iter_args(%while3A_1035 = %while3A_560) -> (i32)  : i32 {
      %mul3A_1036 = arith.constant 16 : i32
      %mul3A_1037 = arith.muli %while3A_1034, %mul3A_1036 : i32
      %get3A = arith.index_cast %mul3A_1037 : i32 to index
      %get3A_1038 = tpu.vector_load %arg6[%get3A] {strides = array<i32>} : memref<32784xf32, #tpu.memory_space<vmem>>, vector<16xf32>,
      %mul3A_1039 = arith.constant 5.120000e+02 : f32
      %mul3A_1040 = vector.broadcast %mul3A_1039 : f32 to vector<16xf32>
      %mul3A_1041 = arith.mulf %get3A_1038, %mul3A_1040 : vector<16xf32>
      %jit3A = arith.constant 0.000000e+00 : f32
      %jit3A_1042 = arith.constant 5.110000e+02 : f32
      %max3A_1043 = vector.broadcast %jit3A : f32 to vector<16xf32>
      %max3A_1044 = arith.maximumf %max3A_1043, %mul3A_1041 : vector<16xf32>
      %min3A = vector.broadcast %jit3A_1042 : f32 to vector<16xf32>
      %min3A_1045 = arith.minimumf %min3A, %max3A_1044 : vector<16xf32>
      %convert_element_type3A_1046 = arith.fptosi %min3A_1045 : vector<16xf32> to vector<16xi32>
      %gt3A = arith.constant 0.000000e+00 : f32
      %gt3A_1047 = vector.broadcast %gt3A : f32 to vector<16xf32>
      %gt3A_1048 = arith.cmpf ogt, %get3A_1038, %gt3A_1047 : vector<16xf32>
      tpu.vector_store_idx %arg7[%convert_element_type3A_1046], %broadcast_in_dim3A_519 masked %gt3A_1048 {add = true} : memref<512xf32, #tpu.memory_space<vmem>>[vector<16xi32>], vector<16xf32>, vector<16xi1>
      tpu.vector_store_idx %arg8[%convert_element_type3A_1046], %get3A_1038 masked %gt3A_1048 {add = true} : memref<512xf32, #tpu.memory_space<vmem>>[vector<16xi32>], vector<16xf32>, vector<16xi1>
      %while3A_1049 = arith.constant 0 : i32
      scf.yield %while3A_1049 : i32
    }
    %while3A_569 = arith.constant 1 : i32
    %while3A_570 = scf.for %while3A_1034 = %while3A_566 to %while3A_562 step %while3A_569 iter_args(%while3A_1035 = %while3A_568) -> (i32)  : i32 {
      %mul3A_1036 = arith.constant 16 : i32
      %mul3A_1037 = arith.muli %while3A_1034, %mul3A_1036 : i32
      %get3A = arith.index_cast %mul3A_1037 : i32 to index
      %get3A_1038 = tpu.vector_load %arg6[%get3A] {strides = array<i32>} : memref<32784xf32, #tpu.memory_space<vmem>>, vector<16xf32>,
      %mul3A_1039 = arith.constant 5.120000e+02 : f32
      %mul3A_1040 = vector.broadcast %mul3A_1039 : f32 to vector<16xf32>
      %mul3A_1041 = arith.mulf %get3A_1038, %mul3A_1040 : vector<16xf32>
      %jit3A = arith.constant 0.000000e+00 : f32
      %jit3A_1042 = arith.constant 5.110000e+02 : f32
      %max3A_1043 = vector.broadcast %jit3A : f32 to vector<16xf32>
      %max3A_1044 = arith.maximumf %max3A_1043, %mul3A_1041 : vector<16xf32>
      %min3A = vector.broadcast %jit3A_1042 : f32 to vector<16xf32>
      %min3A_1045 = arith.minimumf %min3A, %max3A_1044 : vector<16xf32>
      %convert_element_type3A_1046 = arith.fptosi %min3A_1045 : vector<16xf32> to vector<16xi32>
      %gt3A = arith.constant 0.000000e+00 : f32
      %gt3A_1047 = vector.broadcast %gt3A : f32 to vector<16xf32>
      %gt3A_1048 = arith.cmpf ogt, %get3A_1038, %gt3A_1047 : vector<16xf32>
      tpu.vector_store_idx %arg7[%convert_element_type3A_1046], %broadcast_in_dim3A_519 masked %gt3A_1048 {add = true} : memref<512xf32, #tpu.memory_space<vmem>>[vector<16xi32>], vector<16xf32>, vector<16xi1>
      tpu.vector_store_idx %arg8[%convert_element_type3A_1046], %get3A_1038 masked %gt3A_1048 {add = true} : memref<512xf32, #tpu.memory_space<vmem>>[vector<16xi32>], vector<16xf32>, vector<16xi1>
      %while3A_1049 = arith.constant 0 : i32
      scf.yield %while3A_1049 : i32
    }
    %iota3A_571 = tpu.iota {dimensions = array<i32: 0>} : vector<16xi32>
    %convert_element_type3A_572 = arith.sitofp %iota3A_571 : vector<16xi32> to vector<16xf32>
    %broadcast_in_dim3A_573 = arith.constant -1.000000e+00 : f32
    %broadcast_in_dim3A_574 = vector.broadcast %broadcast_in_dim3A_573 : f32 to vector<16xf32>
    %scan3A_575 = arith.constant 0.000000e+00 : f32
    %scan3A_576 = arith.constant 0.000000e+00 : f32
    %scan3A_577 = arith.constant 0 : i32
    %scan3A_578 = arith.constant 32 : i32
    %scan3A_579 = arith.addi %scan3A_577, %scan3A_578 : i32
    %scan3A_580 = arith.constant 1 : i32
    %scan3A_581:3 = scf.for %scan3A_1034 = %scan3A_577 to %scan3A_579 step %scan3A_580 iter_args(%scan3A_1035 = %scan3A_575, %scan3A_1036 = %scan3A_576, %scan3A_1037 = %broadcast_in_dim3A_574) -> (f32, f32, vector<16xf32>)  : i32 {
      %sub3A_1038 = arith.constant 31 : i32
      %sub3A_1039 = arith.subi %sub3A_1038, %scan3A_1034 : i32
      %mul3A_1040 = arith.constant 16 : i32
      %mul3A_1041 = arith.muli %sub3A_1039, %mul3A_1040 : i32
      %get3A = arith.index_cast %mul3A_1041 : i32 to index
      %get3A_1042 = tpu.vector_load %arg7[%get3A] {strides = array<i32>} : memref<512xf32, #tpu.memory_space<vmem>>, vector<16xf32>,
      %mul3A_1043 = arith.constant 16 : i32
      %mul3A_1044 = arith.muli %sub3A_1039, %mul3A_1043 : i32
      %get3A_1045 = arith.index_cast %mul3A_1044 : i32 to index
      %get3A_1046 = tpu.vector_load %arg8[%get3A_1045] {strides = array<i32>} : memref<512xf32, #tpu.memory_space<vmem>>, vector<16xf32>,
      %rev3A = arith.constant 15 : i32
      %rev3A_1047 = vector.broadcast %rev3A : i32 to vector<16xi32>
      %rev3A_1048 = tpu.iota {dimensions = array<i32: 0>} : vector<16xi32>
      %rev3A_1049 = arith.subi %rev3A_1047, %rev3A_1048 : vector<16xi32>
      %rev3A_1050 = tpu.dynamic_gather %get3A_1042[%rev3A_1049] in [0] : vector<16xf32>, vector<16xi32> -> vector<16xf32>
      %broadcast_in_dim3A_1051 = arith.constant true
      %broadcast_in_dim3A_1052 = vector.broadcast %broadcast_in_dim3A_1051 : i1 to vector<16xi1>
      %masked_cumsum3A_1053 = tpu.scan <sum>, %rev3A_1050 masked %broadcast_in_dim3A_1052 : vector<16xf32>, vector<16xi1> -> vector<16xf32>
      %rev3A_1054 = arith.constant 15 : i32
      %rev3A_1055 = vector.broadcast %rev3A_1054 : i32 to vector<16xi32>
      %rev3A_1056 = tpu.iota {dimensions = array<i32: 0>} : vector<16xi32>
      %rev3A_1057 = arith.subi %rev3A_1055, %rev3A_1056 : vector<16xi32>
      %rev3A_1058 = tpu.dynamic_gather %masked_cumsum3A_1053[%rev3A_1057] in [0] : vector<16xf32>, vector<16xi32> -> vector<16xf32>
      %rev3A_1059 = arith.constant 15 : i32
      %rev3A_1060 = vector.broadcast %rev3A_1059 : i32 to vector<16xi32>
      %rev3A_1061 = tpu.iota {dimensions = array<i32: 0>} : vector<16xi32>
      %rev3A_1062 = arith.subi %rev3A_1060, %rev3A_1061 : vector<16xi32>
      %rev3A_1063 = tpu.dynamic_gather %get3A_1046[%rev3A_1062] in [0] : vector<16xf32>, vector<16xi32> -> vector<16xf32>
      %broadcast_in_dim3A_1064 = arith.constant true
      %broadcast_in_dim3A_1065 = vector.broadcast %broadcast_in_dim3A_1064 : i1 to vector<16xi1>
      %masked_cumsum3A_1066 = tpu.scan <sum>, %rev3A_1063 masked %broadcast_in_dim3A_1065 : vector<16xf32>, vector<16xi1> -> vector<16xf32>
      %rev3A_1067 = arith.constant 15 : i32
      %rev3A_1068 = vector.broadcast %rev3A_1067 : i32 to vector<16xi32>
      %rev3A_1069 = tpu.iota {dimensions = array<i32: 0>} : vector<16xi32>
      %rev3A_1070 = arith.subi %rev3A_1068, %rev3A_1069 : vector<16xi32>
      %rev3A_1071 = tpu.dynamic_gather %masked_cumsum3A_1066[%rev3A_1070] in [0] : vector<16xf32>, vector<16xi32> -> vector<16xf32>
      %slice3A_1072 = vector.extract_strided_slice %rev3A_1058 {offsets = [0], sizes = [1], strides = [1]} : vector<16xf32> to vector<1xf32>
      %squeeze3A_1073 = vector.extract %slice3A_1072[0] : f32 from vector<1xf32>
      %slice3A_1074 = vector.extract_strided_slice %rev3A_1071 {offsets = [0], sizes = [1], strides = [1]} : vector<16xf32> to vector<1xf32>
      %squeeze3A_1075 = vector.extract %slice3A_1074[0] : f32 from vector<1xf32>
      %mul3A_1076 = arith.constant 16 : i32
      %mul3A_1077 = arith.muli %sub3A_1039, %mul3A_1076 : i32
      %convert_element_type3A_1078 = arith.sitofp %mul3A_1077 : i32 to f32
      %add3A_1079 = vector.broadcast %convert_element_type3A_1078 : f32 to vector<16xf32>
      %add3A_1080 = arith.addf %convert_element_type3A_572, %add3A_1079 : vector<16xf32>
      %sub3A_1081 = arith.constant 2.000000e+00 : f32
      %sub3A_1082 = vector.broadcast %sub3A_1081 : f32 to vector<16xf32>
      %sub3A_1083 = arith.subf %add3A_1080, %sub3A_1082 : vector<16xf32>
      %mul3A_1084 = arith.constant 0.001953125 : f32
      %mul3A_1085 = vector.broadcast %mul3A_1084 : f32 to vector<16xf32>
      %mul3A_1086 = arith.mulf %sub3A_1083, %mul3A_1085 : vector<16xf32>
      %add3A_1087 = vector.broadcast %scan3A_1036 : f32 to vector<16xf32>
      %add3A_1088 = arith.addf %rev3A_1071, %add3A_1087 : vector<16xf32>
      %add3A_1089 = vector.broadcast %scan3A_1035 : f32 to vector<16xf32>
      %add3A_1090 = arith.addf %rev3A_1058, %add3A_1089 : vector<16xf32>
      %mul3A_1091 = arith.mulf %add3A_1090, %mul3A_1086 : vector<16xf32>
      %sub3A_1092 = arith.subf %add3A_1088, %mul3A_1091 : vector<16xf32>
      %sub3A_1093 = arith.constant 1.000000e+00 : f32
      %sub3A_1094 = vector.broadcast %sub3A_1093 : f32 to vector<16xf32>
      %sub3A_1095 = arith.subf %sub3A_1092, %sub3A_1094 : vector<16xf32>
      %gt3A = arith.constant 0.000000e+00 : f32
      %gt3A_1096 = vector.broadcast %gt3A : f32 to vector<16xf32>
      %gt3A_1097 = arith.cmpf ogt, %sub3A_1095, %gt3A_1096 : vector<16xf32>
      %jit3A = arith.constant -1.000000e+00 : f32
      %broadcast_in_dim3A_1098 = vector.broadcast %jit3A : f32 to vector<16xf32>
      %select_n3A = arith.select %gt3A_1097, %add3A_1080, %broadcast_in_dim3A_1098 : vector<16xi1>, vector<16xf32>
      %max3A_1099 = arith.maximumf %scan3A_1037, %select_n3A : vector<16xf32>
      %add3A_1100 = arith.addf %scan3A_1035, %squeeze3A_1073 : f32
      %add3A_1101 = arith.addf %scan3A_1036, %squeeze3A_1075 : f32
      scf.yield %add3A_1100, %add3A_1101, %max3A_1099 : f32, f32, vector<16xf32>
    }
    %scan3A_582 = arith.constant 32 : i32
    %broadcast_in_dim3A_583 = arith.constant true
    %broadcast_in_dim3A_584 = vector.broadcast %broadcast_in_dim3A_583 : i1 to vector<16xi1>
    %masked_cummax3A_585 = tpu.scan <max>, %scan3A_581#2 masked %broadcast_in_dim3A_584 : vector<16xf32>, vector<16xi1> -> vector<16xf32>
    %slice3A_586 = vector.extract_strided_slice %masked_cummax3A_585 {offsets = [15], sizes = [1], strides = [1]} : vector<16xf32> to vector<1xf32>
    %squeeze3A_587 = vector.extract %slice3A_586[0] : f32 from vector<1xf32>
    %broadcast_in_dim3A_588 = arith.constant 1.000000e+00 : f32
    %broadcast_in_dim3A_589 = vector.broadcast %broadcast_in_dim3A_588 : f32 to vector<16xf32>
    %sub3A_590 = arith.constant 2.000000e+00 : f32
    %sub3A_591 = arith.subf %squeeze3A_587, %sub3A_590 : f32
    %mul3A_592 = arith.constant 0.001953125 : f32
    %mul3A_593 = arith.mulf %sub3A_591, %mul3A_592 : f32
    %max3A_594 = arith.constant 0.000000e+00 : f32
    %max3A_595 = arith.maximumf %mul3A_593, %max3A_594 : f32
    %mul3A_596 = vector.broadcast %max3A_595 : f32 to vector<16xf32>
    %mul3A_597 = arith.mulf %broadcast_in_dim3A_589, %mul3A_596 : vector<16xf32>
    %while3A_598 = arith.constant 0 : i32
    %while3A_599 = arith.subi %shift_right_logical3A_558, %while3A_598 : i32
    %while3A_600 = arith.addi %while3A_598, %while3A_599 : i32
    %while3A_601 = arith.constant 1 : i32
    %while3A_602 = arith.divsi %while3A_599, %while3A_601 : i32
    %while3A_603 = arith.muli %while3A_602, %while3A_601 : i32
    %while3A_604 = arith.addi %while3A_598, %while3A_603 : i32
    %while3A_605 = arith.constant 1 : i32
    %while3A_606:2 = scf.for %while3A_1034 = %while3A_598 to %while3A_604 step %while3A_605 iter_args(%while3A_1035 = %broadcast_in_dim3A_521, %while3A_1036 = %broadcast_in_dim3A_521) -> (vector<16xf32>, vector<16xf32>)  : i32 {
      %mul3A_1037 = arith.constant 16 : i32
      %mul3A_1038 = arith.muli %while3A_1034, %mul3A_1037 : i32
      %get3A = arith.index_cast %mul3A_1038 : i32 to index
      %get3A_1039 = tpu.vector_load %arg6[%get3A] {strides = array<i32>} : memref<32784xf32, #tpu.memory_space<vmem>>, vector<16xf32>,
      %sub3A_1040 = arith.subf %get3A_1039, %mul3A_597 : vector<16xf32>
      %max3A_1041 = arith.constant 0.000000e+00 : f32
      %max3A_1042 = vector.broadcast %max3A_1041 : f32 to vector<16xf32>
      %max3A_1043 = arith.maximumf %sub3A_1040, %max3A_1042 : vector<16xf32>
      %add3A_1044 = arith.addf %while3A_1035, %max3A_1043 : vector<16xf32>
      %gt3A = arith.constant 0.000000e+00 : f32
      %gt3A_1045 = vector.broadcast %gt3A : f32 to vector<16xf32>
      %gt3A_1046 = arith.cmpf ogt, %max3A_1043, %gt3A_1045 : vector<16xf32>
      %jit3A = arith.constant 1.000000e+00 : f32
      %jit3A_1047 = arith.constant 0.000000e+00 : f32
      %broadcast_in_dim3A_1048 = vector.broadcast %jit3A : f32 to vector<16xf32>
      %broadcast_in_dim3A_1049 = vector.broadcast %jit3A_1047 : f32 to vector<16xf32>
      %select_n3A = arith.select %gt3A_1046, %broadcast_in_dim3A_1048, %broadcast_in_dim3A_1049 : vector<16xi1>, vector<16xf32>
      %add3A_1050 = arith.addf %while3A_1036, %select_n3A : vector<16xf32>
      scf.yield %add3A_1044, %add3A_1050 : vector<16xf32>, vector<16xf32>
    }
    %while3A_607 = arith.constant 1 : i32
    %while3A_608:2 = scf.for %while3A_1034 = %while3A_604 to %while3A_600 step %while3A_607 iter_args(%while3A_1035 = %while3A_606#0, %while3A_1036 = %while3A_606#1) -> (vector<16xf32>, vector<16xf32>)  : i32 {
      %mul3A_1037 = arith.constant 16 : i32
      %mul3A_1038 = arith.muli %while3A_1034, %mul3A_1037 : i32
      %get3A = arith.index_cast %mul3A_1038 : i32 to index
      %get3A_1039 = tpu.vector_load %arg6[%get3A] {strides = array<i32>} : memref<32784xf32, #tpu.memory_space<vmem>>, vector<16xf32>,
      %sub3A_1040 = arith.subf %get3A_1039, %mul3A_597 : vector<16xf32>
      %max3A_1041 = arith.constant 0.000000e+00 : f32
      %max3A_1042 = vector.broadcast %max3A_1041 : f32 to vector<16xf32>
      %max3A_1043 = arith.maximumf %sub3A_1040, %max3A_1042 : vector<16xf32>
      %add3A_1044 = arith.addf %while3A_1035, %max3A_1043 : vector<16xf32>
      %gt3A = arith.constant 0.000000e+00 : f32
      %gt3A_1045 = vector.broadcast %gt3A : f32 to vector<16xf32>
      %gt3A_1046 = arith.cmpf ogt, %max3A_1043, %gt3A_1045 : vector<16xf32>
      %jit3A = arith.constant 1.000000e+00 : f32
      %jit3A_1047 = arith.constant 0.000000e+00 : f32
      %broadcast_in_dim3A_1048 = vector.broadcast %jit3A : f32 to vector<16xf32>
      %broadcast_in_dim3A_1049 = vector.broadcast %jit3A_1047 : f32 to vector<16xf32>
      %select_n3A = arith.select %gt3A_1046, %broadcast_in_dim3A_1048, %broadcast_in_dim3A_1049 : vector<16xi1>, vector<16xf32>
      %add3A_1050 = arith.addf %while3A_1036, %select_n3A : vector<16xf32>
      scf.yield %add3A_1044, %add3A_1050 : vector<16xf32>, vector<16xf32>
    }
    %broadcast_in_dim3A_609 = arith.constant true
    %broadcast_in_dim3A_610 = vector.broadcast %broadcast_in_dim3A_609 : i1 to vector<16xi1>
    %masked_cumsum3A_611 = tpu.scan <sum>, %while3A_608#0 masked %broadcast_in_dim3A_610 : vector<16xf32>, vector<16xi1> -> vector<16xf32>
    %slice3A_612 = vector.extract_strided_slice %masked_cumsum3A_611 {offsets = [15], sizes = [1], strides = [1]} : vector<16xf32> to vector<1xf32>
    %squeeze3A_613 = vector.extract %slice3A_612[0] : f32 from vector<1xf32>
    %broadcast_in_dim3A_614 = arith.constant true
    %broadcast_in_dim3A_615 = vector.broadcast %broadcast_in_dim3A_614 : i1 to vector<16xi1>
    %masked_cumsum3A_616 = tpu.scan <sum>, %while3A_608#1 masked %broadcast_in_dim3A_615 : vector<16xf32>, vector<16xi1> -> vector<16xf32>
    %slice3A_617 = vector.extract_strided_slice %masked_cumsum3A_616 {offsets = [15], sizes = [1], strides = [1]} : vector<16xf32> to vector<1xf32>
    %squeeze3A_618 = vector.extract %slice3A_617[0] : f32 from vector<1xf32>
    %broadcast_in_dim3A_619 = arith.constant 1.000000e+00 : f32
    %broadcast_in_dim3A_620 = vector.broadcast %broadcast_in_dim3A_619 : f32 to vector<16xf32>
    %mul3A_621 = vector.broadcast %squeeze3A_613 : f32 to vector<16xf32>
    %mul3A_622 = arith.mulf %broadcast_in_dim3A_620, %mul3A_621 : vector<16xf32>
    %broadcast_in_dim3A_623 = arith.constant 1.000000e+00 : f32
    %broadcast_in_dim3A_624 = vector.broadcast %broadcast_in_dim3A_623 : f32 to vector<16xf32>
    %mul3A_625 = vector.broadcast %squeeze3A_618 : f32 to vector<16xf32>
    %mul3A_626 = arith.mulf %broadcast_in_dim3A_624, %mul3A_625 : vector<16xf32>
    %sub3A_627 = arith.constant 1.000000e+00 : f32
    %sub3A_628 = vector.broadcast %sub3A_627 : f32 to vector<16xf32>
    %sub3A_629 = arith.subf %mul3A_622, %sub3A_628 : vector<16xf32>
    %max3A_630 = arith.constant 1.000000e+00 : f32
    %max3A_631 = vector.broadcast %max3A_630 : f32 to vector<16xf32>
    %max3A_632 = arith.maximumf %mul3A_626, %max3A_631 : vector<16xf32>
    %div3A_633 = arith.divf %sub3A_629, %max3A_632 : vector<16xf32>
    %add3A_634 = arith.addf %mul3A_597, %div3A_633 : vector<16xf32>
    %while3A_635 = arith.constant 0 : i32
    %while3A_636 = arith.subi %shift_right_logical3A_558, %while3A_635 : i32
    %while3A_637 = arith.addi %while3A_635, %while3A_636 : i32
    %while3A_638 = arith.constant 1 : i32
    %while3A_639 = arith.divsi %while3A_636, %while3A_638 : i32
    %while3A_640 = arith.muli %while3A_639, %while3A_638 : i32
    %while3A_641 = arith.addi %while3A_635, %while3A_640 : i32
    %while3A_642 = arith.constant 1 : i32
    %while3A_643:2 = scf.for %while3A_1034 = %while3A_635 to %while3A_641 step %while3A_642 iter_args(%while3A_1035 = %broadcast_in_dim3A_521, %while3A_1036 = %broadcast_in_dim3A_521) -> (vector<16xf32>, vector<16xf32>)  : i32 {
      %mul3A_1037 = arith.constant 16 : i32
      %mul3A_1038 = arith.muli %while3A_1034, %mul3A_1037 : i32
      %get3A = arith.index_cast %mul3A_1038 : i32 to index
      %get3A_1039 = tpu.vector_load %arg6[%get3A] {strides = array<i32>} : memref<32784xf32, #tpu.memory_space<vmem>>, vector<16xf32>,
      %sub3A_1040 = arith.subf %get3A_1039, %add3A_634 : vector<16xf32>
      %max3A_1041 = arith.constant 0.000000e+00 : f32
      %max3A_1042 = vector.broadcast %max3A_1041 : f32 to vector<16xf32>
      %max3A_1043 = arith.maximumf %sub3A_1040, %max3A_1042 : vector<16xf32>
      %add3A_1044 = arith.addf %while3A_1035, %max3A_1043 : vector<16xf32>
      %gt3A = arith.constant 0.000000e+00 : f32
      %gt3A_1045 = vector.broadcast %gt3A : f32 to vector<16xf32>
      %gt3A_1046 = arith.cmpf ogt, %max3A_1043, %gt3A_1045 : vector<16xf32>
      %jit3A = arith.constant 1.000000e+00 : f32
      %jit3A_1047 = arith.constant 0.000000e+00 : f32
      %broadcast_in_dim3A_1048 = vector.broadcast %jit3A : f32 to vector<16xf32>
      %broadcast_in_dim3A_1049 = vector.broadcast %jit3A_1047 : f32 to vector<16xf32>
      %select_n3A = arith.select %gt3A_1046, %broadcast_in_dim3A_1048, %broadcast_in_dim3A_1049 : vector<16xi1>, vector<16xf32>
      %add3A_1050 = arith.addf %while3A_1036, %select_n3A : vector<16xf32>
      scf.yield %add3A_1044, %add3A_1050 : vector<16xf32>, vector<16xf32>
    }
    %while3A_644 = arith.constant 1 : i32
    %while3A_645:2 = scf.for %while3A_1034 = %while3A_641 to %while3A_637 step %while3A_644 iter_args(%while3A_1035 = %while3A_643#0, %while3A_1036 = %while3A_643#1) -> (vector<16xf32>, vector<16xf32>)  : i32 {
      %mul3A_1037 = arith.constant 16 : i32
      %mul3A_1038 = arith.muli %while3A_1034, %mul3A_1037 : i32
      %get3A = arith.index_cast %mul3A_1038 : i32 to index
      %get3A_1039 = tpu.vector_load %arg6[%get3A] {strides = array<i32>} : memref<32784xf32, #tpu.memory_space<vmem>>, vector<16xf32>,
      %sub3A_1040 = arith.subf %get3A_1039, %add3A_634 : vector<16xf32>
      %max3A_1041 = arith.constant 0.000000e+00 : f32
      %max3A_1042 = vector.broadcast %max3A_1041 : f32 to vector<16xf32>
      %max3A_1043 = arith.maximumf %sub3A_1040, %max3A_1042 : vector<16xf32>
      %add3A_1044 = arith.addf %while3A_1035, %max3A_1043 : vector<16xf32>
      %gt3A = arith.constant 0.000000e+00 : f32
      %gt3A_1045 = vector.broadcast %gt3A : f32 to vector<16xf32>
      %gt3A_1046 = arith.cmpf ogt, %max3A_1043, %gt3A_1045 : vector<16xf32>
      %jit3A = arith.constant 1.000000e+00 : f32
      %jit3A_1047 = arith.constant 0.000000e+00 : f32
      %broadcast_in_dim3A_1048 = vector.broadcast %jit3A : f32 to vector<16xf32>
      %broadcast_in_dim3A_1049 = vector.broadcast %jit3A_1047 : f32 to vector<16xf32>
      %select_n3A = arith.select %gt3A_1046, %broadcast_in_dim3A_1048, %broadcast_in_dim3A_1049 : vector<16xi1>, vector<16xf32>
      %add3A_1050 = arith.addf %while3A_1036, %select_n3A : vector<16xf32>
      scf.yield %add3A_1044, %add3A_1050 : vector<16xf32>, vector<16xf32>
    }
    %broadcast_in_dim3A_646 = arith.constant true
    %broadcast_in_dim3A_647 = vector.broadcast %broadcast_in_dim3A_646 : i1 to vector<16xi1>
    %masked_cumsum3A_648 = tpu.scan <sum>, %while3A_645#0 masked %broadcast_in_dim3A_647 : vector<16xf32>, vector<16xi1> -> vector<16xf32>
    %slice3A_649 = vector.extract_strided_slice %masked_cumsum3A_648 {offsets = [15], sizes = [1], strides = [1]} : vector<16xf32> to vector<1xf32>
    %squeeze3A_650 = vector.extract %slice3A_649[0] : f32 from vector<1xf32>
    %broadcast_in_dim3A_651 = arith.constant true
    %broadcast_in_dim3A_652 = vector.broadcast %broadcast_in_dim3A_651 : i1 to vector<16xi1>
    %masked_cumsum3A_653 = tpu.scan <sum>, %while3A_645#1 masked %broadcast_in_dim3A_652 : vector<16xf32>, vector<16xi1> -> vector<16xf32>
    %slice3A_654 = vector.extract_strided_slice %masked_cumsum3A_653 {offsets = [15], sizes = [1], strides = [1]} : vector<16xf32> to vector<1xf32>
    %squeeze3A_655 = vector.extract %slice3A_654[0] : f32 from vector<1xf32>
    %broadcast_in_dim3A_656 = arith.constant 1.000000e+00 : f32
    %broadcast_in_dim3A_657 = vector.broadcast %broadcast_in_dim3A_656 : f32 to vector<16xf32>
    %mul3A_658 = vector.broadcast %squeeze3A_650 : f32 to vector<16xf32>
    %mul3A_659 = arith.mulf %broadcast_in_dim3A_657, %mul3A_658 : vector<16xf32>
    %broadcast_in_dim3A_660 = arith.constant 1.000000e+00 : f32
    %broadcast_in_dim3A_661 = vector.broadcast %broadcast_in_dim3A_660 : f32 to vector<16xf32>
    %mul3A_662 = vector.broadcast %squeeze3A_655 : f32 to vector<16xf32>
    %mul3A_663 = arith.mulf %broadcast_in_dim3A_661, %mul3A_662 : vector<16xf32>
    %sub3A_664 = arith.constant 1.000000e+00 : f32
    %sub3A_665 = vector.broadcast %sub3A_664 : f32 to vector<16xf32>
    %sub3A_666 = arith.subf %mul3A_659, %sub3A_665 : vector<16xf32>
    %max3A_667 = arith.constant 1.000000e+00 : f32
    %max3A_668 = vector.broadcast %max3A_667 : f32 to vector<16xf32>
    %max3A_669 = arith.maximumf %mul3A_663, %max3A_668 : vector<16xf32>
    %div3A_670 = arith.divf %sub3A_666, %max3A_669 : vector<16xf32>
    %add3A_671 = arith.addf %add3A_634, %div3A_670 : vector<16xf32>
    %while3A_672 = arith.constant 0 : i32
    %while3A_673 = arith.subi %shift_right_logical3A_558, %while3A_672 : i32
    %while3A_674 = arith.addi %while3A_672, %while3A_673 : i32
    %while3A_675 = arith.constant 1 : i32
    %while3A_676 = arith.divsi %while3A_673, %while3A_675 : i32
    %while3A_677 = arith.muli %while3A_676, %while3A_675 : i32
    %while3A_678 = arith.addi %while3A_672, %while3A_677 : i32
    %while3A_679 = arith.constant 1 : i32
    %while3A_680:2 = scf.for %while3A_1034 = %while3A_672 to %while3A_678 step %while3A_679 iter_args(%while3A_1035 = %broadcast_in_dim3A_521, %while3A_1036 = %broadcast_in_dim3A_521) -> (vector<16xf32>, vector<16xf32>)  : i32 {
      %mul3A_1037 = arith.constant 16 : i32
      %mul3A_1038 = arith.muli %while3A_1034, %mul3A_1037 : i32
      %get3A = arith.index_cast %mul3A_1038 : i32 to index
      %get3A_1039 = tpu.vector_load %arg6[%get3A] {strides = array<i32>} : memref<32784xf32, #tpu.memory_space<vmem>>, vector<16xf32>,
      %sub3A_1040 = arith.subf %get3A_1039, %add3A_671 : vector<16xf32>
      %max3A_1041 = arith.constant 0.000000e+00 : f32
      %max3A_1042 = vector.broadcast %max3A_1041 : f32 to vector<16xf32>
      %max3A_1043 = arith.maximumf %sub3A_1040, %max3A_1042 : vector<16xf32>
      %add3A_1044 = arith.addf %while3A_1035, %max3A_1043 : vector<16xf32>
      %gt3A = arith.constant 0.000000e+00 : f32
      %gt3A_1045 = vector.broadcast %gt3A : f32 to vector<16xf32>
      %gt3A_1046 = arith.cmpf ogt, %max3A_1043, %gt3A_1045 : vector<16xf32>
      %jit3A = arith.constant 1.000000e+00 : f32
      %jit3A_1047 = arith.constant 0.000000e+00 : f32
      %broadcast_in_dim3A_1048 = vector.broadcast %jit3A : f32 to vector<16xf32>
      %broadcast_in_dim3A_1049 = vector.broadcast %jit3A_1047 : f32 to vector<16xf32>
      %select_n3A = arith.select %gt3A_1046, %broadcast_in_dim3A_1048, %broadcast_in_dim3A_1049 : vector<16xi1>, vector<16xf32>
      %add3A_1050 = arith.addf %while3A_1036, %select_n3A : vector<16xf32>
      scf.yield %add3A_1044, %add3A_1050 : vector<16xf32>, vector<16xf32>
    }
    %while3A_681 = arith.constant 1 : i32
    %while3A_682:2 = scf.for %while3A_1034 = %while3A_678 to %while3A_674 step %while3A_681 iter_args(%while3A_1035 = %while3A_680#0, %while3A_1036 = %while3A_680#1) -> (vector<16xf32>, vector<16xf32>)  : i32 {
      %mul3A_1037 = arith.constant 16 : i32
      %mul3A_1038 = arith.muli %while3A_1034, %mul3A_1037 : i32
      %get3A = arith.index_cast %mul3A_1038 : i32 to index
      %get3A_1039 = tpu.vector_load %arg6[%get3A] {strides = array<i32>} : memref<32784xf32, #tpu.memory_space<vmem>>, vector<16xf32>,
      %sub3A_1040 = arith.subf %get3A_1039, %add3A_671 : vector<16xf32>
      %max3A_1041 = arith.constant 0.000000e+00 : f32
      %max3A_1042 = vector.broadcast %max3A_1041 : f32 to vector<16xf32>
      %max3A_1043 = arith.maximumf %sub3A_1040, %max3A_1042 : vector<16xf32>
      %add3A_1044 = arith.addf %while3A_1035, %max3A_1043 : vector<16xf32>
      %gt3A = arith.constant 0.000000e+00 : f32
      %gt3A_1045 = vector.broadcast %gt3A : f32 to vector<16xf32>
      %gt3A_1046 = arith.cmpf ogt, %max3A_1043, %gt3A_1045 : vector<16xf32>
      %jit3A = arith.constant 1.000000e+00 : f32
      %jit3A_1047 = arith.constant 0.000000e+00 : f32
      %broadcast_in_dim3A_1048 = vector.broadcast %jit3A : f32 to vector<16xf32>
      %broadcast_in_dim3A_1049 = vector.broadcast %jit3A_1047 : f32 to vector<16xf32>
      %select_n3A = arith.select %gt3A_1046, %broadcast_in_dim3A_1048, %broadcast_in_dim3A_1049 : vector<16xi1>, vector<16xf32>
      %add3A_1050 = arith.addf %while3A_1036, %select_n3A : vector<16xf32>
      scf.yield %add3A_1044, %add3A_1050 : vector<16xf32>, vector<16xf32>
    }
    %broadcast_in_dim3A_683 = arith.constant true
    %broadcast_in_dim3A_684 = vector.broadcast %broadcast_in_dim3A_683 : i1 to vector<16xi1>
    %masked_cumsum3A_685 = tpu.scan <sum>, %while3A_682#0 masked %broadcast_in_dim3A_684 : vector<16xf32>, vector<16xi1> -> vector<16xf32>
    %slice3A_686 = vector.extract_strided_slice %masked_cumsum3A_685 {offsets = [15], sizes = [1], strides = [1]} : vector<16xf32> to vector<1xf32>
    %squeeze3A_687 = vector.extract %slice3A_686[0] : f32 from vector<1xf32>
    %broadcast_in_dim3A_688 = arith.constant true
    %broadcast_in_dim3A_689 = vector.broadcast %broadcast_in_dim3A_688 : i1 to vector<16xi1>
    %masked_cumsum3A_690 = tpu.scan <sum>, %while3A_682#1 masked %broadcast_in_dim3A_689 : vector<16xf32>, vector<16xi1> -> vector<16xf32>
    %slice3A_691 = vector.extract_strided_slice %masked_cumsum3A_690 {offsets = [15], sizes = [1], strides = [1]} : vector<16xf32> to vector<1xf32>
    %squeeze3A_692 = vector.extract %slice3A_691[0] : f32 from vector<1xf32>
    %broadcast_in_dim3A_693 = arith.constant 1.000000e+00 : f32
    %broadcast_in_dim3A_694 = vector.broadcast %broadcast_in_dim3A_693 : f32 to vector<16xf32>
    %mul3A_695 = vector.broadcast %squeeze3A_687 : f32 to vector<16xf32>
    %mul3A_696 = arith.mulf %broadcast_in_dim3A_694, %mul3A_695 : vector<16xf32>
    %broadcast_in_dim3A_697 = arith.constant 1.000000e+00 : f32
    %broadcast_in_dim3A_698 = vector.broadcast %broadcast_in_dim3A_697 : f32 to vector<16xf32>
    %mul3A_699 = vector.broadcast %squeeze3A_692 : f32 to vector<16xf32>
    %mul3A_700 = arith.mulf %broadcast_in_dim3A_698, %mul3A_699 : vector<16xf32>
    %sub3A_701 = arith.constant 1.000000e+00 : f32
    %sub3A_702 = vector.broadcast %sub3A_701 : f32 to vector<16xf32>
    %sub3A_703 = arith.subf %mul3A_696, %sub3A_702 : vector<16xf32>
    %max3A_704 = arith.constant 1.000000e+00 : f32
    %max3A_705 = vector.broadcast %max3A_704 : f32 to vector<16xf32>
    %max3A_706 = arith.maximumf %mul3A_700, %max3A_705 : vector<16xf32>
    %div3A_707 = arith.divf %sub3A_703, %max3A_706 : vector<16xf32>
    %add3A_708 = arith.addf %add3A_671, %div3A_707 : vector<16xf32>
    %while3A_709 = arith.constant 0 : i32
    %while3A_710 = arith.subi %shift_right_logical3A_558, %while3A_709 : i32
    %while3A_711 = arith.addi %while3A_709, %while3A_710 : i32
    %while3A_712 = arith.constant 1 : i32
    %while3A_713 = arith.divsi %while3A_710, %while3A_712 : i32
    %while3A_714 = arith.muli %while3A_713, %while3A_712 : i32
    %while3A_715 = arith.addi %while3A_709, %while3A_714 : i32
    %while3A_716 = arith.constant 1 : i32
    %while3A_717:2 = scf.for %while3A_1034 = %while3A_709 to %while3A_715 step %while3A_716 iter_args(%while3A_1035 = %broadcast_in_dim3A_521, %while3A_1036 = %broadcast_in_dim3A_521) -> (vector<16xf32>, vector<16xf32>)  : i32 {
      %mul3A_1037 = arith.constant 16 : i32
      %mul3A_1038 = arith.muli %while3A_1034, %mul3A_1037 : i32
      %get3A = arith.index_cast %mul3A_1038 : i32 to index
      %get3A_1039 = tpu.vector_load %arg6[%get3A] {strides = array<i32>} : memref<32784xf32, #tpu.memory_space<vmem>>, vector<16xf32>,
      %sub3A_1040 = arith.subf %get3A_1039, %add3A_708 : vector<16xf32>
      %max3A_1041 = arith.constant 0.000000e+00 : f32
      %max3A_1042 = vector.broadcast %max3A_1041 : f32 to vector<16xf32>
      %max3A_1043 = arith.maximumf %sub3A_1040, %max3A_1042 : vector<16xf32>
      %add3A_1044 = arith.addf %while3A_1035, %max3A_1043 : vector<16xf32>
      %gt3A = arith.constant 0.000000e+00 : f32
      %gt3A_1045 = vector.broadcast %gt3A : f32 to vector<16xf32>
      %gt3A_1046 = arith.cmpf ogt, %max3A_1043, %gt3A_1045 : vector<16xf32>
      %jit3A = arith.constant 1.000000e+00 : f32
      %jit3A_1047 = arith.constant 0.000000e+00 : f32
      %broadcast_in_dim3A_1048 = vector.broadcast %jit3A : f32 to vector<16xf32>
      %broadcast_in_dim3A_1049 = vector.broadcast %jit3A_1047 : f32 to vector<16xf32>
      %select_n3A = arith.select %gt3A_1046, %broadcast_in_dim3A_1048, %broadcast_in_dim3A_1049 : vector<16xi1>, vector<16xf32>
      %add3A_1050 = arith.addf %while3A_1036, %select_n3A : vector<16xf32>
      scf.yield %add3A_1044, %add3A_1050 : vector<16xf32>, vector<16xf32>
    }
    %while3A_718 = arith.constant 1 : i32
    %while3A_719:2 = scf.for %while3A_1034 = %while3A_715 to %while3A_711 step %while3A_718 iter_args(%while3A_1035 = %while3A_717#0, %while3A_1036 = %while3A_717#1) -> (vector<16xf32>, vector<16xf32>)  : i32 {
      %mul3A_1037 = arith.constant 16 : i32
      %mul3A_1038 = arith.muli %while3A_1034, %mul3A_1037 : i32
      %get3A = arith.index_cast %mul3A_1038 : i32 to index
      %get3A_1039 = tpu.vector_load %arg6[%get3A] {strides = array<i32>} : memref<32784xf32, #tpu.memory_space<vmem>>, vector<16xf32>,
      %sub3A_1040 = arith.subf %get3A_1039, %add3A_708 : vector<16xf32>
      %max3A_1041 = arith.constant 0.000000e+00 : f32
      %max3A_1042 = vector.broadcast %max3A_1041 : f32 to vector<16xf32>
      %max3A_1043 = arith.maximumf %sub3A_1040, %max3A_1042 : vector<16xf32>
      %add3A_1044 = arith.addf %while3A_1035, %max3A_1043 : vector<16xf32>
      %gt3A = arith.constant 0.000000e+00 : f32
      %gt3A_1045 = vector.broadcast %gt3A : f32 to vector<16xf32>
      %gt3A_1046 = arith.cmpf ogt, %max3A_1043, %gt3A_1045 : vector<16xf32>
      %jit3A = arith.constant 1.000000e+00 : f32
      %jit3A_1047 = arith.constant 0.000000e+00 : f32
      %broadcast_in_dim3A_1048 = vector.broadcast %jit3A : f32 to vector<16xf32>
      %broadcast_in_dim3A_1049 = vector.broadcast %jit3A_1047 : f32 to vector<16xf32>
      %select_n3A = arith.select %gt3A_1046, %broadcast_in_dim3A_1048, %broadcast_in_dim3A_1049 : vector<16xi1>, vector<16xf32>
      %add3A_1050 = arith.addf %while3A_1036, %select_n3A : vector<16xf32>
      scf.yield %add3A_1044, %add3A_1050 : vector<16xf32>, vector<16xf32>
    }
    %broadcast_in_dim3A_720 = arith.constant true
    %broadcast_in_dim3A_721 = vector.broadcast %broadcast_in_dim3A_720 : i1 to vector<16xi1>
    %masked_cumsum3A_722 = tpu.scan <sum>, %while3A_719#0 masked %broadcast_in_dim3A_721 : vector<16xf32>, vector<16xi1> -> vector<16xf32>
    %slice3A_723 = vector.extract_strided_slice %masked_cumsum3A_722 {offsets = [15], sizes = [1], strides = [1]} : vector<16xf32> to vector<1xf32>
    %squeeze3A_724 = vector.extract %slice3A_723[0] : f32 from vector<1xf32>
    %broadcast_in_dim3A_725 = arith.constant true
    %broadcast_in_dim3A_726 = vector.broadcast %broadcast_in_dim3A_725 : i1 to vector<16xi1>
    %masked_cumsum3A_727 = tpu.scan <sum>, %while3A_719#1 masked %broadcast_in_dim3A_726 : vector<16xf32>, vector<16xi1> -> vector<16xf32>
    %slice3A_728 = vector.extract_strided_slice %masked_cumsum3A_727 {offsets = [15], sizes = [1], strides = [1]} : vector<16xf32> to vector<1xf32>
    %squeeze3A_729 = vector.extract %slice3A_728[0] : f32 from vector<1xf32>
    %broadcast_in_dim3A_730 = arith.constant 1.000000e+00 : f32
    %broadcast_in_dim3A_731 = vector.broadcast %broadcast_in_dim3A_730 : f32 to vector<16xf32>
    %mul3A_732 = vector.broadcast %squeeze3A_724 : f32 to vector<16xf32>
    %mul3A_733 = arith.mulf %broadcast_in_dim3A_731, %mul3A_732 : vector<16xf32>
    %broadcast_in_dim3A_734 = arith.constant 1.000000e+00 : f32
    %broadcast_in_dim3A_735 = vector.broadcast %broadcast_in_dim3A_734 : f32 to vector<16xf32>
    %mul3A_736 = vector.broadcast %squeeze3A_729 : f32 to vector<16xf32>
    %mul3A_737 = arith.mulf %broadcast_in_dim3A_735, %mul3A_736 : vector<16xf32>
    %sub3A_738 = arith.constant 1.000000e+00 : f32
    %sub3A_739 = vector.broadcast %sub3A_738 : f32 to vector<16xf32>
    %sub3A_740 = arith.subf %mul3A_733, %sub3A_739 : vector<16xf32>
    %max3A_741 = arith.constant 1.000000e+00 : f32
    %max3A_742 = vector.broadcast %max3A_741 : f32 to vector<16xf32>
    %max3A_743 = arith.maximumf %mul3A_737, %max3A_742 : vector<16xf32>
    %div3A_744 = arith.divf %sub3A_740, %max3A_743 : vector<16xf32>
    %add3A_745 = arith.addf %add3A_708, %div3A_744 : vector<16xf32>
    %add3A_746 = vector.broadcast %sub3A_542 : f32 to vector<16xf32>
    %add3A_747 = arith.addf %add3A_746, %add3A_745 : vector<16xf32>
    %dma_wait3A_748 = arith.constant 0 : i32
    %dma_wait3A_749 = tpu.memref_slice %arg3[%add3A_505, %dma_wait3A_748] : memref<128x32768xf32, #tpu.memory_space<hbm>> -> memref<1x32768xf32, #tpu.memory_space<hbm>>
    %dma_wait3A_750 = tpu.memref_squeeze %dma_wait3A_749 : memref<1x32768xf32, #tpu.memory_space<hbm>> -> memref<32768xf32, #tpu.memory_space<hbm>>
    %dma_wait3A_751 = arith.constant 0 : i32
    %dma_wait3A_752 = tpu.memref_slice %arg3[%add3A_505, %dma_wait3A_751] : memref<128x32768xf32, #tpu.memory_space<hbm>> -> memref<1x32768xf32, #tpu.memory_space<hbm>>
    %dma_wait3A_753 = tpu.memref_squeeze %dma_wait3A_752 : memref<1x32768xf32, #tpu.memory_space<hbm>> -> memref<32768xf32, #tpu.memory_space<hbm>>
    tpu.wait_dma2 semaphore(%arg12 : memref<!tpu.dma_semaphore, #tpu.memory_space<semaphore_mem>>) src(%arg5 : memref<32768xf32, #tpu.memory_space<vmem>>) dst(%dma_wait3A_753 : memref<32768xf32, #tpu.memory_space<hbm>>)
    %add3A_754 = arith.constant 2 : i32
    %add3A_755 = arith.addi %mul3A_2, %add3A_754 : i32
    %add3A_756 = arith.constant 1 : i32
    %add3A_757 = arith.addi %add3A_755, %add3A_756 : i32
    %dma_start3A_758 = arith.constant 0 : i32
    %dma_start3A_759 = tpu.memref_slice %arg2[%add3A_757, %dma_start3A_758] : memref<128x32768xf32, #tpu.memory_space<hbm>> -> memref<1x32768xf32, #tpu.memory_space<hbm>>
    %dma_start3A_760 = tpu.memref_squeeze %dma_start3A_759 : memref<1x32768xf32, #tpu.memory_space<hbm>> -> memref<32768xf32, #tpu.memory_space<hbm>>
    %dma_start3A_761 = arith.constant 0 : i32
    %dma_start3A_762 = tpu.memref_slice %arg2[%add3A_757, %dma_start3A_761] : memref<128x32768xf32, #tpu.memory_space<hbm>> -> memref<1x32768xf32, #tpu.memory_space<hbm>>
    %dma_start3A_763 = tpu.memref_squeeze %dma_start3A_762 : memref<1x32768xf32, #tpu.memory_space<hbm>> -> memref<32768xf32, #tpu.memory_space<hbm>>
    tpu.enqueue_dma source(%dma_start3A_763 : memref<32768xf32, #tpu.memory_space<hbm>>) target(%arg5 : memref<32768xf32, #tpu.memory_space<vmem>>) target_semaphore(%arg10 : memref<!tpu.dma_semaphore, #tpu.memory_space<semaphore_mem>>)
    %parallel_loop3A_764 = arith.constant 0 : i32
    %parallel_loop3A_765 = arith.constant 2048 : i32
    %parallel_loop3A_766 = arith.constant 8 : i32
    scf.for %parallel_loop3A_1034 = %parallel_loop3A_764 to %parallel_loop3A_765 step %parallel_loop3A_766  : i32 {
      %parallel_loop3A_1035 = arith.constant 0 : i32
      %parallel_loop3A_1036 = arith.addi %parallel_loop3A_1034, %parallel_loop3A_1035 : i32
      %parallel_loop3A_1037 = arith.constant 16 : i32
      %parallel_loop3A_1038 = arith.muli %parallel_loop3A_1036, %parallel_loop3A_1037 : i32
      %parallel_loop3A_1039 = arith.index_cast %parallel_loop3A_1038 : i32 to index
      %parallel_loop3A_1040 = tpu.vector_load %arg4[%parallel_loop3A_1039] {strides = array<i32>} : memref<32768xf32, #tpu.memory_space<vmem>>, vector<16xf32>,
      %parallel_loop3A_1041 = arith.subf %parallel_loop3A_1040, %add3A_747 : vector<16xf32>
      %parallel_loop3A_1042 = arith.constant 0.000000e+00 : f32
      %parallel_loop3A_1043 = vector.broadcast %parallel_loop3A_1042 : f32 to vector<16xf32>
      %parallel_loop3A_1044 = arith.maximumf %parallel_loop3A_1041, %parallel_loop3A_1043 : vector<16xf32>
      %parallel_loop3A_1045 = arith.index_cast %parallel_loop3A_1038 : i32 to index
      %parallel_loop3A_1046 = tpu.vector_load %arg4[%parallel_loop3A_1045] {strides = array<i32>} : memref<32768xf32, #tpu.memory_space<vmem>>, vector<16xf32>,
      tpu.vector_store %arg4[%parallel_loop3A_1045], %parallel_loop3A_1044 {strides = array<i32>} : memref<32768xf32, #tpu.memory_space<vmem>>, vector<16xf32>,
      %parallel_loop3A_1047 = arith.constant 1 : i32
      %parallel_loop3A_1048 = arith.addi %parallel_loop3A_1034, %parallel_loop3A_1047 : i32
      %parallel_loop3A_1049 = arith.constant 16 : i32
      %parallel_loop3A_1050 = arith.muli %parallel_loop3A_1048, %parallel_loop3A_1049 : i32
      %parallel_loop3A_1051 = arith.index_cast %parallel_loop3A_1050 : i32 to index
      %parallel_loop3A_1052 = tpu.vector_load %arg4[%parallel_loop3A_1051] {strides = array<i32>} : memref<32768xf32, #tpu.memory_space<vmem>>, vector<16xf32>,
      %parallel_loop3A_1053 = arith.subf %parallel_loop3A_1052, %add3A_747 : vector<16xf32>
      %parallel_loop3A_1054 = arith.constant 0.000000e+00 : f32
      %parallel_loop3A_1055 = vector.broadcast %parallel_loop3A_1054 : f32 to vector<16xf32>
      %parallel_loop3A_1056 = arith.maximumf %parallel_loop3A_1053, %parallel_loop3A_1055 : vector<16xf32>
      %parallel_loop3A_1057 = arith.index_cast %parallel_loop3A_1050 : i32 to index
      %parallel_loop3A_1058 = tpu.vector_load %arg4[%parallel_loop3A_1057] {strides = array<i32>} : memref<32768xf32, #tpu.memory_space<vmem>>, vector<16xf32>,
      tpu.vector_store %arg4[%parallel_loop3A_1057], %parallel_loop3A_1056 {strides = array<i32>} : memref<32768xf32, #tpu.memory_space<vmem>>, vector<16xf32>,
      %parallel_loop3A_1059 = arith.constant 2 : i32
      %parallel_loop3A_1060 = arith.addi %parallel_loop3A_1034, %parallel_loop3A_1059 : i32
      %parallel_loop3A_1061 = arith.constant 16 : i32
      %parallel_loop3A_1062 = arith.muli %parallel_loop3A_1060, %parallel_loop3A_1061 : i32
      %parallel_loop3A_1063 = arith.index_cast %parallel_loop3A_1062 : i32 to index
      %parallel_loop3A_1064 = tpu.vector_load %arg4[%parallel_loop3A_1063] {strides = array<i32>} : memref<32768xf32, #tpu.memory_space<vmem>>, vector<16xf32>,
      %parallel_loop3A_1065 = arith.subf %parallel_loop3A_1064, %add3A_747 : vector<16xf32>
      %parallel_loop3A_1066 = arith.constant 0.000000e+00 : f32
      %parallel_loop3A_1067 = vector.broadcast %parallel_loop3A_1066 : f32 to vector<16xf32>
      %parallel_loop3A_1068 = arith.maximumf %parallel_loop3A_1065, %parallel_loop3A_1067 : vector<16xf32>
      %parallel_loop3A_1069 = arith.index_cast %parallel_loop3A_1062 : i32 to index
      %parallel_loop3A_1070 = tpu.vector_load %arg4[%parallel_loop3A_1069] {strides = array<i32>} : memref<32768xf32, #tpu.memory_space<vmem>>, vector<16xf32>,
      tpu.vector_store %arg4[%parallel_loop3A_1069], %parallel_loop3A_1068 {strides = array<i32>} : memref<32768xf32, #tpu.memory_space<vmem>>, vector<16xf32>,
      %parallel_loop3A_1071 = arith.constant 3 : i32
      %parallel_loop3A_1072 = arith.addi %parallel_loop3A_1034, %parallel_loop3A_1071 : i32
      %parallel_loop3A_1073 = arith.constant 16 : i32
      %parallel_loop3A_1074 = arith.muli %parallel_loop3A_1072, %parallel_loop3A_1073 : i32
      %parallel_loop3A_1075 = arith.index_cast %parallel_loop3A_1074 : i32 to index
      %parallel_loop3A_1076 = tpu.vector_load %arg4[%parallel_loop3A_1075] {strides = array<i32>} : memref<32768xf32, #tpu.memory_space<vmem>>, vector<16xf32>,
      %parallel_loop3A_1077 = arith.subf %parallel_loop3A_1076, %add3A_747 : vector<16xf32>
      %parallel_loop3A_1078 = arith.constant 0.000000e+00 : f32
      %parallel_loop3A_1079 = vector.broadcast %parallel_loop3A_1078 : f32 to vector<16xf32>
      %parallel_loop3A_1080 = arith.maximumf %parallel_loop3A_1077, %parallel_loop3A_1079 : vector<16xf32>
      %parallel_loop3A_1081 = arith.index_cast %parallel_loop3A_1074 : i32 to index
      %parallel_loop3A_1082 = tpu.vector_load %arg4[%parallel_loop3A_1081] {strides = array<i32>} : memref<32768xf32, #tpu.memory_space<vmem>>, vector<16xf32>,
      tpu.vector_store %arg4[%parallel_loop3A_1081], %parallel_loop3A_1080 {strides = array<i32>} : memref<32768xf32, #tpu.memory_space<vmem>>, vector<16xf32>,
      %parallel_loop3A_1083 = arith.constant 4 : i32
      %parallel_loop3A_1084 = arith.addi %parallel_loop3A_1034, %parallel_loop3A_1083 : i32
      %parallel_loop3A_1085 = arith.constant 16 : i32
      %parallel_loop3A_1086 = arith.muli %parallel_loop3A_1084, %parallel_loop3A_1085 : i32
      %parallel_loop3A_1087 = arith.index_cast %parallel_loop3A_1086 : i32 to index
      %parallel_loop3A_1088 = tpu.vector_load %arg4[%parallel_loop3A_1087] {strides = array<i32>} : memref<32768xf32, #tpu.memory_space<vmem>>, vector<16xf32>,
      %parallel_loop3A_1089 = arith.subf %parallel_loop3A_1088, %add3A_747 : vector<16xf32>
      %parallel_loop3A_1090 = arith.constant 0.000000e+00 : f32
      %parallel_loop3A_1091 = vector.broadcast %parallel_loop3A_1090 : f32 to vector<16xf32>
      %parallel_loop3A_1092 = arith.maximumf %parallel_loop3A_1089, %parallel_loop3A_1091 : vector<16xf32>
      %parallel_loop3A_1093 = arith.index_cast %parallel_loop3A_1086 : i32 to index
      %parallel_loop3A_1094 = tpu.vector_load %arg4[%parallel_loop3A_1093] {strides = array<i32>} : memref<32768xf32, #tpu.memory_space<vmem>>, vector<16xf32>,
      tpu.vector_store %arg4[%parallel_loop3A_1093], %parallel_loop3A_1092 {strides = array<i32>} : memref<32768xf32, #tpu.memory_space<vmem>>, vector<16xf32>,
      %parallel_loop3A_1095 = arith.constant 5 : i32
      %parallel_loop3A_1096 = arith.addi %parallel_loop3A_1034, %parallel_loop3A_1095 : i32
      %parallel_loop3A_1097 = arith.constant 16 : i32
      %parallel_loop3A_1098 = arith.muli %parallel_loop3A_1096, %parallel_loop3A_1097 : i32
      %parallel_loop3A_1099 = arith.index_cast %parallel_loop3A_1098 : i32 to index
      %parallel_loop3A_1100 = tpu.vector_load %arg4[%parallel_loop3A_1099] {strides = array<i32>} : memref<32768xf32, #tpu.memory_space<vmem>>, vector<16xf32>,
      %parallel_loop3A_1101 = arith.subf %parallel_loop3A_1100, %add3A_747 : vector<16xf32>
      %parallel_loop3A_1102 = arith.constant 0.000000e+00 : f32
      %parallel_loop3A_1103 = vector.broadcast %parallel_loop3A_1102 : f32 to vector<16xf32>
      %parallel_loop3A_1104 = arith.maximumf %parallel_loop3A_1101, %parallel_loop3A_1103 : vector<16xf32>
      %parallel_loop3A_1105 = arith.index_cast %parallel_loop3A_1098 : i32 to index
      %parallel_loop3A_1106 = tpu.vector_load %arg4[%parallel_loop3A_1105] {strides = array<i32>} : memref<32768xf32, #tpu.memory_space<vmem>>, vector<16xf32>,
      tpu.vector_store %arg4[%parallel_loop3A_1105], %parallel_loop3A_1104 {strides = array<i32>} : memref<32768xf32, #tpu.memory_space<vmem>>, vector<16xf32>,
      %parallel_loop3A_1107 = arith.constant 6 : i32
      %parallel_loop3A_1108 = arith.addi %parallel_loop3A_1034, %parallel_loop3A_1107 : i32
      %parallel_loop3A_1109 = arith.constant 16 : i32
      %parallel_loop3A_1110 = arith.muli %parallel_loop3A_1108, %parallel_loop3A_1109 : i32
      %parallel_loop3A_1111 = arith.index_cast %parallel_loop3A_1110 : i32 to index
      %parallel_loop3A_1112 = tpu.vector_load %arg4[%parallel_loop3A_1111] {strides = array<i32>} : memref<32768xf32, #tpu.memory_space<vmem>>, vector<16xf32>,
      %parallel_loop3A_1113 = arith.subf %parallel_loop3A_1112, %add3A_747 : vector<16xf32>
      %parallel_loop3A_1114 = arith.constant 0.000000e+00 : f32
      %parallel_loop3A_1115 = vector.broadcast %parallel_loop3A_1114 : f32 to vector<16xf32>
      %parallel_loop3A_1116 = arith.maximumf %parallel_loop3A_1113, %parallel_loop3A_1115 : vector<16xf32>
      %parallel_loop3A_1117 = arith.index_cast %parallel_loop3A_1110 : i32 to index
      %parallel_loop3A_1118 = tpu.vector_load %arg4[%parallel_loop3A_1117] {strides = array<i32>} : memref<32768xf32, #tpu.memory_space<vmem>>, vector<16xf32>,
      tpu.vector_store %arg4[%parallel_loop3A_1117], %parallel_loop3A_1116 {strides = array<i32>} : memref<32768xf32, #tpu.memory_space<vmem>>, vector<16xf32>,
      %parallel_loop3A_1119 = arith.constant 7 : i32
      %parallel_loop3A_1120 = arith.addi %parallel_loop3A_1034, %parallel_loop3A_1119 : i32
      %parallel_loop3A_1121 = arith.constant 16 : i32
      %parallel_loop3A_1122 = arith.muli %parallel_loop3A_1120, %parallel_loop3A_1121 : i32
      %parallel_loop3A_1123 = arith.index_cast %parallel_loop3A_1122 : i32 to index
      %parallel_loop3A_1124 = tpu.vector_load %arg4[%parallel_loop3A_1123] {strides = array<i32>} : memref<32768xf32, #tpu.memory_space<vmem>>, vector<16xf32>,
      %parallel_loop3A_1125 = arith.subf %parallel_loop3A_1124, %add3A_747 : vector<16xf32>
      %parallel_loop3A_1126 = arith.constant 0.000000e+00 : f32
      %parallel_loop3A_1127 = vector.broadcast %parallel_loop3A_1126 : f32 to vector<16xf32>
      %parallel_loop3A_1128 = arith.maximumf %parallel_loop3A_1125, %parallel_loop3A_1127 : vector<16xf32>
      %parallel_loop3A_1129 = arith.index_cast %parallel_loop3A_1122 : i32 to index
      %parallel_loop3A_1130 = tpu.vector_load %arg4[%parallel_loop3A_1129] {strides = array<i32>} : memref<32768xf32, #tpu.memory_space<vmem>>, vector<16xf32>,
      tpu.vector_store %arg4[%parallel_loop3A_1129], %parallel_loop3A_1128 {strides = array<i32>} : memref<32768xf32, #tpu.memory_space<vmem>>, vector<16xf32>,
    } {sc.loop_unroll_factor = 1 : i64, sc.parallel_access}
    %add3A_767 = arith.constant 2 : i32
    %add3A_768 = arith.addi %mul3A_2, %add3A_767 : i32
    %dma_start3A_769 = arith.constant 0 : i32
    %dma_start3A_770 = tpu.memref_slice %arg3[%add3A_768, %dma_start3A_769] : memref<128x32768xf32, #tpu.memory_space<hbm>> -> memref<1x32768xf32, #tpu.memory_space<hbm>>
    %dma_start3A_771 = tpu.memref_squeeze %dma_start3A_770 : memref<1x32768xf32, #tpu.memory_space<hbm>> -> memref<32768xf32, #tpu.memory_space<hbm>>
    %dma_start3A_772 = arith.constant 0 : i32
    %dma_start3A_773 = tpu.memref_slice %arg3[%add3A_768, %dma_start3A_772] : memref<128x32768xf32, #tpu.memory_space<hbm>> -> memref<1x32768xf32, #tpu.memory_space<hbm>>
    %dma_start3A_774 = tpu.memref_squeeze %dma_start3A_773 : memref<1x32768xf32, #tpu.memory_space<hbm>> -> memref<32768xf32, #tpu.memory_space<hbm>>
    tpu.enqueue_dma source(%arg4 : memref<32768xf32, #tpu.memory_space<vmem>>) target(%dma_start3A_774 : memref<32768xf32, #tpu.memory_space<hbm>>) target_semaphore(%arg11 : memref<!tpu.dma_semaphore, #tpu.memory_space<semaphore_mem>>)
    %dma_wait3A_775 = arith.constant 0 : i32
    %dma_wait3A_776 = tpu.memref_slice %arg2[%add3A_757, %dma_wait3A_775] : memref<128x32768xf32, #tpu.memory_space<hbm>> -> memref<1x32768xf32, #tpu.memory_space<hbm>>
    %dma_wait3A_777 = tpu.memref_squeeze %dma_wait3A_776 : memref<1x32768xf32, #tpu.memory_space<hbm>> -> memref<32768xf32, #tpu.memory_space<hbm>>
    %dma_wait3A_778 = arith.constant 0 : i32
    %dma_wait3A_779 = tpu.memref_slice %arg2[%add3A_757, %dma_wait3A_778] : memref<128x32768xf32, #tpu.memory_space<hbm>> -> memref<1x32768xf32, #tpu.memory_space<hbm>>
    %dma_wait3A_780 = tpu.memref_squeeze %dma_wait3A_779 : memref<1x32768xf32, #tpu.memory_space<hbm>> -> memref<32768xf32, #tpu.memory_space<hbm>>
    tpu.wait_dma2 semaphore(%arg10 : memref<!tpu.dma_semaphore, #tpu.memory_space<semaphore_mem>>) src(%dma_wait3A_780 : memref<32768xf32, #tpu.memory_space<hbm>>) dst(%arg5 : memref<32768xf32, #tpu.memory_space<vmem>>)
    %broadcast_in_dim3A_781 = arith.constant 1.000000e+00 : f32
    %broadcast_in_dim3A_782 = vector.broadcast %broadcast_in_dim3A_781 : f32 to vector<16xf32>
    %broadcast_in_dim3A_783 = arith.constant 0.000000e+00 : f32
    %broadcast_in_dim3A_784 = vector.broadcast %broadcast_in_dim3A_783 : f32 to vector<16xf32>
    %sub3A_785 = arith.constant 0x7F800000 : f32
    %sub3A_786 = vector.broadcast %sub3A_785 : f32 to vector<16xf32>
    %sub3A_787 = arith.subf %broadcast_in_dim3A_784, %sub3A_786 : vector<16xf32>
    %parallel_loop3A_788 = arith.constant 0 : i32
    %parallel_loop3A_789 = arith.constant 2048 : i32
    %parallel_loop3A_790 = arith.constant 8 : i32
    %parallel_loop3A_791:8 = scf.for %parallel_loop3A_1034 = %parallel_loop3A_788 to %parallel_loop3A_789 step %parallel_loop3A_790 iter_args(%parallel_loop3A_1035 = %sub3A_787, %parallel_loop3A_1036 = %sub3A_787, %parallel_loop3A_1037 = %sub3A_787, %parallel_loop3A_1038 = %sub3A_787, %parallel_loop3A_1039 = %sub3A_787, %parallel_loop3A_1040 = %sub3A_787, %parallel_loop3A_1041 = %sub3A_787, %parallel_loop3A_1042 = %sub3A_787) -> (vector<16xf32>, vector<16xf32>, vector<16xf32>, vector<16xf32>, vector<16xf32>, vector<16xf32>, vector<16xf32>, vector<16xf32>)  : i32 {
      %parallel_loop3A_1043 = arith.constant 0 : i32
      %parallel_loop3A_1044 = arith.addi %parallel_loop3A_1034, %parallel_loop3A_1043 : i32
      %parallel_loop3A_1045 = arith.constant 16 : i32
      %parallel_loop3A_1046 = arith.muli %parallel_loop3A_1044, %parallel_loop3A_1045 : i32
      %parallel_loop3A_1047 = arith.index_cast %parallel_loop3A_1046 : i32 to index
      %parallel_loop3A_1048 = tpu.vector_load %arg5[%parallel_loop3A_1047] {strides = array<i32>} : memref<32768xf32, #tpu.memory_space<vmem>>, vector<16xf32>,
      %parallel_loop3A_1049 = arith.maximumf %parallel_loop3A_1035, %parallel_loop3A_1048 : vector<16xf32>
      %parallel_loop3A_1050 = arith.constant 1 : i32
      %parallel_loop3A_1051 = arith.addi %parallel_loop3A_1034, %parallel_loop3A_1050 : i32
      %parallel_loop3A_1052 = arith.constant 16 : i32
      %parallel_loop3A_1053 = arith.muli %parallel_loop3A_1051, %parallel_loop3A_1052 : i32
      %parallel_loop3A_1054 = arith.index_cast %parallel_loop3A_1053 : i32 to index
      %parallel_loop3A_1055 = tpu.vector_load %arg5[%parallel_loop3A_1054] {strides = array<i32>} : memref<32768xf32, #tpu.memory_space<vmem>>, vector<16xf32>,
      %parallel_loop3A_1056 = arith.maximumf %parallel_loop3A_1036, %parallel_loop3A_1055 : vector<16xf32>
      %parallel_loop3A_1057 = arith.constant 2 : i32
      %parallel_loop3A_1058 = arith.addi %parallel_loop3A_1034, %parallel_loop3A_1057 : i32
      %parallel_loop3A_1059 = arith.constant 16 : i32
      %parallel_loop3A_1060 = arith.muli %parallel_loop3A_1058, %parallel_loop3A_1059 : i32
      %parallel_loop3A_1061 = arith.index_cast %parallel_loop3A_1060 : i32 to index
      %parallel_loop3A_1062 = tpu.vector_load %arg5[%parallel_loop3A_1061] {strides = array<i32>} : memref<32768xf32, #tpu.memory_space<vmem>>, vector<16xf32>,
      %parallel_loop3A_1063 = arith.maximumf %parallel_loop3A_1037, %parallel_loop3A_1062 : vector<16xf32>
      %parallel_loop3A_1064 = arith.constant 3 : i32
      %parallel_loop3A_1065 = arith.addi %parallel_loop3A_1034, %parallel_loop3A_1064 : i32
      %parallel_loop3A_1066 = arith.constant 16 : i32
      %parallel_loop3A_1067 = arith.muli %parallel_loop3A_1065, %parallel_loop3A_1066 : i32
      %parallel_loop3A_1068 = arith.index_cast %parallel_loop3A_1067 : i32 to index
      %parallel_loop3A_1069 = tpu.vector_load %arg5[%parallel_loop3A_1068] {strides = array<i32>} : memref<32768xf32, #tpu.memory_space<vmem>>, vector<16xf32>,
      %parallel_loop3A_1070 = arith.maximumf %parallel_loop3A_1038, %parallel_loop3A_1069 : vector<16xf32>
      %parallel_loop3A_1071 = arith.constant 4 : i32
      %parallel_loop3A_1072 = arith.addi %parallel_loop3A_1034, %parallel_loop3A_1071 : i32
      %parallel_loop3A_1073 = arith.constant 16 : i32
      %parallel_loop3A_1074 = arith.muli %parallel_loop3A_1072, %parallel_loop3A_1073 : i32
      %parallel_loop3A_1075 = arith.index_cast %parallel_loop3A_1074 : i32 to index
      %parallel_loop3A_1076 = tpu.vector_load %arg5[%parallel_loop3A_1075] {strides = array<i32>} : memref<32768xf32, #tpu.memory_space<vmem>>, vector<16xf32>,
      %parallel_loop3A_1077 = arith.maximumf %parallel_loop3A_1039, %parallel_loop3A_1076 : vector<16xf32>
      %parallel_loop3A_1078 = arith.constant 5 : i32
      %parallel_loop3A_1079 = arith.addi %parallel_loop3A_1034, %parallel_loop3A_1078 : i32
      %parallel_loop3A_1080 = arith.constant 16 : i32
      %parallel_loop3A_1081 = arith.muli %parallel_loop3A_1079, %parallel_loop3A_1080 : i32
      %parallel_loop3A_1082 = arith.index_cast %parallel_loop3A_1081 : i32 to index
      %parallel_loop3A_1083 = tpu.vector_load %arg5[%parallel_loop3A_1082] {strides = array<i32>} : memref<32768xf32, #tpu.memory_space<vmem>>, vector<16xf32>,
      %parallel_loop3A_1084 = arith.maximumf %parallel_loop3A_1040, %parallel_loop3A_1083 : vector<16xf32>
      %parallel_loop3A_1085 = arith.constant 6 : i32
      %parallel_loop3A_1086 = arith.addi %parallel_loop3A_1034, %parallel_loop3A_1085 : i32
      %parallel_loop3A_1087 = arith.constant 16 : i32
      %parallel_loop3A_1088 = arith.muli %parallel_loop3A_1086, %parallel_loop3A_1087 : i32
      %parallel_loop3A_1089 = arith.index_cast %parallel_loop3A_1088 : i32 to index
      %parallel_loop3A_1090 = tpu.vector_load %arg5[%parallel_loop3A_1089] {strides = array<i32>} : memref<32768xf32, #tpu.memory_space<vmem>>, vector<16xf32>,
      %parallel_loop3A_1091 = arith.maximumf %parallel_loop3A_1041, %parallel_loop3A_1090 : vector<16xf32>
      %parallel_loop3A_1092 = arith.constant 7 : i32
      %parallel_loop3A_1093 = arith.addi %parallel_loop3A_1034, %parallel_loop3A_1092 : i32
      %parallel_loop3A_1094 = arith.constant 16 : i32
      %parallel_loop3A_1095 = arith.muli %parallel_loop3A_1093, %parallel_loop3A_1094 : i32
      %parallel_loop3A_1096 = arith.index_cast %parallel_loop3A_1095 : i32 to index
      %parallel_loop3A_1097 = tpu.vector_load %arg5[%parallel_loop3A_1096] {strides = array<i32>} : memref<32768xf32, #tpu.memory_space<vmem>>, vector<16xf32>,
      %parallel_loop3A_1098 = arith.maximumf %parallel_loop3A_1042, %parallel_loop3A_1097 : vector<16xf32>
      scf.yield %parallel_loop3A_1049, %parallel_loop3A_1056, %parallel_loop3A_1063, %parallel_loop3A_1070, %parallel_loop3A_1077, %parallel_loop3A_1084, %parallel_loop3A_1091, %parallel_loop3A_1098 : vector<16xf32>, vector<16xf32>, vector<16xf32>, vector<16xf32>, vector<16xf32>, vector<16xf32>, vector<16xf32>, vector<16xf32>
    } {sc.loop_unroll_factor = 1 : i64, sc.parallel_access}
    %max3A_792 = arith.maximumf %parallel_loop3A_791#0, %parallel_loop3A_791#1 : vector<16xf32>
    %max3A_793 = arith.maximumf %max3A_792, %parallel_loop3A_791#2 : vector<16xf32>
    %max3A_794 = arith.maximumf %max3A_793, %parallel_loop3A_791#3 : vector<16xf32>
    %max3A_795 = arith.maximumf %max3A_794, %parallel_loop3A_791#4 : vector<16xf32>
    %max3A_796 = arith.maximumf %max3A_795, %parallel_loop3A_791#5 : vector<16xf32>
    %max3A_797 = arith.maximumf %max3A_796, %parallel_loop3A_791#6 : vector<16xf32>
    %max3A_798 = arith.maximumf %max3A_797, %parallel_loop3A_791#7 : vector<16xf32>
    %broadcast_in_dim3A_799 = arith.constant true
    %broadcast_in_dim3A_800 = vector.broadcast %broadcast_in_dim3A_799 : i1 to vector<16xi1>
    %masked_cummax3A_801 = tpu.scan <max>, %max3A_798 masked %broadcast_in_dim3A_800 : vector<16xf32>, vector<16xi1> -> vector<16xf32>
    %slice3A_802 = vector.extract_strided_slice %masked_cummax3A_801 {offsets = [15], sizes = [1], strides = [1]} : vector<16xf32> to vector<1xf32>
    %squeeze3A_803 = vector.extract %slice3A_802[0] : f32 from vector<1xf32>
    %sub3A_804 = arith.constant 1.000000e+00 : f32
    %sub3A_805 = arith.subf %squeeze3A_803, %sub3A_804 : f32
    %parallel_loop3A_806 = arith.constant 0 : i32
    %parallel_loop3A_807 = arith.constant 32 : i32
    %parallel_loop3A_808 = arith.constant 8 : i32
    scf.for %parallel_loop3A_1034 = %parallel_loop3A_806 to %parallel_loop3A_807 step %parallel_loop3A_808  : i32 {
      %parallel_loop3A_1035 = arith.constant 0 : i32
      %parallel_loop3A_1036 = arith.addi %parallel_loop3A_1034, %parallel_loop3A_1035 : i32
      %parallel_loop3A_1037 = arith.constant 16 : i32
      %parallel_loop3A_1038 = arith.muli %parallel_loop3A_1036, %parallel_loop3A_1037 : i32
      %parallel_loop3A_1039 = arith.index_cast %parallel_loop3A_1038 : i32 to index
      %parallel_loop3A_1040 = tpu.vector_load %arg7[%parallel_loop3A_1039] {strides = array<i32>} : memref<512xf32, #tpu.memory_space<vmem>>, vector<16xf32>,
      tpu.vector_store %arg7[%parallel_loop3A_1039], %broadcast_in_dim3A_784 {strides = array<i32>} : memref<512xf32, #tpu.memory_space<vmem>>, vector<16xf32>,
      %parallel_loop3A_1041 = arith.constant 0 : i32
      %parallel_loop3A_1042 = arith.addi %parallel_loop3A_1034, %parallel_loop3A_1041 : i32
      %parallel_loop3A_1043 = arith.constant 16 : i32
      %parallel_loop3A_1044 = arith.muli %parallel_loop3A_1042, %parallel_loop3A_1043 : i32
      %parallel_loop3A_1045 = arith.index_cast %parallel_loop3A_1044 : i32 to index
      %parallel_loop3A_1046 = tpu.vector_load %arg8[%parallel_loop3A_1045] {strides = array<i32>} : memref<512xf32, #tpu.memory_space<vmem>>, vector<16xf32>,
      tpu.vector_store %arg8[%parallel_loop3A_1045], %broadcast_in_dim3A_784 {strides = array<i32>} : memref<512xf32, #tpu.memory_space<vmem>>, vector<16xf32>,
      %parallel_loop3A_1047 = arith.constant 1 : i32
      %parallel_loop3A_1048 = arith.addi %parallel_loop3A_1034, %parallel_loop3A_1047 : i32
      %parallel_loop3A_1049 = arith.constant 16 : i32
      %parallel_loop3A_1050 = arith.muli %parallel_loop3A_1048, %parallel_loop3A_1049 : i32
      %parallel_loop3A_1051 = arith.index_cast %parallel_loop3A_1050 : i32 to index
      %parallel_loop3A_1052 = tpu.vector_load %arg7[%parallel_loop3A_1051] {strides = array<i32>} : memref<512xf32, #tpu.memory_space<vmem>>, vector<16xf32>,
      tpu.vector_store %arg7[%parallel_loop3A_1051], %broadcast_in_dim3A_784 {strides = array<i32>} : memref<512xf32, #tpu.memory_space<vmem>>, vector<16xf32>,
      %parallel_loop3A_1053 = arith.constant 1 : i32
      %parallel_loop3A_1054 = arith.addi %parallel_loop3A_1034, %parallel_loop3A_1053 : i32
      %parallel_loop3A_1055 = arith.constant 16 : i32
      %parallel_loop3A_1056 = arith.muli %parallel_loop3A_1054, %parallel_loop3A_1055 : i32
      %parallel_loop3A_1057 = arith.index_cast %parallel_loop3A_1056 : i32 to index
      %parallel_loop3A_1058 = tpu.vector_load %arg8[%parallel_loop3A_1057] {strides = array<i32>} : memref<512xf32, #tpu.memory_space<vmem>>, vector<16xf32>,
      tpu.vector_store %arg8[%parallel_loop3A_1057], %broadcast_in_dim3A_784 {strides = array<i32>} : memref<512xf32, #tpu.memory_space<vmem>>, vector<16xf32>,
      %parallel_loop3A_1059 = arith.constant 2 : i32
      %parallel_loop3A_1060 = arith.addi %parallel_loop3A_1034, %parallel_loop3A_1059 : i32
      %parallel_loop3A_1061 = arith.constant 16 : i32
      %parallel_loop3A_1062 = arith.muli %parallel_loop3A_1060, %parallel_loop3A_1061 : i32
      %parallel_loop3A_1063 = arith.index_cast %parallel_loop3A_1062 : i32 to index
      %parallel_loop3A_1064 = tpu.vector_load %arg7[%parallel_loop3A_1063] {strides = array<i32>} : memref<512xf32, #tpu.memory_space<vmem>>, vector<16xf32>,
      tpu.vector_store %arg7[%parallel_loop3A_1063], %broadcast_in_dim3A_784 {strides = array<i32>} : memref<512xf32, #tpu.memory_space<vmem>>, vector<16xf32>,
      %parallel_loop3A_1065 = arith.constant 2 : i32
      %parallel_loop3A_1066 = arith.addi %parallel_loop3A_1034, %parallel_loop3A_1065 : i32
      %parallel_loop3A_1067 = arith.constant 16 : i32
      %parallel_loop3A_1068 = arith.muli %parallel_loop3A_1066, %parallel_loop3A_1067 : i32
      %parallel_loop3A_1069 = arith.index_cast %parallel_loop3A_1068 : i32 to index
      %parallel_loop3A_1070 = tpu.vector_load %arg8[%parallel_loop3A_1069] {strides = array<i32>} : memref<512xf32, #tpu.memory_space<vmem>>, vector<16xf32>,
      tpu.vector_store %arg8[%parallel_loop3A_1069], %broadcast_in_dim3A_784 {strides = array<i32>} : memref<512xf32, #tpu.memory_space<vmem>>, vector<16xf32>,
      %parallel_loop3A_1071 = arith.constant 3 : i32
      %parallel_loop3A_1072 = arith.addi %parallel_loop3A_1034, %parallel_loop3A_1071 : i32
      %parallel_loop3A_1073 = arith.constant 16 : i32
      %parallel_loop3A_1074 = arith.muli %parallel_loop3A_1072, %parallel_loop3A_1073 : i32
      %parallel_loop3A_1075 = arith.index_cast %parallel_loop3A_1074 : i32 to index
      %parallel_loop3A_1076 = tpu.vector_load %arg7[%parallel_loop3A_1075] {strides = array<i32>} : memref<512xf32, #tpu.memory_space<vmem>>, vector<16xf32>,
      tpu.vector_store %arg7[%parallel_loop3A_1075], %broadcast_in_dim3A_784 {strides = array<i32>} : memref<512xf32, #tpu.memory_space<vmem>>, vector<16xf32>,
      %parallel_loop3A_1077 = arith.constant 3 : i32
      %parallel_loop3A_1078 = arith.addi %parallel_loop3A_1034, %parallel_loop3A_1077 : i32
      %parallel_loop3A_1079 = arith.constant 16 : i32
      %parallel_loop3A_1080 = arith.muli %parallel_loop3A_1078, %parallel_loop3A_1079 : i32
      %parallel_loop3A_1081 = arith.index_cast %parallel_loop3A_1080 : i32 to index
      %parallel_loop3A_1082 = tpu.vector_load %arg8[%parallel_loop3A_1081] {strides = array<i32>} : memref<512xf32, #tpu.memory_space<vmem>>, vector<16xf32>,
      tpu.vector_store %arg8[%parallel_loop3A_1081], %broadcast_in_dim3A_784 {strides = array<i32>} : memref<512xf32, #tpu.memory_space<vmem>>, vector<16xf32>,
      %parallel_loop3A_1083 = arith.constant 4 : i32
      %parallel_loop3A_1084 = arith.addi %parallel_loop3A_1034, %parallel_loop3A_1083 : i32
      %parallel_loop3A_1085 = arith.constant 16 : i32
      %parallel_loop3A_1086 = arith.muli %parallel_loop3A_1084, %parallel_loop3A_1085 : i32
      %parallel_loop3A_1087 = arith.index_cast %parallel_loop3A_1086 : i32 to index
      %parallel_loop3A_1088 = tpu.vector_load %arg7[%parallel_loop3A_1087] {strides = array<i32>} : memref<512xf32, #tpu.memory_space<vmem>>, vector<16xf32>,
      tpu.vector_store %arg7[%parallel_loop3A_1087], %broadcast_in_dim3A_784 {strides = array<i32>} : memref<512xf32, #tpu.memory_space<vmem>>, vector<16xf32>,
      %parallel_loop3A_1089 = arith.constant 4 : i32
      %parallel_loop3A_1090 = arith.addi %parallel_loop3A_1034, %parallel_loop3A_1089 : i32
      %parallel_loop3A_1091 = arith.constant 16 : i32
      %parallel_loop3A_1092 = arith.muli %parallel_loop3A_1090, %parallel_loop3A_1091 : i32
      %parallel_loop3A_1093 = arith.index_cast %parallel_loop3A_1092 : i32 to index
      %parallel_loop3A_1094 = tpu.vector_load %arg8[%parallel_loop3A_1093] {strides = array<i32>} : memref<512xf32, #tpu.memory_space<vmem>>, vector<16xf32>,
      tpu.vector_store %arg8[%parallel_loop3A_1093], %broadcast_in_dim3A_784 {strides = array<i32>} : memref<512xf32, #tpu.memory_space<vmem>>, vector<16xf32>,
      %parallel_loop3A_1095 = arith.constant 5 : i32
      %parallel_loop3A_1096 = arith.addi %parallel_loop3A_1034, %parallel_loop3A_1095 : i32
      %parallel_loop3A_1097 = arith.constant 16 : i32
      %parallel_loop3A_1098 = arith.muli %parallel_loop3A_1096, %parallel_loop3A_1097 : i32
      %parallel_loop3A_1099 = arith.index_cast %parallel_loop3A_1098 : i32 to index
      %parallel_loop3A_1100 = tpu.vector_load %arg7[%parallel_loop3A_1099] {strides = array<i32>} : memref<512xf32, #tpu.memory_space<vmem>>, vector<16xf32>,
      tpu.vector_store %arg7[%parallel_loop3A_1099], %broadcast_in_dim3A_784 {strides = array<i32>} : memref<512xf32, #tpu.memory_space<vmem>>, vector<16xf32>,
      %parallel_loop3A_1101 = arith.constant 5 : i32
      %parallel_loop3A_1102 = arith.addi %parallel_loop3A_1034, %parallel_loop3A_1101 : i32
      %parallel_loop3A_1103 = arith.constant 16 : i32
      %parallel_loop3A_1104 = arith.muli %parallel_loop3A_1102, %parallel_loop3A_1103 : i32
      %parallel_loop3A_1105 = arith.index_cast %parallel_loop3A_1104 : i32 to index
      %parallel_loop3A_1106 = tpu.vector_load %arg8[%parallel_loop3A_1105] {strides = array<i32>} : memref<512xf32, #tpu.memory_space<vmem>>, vector<16xf32>,
      tpu.vector_store %arg8[%parallel_loop3A_1105], %broadcast_in_dim3A_784 {strides = array<i32>} : memref<512xf32, #tpu.memory_space<vmem>>, vector<16xf32>,
      %parallel_loop3A_1107 = arith.constant 6 : i32
      %parallel_loop3A_1108 = arith.addi %parallel_loop3A_1034, %parallel_loop3A_1107 : i32
      %parallel_loop3A_1109 = arith.constant 16 : i32
      %parallel_loop3A_1110 = arith.muli %parallel_loop3A_1108, %parallel_loop3A_1109 : i32
      %parallel_loop3A_1111 = arith.index_cast %parallel_loop3A_1110 : i32 to index
      %parallel_loop3A_1112 = tpu.vector_load %arg7[%parallel_loop3A_1111] {strides = array<i32>} : memref<512xf32, #tpu.memory_space<vmem>>, vector<16xf32>,
      tpu.vector_store %arg7[%parallel_loop3A_1111], %broadcast_in_dim3A_784 {strides = array<i32>} : memref<512xf32, #tpu.memory_space<vmem>>, vector<16xf32>,
      %parallel_loop3A_1113 = arith.constant 6 : i32
      %parallel_loop3A_1114 = arith.addi %parallel_loop3A_1034, %parallel_loop3A_1113 : i32
      %parallel_loop3A_1115 = arith.constant 16 : i32
      %parallel_loop3A_1116 = arith.muli %parallel_loop3A_1114, %parallel_loop3A_1115 : i32
      %parallel_loop3A_1117 = arith.index_cast %parallel_loop3A_1116 : i32 to index
      %parallel_loop3A_1118 = tpu.vector_load %arg8[%parallel_loop3A_1117] {strides = array<i32>} : memref<512xf32, #tpu.memory_space<vmem>>, vector<16xf32>,
      tpu.vector_store %arg8[%parallel_loop3A_1117], %broadcast_in_dim3A_784 {strides = array<i32>} : memref<512xf32, #tpu.memory_space<vmem>>, vector<16xf32>,
      %parallel_loop3A_1119 = arith.constant 7 : i32
      %parallel_loop3A_1120 = arith.addi %parallel_loop3A_1034, %parallel_loop3A_1119 : i32
      %parallel_loop3A_1121 = arith.constant 16 : i32
      %parallel_loop3A_1122 = arith.muli %parallel_loop3A_1120, %parallel_loop3A_1121 : i32
      %parallel_loop3A_1123 = arith.index_cast %parallel_loop3A_1122 : i32 to index
      %parallel_loop3A_1124 = tpu.vector_load %arg7[%parallel_loop3A_1123] {strides = array<i32>} : memref<512xf32, #tpu.memory_space<vmem>>, vector<16xf32>,
      tpu.vector_store %arg7[%parallel_loop3A_1123], %broadcast_in_dim3A_784 {strides = array<i32>} : memref<512xf32, #tpu.memory_space<vmem>>, vector<16xf32>,
      %parallel_loop3A_1125 = arith.constant 7 : i32
      %parallel_loop3A_1126 = arith.addi %parallel_loop3A_1034, %parallel_loop3A_1125 : i32
      %parallel_loop3A_1127 = arith.constant 16 : i32
      %parallel_loop3A_1128 = arith.muli %parallel_loop3A_1126, %parallel_loop3A_1127 : i32
      %parallel_loop3A_1129 = arith.index_cast %parallel_loop3A_1128 : i32 to index
      %parallel_loop3A_1130 = tpu.vector_load %arg8[%parallel_loop3A_1129] {strides = array<i32>} : memref<512xf32, #tpu.memory_space<vmem>>, vector<16xf32>,
      tpu.vector_store %arg8[%parallel_loop3A_1129], %broadcast_in_dim3A_784 {strides = array<i32>} : memref<512xf32, #tpu.memory_space<vmem>>, vector<16xf32>,
    } {sc.loop_unroll_factor = 1 : i64, sc.parallel_access}
    %iota3A_809 = tpu.iota {dimensions = array<i32: 0>} : vector<16xi32>
    %parallel_loop3A_810 = arith.constant 0 : i32
    %parallel_loop3A_811 = arith.constant 2048 : i32
    %parallel_loop3A_812 = arith.constant 1 : i32
    %parallel_loop3A_813 = scf.for %parallel_loop3A_1034 = %parallel_loop3A_810 to %parallel_loop3A_811 step %parallel_loop3A_812 iter_args(%parallel_loop3A_1035 = %iota3A_809) -> (vector<16xi32>)  : i32 {
      %parallel_loop3A_1036 = arith.constant 16 : i32
      %parallel_loop3A_1037 = arith.muli %parallel_loop3A_1034, %parallel_loop3A_1036 : i32
      %parallel_loop3A_1038 = arith.index_cast %parallel_loop3A_1037 : i32 to index
      %parallel_loop3A_1039 = tpu.vector_load %arg5[%parallel_loop3A_1038] {strides = array<i32>} : memref<32768xf32, #tpu.memory_space<vmem>>, vector<16xf32>,
      %parallel_loop3A_1040 = vector.broadcast %sub3A_805 : f32 to vector<16xf32>
      %parallel_loop3A_1041 = arith.subf %parallel_loop3A_1039, %parallel_loop3A_1040 : vector<16xf32>
      %parallel_loop3A_1042 = arith.constant 0.000000e+00 : f32
      %parallel_loop3A_1043 = vector.broadcast %parallel_loop3A_1042 : f32 to vector<16xf32>
      %parallel_loop3A_1044 = arith.cmpf ogt, %parallel_loop3A_1041, %parallel_loop3A_1043 : vector<16xf32>
      %parallel_loop3A_1045 = tpu.all_reduce %parallel_loop3A_1044 {dim = 0 : i64, kind = #tpu.reduction_kind<sum>} : vector<16xi1> -> vector<16xi32>
      %parallel_loop3A_1046 = arith.constant 0 : i32
      %parallel_loop3A_1047 = vector.broadcast %parallel_loop3A_1046 : i32 to vector<16xi32>
      %parallel_loop3A_1048 = arith.cmpi sgt, %parallel_loop3A_1045, %parallel_loop3A_1047 : vector<16xi32>
      tpu.vector_store_idx %arg6[%parallel_loop3A_1035], %parallel_loop3A_1041 masked %parallel_loop3A_1048 : memref<32784xf32, #tpu.memory_space<vmem>>[vector<16xi32>], vector<16xf32>, vector<16xi1>
      %parallel_loop3A_1049 = arith.constant 16 : i32
      %parallel_loop3A_1050 = arith.constant 0 : i32
      %parallel_loop3A_1051 = vector.broadcast %parallel_loop3A_1049 : i32 to vector<16xi32>
      %parallel_loop3A_1052 = vector.broadcast %parallel_loop3A_1050 : i32 to vector<16xi32>
      %parallel_loop3A_1053 = arith.select %parallel_loop3A_1048, %parallel_loop3A_1051, %parallel_loop3A_1052 : vector<16xi1>, vector<16xi32>
      %parallel_loop3A_1054 = arith.addi %parallel_loop3A_1035, %parallel_loop3A_1053 : vector<16xi32>
      scf.yield %parallel_loop3A_1054 : vector<16xi32>
    } {sc.loop_unroll_factor = 8 : i64, sc.parallel_access}
    %slice3A_814 = vector.extract_strided_slice %parallel_loop3A_813 {offsets = [0], sizes = [1], strides = [1]} : vector<16xi32> to vector<1xi32>
    %squeeze3A_815 = vector.extract %slice3A_814[0] : i32 from vector<1xi32>
    %swap3A_816 = arith.index_cast %squeeze3A_815 : i32 to index
    %swap3A_817 = tpu.vector_load %arg6[%swap3A_816] {strides = array<i32>} : memref<32784xf32, #tpu.memory_space<vmem>>, vector<16xf32>,
    tpu.vector_store %arg6[%swap3A_816], %broadcast_in_dim3A_784 {strides = array<i32>} : memref<32784xf32, #tpu.memory_space<vmem>>, vector<16xf32>,
    %add3A_818 = arith.constant 15 : i32
    %add3A_819 = arith.addi %squeeze3A_815, %add3A_818 : i32
    %shift_right_logical3A_820 = arith.constant 4 : i32
    %shift_right_logical3A_821 = arith.shrui %add3A_819, %shift_right_logical3A_820 : i32
    %while3A_822 = arith.constant 0 : i32
    %while3A_823 = arith.constant 0 : i32
    %while3A_824 = arith.subi %shift_right_logical3A_821, %while3A_822 : i32
    %while3A_825 = arith.addi %while3A_822, %while3A_824 : i32
    %while3A_826 = arith.constant 1 : i32
    %while3A_827 = arith.divsi %while3A_824, %while3A_826 : i32
    %while3A_828 = arith.muli %while3A_827, %while3A_826 : i32
    %while3A_829 = arith.addi %while3A_822, %while3A_828 : i32
    %while3A_830 = arith.constant 1 : i32
    %while3A_831 = scf.for %while3A_1034 = %while3A_822 to %while3A_829 step %while3A_830 iter_args(%while3A_1035 = %while3A_823) -> (i32)  : i32 {
      %mul3A_1036 = arith.constant 16 : i32
      %mul3A_1037 = arith.muli %while3A_1034, %mul3A_1036 : i32
      %get3A = arith.index_cast %mul3A_1037 : i32 to index
      %get3A_1038 = tpu.vector_load %arg6[%get3A] {strides = array<i32>} : memref<32784xf32, #tpu.memory_space<vmem>>, vector<16xf32>,
      %mul3A_1039 = arith.constant 5.120000e+02 : f32
      %mul3A_1040 = vector.broadcast %mul3A_1039 : f32 to vector<16xf32>
      %mul3A_1041 = arith.mulf %get3A_1038, %mul3A_1040 : vector<16xf32>
      %jit3A = arith.constant 0.000000e+00 : f32
      %jit3A_1042 = arith.constant 5.110000e+02 : f32
      %max3A_1043 = vector.broadcast %jit3A : f32 to vector<16xf32>
      %max3A_1044 = arith.maximumf %max3A_1043, %mul3A_1041 : vector<16xf32>
      %min3A = vector.broadcast %jit3A_1042 : f32 to vector<16xf32>
      %min3A_1045 = arith.minimumf %min3A, %max3A_1044 : vector<16xf32>
      %convert_element_type3A_1046 = arith.fptosi %min3A_1045 : vector<16xf32> to vector<16xi32>
      %gt3A = arith.constant 0.000000e+00 : f32
      %gt3A_1047 = vector.broadcast %gt3A : f32 to vector<16xf32>
      %gt3A_1048 = arith.cmpf ogt, %get3A_1038, %gt3A_1047 : vector<16xf32>
      tpu.vector_store_idx %arg7[%convert_element_type3A_1046], %broadcast_in_dim3A_782 masked %gt3A_1048 {add = true} : memref<512xf32, #tpu.memory_space<vmem>>[vector<16xi32>], vector<16xf32>, vector<16xi1>
      tpu.vector_store_idx %arg8[%convert_element_type3A_1046], %get3A_1038 masked %gt3A_1048 {add = true} : memref<512xf32, #tpu.memory_space<vmem>>[vector<16xi32>], vector<16xf32>, vector<16xi1>
      %while3A_1049 = arith.constant 0 : i32
      scf.yield %while3A_1049 : i32
    }
    %while3A_832 = arith.constant 1 : i32
    %while3A_833 = scf.for %while3A_1034 = %while3A_829 to %while3A_825 step %while3A_832 iter_args(%while3A_1035 = %while3A_831) -> (i32)  : i32 {
      %mul3A_1036 = arith.constant 16 : i32
      %mul3A_1037 = arith.muli %while3A_1034, %mul3A_1036 : i32
      %get3A = arith.index_cast %mul3A_1037 : i32 to index
      %get3A_1038 = tpu.vector_load %arg6[%get3A] {strides = array<i32>} : memref<32784xf32, #tpu.memory_space<vmem>>, vector<16xf32>,
      %mul3A_1039 = arith.constant 5.120000e+02 : f32
      %mul3A_1040 = vector.broadcast %mul3A_1039 : f32 to vector<16xf32>
      %mul3A_1041 = arith.mulf %get3A_1038, %mul3A_1040 : vector<16xf32>
      %jit3A = arith.constant 0.000000e+00 : f32
      %jit3A_1042 = arith.constant 5.110000e+02 : f32
      %max3A_1043 = vector.broadcast %jit3A : f32 to vector<16xf32>
      %max3A_1044 = arith.maximumf %max3A_1043, %mul3A_1041 : vector<16xf32>
      %min3A = vector.broadcast %jit3A_1042 : f32 to vector<16xf32>
      %min3A_1045 = arith.minimumf %min3A, %max3A_1044 : vector<16xf32>
      %convert_element_type3A_1046 = arith.fptosi %min3A_1045 : vector<16xf32> to vector<16xi32>
      %gt3A = arith.constant 0.000000e+00 : f32
      %gt3A_1047 = vector.broadcast %gt3A : f32 to vector<16xf32>
      %gt3A_1048 = arith.cmpf ogt, %get3A_1038, %gt3A_1047 : vector<16xf32>
      tpu.vector_store_idx %arg7[%convert_element_type3A_1046], %broadcast_in_dim3A_782 masked %gt3A_1048 {add = true} : memref<512xf32, #tpu.memory_space<vmem>>[vector<16xi32>], vector<16xf32>, vector<16xi1>
      tpu.vector_store_idx %arg8[%convert_element_type3A_1046], %get3A_1038 masked %gt3A_1048 {add = true} : memref<512xf32, #tpu.memory_space<vmem>>[vector<16xi32>], vector<16xf32>, vector<16xi1>
      %while3A_1049 = arith.constant 0 : i32
      scf.yield %while3A_1049 : i32
    }
    %iota3A_834 = tpu.iota {dimensions = array<i32: 0>} : vector<16xi32>
    %convert_element_type3A_835 = arith.sitofp %iota3A_834 : vector<16xi32> to vector<16xf32>
    %broadcast_in_dim3A_836 = arith.constant -1.000000e+00 : f32
    %broadcast_in_dim3A_837 = vector.broadcast %broadcast_in_dim3A_836 : f32 to vector<16xf32>
    %scan3A_838 = arith.constant 0.000000e+00 : f32
    %scan3A_839 = arith.constant 0.000000e+00 : f32
    %scan3A_840 = arith.constant 0 : i32
    %scan3A_841 = arith.constant 32 : i32
    %scan3A_842 = arith.addi %scan3A_840, %scan3A_841 : i32
    %scan3A_843 = arith.constant 1 : i32
    %scan3A_844:3 = scf.for %scan3A_1034 = %scan3A_840 to %scan3A_842 step %scan3A_843 iter_args(%scan3A_1035 = %scan3A_838, %scan3A_1036 = %scan3A_839, %scan3A_1037 = %broadcast_in_dim3A_837) -> (f32, f32, vector<16xf32>)  : i32 {
      %sub3A_1038 = arith.constant 31 : i32
      %sub3A_1039 = arith.subi %sub3A_1038, %scan3A_1034 : i32
      %mul3A_1040 = arith.constant 16 : i32
      %mul3A_1041 = arith.muli %sub3A_1039, %mul3A_1040 : i32
      %get3A = arith.index_cast %mul3A_1041 : i32 to index
      %get3A_1042 = tpu.vector_load %arg7[%get3A] {strides = array<i32>} : memref<512xf32, #tpu.memory_space<vmem>>, vector<16xf32>,
      %mul3A_1043 = arith.constant 16 : i32
      %mul3A_1044 = arith.muli %sub3A_1039, %mul3A_1043 : i32
      %get3A_1045 = arith.index_cast %mul3A_1044 : i32 to index
      %get3A_1046 = tpu.vector_load %arg8[%get3A_1045] {strides = array<i32>} : memref<512xf32, #tpu.memory_space<vmem>>, vector<16xf32>,
      %rev3A = arith.constant 15 : i32
      %rev3A_1047 = vector.broadcast %rev3A : i32 to vector<16xi32>
      %rev3A_1048 = tpu.iota {dimensions = array<i32: 0>} : vector<16xi32>
      %rev3A_1049 = arith.subi %rev3A_1047, %rev3A_1048 : vector<16xi32>
      %rev3A_1050 = tpu.dynamic_gather %get3A_1042[%rev3A_1049] in [0] : vector<16xf32>, vector<16xi32> -> vector<16xf32>
      %broadcast_in_dim3A_1051 = arith.constant true
      %broadcast_in_dim3A_1052 = vector.broadcast %broadcast_in_dim3A_1051 : i1 to vector<16xi1>
      %masked_cumsum3A_1053 = tpu.scan <sum>, %rev3A_1050 masked %broadcast_in_dim3A_1052 : vector<16xf32>, vector<16xi1> -> vector<16xf32>
      %rev3A_1054 = arith.constant 15 : i32
      %rev3A_1055 = vector.broadcast %rev3A_1054 : i32 to vector<16xi32>
      %rev3A_1056 = tpu.iota {dimensions = array<i32: 0>} : vector<16xi32>
      %rev3A_1057 = arith.subi %rev3A_1055, %rev3A_1056 : vector<16xi32>
      %rev3A_1058 = tpu.dynamic_gather %masked_cumsum3A_1053[%rev3A_1057] in [0] : vector<16xf32>, vector<16xi32> -> vector<16xf32>
      %rev3A_1059 = arith.constant 15 : i32
      %rev3A_1060 = vector.broadcast %rev3A_1059 : i32 to vector<16xi32>
      %rev3A_1061 = tpu.iota {dimensions = array<i32: 0>} : vector<16xi32>
      %rev3A_1062 = arith.subi %rev3A_1060, %rev3A_1061 : vector<16xi32>
      %rev3A_1063 = tpu.dynamic_gather %get3A_1046[%rev3A_1062] in [0] : vector<16xf32>, vector<16xi32> -> vector<16xf32>
      %broadcast_in_dim3A_1064 = arith.constant true
      %broadcast_in_dim3A_1065 = vector.broadcast %broadcast_in_dim3A_1064 : i1 to vector<16xi1>
      %masked_cumsum3A_1066 = tpu.scan <sum>, %rev3A_1063 masked %broadcast_in_dim3A_1065 : vector<16xf32>, vector<16xi1> -> vector<16xf32>
      %rev3A_1067 = arith.constant 15 : i32
      %rev3A_1068 = vector.broadcast %rev3A_1067 : i32 to vector<16xi32>
      %rev3A_1069 = tpu.iota {dimensions = array<i32: 0>} : vector<16xi32>
      %rev3A_1070 = arith.subi %rev3A_1068, %rev3A_1069 : vector<16xi32>
      %rev3A_1071 = tpu.dynamic_gather %masked_cumsum3A_1066[%rev3A_1070] in [0] : vector<16xf32>, vector<16xi32> -> vector<16xf32>
      %slice3A_1072 = vector.extract_strided_slice %rev3A_1058 {offsets = [0], sizes = [1], strides = [1]} : vector<16xf32> to vector<1xf32>
      %squeeze3A_1073 = vector.extract %slice3A_1072[0] : f32 from vector<1xf32>
      %slice3A_1074 = vector.extract_strided_slice %rev3A_1071 {offsets = [0], sizes = [1], strides = [1]} : vector<16xf32> to vector<1xf32>
      %squeeze3A_1075 = vector.extract %slice3A_1074[0] : f32 from vector<1xf32>
      %mul3A_1076 = arith.constant 16 : i32
      %mul3A_1077 = arith.muli %sub3A_1039, %mul3A_1076 : i32
      %convert_element_type3A_1078 = arith.sitofp %mul3A_1077 : i32 to f32
      %add3A_1079 = vector.broadcast %convert_element_type3A_1078 : f32 to vector<16xf32>
      %add3A_1080 = arith.addf %convert_element_type3A_835, %add3A_1079 : vector<16xf32>
      %sub3A_1081 = arith.constant 2.000000e+00 : f32
      %sub3A_1082 = vector.broadcast %sub3A_1081 : f32 to vector<16xf32>
      %sub3A_1083 = arith.subf %add3A_1080, %sub3A_1082 : vector<16xf32>
      %mul3A_1084 = arith.constant 0.001953125 : f32
      %mul3A_1085 = vector.broadcast %mul3A_1084 : f32 to vector<16xf32>
      %mul3A_1086 = arith.mulf %sub3A_1083, %mul3A_1085 : vector<16xf32>
      %add3A_1087 = vector.broadcast %scan3A_1036 : f32 to vector<16xf32>
      %add3A_1088 = arith.addf %rev3A_1071, %add3A_1087 : vector<16xf32>
      %add3A_1089 = vector.broadcast %scan3A_1035 : f32 to vector<16xf32>
      %add3A_1090 = arith.addf %rev3A_1058, %add3A_1089 : vector<16xf32>
      %mul3A_1091 = arith.mulf %add3A_1090, %mul3A_1086 : vector<16xf32>
      %sub3A_1092 = arith.subf %add3A_1088, %mul3A_1091 : vector<16xf32>
      %sub3A_1093 = arith.constant 1.000000e+00 : f32
      %sub3A_1094 = vector.broadcast %sub3A_1093 : f32 to vector<16xf32>
      %sub3A_1095 = arith.subf %sub3A_1092, %sub3A_1094 : vector<16xf32>
      %gt3A = arith.constant 0.000000e+00 : f32
      %gt3A_1096 = vector.broadcast %gt3A : f32 to vector<16xf32>
      %gt3A_1097 = arith.cmpf ogt, %sub3A_1095, %gt3A_1096 : vector<16xf32>
      %jit3A = arith.constant -1.000000e+00 : f32
      %broadcast_in_dim3A_1098 = vector.broadcast %jit3A : f32 to vector<16xf32>
      %select_n3A = arith.select %gt3A_1097, %add3A_1080, %broadcast_in_dim3A_1098 : vector<16xi1>, vector<16xf32>
      %max3A_1099 = arith.maximumf %scan3A_1037, %select_n3A : vector<16xf32>
      %add3A_1100 = arith.addf %scan3A_1035, %squeeze3A_1073 : f32
      %add3A_1101 = arith.addf %scan3A_1036, %squeeze3A_1075 : f32
      scf.yield %add3A_1100, %add3A_1101, %max3A_1099 : f32, f32, vector<16xf32>
    }
    %scan3A_845 = arith.constant 32 : i32
    %broadcast_in_dim3A_846 = arith.constant true
    %broadcast_in_dim3A_847 = vector.broadcast %broadcast_in_dim3A_846 : i1 to vector<16xi1>
    %masked_cummax3A_848 = tpu.scan <max>, %scan3A_844#2 masked %broadcast_in_dim3A_847 : vector<16xf32>, vector<16xi1> -> vector<16xf32>
    %slice3A_849 = vector.extract_strided_slice %masked_cummax3A_848 {offsets = [15], sizes = [1], strides = [1]} : vector<16xf32> to vector<1xf32>
    %squeeze3A_850 = vector.extract %slice3A_849[0] : f32 from vector<1xf32>
    %broadcast_in_dim3A_851 = arith.constant 1.000000e+00 : f32
    %broadcast_in_dim3A_852 = vector.broadcast %broadcast_in_dim3A_851 : f32 to vector<16xf32>
    %sub3A_853 = arith.constant 2.000000e+00 : f32
    %sub3A_854 = arith.subf %squeeze3A_850, %sub3A_853 : f32
    %mul3A_855 = arith.constant 0.001953125 : f32
    %mul3A_856 = arith.mulf %sub3A_854, %mul3A_855 : f32
    %max3A_857 = arith.constant 0.000000e+00 : f32
    %max3A_858 = arith.maximumf %mul3A_856, %max3A_857 : f32
    %mul3A_859 = vector.broadcast %max3A_858 : f32 to vector<16xf32>
    %mul3A_860 = arith.mulf %broadcast_in_dim3A_852, %mul3A_859 : vector<16xf32>
    %while3A_861 = arith.constant 0 : i32
    %while3A_862 = arith.subi %shift_right_logical3A_821, %while3A_861 : i32
    %while3A_863 = arith.addi %while3A_861, %while3A_862 : i32
    %while3A_864 = arith.constant 1 : i32
    %while3A_865 = arith.divsi %while3A_862, %while3A_864 : i32
    %while3A_866 = arith.muli %while3A_865, %while3A_864 : i32
    %while3A_867 = arith.addi %while3A_861, %while3A_866 : i32
    %while3A_868 = arith.constant 1 : i32
    %while3A_869:2 = scf.for %while3A_1034 = %while3A_861 to %while3A_867 step %while3A_868 iter_args(%while3A_1035 = %broadcast_in_dim3A_784, %while3A_1036 = %broadcast_in_dim3A_784) -> (vector<16xf32>, vector<16xf32>)  : i32 {
      %mul3A_1037 = arith.constant 16 : i32
      %mul3A_1038 = arith.muli %while3A_1034, %mul3A_1037 : i32
      %get3A = arith.index_cast %mul3A_1038 : i32 to index
      %get3A_1039 = tpu.vector_load %arg6[%get3A] {strides = array<i32>} : memref<32784xf32, #tpu.memory_space<vmem>>, vector<16xf32>,
      %sub3A_1040 = arith.subf %get3A_1039, %mul3A_860 : vector<16xf32>
      %max3A_1041 = arith.constant 0.000000e+00 : f32
      %max3A_1042 = vector.broadcast %max3A_1041 : f32 to vector<16xf32>
      %max3A_1043 = arith.maximumf %sub3A_1040, %max3A_1042 : vector<16xf32>
      %add3A_1044 = arith.addf %while3A_1035, %max3A_1043 : vector<16xf32>
      %gt3A = arith.constant 0.000000e+00 : f32
      %gt3A_1045 = vector.broadcast %gt3A : f32 to vector<16xf32>
      %gt3A_1046 = arith.cmpf ogt, %max3A_1043, %gt3A_1045 : vector<16xf32>
      %jit3A = arith.constant 1.000000e+00 : f32
      %jit3A_1047 = arith.constant 0.000000e+00 : f32
      %broadcast_in_dim3A_1048 = vector.broadcast %jit3A : f32 to vector<16xf32>
      %broadcast_in_dim3A_1049 = vector.broadcast %jit3A_1047 : f32 to vector<16xf32>
      %select_n3A = arith.select %gt3A_1046, %broadcast_in_dim3A_1048, %broadcast_in_dim3A_1049 : vector<16xi1>, vector<16xf32>
      %add3A_1050 = arith.addf %while3A_1036, %select_n3A : vector<16xf32>
      scf.yield %add3A_1044, %add3A_1050 : vector<16xf32>, vector<16xf32>
    }
    %while3A_870 = arith.constant 1 : i32
    %while3A_871:2 = scf.for %while3A_1034 = %while3A_867 to %while3A_863 step %while3A_870 iter_args(%while3A_1035 = %while3A_869#0, %while3A_1036 = %while3A_869#1) -> (vector<16xf32>, vector<16xf32>)  : i32 {
      %mul3A_1037 = arith.constant 16 : i32
      %mul3A_1038 = arith.muli %while3A_1034, %mul3A_1037 : i32
      %get3A = arith.index_cast %mul3A_1038 : i32 to index
      %get3A_1039 = tpu.vector_load %arg6[%get3A] {strides = array<i32>} : memref<32784xf32, #tpu.memory_space<vmem>>, vector<16xf32>,
      %sub3A_1040 = arith.subf %get3A_1039, %mul3A_860 : vector<16xf32>
      %max3A_1041 = arith.constant 0.000000e+00 : f32
      %max3A_1042 = vector.broadcast %max3A_1041 : f32 to vector<16xf32>
      %max3A_1043 = arith.maximumf %sub3A_1040, %max3A_1042 : vector<16xf32>
      %add3A_1044 = arith.addf %while3A_1035, %max3A_1043 : vector<16xf32>
      %gt3A = arith.constant 0.000000e+00 : f32
      %gt3A_1045 = vector.broadcast %gt3A : f32 to vector<16xf32>
      %gt3A_1046 = arith.cmpf ogt, %max3A_1043, %gt3A_1045 : vector<16xf32>
      %jit3A = arith.constant 1.000000e+00 : f32
      %jit3A_1047 = arith.constant 0.000000e+00 : f32
      %broadcast_in_dim3A_1048 = vector.broadcast %jit3A : f32 to vector<16xf32>
      %broadcast_in_dim3A_1049 = vector.broadcast %jit3A_1047 : f32 to vector<16xf32>
      %select_n3A = arith.select %gt3A_1046, %broadcast_in_dim3A_1048, %broadcast_in_dim3A_1049 : vector<16xi1>, vector<16xf32>
      %add3A_1050 = arith.addf %while3A_1036, %select_n3A : vector<16xf32>
      scf.yield %add3A_1044, %add3A_1050 : vector<16xf32>, vector<16xf32>
    }
    %broadcast_in_dim3A_872 = arith.constant true
    %broadcast_in_dim3A_873 = vector.broadcast %broadcast_in_dim3A_872 : i1 to vector<16xi1>
    %masked_cumsum3A_874 = tpu.scan <sum>, %while3A_871#0 masked %broadcast_in_dim3A_873 : vector<16xf32>, vector<16xi1> -> vector<16xf32>
    %slice3A_875 = vector.extract_strided_slice %masked_cumsum3A_874 {offsets = [15], sizes = [1], strides = [1]} : vector<16xf32> to vector<1xf32>
    %squeeze3A_876 = vector.extract %slice3A_875[0] : f32 from vector<1xf32>
    %broadcast_in_dim3A_877 = arith.constant true
    %broadcast_in_dim3A_878 = vector.broadcast %broadcast_in_dim3A_877 : i1 to vector<16xi1>
    %masked_cumsum3A_879 = tpu.scan <sum>, %while3A_871#1 masked %broadcast_in_dim3A_878 : vector<16xf32>, vector<16xi1> -> vector<16xf32>
    %slice3A_880 = vector.extract_strided_slice %masked_cumsum3A_879 {offsets = [15], sizes = [1], strides = [1]} : vector<16xf32> to vector<1xf32>
    %squeeze3A_881 = vector.extract %slice3A_880[0] : f32 from vector<1xf32>
    %broadcast_in_dim3A_882 = arith.constant 1.000000e+00 : f32
    %broadcast_in_dim3A_883 = vector.broadcast %broadcast_in_dim3A_882 : f32 to vector<16xf32>
    %mul3A_884 = vector.broadcast %squeeze3A_876 : f32 to vector<16xf32>
    %mul3A_885 = arith.mulf %broadcast_in_dim3A_883, %mul3A_884 : vector<16xf32>
    %broadcast_in_dim3A_886 = arith.constant 1.000000e+00 : f32
    %broadcast_in_dim3A_887 = vector.broadcast %broadcast_in_dim3A_886 : f32 to vector<16xf32>
    %mul3A_888 = vector.broadcast %squeeze3A_881 : f32 to vector<16xf32>
    %mul3A_889 = arith.mulf %broadcast_in_dim3A_887, %mul3A_888 : vector<16xf32>
    %sub3A_890 = arith.constant 1.000000e+00 : f32
    %sub3A_891 = vector.broadcast %sub3A_890 : f32 to vector<16xf32>
    %sub3A_892 = arith.subf %mul3A_885, %sub3A_891 : vector<16xf32>
    %max3A_893 = arith.constant 1.000000e+00 : f32
    %max3A_894 = vector.broadcast %max3A_893 : f32 to vector<16xf32>
    %max3A_895 = arith.maximumf %mul3A_889, %max3A_894 : vector<16xf32>
    %div3A_896 = arith.divf %sub3A_892, %max3A_895 : vector<16xf32>
    %add3A_897 = arith.addf %mul3A_860, %div3A_896 : vector<16xf32>
    %while3A_898 = arith.constant 0 : i32
    %while3A_899 = arith.subi %shift_right_logical3A_821, %while3A_898 : i32
    %while3A_900 = arith.addi %while3A_898, %while3A_899 : i32
    %while3A_901 = arith.constant 1 : i32
    %while3A_902 = arith.divsi %while3A_899, %while3A_901 : i32
    %while3A_903 = arith.muli %while3A_902, %while3A_901 : i32
    %while3A_904 = arith.addi %while3A_898, %while3A_903 : i32
    %while3A_905 = arith.constant 1 : i32
    %while3A_906:2 = scf.for %while3A_1034 = %while3A_898 to %while3A_904 step %while3A_905 iter_args(%while3A_1035 = %broadcast_in_dim3A_784, %while3A_1036 = %broadcast_in_dim3A_784) -> (vector<16xf32>, vector<16xf32>)  : i32 {
      %mul3A_1037 = arith.constant 16 : i32
      %mul3A_1038 = arith.muli %while3A_1034, %mul3A_1037 : i32
      %get3A = arith.index_cast %mul3A_1038 : i32 to index
      %get3A_1039 = tpu.vector_load %arg6[%get3A] {strides = array<i32>} : memref<32784xf32, #tpu.memory_space<vmem>>, vector<16xf32>,
      %sub3A_1040 = arith.subf %get3A_1039, %add3A_897 : vector<16xf32>
      %max3A_1041 = arith.constant 0.000000e+00 : f32
      %max3A_1042 = vector.broadcast %max3A_1041 : f32 to vector<16xf32>
      %max3A_1043 = arith.maximumf %sub3A_1040, %max3A_1042 : vector<16xf32>
      %add3A_1044 = arith.addf %while3A_1035, %max3A_1043 : vector<16xf32>
      %gt3A = arith.constant 0.000000e+00 : f32
      %gt3A_1045 = vector.broadcast %gt3A : f32 to vector<16xf32>
      %gt3A_1046 = arith.cmpf ogt, %max3A_1043, %gt3A_1045 : vector<16xf32>
      %jit3A = arith.constant 1.000000e+00 : f32
      %jit3A_1047 = arith.constant 0.000000e+00 : f32
      %broadcast_in_dim3A_1048 = vector.broadcast %jit3A : f32 to vector<16xf32>
      %broadcast_in_dim3A_1049 = vector.broadcast %jit3A_1047 : f32 to vector<16xf32>
      %select_n3A = arith.select %gt3A_1046, %broadcast_in_dim3A_1048, %broadcast_in_dim3A_1049 : vector<16xi1>, vector<16xf32>
      %add3A_1050 = arith.addf %while3A_1036, %select_n3A : vector<16xf32>
      scf.yield %add3A_1044, %add3A_1050 : vector<16xf32>, vector<16xf32>
    }
    %while3A_907 = arith.constant 1 : i32
    %while3A_908:2 = scf.for %while3A_1034 = %while3A_904 to %while3A_900 step %while3A_907 iter_args(%while3A_1035 = %while3A_906#0, %while3A_1036 = %while3A_906#1) -> (vector<16xf32>, vector<16xf32>)  : i32 {
      %mul3A_1037 = arith.constant 16 : i32
      %mul3A_1038 = arith.muli %while3A_1034, %mul3A_1037 : i32
      %get3A = arith.index_cast %mul3A_1038 : i32 to index
      %get3A_1039 = tpu.vector_load %arg6[%get3A] {strides = array<i32>} : memref<32784xf32, #tpu.memory_space<vmem>>, vector<16xf32>,
      %sub3A_1040 = arith.subf %get3A_1039, %add3A_897 : vector<16xf32>
      %max3A_1041 = arith.constant 0.000000e+00 : f32
      %max3A_1042 = vector.broadcast %max3A_1041 : f32 to vector<16xf32>
      %max3A_1043 = arith.maximumf %sub3A_1040, %max3A_1042 : vector<16xf32>
      %add3A_1044 = arith.addf %while3A_1035, %max3A_1043 : vector<16xf32>
      %gt3A = arith.constant 0.000000e+00 : f32
      %gt3A_1045 = vector.broadcast %gt3A : f32 to vector<16xf32>
      %gt3A_1046 = arith.cmpf ogt, %max3A_1043, %gt3A_1045 : vector<16xf32>
      %jit3A = arith.constant 1.000000e+00 : f32
      %jit3A_1047 = arith.constant 0.000000e+00 : f32
      %broadcast_in_dim3A_1048 = vector.broadcast %jit3A : f32 to vector<16xf32>
      %broadcast_in_dim3A_1049 = vector.broadcast %jit3A_1047 : f32 to vector<16xf32>
      %select_n3A = arith.select %gt3A_1046, %broadcast_in_dim3A_1048, %broadcast_in_dim3A_1049 : vector<16xi1>, vector<16xf32>
      %add3A_1050 = arith.addf %while3A_1036, %select_n3A : vector<16xf32>
      scf.yield %add3A_1044, %add3A_1050 : vector<16xf32>, vector<16xf32>
    }
    %broadcast_in_dim3A_909 = arith.constant true
    %broadcast_in_dim3A_910 = vector.broadcast %broadcast_in_dim3A_909 : i1 to vector<16xi1>
    %masked_cumsum3A_911 = tpu.scan <sum>, %while3A_908#0 masked %broadcast_in_dim3A_910 : vector<16xf32>, vector<16xi1> -> vector<16xf32>
    %slice3A_912 = vector.extract_strided_slice %masked_cumsum3A_911 {offsets = [15], sizes = [1], strides = [1]} : vector<16xf32> to vector<1xf32>
    %squeeze3A_913 = vector.extract %slice3A_912[0] : f32 from vector<1xf32>
    %broadcast_in_dim3A_914 = arith.constant true
    %broadcast_in_dim3A_915 = vector.broadcast %broadcast_in_dim3A_914 : i1 to vector<16xi1>
    %masked_cumsum3A_916 = tpu.scan <sum>, %while3A_908#1 masked %broadcast_in_dim3A_915 : vector<16xf32>, vector<16xi1> -> vector<16xf32>
    %slice3A_917 = vector.extract_strided_slice %masked_cumsum3A_916 {offsets = [15], sizes = [1], strides = [1]} : vector<16xf32> to vector<1xf32>
    %squeeze3A_918 = vector.extract %slice3A_917[0] : f32 from vector<1xf32>
    %broadcast_in_dim3A_919 = arith.constant 1.000000e+00 : f32
    %broadcast_in_dim3A_920 = vector.broadcast %broadcast_in_dim3A_919 : f32 to vector<16xf32>
    %mul3A_921 = vector.broadcast %squeeze3A_913 : f32 to vector<16xf32>
    %mul3A_922 = arith.mulf %broadcast_in_dim3A_920, %mul3A_921 : vector<16xf32>
    %broadcast_in_dim3A_923 = arith.constant 1.000000e+00 : f32
    %broadcast_in_dim3A_924 = vector.broadcast %broadcast_in_dim3A_923 : f32 to vector<16xf32>
    %mul3A_925 = vector.broadcast %squeeze3A_918 : f32 to vector<16xf32>
    %mul3A_926 = arith.mulf %broadcast_in_dim3A_924, %mul3A_925 : vector<16xf32>
    %sub3A_927 = arith.constant 1.000000e+00 : f32
    %sub3A_928 = vector.broadcast %sub3A_927 : f32 to vector<16xf32>
    %sub3A_929 = arith.subf %mul3A_922, %sub3A_928 : vector<16xf32>
    %max3A_930 = arith.constant 1.000000e+00 : f32
    %max3A_931 = vector.broadcast %max3A_930 : f32 to vector<16xf32>
    %max3A_932 = arith.maximumf %mul3A_926, %max3A_931 : vector<16xf32>
    %div3A_933 = arith.divf %sub3A_929, %max3A_932 : vector<16xf32>
    %add3A_934 = arith.addf %add3A_897, %div3A_933 : vector<16xf32>
    %while3A_935 = arith.constant 0 : i32
    %while3A_936 = arith.subi %shift_right_logical3A_821, %while3A_935 : i32
    %while3A_937 = arith.addi %while3A_935, %while3A_936 : i32
    %while3A_938 = arith.constant 1 : i32
    %while3A_939 = arith.divsi %while3A_936, %while3A_938 : i32
    %while3A_940 = arith.muli %while3A_939, %while3A_938 : i32
    %while3A_941 = arith.addi %while3A_935, %while3A_940 : i32
    %while3A_942 = arith.constant 1 : i32
    %while3A_943:2 = scf.for %while3A_1034 = %while3A_935 to %while3A_941 step %while3A_942 iter_args(%while3A_1035 = %broadcast_in_dim3A_784, %while3A_1036 = %broadcast_in_dim3A_784) -> (vector<16xf32>, vector<16xf32>)  : i32 {
      %mul3A_1037 = arith.constant 16 : i32
      %mul3A_1038 = arith.muli %while3A_1034, %mul3A_1037 : i32
      %get3A = arith.index_cast %mul3A_1038 : i32 to index
      %get3A_1039 = tpu.vector_load %arg6[%get3A] {strides = array<i32>} : memref<32784xf32, #tpu.memory_space<vmem>>, vector<16xf32>,
      %sub3A_1040 = arith.subf %get3A_1039, %add3A_934 : vector<16xf32>
      %max3A_1041 = arith.constant 0.000000e+00 : f32
      %max3A_1042 = vector.broadcast %max3A_1041 : f32 to vector<16xf32>
      %max3A_1043 = arith.maximumf %sub3A_1040, %max3A_1042 : vector<16xf32>
      %add3A_1044 = arith.addf %while3A_1035, %max3A_1043 : vector<16xf32>
      %gt3A = arith.constant 0.000000e+00 : f32
      %gt3A_1045 = vector.broadcast %gt3A : f32 to vector<16xf32>
      %gt3A_1046 = arith.cmpf ogt, %max3A_1043, %gt3A_1045 : vector<16xf32>
      %jit3A = arith.constant 1.000000e+00 : f32
      %jit3A_1047 = arith.constant 0.000000e+00 : f32
      %broadcast_in_dim3A_1048 = vector.broadcast %jit3A : f32 to vector<16xf32>
      %broadcast_in_dim3A_1049 = vector.broadcast %jit3A_1047 : f32 to vector<16xf32>
      %select_n3A = arith.select %gt3A_1046, %broadcast_in_dim3A_1048, %broadcast_in_dim3A_1049 : vector<16xi1>, vector<16xf32>
      %add3A_1050 = arith.addf %while3A_1036, %select_n3A : vector<16xf32>
      scf.yield %add3A_1044, %add3A_1050 : vector<16xf32>, vector<16xf32>
    }
    %while3A_944 = arith.constant 1 : i32
    %while3A_945:2 = scf.for %while3A_1034 = %while3A_941 to %while3A_937 step %while3A_944 iter_args(%while3A_1035 = %while3A_943#0, %while3A_1036 = %while3A_943#1) -> (vector<16xf32>, vector<16xf32>)  : i32 {
      %mul3A_1037 = arith.constant 16 : i32
      %mul3A_1038 = arith.muli %while3A_1034, %mul3A_1037 : i32
      %get3A = arith.index_cast %mul3A_1038 : i32 to index
      %get3A_1039 = tpu.vector_load %arg6[%get3A] {strides = array<i32>} : memref<32784xf32, #tpu.memory_space<vmem>>, vector<16xf32>,
      %sub3A_1040 = arith.subf %get3A_1039, %add3A_934 : vector<16xf32>
      %max3A_1041 = arith.constant 0.000000e+00 : f32
      %max3A_1042 = vector.broadcast %max3A_1041 : f32 to vector<16xf32>
      %max3A_1043 = arith.maximumf %sub3A_1040, %max3A_1042 : vector<16xf32>
      %add3A_1044 = arith.addf %while3A_1035, %max3A_1043 : vector<16xf32>
      %gt3A = arith.constant 0.000000e+00 : f32
      %gt3A_1045 = vector.broadcast %gt3A : f32 to vector<16xf32>
      %gt3A_1046 = arith.cmpf ogt, %max3A_1043, %gt3A_1045 : vector<16xf32>
      %jit3A = arith.constant 1.000000e+00 : f32
      %jit3A_1047 = arith.constant 0.000000e+00 : f32
      %broadcast_in_dim3A_1048 = vector.broadcast %jit3A : f32 to vector<16xf32>
      %broadcast_in_dim3A_1049 = vector.broadcast %jit3A_1047 : f32 to vector<16xf32>
      %select_n3A = arith.select %gt3A_1046, %broadcast_in_dim3A_1048, %broadcast_in_dim3A_1049 : vector<16xi1>, vector<16xf32>
      %add3A_1050 = arith.addf %while3A_1036, %select_n3A : vector<16xf32>
      scf.yield %add3A_1044, %add3A_1050 : vector<16xf32>, vector<16xf32>
    }
    %broadcast_in_dim3A_946 = arith.constant true
    %broadcast_in_dim3A_947 = vector.broadcast %broadcast_in_dim3A_946 : i1 to vector<16xi1>
    %masked_cumsum3A_948 = tpu.scan <sum>, %while3A_945#0 masked %broadcast_in_dim3A_947 : vector<16xf32>, vector<16xi1> -> vector<16xf32>
    %slice3A_949 = vector.extract_strided_slice %masked_cumsum3A_948 {offsets = [15], sizes = [1], strides = [1]} : vector<16xf32> to vector<1xf32>
    %squeeze3A_950 = vector.extract %slice3A_949[0] : f32 from vector<1xf32>
    %broadcast_in_dim3A_951 = arith.constant true
    %broadcast_in_dim3A_952 = vector.broadcast %broadcast_in_dim3A_951 : i1 to vector<16xi1>
    %masked_cumsum3A_953 = tpu.scan <sum>, %while3A_945#1 masked %broadcast_in_dim3A_952 : vector<16xf32>, vector<16xi1> -> vector<16xf32>
    %slice3A_954 = vector.extract_strided_slice %masked_cumsum3A_953 {offsets = [15], sizes = [1], strides = [1]} : vector<16xf32> to vector<1xf32>
    %squeeze3A_955 = vector.extract %slice3A_954[0] : f32 from vector<1xf32>
    %broadcast_in_dim3A_956 = arith.constant 1.000000e+00 : f32
    %broadcast_in_dim3A_957 = vector.broadcast %broadcast_in_dim3A_956 : f32 to vector<16xf32>
    %mul3A_958 = vector.broadcast %squeeze3A_950 : f32 to vector<16xf32>
    %mul3A_959 = arith.mulf %broadcast_in_dim3A_957, %mul3A_958 : vector<16xf32>
    %broadcast_in_dim3A_960 = arith.constant 1.000000e+00 : f32
    %broadcast_in_dim3A_961 = vector.broadcast %broadcast_in_dim3A_960 : f32 to vector<16xf32>
    %mul3A_962 = vector.broadcast %squeeze3A_955 : f32 to vector<16xf32>
    %mul3A_963 = arith.mulf %broadcast_in_dim3A_961, %mul3A_962 : vector<16xf32>
    %sub3A_964 = arith.constant 1.000000e+00 : f32
    %sub3A_965 = vector.broadcast %sub3A_964 : f32 to vector<16xf32>
    %sub3A_966 = arith.subf %mul3A_959, %sub3A_965 : vector<16xf32>
    %max3A_967 = arith.constant 1.000000e+00 : f32
    %max3A_968 = vector.broadcast %max3A_967 : f32 to vector<16xf32>
    %max3A_969 = arith.maximumf %mul3A_963, %max3A_968 : vector<16xf32>
    %div3A_970 = arith.divf %sub3A_966, %max3A_969 : vector<16xf32>
    %add3A_971 = arith.addf %add3A_934, %div3A_970 : vector<16xf32>
    %while3A_972 = arith.constant 0 : i32
    %while3A_973 = arith.subi %shift_right_logical3A_821, %while3A_972 : i32
    %while3A_974 = arith.addi %while3A_972, %while3A_973 : i32
    %while3A_975 = arith.constant 1 : i32
    %while3A_976 = arith.divsi %while3A_973, %while3A_975 : i32
    %while3A_977 = arith.muli %while3A_976, %while3A_975 : i32
    %while3A_978 = arith.addi %while3A_972, %while3A_977 : i32
    %while3A_979 = arith.constant 1 : i32
    %while3A_980:2 = scf.for %while3A_1034 = %while3A_972 to %while3A_978 step %while3A_979 iter_args(%while3A_1035 = %broadcast_in_dim3A_784, %while3A_1036 = %broadcast_in_dim3A_784) -> (vector<16xf32>, vector<16xf32>)  : i32 {
      %mul3A_1037 = arith.constant 16 : i32
      %mul3A_1038 = arith.muli %while3A_1034, %mul3A_1037 : i32
      %get3A = arith.index_cast %mul3A_1038 : i32 to index
      %get3A_1039 = tpu.vector_load %arg6[%get3A] {strides = array<i32>} : memref<32784xf32, #tpu.memory_space<vmem>>, vector<16xf32>,
      %sub3A_1040 = arith.subf %get3A_1039, %add3A_971 : vector<16xf32>
      %max3A_1041 = arith.constant 0.000000e+00 : f32
      %max3A_1042 = vector.broadcast %max3A_1041 : f32 to vector<16xf32>
      %max3A_1043 = arith.maximumf %sub3A_1040, %max3A_1042 : vector<16xf32>
      %add3A_1044 = arith.addf %while3A_1035, %max3A_1043 : vector<16xf32>
      %gt3A = arith.constant 0.000000e+00 : f32
      %gt3A_1045 = vector.broadcast %gt3A : f32 to vector<16xf32>
      %gt3A_1046 = arith.cmpf ogt, %max3A_1043, %gt3A_1045 : vector<16xf32>
      %jit3A = arith.constant 1.000000e+00 : f32
      %jit3A_1047 = arith.constant 0.000000e+00 : f32
      %broadcast_in_dim3A_1048 = vector.broadcast %jit3A : f32 to vector<16xf32>
      %broadcast_in_dim3A_1049 = vector.broadcast %jit3A_1047 : f32 to vector<16xf32>
      %select_n3A = arith.select %gt3A_1046, %broadcast_in_dim3A_1048, %broadcast_in_dim3A_1049 : vector<16xi1>, vector<16xf32>
      %add3A_1050 = arith.addf %while3A_1036, %select_n3A : vector<16xf32>
      scf.yield %add3A_1044, %add3A_1050 : vector<16xf32>, vector<16xf32>
    }
    %while3A_981 = arith.constant 1 : i32
    %while3A_982:2 = scf.for %while3A_1034 = %while3A_978 to %while3A_974 step %while3A_981 iter_args(%while3A_1035 = %while3A_980#0, %while3A_1036 = %while3A_980#1) -> (vector<16xf32>, vector<16xf32>)  : i32 {
      %mul3A_1037 = arith.constant 16 : i32
      %mul3A_1038 = arith.muli %while3A_1034, %mul3A_1037 : i32
      %get3A = arith.index_cast %mul3A_1038 : i32 to index
      %get3A_1039 = tpu.vector_load %arg6[%get3A] {strides = array<i32>} : memref<32784xf32, #tpu.memory_space<vmem>>, vector<16xf32>,
      %sub3A_1040 = arith.subf %get3A_1039, %add3A_971 : vector<16xf32>
      %max3A_1041 = arith.constant 0.000000e+00 : f32
      %max3A_1042 = vector.broadcast %max3A_1041 : f32 to vector<16xf32>
      %max3A_1043 = arith.maximumf %sub3A_1040, %max3A_1042 : vector<16xf32>
      %add3A_1044 = arith.addf %while3A_1035, %max3A_1043 : vector<16xf32>
      %gt3A = arith.constant 0.000000e+00 : f32
      %gt3A_1045 = vector.broadcast %gt3A : f32 to vector<16xf32>
      %gt3A_1046 = arith.cmpf ogt, %max3A_1043, %gt3A_1045 : vector<16xf32>
      %jit3A = arith.constant 1.000000e+00 : f32
      %jit3A_1047 = arith.constant 0.000000e+00 : f32
      %broadcast_in_dim3A_1048 = vector.broadcast %jit3A : f32 to vector<16xf32>
      %broadcast_in_dim3A_1049 = vector.broadcast %jit3A_1047 : f32 to vector<16xf32>
      %select_n3A = arith.select %gt3A_1046, %broadcast_in_dim3A_1048, %broadcast_in_dim3A_1049 : vector<16xi1>, vector<16xf32>
      %add3A_1050 = arith.addf %while3A_1036, %select_n3A : vector<16xf32>
      scf.yield %add3A_1044, %add3A_1050 : vector<16xf32>, vector<16xf32>
    }
    %broadcast_in_dim3A_983 = arith.constant true
    %broadcast_in_dim3A_984 = vector.broadcast %broadcast_in_dim3A_983 : i1 to vector<16xi1>
    %masked_cumsum3A_985 = tpu.scan <sum>, %while3A_982#0 masked %broadcast_in_dim3A_984 : vector<16xf32>, vector<16xi1> -> vector<16xf32>
    %slice3A_986 = vector.extract_strided_slice %masked_cumsum3A_985 {offsets = [15], sizes = [1], strides = [1]} : vector<16xf32> to vector<1xf32>
    %squeeze3A_987 = vector.extract %slice3A_986[0] : f32 from vector<1xf32>
    %broadcast_in_dim3A_988 = arith.constant true
    %broadcast_in_dim3A_989 = vector.broadcast %broadcast_in_dim3A_988 : i1 to vector<16xi1>
    %masked_cumsum3A_990 = tpu.scan <sum>, %while3A_982#1 masked %broadcast_in_dim3A_989 : vector<16xf32>, vector<16xi1> -> vector<16xf32>
    %slice3A_991 = vector.extract_strided_slice %masked_cumsum3A_990 {offsets = [15], sizes = [1], strides = [1]} : vector<16xf32> to vector<1xf32>
    %squeeze3A_992 = vector.extract %slice3A_991[0] : f32 from vector<1xf32>
    %broadcast_in_dim3A_993 = arith.constant 1.000000e+00 : f32
    %broadcast_in_dim3A_994 = vector.broadcast %broadcast_in_dim3A_993 : f32 to vector<16xf32>
    %mul3A_995 = vector.broadcast %squeeze3A_987 : f32 to vector<16xf32>
    %mul3A_996 = arith.mulf %broadcast_in_dim3A_994, %mul3A_995 : vector<16xf32>
    %broadcast_in_dim3A_997 = arith.constant 1.000000e+00 : f32
    %broadcast_in_dim3A_998 = vector.broadcast %broadcast_in_dim3A_997 : f32 to vector<16xf32>
    %mul3A_999 = vector.broadcast %squeeze3A_992 : f32 to vector<16xf32>
    %mul3A_1000 = arith.mulf %broadcast_in_dim3A_998, %mul3A_999 : vector<16xf32>
    %sub3A_1001 = arith.constant 1.000000e+00 : f32
    %sub3A_1002 = vector.broadcast %sub3A_1001 : f32 to vector<16xf32>
    %sub3A_1003 = arith.subf %mul3A_996, %sub3A_1002 : vector<16xf32>
    %max3A_1004 = arith.constant 1.000000e+00 : f32
    %max3A_1005 = vector.broadcast %max3A_1004 : f32 to vector<16xf32>
    %max3A_1006 = arith.maximumf %mul3A_1000, %max3A_1005 : vector<16xf32>
    %div3A_1007 = arith.divf %sub3A_1003, %max3A_1006 : vector<16xf32>
    %add3A_1008 = arith.addf %add3A_971, %div3A_1007 : vector<16xf32>
    %add3A_1009 = vector.broadcast %sub3A_805 : f32 to vector<16xf32>
    %add3A_1010 = arith.addf %add3A_1009, %add3A_1008 : vector<16xf32>
    %parallel_loop3A_1011 = arith.constant 0 : i32
    %parallel_loop3A_1012 = arith.constant 2048 : i32
    %parallel_loop3A_1013 = arith.constant 8 : i32
    scf.for %parallel_loop3A_1034 = %parallel_loop3A_1011 to %parallel_loop3A_1012 step %parallel_loop3A_1013  : i32 {
      %parallel_loop3A_1035 = arith.constant 0 : i32
      %parallel_loop3A_1036 = arith.addi %parallel_loop3A_1034, %parallel_loop3A_1035 : i32
      %parallel_loop3A_1037 = arith.constant 16 : i32
      %parallel_loop3A_1038 = arith.muli %parallel_loop3A_1036, %parallel_loop3A_1037 : i32
      %parallel_loop3A_1039 = arith.index_cast %parallel_loop3A_1038 : i32 to index
      %parallel_loop3A_1040 = tpu.vector_load %arg5[%parallel_loop3A_1039] {strides = array<i32>} : memref<32768xf32, #tpu.memory_space<vmem>>, vector<16xf32>,
      %parallel_loop3A_1041 = arith.subf %parallel_loop3A_1040, %add3A_1010 : vector<16xf32>
      %parallel_loop3A_1042 = arith.constant 0.000000e+00 : f32
      %parallel_loop3A_1043 = vector.broadcast %parallel_loop3A_1042 : f32 to vector<16xf32>
      %parallel_loop3A_1044 = arith.maximumf %parallel_loop3A_1041, %parallel_loop3A_1043 : vector<16xf32>
      %parallel_loop3A_1045 = arith.index_cast %parallel_loop3A_1038 : i32 to index
      %parallel_loop3A_1046 = tpu.vector_load %arg5[%parallel_loop3A_1045] {strides = array<i32>} : memref<32768xf32, #tpu.memory_space<vmem>>, vector<16xf32>,
      tpu.vector_store %arg5[%parallel_loop3A_1045], %parallel_loop3A_1044 {strides = array<i32>} : memref<32768xf32, #tpu.memory_space<vmem>>, vector<16xf32>,
      %parallel_loop3A_1047 = arith.constant 1 : i32
      %parallel_loop3A_1048 = arith.addi %parallel_loop3A_1034, %parallel_loop3A_1047 : i32
      %parallel_loop3A_1049 = arith.constant 16 : i32
      %parallel_loop3A_1050 = arith.muli %parallel_loop3A_1048, %parallel_loop3A_1049 : i32
      %parallel_loop3A_1051 = arith.index_cast %parallel_loop3A_1050 : i32 to index
      %parallel_loop3A_1052 = tpu.vector_load %arg5[%parallel_loop3A_1051] {strides = array<i32>} : memref<32768xf32, #tpu.memory_space<vmem>>, vector<16xf32>,
      %parallel_loop3A_1053 = arith.subf %parallel_loop3A_1052, %add3A_1010 : vector<16xf32>
      %parallel_loop3A_1054 = arith.constant 0.000000e+00 : f32
      %parallel_loop3A_1055 = vector.broadcast %parallel_loop3A_1054 : f32 to vector<16xf32>
      %parallel_loop3A_1056 = arith.maximumf %parallel_loop3A_1053, %parallel_loop3A_1055 : vector<16xf32>
      %parallel_loop3A_1057 = arith.index_cast %parallel_loop3A_1050 : i32 to index
      %parallel_loop3A_1058 = tpu.vector_load %arg5[%parallel_loop3A_1057] {strides = array<i32>} : memref<32768xf32, #tpu.memory_space<vmem>>, vector<16xf32>,
      tpu.vector_store %arg5[%parallel_loop3A_1057], %parallel_loop3A_1056 {strides = array<i32>} : memref<32768xf32, #tpu.memory_space<vmem>>, vector<16xf32>,
      %parallel_loop3A_1059 = arith.constant 2 : i32
      %parallel_loop3A_1060 = arith.addi %parallel_loop3A_1034, %parallel_loop3A_1059 : i32
      %parallel_loop3A_1061 = arith.constant 16 : i32
      %parallel_loop3A_1062 = arith.muli %parallel_loop3A_1060, %parallel_loop3A_1061 : i32
      %parallel_loop3A_1063 = arith.index_cast %parallel_loop3A_1062 : i32 to index
      %parallel_loop3A_1064 = tpu.vector_load %arg5[%parallel_loop3A_1063] {strides = array<i32>} : memref<32768xf32, #tpu.memory_space<vmem>>, vector<16xf32>,
      %parallel_loop3A_1065 = arith.subf %parallel_loop3A_1064, %add3A_1010 : vector<16xf32>
      %parallel_loop3A_1066 = arith.constant 0.000000e+00 : f32
      %parallel_loop3A_1067 = vector.broadcast %parallel_loop3A_1066 : f32 to vector<16xf32>
      %parallel_loop3A_1068 = arith.maximumf %parallel_loop3A_1065, %parallel_loop3A_1067 : vector<16xf32>
      %parallel_loop3A_1069 = arith.index_cast %parallel_loop3A_1062 : i32 to index
      %parallel_loop3A_1070 = tpu.vector_load %arg5[%parallel_loop3A_1069] {strides = array<i32>} : memref<32768xf32, #tpu.memory_space<vmem>>, vector<16xf32>,
      tpu.vector_store %arg5[%parallel_loop3A_1069], %parallel_loop3A_1068 {strides = array<i32>} : memref<32768xf32, #tpu.memory_space<vmem>>, vector<16xf32>,
      %parallel_loop3A_1071 = arith.constant 3 : i32
      %parallel_loop3A_1072 = arith.addi %parallel_loop3A_1034, %parallel_loop3A_1071 : i32
      %parallel_loop3A_1073 = arith.constant 16 : i32
      %parallel_loop3A_1074 = arith.muli %parallel_loop3A_1072, %parallel_loop3A_1073 : i32
      %parallel_loop3A_1075 = arith.index_cast %parallel_loop3A_1074 : i32 to index
      %parallel_loop3A_1076 = tpu.vector_load %arg5[%parallel_loop3A_1075] {strides = array<i32>} : memref<32768xf32, #tpu.memory_space<vmem>>, vector<16xf32>,
      %parallel_loop3A_1077 = arith.subf %parallel_loop3A_1076, %add3A_1010 : vector<16xf32>
      %parallel_loop3A_1078 = arith.constant 0.000000e+00 : f32
      %parallel_loop3A_1079 = vector.broadcast %parallel_loop3A_1078 : f32 to vector<16xf32>
      %parallel_loop3A_1080 = arith.maximumf %parallel_loop3A_1077, %parallel_loop3A_1079 : vector<16xf32>
      %parallel_loop3A_1081 = arith.index_cast %parallel_loop3A_1074 : i32 to index
      %parallel_loop3A_1082 = tpu.vector_load %arg5[%parallel_loop3A_1081] {strides = array<i32>} : memref<32768xf32, #tpu.memory_space<vmem>>, vector<16xf32>,
      tpu.vector_store %arg5[%parallel_loop3A_1081], %parallel_loop3A_1080 {strides = array<i32>} : memref<32768xf32, #tpu.memory_space<vmem>>, vector<16xf32>,
      %parallel_loop3A_1083 = arith.constant 4 : i32
      %parallel_loop3A_1084 = arith.addi %parallel_loop3A_1034, %parallel_loop3A_1083 : i32
      %parallel_loop3A_1085 = arith.constant 16 : i32
      %parallel_loop3A_1086 = arith.muli %parallel_loop3A_1084, %parallel_loop3A_1085 : i32
      %parallel_loop3A_1087 = arith.index_cast %parallel_loop3A_1086 : i32 to index
      %parallel_loop3A_1088 = tpu.vector_load %arg5[%parallel_loop3A_1087] {strides = array<i32>} : memref<32768xf32, #tpu.memory_space<vmem>>, vector<16xf32>,
      %parallel_loop3A_1089 = arith.subf %parallel_loop3A_1088, %add3A_1010 : vector<16xf32>
      %parallel_loop3A_1090 = arith.constant 0.000000e+00 : f32
      %parallel_loop3A_1091 = vector.broadcast %parallel_loop3A_1090 : f32 to vector<16xf32>
      %parallel_loop3A_1092 = arith.maximumf %parallel_loop3A_1089, %parallel_loop3A_1091 : vector<16xf32>
      %parallel_loop3A_1093 = arith.index_cast %parallel_loop3A_1086 : i32 to index
      %parallel_loop3A_1094 = tpu.vector_load %arg5[%parallel_loop3A_1093] {strides = array<i32>} : memref<32768xf32, #tpu.memory_space<vmem>>, vector<16xf32>,
      tpu.vector_store %arg5[%parallel_loop3A_1093], %parallel_loop3A_1092 {strides = array<i32>} : memref<32768xf32, #tpu.memory_space<vmem>>, vector<16xf32>,
      %parallel_loop3A_1095 = arith.constant 5 : i32
      %parallel_loop3A_1096 = arith.addi %parallel_loop3A_1034, %parallel_loop3A_1095 : i32
      %parallel_loop3A_1097 = arith.constant 16 : i32
      %parallel_loop3A_1098 = arith.muli %parallel_loop3A_1096, %parallel_loop3A_1097 : i32
      %parallel_loop3A_1099 = arith.index_cast %parallel_loop3A_1098 : i32 to index
      %parallel_loop3A_1100 = tpu.vector_load %arg5[%parallel_loop3A_1099] {strides = array<i32>} : memref<32768xf32, #tpu.memory_space<vmem>>, vector<16xf32>,
      %parallel_loop3A_1101 = arith.subf %parallel_loop3A_1100, %add3A_1010 : vector<16xf32>
      %parallel_loop3A_1102 = arith.constant 0.000000e+00 : f32
      %parallel_loop3A_1103 = vector.broadcast %parallel_loop3A_1102 : f32 to vector<16xf32>
      %parallel_loop3A_1104 = arith.maximumf %parallel_loop3A_1101, %parallel_loop3A_1103 : vector<16xf32>
      %parallel_loop3A_1105 = arith.index_cast %parallel_loop3A_1098 : i32 to index
      %parallel_loop3A_1106 = tpu.vector_load %arg5[%parallel_loop3A_1105] {strides = array<i32>} : memref<32768xf32, #tpu.memory_space<vmem>>, vector<16xf32>,
      tpu.vector_store %arg5[%parallel_loop3A_1105], %parallel_loop3A_1104 {strides = array<i32>} : memref<32768xf32, #tpu.memory_space<vmem>>, vector<16xf32>,
      %parallel_loop3A_1107 = arith.constant 6 : i32
      %parallel_loop3A_1108 = arith.addi %parallel_loop3A_1034, %parallel_loop3A_1107 : i32
      %parallel_loop3A_1109 = arith.constant 16 : i32
      %parallel_loop3A_1110 = arith.muli %parallel_loop3A_1108, %parallel_loop3A_1109 : i32
      %parallel_loop3A_1111 = arith.index_cast %parallel_loop3A_1110 : i32 to index
      %parallel_loop3A_1112 = tpu.vector_load %arg5[%parallel_loop3A_1111] {strides = array<i32>} : memref<32768xf32, #tpu.memory_space<vmem>>, vector<16xf32>,
      %parallel_loop3A_1113 = arith.subf %parallel_loop3A_1112, %add3A_1010 : vector<16xf32>
      %parallel_loop3A_1114 = arith.constant 0.000000e+00 : f32
      %parallel_loop3A_1115 = vector.broadcast %parallel_loop3A_1114 : f32 to vector<16xf32>
      %parallel_loop3A_1116 = arith.maximumf %parallel_loop3A_1113, %parallel_loop3A_1115 : vector<16xf32>
      %parallel_loop3A_1117 = arith.index_cast %parallel_loop3A_1110 : i32 to index
      %parallel_loop3A_1118 = tpu.vector_load %arg5[%parallel_loop3A_1117] {strides = array<i32>} : memref<32768xf32, #tpu.memory_space<vmem>>, vector<16xf32>,
      tpu.vector_store %arg5[%parallel_loop3A_1117], %parallel_loop3A_1116 {strides = array<i32>} : memref<32768xf32, #tpu.memory_space<vmem>>, vector<16xf32>,
      %parallel_loop3A_1119 = arith.constant 7 : i32
      %parallel_loop3A_1120 = arith.addi %parallel_loop3A_1034, %parallel_loop3A_1119 : i32
      %parallel_loop3A_1121 = arith.constant 16 : i32
      %parallel_loop3A_1122 = arith.muli %parallel_loop3A_1120, %parallel_loop3A_1121 : i32
      %parallel_loop3A_1123 = arith.index_cast %parallel_loop3A_1122 : i32 to index
      %parallel_loop3A_1124 = tpu.vector_load %arg5[%parallel_loop3A_1123] {strides = array<i32>} : memref<32768xf32, #tpu.memory_space<vmem>>, vector<16xf32>,
      %parallel_loop3A_1125 = arith.subf %parallel_loop3A_1124, %add3A_1010 : vector<16xf32>
      %parallel_loop3A_1126 = arith.constant 0.000000e+00 : f32
      %parallel_loop3A_1127 = vector.broadcast %parallel_loop3A_1126 : f32 to vector<16xf32>
      %parallel_loop3A_1128 = arith.maximumf %parallel_loop3A_1125, %parallel_loop3A_1127 : vector<16xf32>
      %parallel_loop3A_1129 = arith.index_cast %parallel_loop3A_1122 : i32 to index
      %parallel_loop3A_1130 = tpu.vector_load %arg5[%parallel_loop3A_1129] {strides = array<i32>} : memref<32768xf32, #tpu.memory_space<vmem>>, vector<16xf32>,
      tpu.vector_store %arg5[%parallel_loop3A_1129], %parallel_loop3A_1128 {strides = array<i32>} : memref<32768xf32, #tpu.memory_space<vmem>>, vector<16xf32>,
    } {sc.loop_unroll_factor = 1 : i64, sc.parallel_access}
    %add3A_1014 = arith.constant 3 : i32
    %add3A_1015 = arith.addi %mul3A_2, %add3A_1014 : i32
    %dma_start3A_1016 = arith.constant 0 : i32
    %dma_start3A_1017 = tpu.memref_slice %arg3[%add3A_1015, %dma_start3A_1016] : memref<128x32768xf32, #tpu.memory_space<hbm>> -> memref<1x32768xf32, #tpu.memory_space<hbm>>
    %dma_start3A_1018 = tpu.memref_squeeze %dma_start3A_1017 : memref<1x32768xf32, #tpu.memory_space<hbm>> -> memref<32768xf32, #tpu.memory_space<hbm>>
    %dma_start3A_1019 = arith.constant 0 : i32
    %dma_start3A_1020 = tpu.memref_slice %arg3[%add3A_1015, %dma_start3A_1019] : memref<128x32768xf32, #tpu.memory_space<hbm>> -> memref<1x32768xf32, #tpu.memory_space<hbm>>
    %dma_start3A_1021 = tpu.memref_squeeze %dma_start3A_1020 : memref<1x32768xf32, #tpu.memory_space<hbm>> -> memref<32768xf32, #tpu.memory_space<hbm>>
    tpu.enqueue_dma source(%arg5 : memref<32768xf32, #tpu.memory_space<vmem>>) target(%dma_start3A_1021 : memref<32768xf32, #tpu.memory_space<hbm>>) target_semaphore(%arg12 : memref<!tpu.dma_semaphore, #tpu.memory_space<semaphore_mem>>)
    %dma_wait3A_1022 = arith.constant 0 : i32
    %dma_wait3A_1023 = tpu.memref_slice %arg3[%add3A_768, %dma_wait3A_1022] : memref<128x32768xf32, #tpu.memory_space<hbm>> -> memref<1x32768xf32, #tpu.memory_space<hbm>>
    %dma_wait3A_1024 = tpu.memref_squeeze %dma_wait3A_1023 : memref<1x32768xf32, #tpu.memory_space<hbm>> -> memref<32768xf32, #tpu.memory_space<hbm>>
    %dma_wait3A_1025 = arith.constant 0 : i32
    %dma_wait3A_1026 = tpu.memref_slice %arg3[%add3A_768, %dma_wait3A_1025] : memref<128x32768xf32, #tpu.memory_space<hbm>> -> memref<1x32768xf32, #tpu.memory_space<hbm>>
    %dma_wait3A_1027 = tpu.memref_squeeze %dma_wait3A_1026 : memref<1x32768xf32, #tpu.memory_space<hbm>> -> memref<32768xf32, #tpu.memory_space<hbm>>
    tpu.wait_dma2 semaphore(%arg11 : memref<!tpu.dma_semaphore, #tpu.memory_space<semaphore_mem>>) src(%arg4 : memref<32768xf32, #tpu.memory_space<vmem>>) dst(%dma_wait3A_1027 : memref<32768xf32, #tpu.memory_space<hbm>>)
    %dma_wait3A_1028 = arith.constant 0 : i32
    %dma_wait3A_1029 = tpu.memref_slice %arg3[%add3A_1015, %dma_wait3A_1028] : memref<128x32768xf32, #tpu.memory_space<hbm>> -> memref<1x32768xf32, #tpu.memory_space<hbm>>
    %dma_wait3A_1030 = tpu.memref_squeeze %dma_wait3A_1029 : memref<1x32768xf32, #tpu.memory_space<hbm>> -> memref<32768xf32, #tpu.memory_space<hbm>>
    %dma_wait3A_1031 = arith.constant 0 : i32
    %dma_wait3A_1032 = tpu.memref_slice %arg3[%add3A_1015, %dma_wait3A_1031] : memref<128x32768xf32, #tpu.memory_space<hbm>> -> memref<1x32768xf32, #tpu.memory_space<hbm>>
    %dma_wait3A_1033 = tpu.memref_squeeze %dma_wait3A_1032 : memref<1x32768xf32, #tpu.memory_space<hbm>> -> memref<32768xf32, #tpu.memory_space<hbm>>
    tpu.wait_dma2 semaphore(%arg12 : memref<!tpu.dma_semaphore, #tpu.memory_space<semaphore_mem>>) src(%arg5 : memref<32768xf32, #tpu.memory_space<vmem>>) dst(%dma_wait3A_1033 : memref<32768xf32, #tpu.memory_space<hbm>>)
    return
  }
}

</mosaic_0001>

<sc_bundles>
// kernel: kernel.3.cloned.1.call-start
scs
__scs_entry_jumppad:
0x0: {  	(pc) =	sbr.rel $0x88, $3  }
0x1: {  	(tag) =	ssettag $0x0;
	lr =	simm.s32 $0x1  }
0x2: {  	[smem:$0x3FA0] =	sst lr;
	_ =	strace $0xD0000000  }
0x3: {  	_ = 	snop  }
0x4: {  	_ = 	snop  }
0x5: {  	_ = 	snop  }
0x6: {  	_ = 	snop  }
0x7: {  	_ = 	snop  }
__scs_overlays_trampoline_lowered:
0x8: {  	[smem:$0x3FAF] =	sst s0  }
0x9: {  	[smem:$0x3FB0] =	sst s1  }
0xa: {  	[smem:$0x3FB1] =	sst s2  }
0xb: {  	[smem:$0x3FB2] =	sst s3  }
0xc: {  	[smem:$0x3FB3] =	sst s4  }
0xd: {  	[smem:$0x3FB4] =	sst s5  }
0xe: {  	[smem:$0x3FB5] =	sst s6  }
0xf: {  	[smem:$0x3FB6] =	sst s7  }
0x10: {  	[smem:$0x3FB7] =	sst s8  }
0x11: {  	[smem:$0x3FB8] =	sst s9;
	s0 =	simm.s32 @!p0 $0x0  }
0x12: {  	s1 =	sld [smem:$0x3F9E];
	s0 =	simm.s32 @p0 $0x1  }
0x13: {  	[smem:$0x3FB9] =	sst s0;
	s0 =	simm.s32 @!p1 $0x0  }
0x14: {  	s2 =	sld [smem:$0x3F9D];
	s0 =	simm.s32 @p1 $0x1  }
0x15: {  	[smem:$0x3FBA] =	sst s0;
	s0 =	simm.s32 @!p2 $0x0  }
0x16: {  	s3 =	sld [smem:$0x3FDB];
	s0 =	simm.s32 @p2 $0x1  }
0x17: {  	s4 =	simm.s32 $0x1BF5;
	[smem:$0x3FBC] =	sst s0  }
0x18: {  	s0 =	sld [smem:$0x3F9F];
	_ =	swait.ge [sflag:s4], $0x0  }
0x19: {  	s7 =	sld [smem:$0x3FA0]  }
0x1a: {  	s8 =	sadd.s32 $0xFFFFE003, lr  }
0x1b: {  	s9 =	sadd.s32 $0xFFFFFEF7, lr;
	s5 =	simm.s32 $0xFFFFFFFF;
	p2 =	slt.u32 s8, $0xFFFFF086  }
0x1c: {  	p1 =	slt.u32 s9, $0xF7A;
	s5 =	simm.s32 @!p2 $0x0  }
0x1d: {  	s5 =	simm.s32 @p1 $0x1;
	p0 =	seq.s32 s7, s2  }
0x1e: {  	s7 =	smul.u32 @!p0 $0xF7A, s2;
	p2 =	seq.s32 @!p0 s5, $0x0  }
0x1f: {  	s9 =	smul.u32 $0xF7A, s1;
	s8 =	simm.s32 @!p0 $0x1BF5;
	p2 =	por !p2, p0  }
0x20: {  	[sflag:s8] =	ssyncset.s32 @!p0 $0xFFFFF086;
	s6 =	sadd.s32 @!p0 s3, s7;
	s7 =	simm.s32 @!p0 $0x108  }
0x21: {  	s3 =	sadd.s32 s3, s9;
	s6 =	sadd.s32 @!p0 $0x88, s6;
	s7 =	simm.s32 @p2 $0x1082  }
0x22: {  	[simem:s7], [sflag:s8] =	dma.local @!p0 [hbm:s6], $0xF7A  }
0x23: {  	s9 =	sor.u32 $0xD0000000, s2;
	s6 =	simm.s32 $0x108;
	_ =	swait.ge @!p0 [sflag:s8], $0x0  }
0x24: {  	s3 =	sadd.s32 $0x88, s3;
	s6 =	simm.s32 @!p1 $0x1082;
	[sflag:s4] =	ssyncset.s32 $0xFFFFF086  }
0x25: {  	[simem:s6], [sflag:s4] =	dma.local [hbm:s3], $0xF7A  }
0x26: {  	[smem:$0x3FA0] =	sst s1;
	(tag) =	ssettag s2;
	_ =	strace s9  }
0x27: {  	s1 =	sld [smem:$0x3FB0]  }
0x28: {  	s2 =	sld [smem:$0x3FB1]  }
0x29: {  	s4 =	sld [smem:$0x3FB3]  }
0x2a: {  	p0 =	seq.s32 s5, $0x0;
	s5 =	sld [smem:$0x3FB4]  }
0x2b: {  	s6 =	sld [smem:$0x3FB5]  }
0x2c: {  	s7 =	sld [smem:$0x3FB6]  }
0x2d: {  	s3 =	simm.s32 $0x108;
	s8 =	sld [smem:$0x3FB7]  }
0x2e: {  	s3 =	simm.s32 @!p0 $0x1082;
	s9 =	sld [smem:$0x3FB8]  }
0x2f: {  	lr =	sadd.s32 s0, s3;
	s0 =	sld [smem:$0x3FAF]  }
0x30: {  	s3 =	sld [smem:$0x3FB2]  }
0x31: {  	[smem:$0x3FBB] =	sst s10  }
0x32: {  	s10 =	sld [smem:$0x3FB9];
	_ =	sdelay $0x3  }
0x33: {  	p0 =	seq.s32 s10, $0x1;
	s10 =	sld [smem:$0x3FBB];
	_ =	sdelay $0x3  }
0x34: {  	[smem:$0x3FBB] =	sst s10  }
0x35: {  	s10 =	sld [smem:$0x3FBA];
	_ =	sdelay $0x3  }
0x36: {  	p1 =	seq.s32 s10, $0x1;
	s10 =	sld [smem:$0x3FBB];
	_ =	sdelay $0x3  }
0x37: {  	[smem:$0x3FBB] =	sst s10  }
0x38: {  	s10 =	sld [smem:$0x3FBC]  }
0x39: {  	_ = 	snop;
	(pc) =	sbr.ind lr, $3  }
0x3a: {  	_ = 	snop  }
0x3b: {  	_ = 	snop  }
0x3c: {  	p2 =	seq.s32 s10, $0x1;
	s10 =	sld [smem:$0x3FBB]  }
0x3d: {  	_ =	shalt  }
0x3e: {  	_ =	shalt  }
0x3f: {  	_ =	shalt  }
0x40: {  	_ =	shalt  }
0x41: {  	_ =	shalt  }
0x42: {  	_ =	shalt  }
0x43: {  	_ =	shalt  }
0x44: {  	_ =	shalt  }
0x45: {  	_ =	shalt  }
0x46: {  	_ =	shalt  }
0x47: {  	_ =	shalt  }
0x48: {  	_ =	shalt  }
0x49: {  	_ =	shalt  }
0x4a: {  	_ =	shalt  }
0x4b: {  	_ =	shalt  }
0x4c: {  	_ =	shalt  }
0x4d: {  	_ =	shalt  }
0x4e: {  	_ =	shalt  }
0x4f: {  	_ =	shalt  }
0x50: {  	_ =	shalt  }
0x51: {  	_ =	shalt  }
0x52: {  	_ =	shalt  }
0x53: {  	_ =	shalt  }
0x54: {  	_ =	shalt  }
0x55: {  	_ =	shalt  }
0x56: {  	_ =	shalt  }
0x57: {  	_ =	shalt  }
0x58: {  	_ =	shalt  }
0x59: {  	_ =	shalt  }
0x5a: {  	_ =	shalt  }
0x5b: {  	_ =	shalt  }
0x5c: {  	_ =	shalt  }
0x5d: {  	_ =	shalt  }
0x5e: {  	_ =	shalt  }
0x5f: {  	_ =	shalt  }
0x60: {  	_ =	shalt  }
0x61: {  	_ =	shalt  }
0x62: {  	_ =	shalt  }
0x63: {  	_ =	shalt  }
0x64: {  	_ =	shalt  }
0x65: {  	_ =	shalt  }
0x66: {  	_ =	shalt  }
0x67: {  	_ =	shalt  }
0x68: {  	_ =	shalt  }
0x69: {  	_ =	shalt  }
0x6a: {  	_ =	shalt  }
0x6b: {  	_ =	shalt  }
0x6c: {  	_ =	shalt  }
0x6d: {  	_ =	shalt  }
0x6e: {  	_ =	shalt  }
0x6f: {  	_ =	shalt  }
0x70: {  	_ =	shalt  }
0x71: {  	_ =	shalt  }
0x72: {  	_ =	shalt  }
0x73: {  	_ =	shalt  }
0x74: {  	_ =	shalt  }
0x75: {  	_ =	shalt  }
0x76: {  	_ =	shalt  }
0x77: {  	_ =	shalt  }
0x78: {  	_ =	shalt  }
0x79: {  	_ =	shalt  }
0x7a: {  	_ =	shalt  }
0x7b: {  	_ =	shalt  }
0x7c: {  	_ =	shalt  }
0x7d: {  	_ =	shalt  }
0x7e: {  	_ =	shalt  }
0x7f: {  	_ =	shalt  }
0x80: {  	_ =	shalt  }
0x81: {  	_ =	shalt  }
0x82: {  	_ =	shalt  }
0x83: {  	_ =	shalt  }
0x84: {  	_ =	shalt  }
0x85: {  	_ =	shalt  }
0x86: {  	_ =	shalt  }
0x87: {  	_ =	shalt  }
.Lfunc_end0:
.L_simem_size_0:
called_computation_lowered:
.L_overlay_start_0:
0x88: {  	s2 =	sld [smem:$0x3FD9]  }
0x89: {  	s3 =	sld [smem:$0x3FFE];
	_ =	sdelay $0x1  }
0x8a: {  	s1 =	srdreg.scid  }
0x8b: {  	s0 =	sand.u32 $0x1, s1  }
0x8c: {  	s18 =	sshll.u32 s0, $0xA;
	s2 =	sadd.s32 s3, s2  }
0x8d: {  	s2 =	sadd.s32 s2, s18  }
0x8e: {  	[smem:$0x3FC7] =	sst s2  }
0x8f: {  	_ = 	snop  }
0x90: {  	s2 =	sld [smem:$0x3FC9]  }
0x91: {  	s19 =	sld [smem:$0x3FD0];
	(tm) =	ssettm $0x1  }
0x92: {  	s4 =	sld [smem:$0x3FFB];
	_ =	sdelay $0x3  }
0x93: {  	_ =	strace s4  }
0x94: {  	s4 =	sld [smem:$0x3FFC];
	_ =	sdelay $0x3  }
0x95: {  	_ =	strace s4  }
0x96: {  	s4 =	sld [smem:$0x3FFD];
	_ =	sdelay $0x3  }
0x97: {  	_ =	strace s4  }
0x98: {  	_ =	strace $0x8FFFFFFF  }
0x99: {  	s20 =	sld [smem:$0x3FDB];
	_ =	sdelay $0x1  }
0x9a: {  	s5 =	simm.s32 $_scs_section_size  }
0x9b: {  	s6 =	simm.s32 $_size__tile_overlayer_lowered;
	s7 =	simm.s32 $_tile_overlayer_lowered  }
0x9c: {  	s23 =	simm.s32 $0x1BFF;
	s22 =	sshll.u32 s7, $0x1;
	s4 =	sadd.s32 s5, s20  }
0x9d: {  	s8 =	simm.s32 $0x0;
	s21 =	sshll.u32 s6, $0x1;
	s6 =	sadd.s32 s22, s4  }
0x9e: {  	[timem:s8], [sflag:s23] =	dma.local [hbm:s6], s21  }
0x9f: {  	_ =	swait.ge [sflag:s23], s21  }
0xa0: {  	s5 =	ssub.s32 $0x0, s21;
	[sflag:s23] =	ssyncset.done $0x0  }
0xa1: {  	[sflag:s23] =	ssyncadd.s32 s5;
	_ =	sdelay $0x1  }
0xa2: {  	s24 =	simm.s32 $0x1B8B  }
0xa3: {  	_ =	swait.ge [sflag:s24], $0x1  }
0xa4: {  	[sflag:s24] =	ssyncset.done $0x0  }
0xa5: {  	s25 =	simm.s32 $0x1B8E;
	[sflag:s24] =	ssyncadd.s32 $0xFFFFFFFF  }
0xa6: {  	s26 =	simm.s32 $execute0_lowered;
	[smem:$0x3FD2] =	sst s25  }
0xa7: {  	s5 =	sshll.u32 s26, $0x1;
	_ =	strace $0x80000046;
	[dreg:$0x1] =	wrdreg $0xFFFFFFFF  }
0xa8: {  	s28 =	simm.s32 $_size_execute0_lowered;
	s4 =	sadd.s32 s4, s5;
	[dreg:$0x0] =	wrdreg $0x0  }
0xa9: {  	s5 =	sshll.u32 s28, $0x1;
	[dreg:$0x2] =	wrdreg s4  }
0xaa: {  	[dreg:$0x3] =	wrdreg s5  }
0xab: {  	[dreg:$0x4] =	wrdreg $0xC0  }
0xac: {  	_ =	task [dreg:s8], $0x5FFFF  }
0xad: {  	[dreg:$0x1] =	wrdreg $0xFFFFFFFF  }
0xae: {  	[dreg:$0x0] =	wrdreg $0x60  }
0xaf: {  	[dreg:$0x2] =	wrdreg s2  }
0xb0: {  	[dreg:$0x3] =	wrdreg s19  }
0xb1: {  	[dreg:$0x4] =	wrdreg $0x9  }
0xb2: {  	_ =	task.clear_ibuf [dreg:s8], $0x5FFFF;
	_ =	strace $0x90000046  }
0xb3: {  	s29 =	simm.s32 $0x9;
	_ =	strace $0x80000048  }
0xb4: {  	_ =	swait.ge [sflag:s29], $0x1  }
0xb5: {  	[sflag:s29] =	ssyncadd.s32 $0xFFFFFFFF  }
0xb6: {  	_ =	strace $0x90000048  }
0xb7: {  	_ =	sfence  }
0xb8: {  	s30 =	sld [smem:$0x0];
	_ =	sdelay $0x2  }
0xb9: {  	s31 =	sshll.u32 s1, $0xD;
	s1 =	sshrl.u32 s1, $0x2  }
0xba: {  	s3 =	sand.u32 $0x4000, s31;
	s1 =	sadd.s32 s1, s30  }
0xbb: {  	s0 =	sor.u32 s3, s0;
	s1 =	sshll.u32 s1, $0x11  }
0xbc: {  	s0 =	sor.u32 s1, s0  }
0xbd: {  	s0 =	sadd.s32 $0x8F2B, s0  }
0xbe: {  	[sflag:s0] =	ssyncadd.remote.s32 $0x1  }
0xbf: {  	_ =	sfence.sel $0xFFFF  }
0xc0: {  	[dreg:$0x0] =	wrdreg $0xFFFFFFFF;
	(pc) =	sbr.abs _section_cstart, $3  }
0xc1: {  	[dreg:$0x1] =	wrdreg $0xFFFFFFFF  }
0xc2: {  	_ =	task.clear_ibuf [dreg:s8], $0x2FFFF;
	_ =	strace $0x9FFFFFFF  }
0xc3: {  	(tm) =	ssettm $0x7FFFFFFF  }
tec
execute0_lowered:
.L_overlay_start_1:
0x0: {  	(tag) =	ssettag $0x1  }
0x1: {  	v0 =	vimm.f32 $1.500000000e+01;
	vm0 =	vcmask $0x300  }
0x2: {  	vm14 =	vcmask $0x704;
	v0 =	vsel vm0, $0x0, v0  }
0x3: {  	s0 =	rddreg [dreg:$0x0];
	vm15 =	vcmask $0xB08;
	v0 =	vsel vm14, $0x3F800000, v0  }
0x4: {  	s2 =	rddreg [dreg:$0x1];
	vm4 =	vcmask $0xF0C;
	s1 =	simm.s32 $0x0;
	v0 =	vsel vm15, $0x40000000, v0  }
0x5: {  	s3 =	srdreg.scid;
	vm5 =	vcmask $0x1310;
	s5 =	stileid.u32;
	s12 =	simm.s32 $0x80;
	v0 =	vsel vm4, $0x40400000, v0  }
0x6: {  	vm6 =	vcmask $0x1714;
	s13 =	simm.s32 $0x400;
	s14 =	simm.s32 $0x1;
	s15 =	simm.s32 $0x10000;
	v0 =	vsel vm5, $0x40800000, v0  }
0x7: {  	vm7 =	vcmask $0x1B18;
	s16 =	simm.s32 $0x8000;
	s17 =	simm.s32 $0x2;
	s18 =	simm.s32 $0x3;
	v0 =	vsel vm6, $0x40A00000, v0  }
0x8: {  	vm8 =	vcmask $0x1F1C;
	s19 =	simm.s32 $0x4;
	s20 =	simm.s32 $0x18080;
	s21 =	simm.s32 $0x18280;
	v0 =	vsel vm7, $0x40C00000, v0  }
0x9: {  	vm9 =	vcmask $0x2320;
	s22 =	simm.s32 $0x0;
	[smem:$0x7FF] =	sst s1;
	s3 =	sand.u32 $0x1, s3;
	v0 =	vsel vm8, $0x40E00000, v0  }
0xa: {  	vm10 =	vcmask $0x2724;
	s5 =	sshll.u32 s5, $0xF;
	s4 =	ssub.s32 $0x2, s3;
	s3 =	sshll.u32 s3, $0x6;
	v0 =	vsel vm9, $0x41000000, v0  }
0xb: {  	vm11 =	vcmask $0x2B28;
	_ =	strace $0x80000047;
	s6 =	sshrl.u32 s4, $0x1;
	s8 =	sor.u32 s3, s5;
	v1 =	vsel vm10, $0x41100000, v0  }
0xc: {  	vm12 =	vcmask $0x2F2C;
	v2 =	vlaneseq.u32;
	s11 =	ssub.s32 s4, s6;
	s3 =	sadd.s32 s0, s8;
	s7 =	sor.u32 $0x10, s8;
	v1 =	vsel vm11, $0x41200000, v1  }
0xd: {  	vm13 =	vcmask $0x3330;
	v2 =	vmul.u32 $0xFFFFFFFF, v2;
	s5 =	sadd.s32 s2, s8;
	s9 =	sor.u32 $0x20, s8;
	s10 =	sor.u32 $0x30, s8;
	v1 =	vsel vm12, $0x41300000, v1  }
0xe: {  	v4 =	vimm.f32 $1.000000000e+00;
	vm14 =	vcmask $0x3734;
	[dreg:$0x3] =	wrdreg s3;
	s31 =	sadd.s32 s0, s7;
	s6 =	sadd.s32 s0, s9;
	v3 =	vsel vm13, $0x41400000, v1  }
0xf: {  	vm15 =	vcmask $0x3B38;
	v2 =	vadd.s32 $0xF, v2;
	s7 =	sadd.s32 s2, s7;
	s8 =	sadd.s32 s0, s10;
	s9 =	sadd.s32 s2, s9;
	v3 =	vsel vm14, $0x41500000, v3  }
0x10: {  	s10 =	sadd.s32 s2, s10;
	s11 =	smax.u32 s11, $0x1;
	[dreg:$0x4] =	wrdreg s31;
	v0 =	vimm.f32 $0.0e+00;
	v1 =	vimm.s32 $0x0;
	v3 =	vsel vm15, $0x41600000, v3  }
.LBB2_1:
0x11: {  	s0 =	rddreg [dreg:$0x3]  }
0x12: {  	[tilespmem:s1], [sflag:$0x1] =	stream.strided.gather [hbm4b:s0+s12], $0x8000, s13, s12, $0x38;
	[tilespmem:$0x18480] =	vst v63  }
0x13: {  	_ =	swait.ge [sflag:s14], $0x8000  }
0x14: {  	[sflag:s14] =	ssyncset.done $0x0  }
0x15: {  	s2 =	simm.s32 $0x40;
	[sflag:s14] =	ssyncadd.s32 $0xFFFF8000  }
0x16: {  	v5 =	vld [tilespmem:s2+$0x30]  }
0x17: {  	v6 =	vld [tilespmem:s2+$0xFFFFFFD0]  }
0x18: {  	v7 =	vld [tilespmem:s2+$0xFFFFFFE0]  }
0x19: {  	v10 =	vld [tilespmem:s2+$0xFFFFFFF0]  }
0x1a: {  	v11 =	vld [tilespmem:s2+$0x0]  }
0x1b: {  	v8 =	vimm.f32 $-Inf;
	v9 =	vimm.f32 $-Inf;
	v12 =	vld [tilespmem:s2+$0x10]  }
0x1c: {  	s24 =	simm.s32 $0x180C0;
	v13 =	vimm.f32 $-Inf;
	v14 =	vimm.f32 $-Inf;
	v15 =	vimm.f32 $-Inf;
	v16 =	vld [tilespmem:s2+$0x20]  }
0x1d: {  	s23 =	simm.s32 $0x182C0;
	s0 =	simm.s32 $0x0;
	v17 =	vld [tilespmem:s2+$0xFFFFFFC0];
	s2 =	simm.s32 $0xC0;
	v5 =	vmax.f32 v8, v5;
	v6 =	vmax.f32 v8, v6;
	v7 =	vmax.f32 v8, v7  }
.LBB2_2:
0x1e: {  	v18 =	vld [tilespmem:s2+$0x30];
	s0 =	sadd.s32 $0x8, s0;
	v8 =	vmax.f32 v8, v10  }
0x1f: {  	v19 =	vld [tilespmem:s2+$0xFFFFFFD0];
	p0 =	slt.u32 s0, $0x7F8;
	v9 =	vmax.f32 v9, v11  }
0x20: {  	v20 =	vld [tilespmem:s2+$0xFFFFFFE0];
	v13 =	vmax.f32 v13, v12  }
.Ltmp0:
0x21: {  	v10 =	vld [tilespmem:s2+$0xFFFFFFF0];
	v14 =	vmax.f32 v14, v16;
	(pc) =	sbr.rel @p0 .LBB2_2-.Ltmp0, $4  }
0x22: {  	v11 =	vld [tilespmem:s2+$0x0];
	v15 =	vmax.f32 v15, v17  }
0x23: {  	v12 =	vld [tilespmem:s2+$0x10];
	v5 =	vmax.f32 v5, v18  }
0x24: {  	v6 =	vmax.f32 v6, v19;
	v16 =	vld [tilespmem:s2+$0x20]  }
0x25: {  	v17 =	vld [tilespmem:s2+$0xFFFFFFC0];
	v7 =	vmax.f32 v7, v20;
	s2 =	sadd.s32 $0x80, s2  }
0x26: {  	[tilespmem:s24+$0xFFFFFFC0] =	vst v0  }
0x27: {  	[tilespmem:s23+$0xFFFFFFC0] =	vst v0  }
0x28: {  	[tilespmem:s24+$0xFFFFFFD0] =	vst v0  }
0x29: {  	[tilespmem:s23+$0xFFFFFFD0] =	vst v0  }
0x2a: {  	[tilespmem:s24+$0xFFFFFFE0] =	vst v0  }
0x2b: {  	[tilespmem:s23+$0xFFFFFFE0] =	vst v0  }
0x2c: {  	[tilespmem:s24+$0xFFFFFFF0] =	vst v0  }
0x2d: {  	[tilespmem:s23+$0xFFFFFFF0] =	vst v0  }
0x2e: {  	[tilespmem:s24+$0x0] =	vst v0  }
0x2f: {  	[tilespmem:s23+$0x0] =	vst v0  }
0x30: {  	[tilespmem:s24+$0x10] =	vst v0  }
0x31: {  	[tilespmem:s23+$0x10] =	vst v0  }
0x32: {  	[tilespmem:s24+$0x20] =	vst v0  }
0x33: {  	v8 =	vmax.f32 v8, v10;
	v9 =	vmax.f32 v9, v11;
	[tilespmem:s23+$0x20] =	vst v0  }
0x34: {  	s0 =	simm.s32 $0x0;
	v10 =	vmax.f32 v13, v12;
	v11 =	vmax.f32 v14, v16;
	v12 =	vmax.f32 v15, v17;
	[tilespmem:s24+$0x30] =	vst v0  }
.LBB2_4:
0x35: {  	s0 =	sadd.s32 $0x8, s0;
	[tilespmem:s23+$0x30] =	vst v0;
	s24 =	sadd.s32 $0x80, s24;
	s23 =	sadd.s32 $0x80, s23  }
0x36: {  	[tilespmem:s24+$0xFFFFFFC0] =	vst v0;
	p0 =	slt.u32 s0, $0x18  }
0x37: {  	[tilespmem:s23+$0xFFFFFFC0] =	vst v0  }
0x38: {  	[tilespmem:s24+$0xFFFFFFD0] =	vst v0  }
0x39: {  	[tilespmem:s23+$0xFFFFFFD0] =	vst v0  }
0x3a: {  	[tilespmem:s24+$0xFFFFFFE0] =	vst v0  }
0x3b: {  	[tilespmem:s23+$0xFFFFFFE0] =	vst v0  }
0x3c: {  	[tilespmem:s24+$0xFFFFFFF0] =	vst v0  }
0x3d: {  	[tilespmem:s23+$0xFFFFFFF0] =	vst v0  }
0x3e: {  	[tilespmem:s24+$0x0] =	vst v0  }
0x3f: {  	[tilespmem:s23+$0x0] =	vst v0  }
.Ltmp1:
0x40: {  	[tilespmem:s24+$0x10] =	vst v0;
	(pc) =	sbr.rel @p0 .LBB2_4-.Ltmp1, $4  }
0x41: {  	[tilespmem:s23+$0x10] =	vst v0  }
0x42: {  	[tilespmem:s24+$0x20] =	vst v0  }
0x43: {  	[tilespmem:s23+$0x20] =	vst v0  }
0x44: {  	[tilespmem:s24+$0x30] =	vst v0  }
0x45: {  	v6 =	vmax.f32 v12, v6  }
0x46: {  	v6 =	vmax.f32 v6, v7  }
0x47: {  	v6 =	vmax.f32 v6, v8  }
0x48: {  	v6 =	vmax.f32 v6, v9  }
0x49: {  	v6 =	vmax.f32 v6, v10  }
0x4a: {  	v6 =	vmax.f32 v6, v11  }
0x4b: {  	v5 =	vmax.f32 v6, v5  }
0x4c: {  	(xrf0) =	vmax.scan.msk.f32 $0xffff, v5;
	_ =	sdelay $0x5  }
0x4d: {  	v5, _, _ =	vpop (xrf0)  }
0x4e: {  	(v2sf) =	vpush v5, $0xF;
	_ =	sdelay $0xb  }
0x4f: {  	[tilespmem:s23+$0x30] =	vst v0;
	s30 =	simm.s32 $0x40  }
0x50: {  	v8 =	vld [tilespmem:s30+$0xFFFFFFD0]  }
0x51: {  	v6 =	vld [tilespmem:s30+$0xFFFFFFE0]  }
0x52: {  	v9 =	vld [tilespmem:s30+$0x0];
	s0 =	spop (v2sf)  }
0x53: {  	v7 =	vld [tilespmem:s30+$0xFFFFFFC0];
	s0 =	sadd.f32 $-1.000000000e+00, s0;
	_ =	sdelay $0x1  }
0x54: {  	v5 =	vmov s0  }
0x55: {  	v14 =	vsub.f32 v6, v5;
	v6 =	vld [tilespmem:s30+$0xFFFFFFF0]  }
0x56: {  	v16 =	vsub.f32 v8, v5;
	v19 =	vsub.f32 v9, v5;
	v9 =	vld [tilespmem:s30+$0x20]  }
0x57: {  	v15 =	vsub.f32 v7, v5;
	v7 =	vld [tilespmem:s30+$0x30];
	vm0 =	vgt.f32 v14, $0.0e+00  }
0x58: {  	vm1 =	vgt.f32 v16, $0.0e+00;
	v8 =	vmpcnt.ones.xlane vm0  }
0x59: {  	v13 =	vlaneseq.u32;
	vm0 =	vgt.f32 v15, $0.0e+00;
	v11 =	vmpcnt.ones.xlane vm1  }
0x5a: {  	s31 =	simm.s32 $0xC0;
	v12 =	vld [tilespmem:s30+$0x10];
	vm1 =	vgt.f32 v19, $0.0e+00;
	v10 =	vmpcnt.ones.xlane vm0;
	vm2 =	vgt.s32 v8, $0x0  }
0x5b: {  	v21 =	vld [tilespmem:s31+$0xFFFFFFC0];
	vm0 =	vgt.s32 v11, $0x0;
	v20 =	vsub.f32 v6, v5;
	v6 =	vsub.f32 v9, v5  }
0x5c: {  	v11 =	vld [tilespmem:s31+$0x0];
	v7 =	vsub.f32 v7, v5;
	v9 =	vmpcnt.ones.xlane vm1;
	vm4 =	vgt.s32 v10, $0x0  }
0x5d: {  	v8 =	vld [tilespmem:s31+$0xFFFFFFE0];
	v10 =	vsel vm2, $0x10, v1;
	v18 =	vsel vm0, $0x10, v1;
	v17 =	vsel vm4, $0x10, v1  }
0x5e: {  	vm3 =	vgt.f32 v20, $0.0e+00;
	vm5 =	vgt.s32 v9, $0x0;
	v17 =	vadd.s32 v13, v17  }
0x5f: {  	vm1 =	vgt.f32 v7, $0.0e+00;
	v23 =	vmpcnt.ones.xlane vm3;
	v18 =	vadd.s32 v17, v18  }
0x60: {  	v24 =	vmpcnt.ones.xlane vm1;
	v22 =	vadd.s32 v18, v10;
	v10 =	vsub.f32 v12, v5  }
0x61: {  	v12 =	vld [tilespmem:s31+$0xFFFFFFD0];
	v9 =	vsub.f32 v11, v5;
	v11 =	vsub.f32 v21, v5;
	vm6 =	vgt.s32 v23, $0x0  }
0x62: {  	v8 =	vsub.f32 v8, v5;
	v23 =	vsel vm6, $0x10, v1;
	vm3 =	vgt.f32 v10, $0.0e+00  }
0x63: {  	vm7 =	vgt.f32 v11, $0.0e+00;
	v23 =	vadd.s32 v22, v23;
	[tilespmem:v13+s15+$0x0] =	vst.idx.msk vm4, v15;
	vm4 =	vgt.f32 v6, $0.0e+00  }
0x64: {  	v15 =	vsel vm5, $0x10, v1;
	v21 =	vmpcnt.ones.xlane vm3;
	vm3 =	vgt.f32 v8, $0.0e+00  }
0x65: {  	v63 =	vmpcnt.ones.xlane vm4;
	v25 =	vmpcnt.ones.xlane vm3;
	vm3 =	vgt.f32 v9, $0.0e+00  }
0x66: {  	v13 =	vld [tilespmem:s31+$0xFFFFFFF0];
	[tilespmem:v17+s15+$0x0] =	vst.idx.msk vm0, v16;
	vm1 =	vgt.s32 v21, $0x0;
	v21 =	vmpcnt.ones.xlane vm7;
	v12 =	vsub.f32 v12, v5  }
0x67: {  	v17 =	vld [tilespmem:s31+$0x30];
	[tilespmem:v18+s15+$0x0] =	vst.idx.msk vm2, v14;
	v14 =	vadd.s32 v23, v15;
	v26 =	vsel vm1, $0x10, v1;
	vm0 =	vgt.s32 v25, $0x0  }
0x68: {  	v18 =	vld [tilespmem:s31+$0x20];
	vm4 =	vgt.f32 v12, $0.0e+00;
	vm2 =	vgt.s32 v21, $0x0;
	v16 =	vsel vm0, $0x10, v1  }
0x69: {  	[tilespmem:v22+s15+$0x0] =	vst.idx.msk vm6, v20;
	v15 =	vadd.s32 v14, v26;
	v21 =	vmpcnt.ones.xlane vm4;
	vm4 =	vgt.s32 v63, $0x0  }
0x6a: {  	s23 =	simm.s32 $0x8;
	s24 =	simm.s32 $0x140;
	[tilespmem:v23+s15+$0x0] =	vst.idx.msk vm5, v19;
	v19 =	vld [tilespmem:s31+$0x10];
	vm5 =	vgt.s32 v24, $0x0;
	v20 =	vsel vm2, $0x10, v1;
	v22 =	vsel vm4, $0x10, v1  }
.LBB2_6:
0x6b: {  	v23 =	vld [tilespmem:s24+$0xFFFFFFE0];
	s23 =	sadd.s32 $0x8, s23;
	vm6 =	vgt.s32 v21, $0x0;
	v21 =	vadd.s32 v15, v22;
	v22 =	vsel vm5, $0x10, v1  }
0x6c: {  	v26 =	vsub.f32 v13, v5;
	v24 =	vld [tilespmem:s24+$0x0];
	p0 =	slt.u32 s23, $0x7F8;
	v25 =	vsel vm6, $0x10, v1;
	v22 =	vadd.s32 v21, v22  }
0x6d: {  	v17 =	vsub.f32 v17, v5;
	v13 =	vld [tilespmem:s24+$0xFFFFFFF0];
	v20 =	vadd.s32 v22, v20;
	v18 =	vsub.f32 v18, v5  }
0x6e: {  	v28 =	vmpcnt.ones.xlane vm3;
	vm7 =	vgt.f32 v26, $0.0e+00;
	v27 =	vld [tilespmem:s24+$0xFFFFFFC0];
	v25 =	vadd.s32 v20, v25;
	[tilespmem:v14+s15+$0x0] =	vst.idx.msk vm1, v10  }
0x6f: {  	v29 =	vmpcnt.ones.xlane vm7;
	v14 =	vld [tilespmem:s24+$0xFFFFFFD0];
	v16 =	vadd.s32 v25, v16;
	v10 =	vsub.f32 v19, v5;
	[tilespmem:v15+s15+$0x0] =	vst.idx.msk vm4, v6  }
0x70: {  	vm1 =	vgt.f32 v17, $0.0e+00;
	vm4 =	vgt.s32 v28, $0x0;
	v6 =	vmovc v18;
	v15 =	vsub.f32 v23, v5;
	[tilespmem:v21+s15+$0x0] =	vst.idx.msk vm5, v7  }
0x71: {  	v7 =	vmovc v17;
	v19 =	vsub.f32 v24, v5;
	[tilespmem:v22+s15+$0x0] =	vst.idx.msk vm2, v11;
	vm2 =	vgt.s32 v29, $0x0;
	vm5 =	vgt.f32 v10, $0.0e+00  }
0x72: {  	v23 =	vmpcnt.ones.xlane vm1;
	vm7 =	vgt.f32 v15, $0.0e+00;
	[tilespmem:v20+s15+$0x0] =	vst.idx.msk vm6, v12;
	v12 =	vsel vm2, $0x10, v1  }
0x73: {  	v17 =	vmpcnt.ones.xlane vm5;
	v11 =	vsub.f32 v27, v5;
	vm3 =	vgt.f32 v19, $0.0e+00;
	[tilespmem:v25+s15+$0x0] =	vst.idx.msk vm0, v8;
	v8 =	vmovc v15  }
0x74: {  	vm5 =	vgt.f32 v6, $0.0e+00;
	v15 =	vmpcnt.ones.xlane vm7;
	v22 =	vadd.s32 v16, v12  }
0x75: {  	v12 =	vsub.f32 v14, v5;
	vm1 =	vgt.s32 v17, $0x0;
	vm0 =	vgt.f32 v11, $0.0e+00  }
.Ltmp2:
0x76: {  	v20 =	vsel vm4, $0x10, v1;
	v24 =	vsel vm1, $0x10, v1;
	v14 =	vmpcnt.ones.xlane vm0;
	(pc) =	sbr.rel @p0 .LBB2_6-.Ltmp2, $4  }
0x77: {  	vm6 =	vgt.f32 v12, $0.0e+00;
	vm0 =	vgt.s32 v15, $0x0;
	v15 =	vmpcnt.ones.xlane vm5;
	v17 =	vld [tilespmem:s24+$0x30];
	[tilespmem:v16+s15+$0x0] =	vst.idx.msk vm2, v26  }
0x78: {  	v16 =	vsel vm0, $0x10, v1;
	vm2 =	vgt.s32 v14, $0x0;
	v18 =	vld [tilespmem:s24+$0x20];
	v14 =	vadd.s32 v22, v20  }
0x79: {  	v21 =	vmpcnt.ones.xlane vm6;
	v20 =	vsel vm2, $0x10, v1;
	[tilespmem:v22+s15+$0x0] =	vst.idx.msk vm4, v9;
	vm4 =	vgt.s32 v15, $0x0;
	v9 =	vmovc v19  }
0x7a: {  	vm5 =	vgt.s32 v23, $0x0;
	v15 =	vadd.s32 v14, v24;
	v19 =	vld [tilespmem:s24+$0x10];
	s24 =	sadd.s32 $0x80, s24;
	v22 =	vsel vm4, $0x10, v1  }
0x7b: {  	_ = 	snop  }
0x7c: {  	v22 =	vadd.s32 v15, v22;
	v23 =	vsel vm5, $0x10, v1;
	vm6 =	vgt.s32 v21, $0x0  }
0x7d: {  	v13 =	vsub.f32 v13, v5;
	v24 =	vmpcnt.ones.xlane vm3;
	v56 =	vadd.s32 v22, v23  }
0x7e: {  	v57 =	vsel vm6, $0x10, v1;
	v17 =	vsub.f32 v17, v5;
	v20 =	vadd.s32 v56, v20  }
0x7f: {  	vm7 =	vgt.f32 v13, $0.0e+00;
	v18 =	vsub.f32 v18, v5;
	v19 =	vsub.f32 v19, v5  }
0x80: {  	vm3 =	vgt.s32 v24, $0x0;
	v23 =	vadd.s32 v20, v57;
	v25 =	vmpcnt.ones.xlane vm7  }
0x81: {  	vm13 =	vgt.f32 v17, $0.0e+00;
	v59 =	vsel vm3, $0x10, v1;
	vm8 =	vgt.f32 v19, $0.0e+00  }
0x82: {  	vm14 =	vgt.f32 v18, $0.0e+00;
	vm9 =	vgt.s32 v25, $0x0;
	v58 =	vmpcnt.ones.xlane vm8  }
0x83: {  	v16 =	vadd.s32 v23, v16;
	v27 =	vmpcnt.ones.xlane vm14;
	v25 =	vsel vm9, $0x10, v1  }
0x84: {  	v26 =	vmpcnt.ones.xlane vm13;
	v25 =	vadd.s32 v16, v25;
	vm15 =	vgt.s32 v58, $0x0  }
0x85: {  	vm8 =	vgt.s32 v27, $0x0;
	v24 =	vadd.s32 v25, v59;
	v28 =	vsel vm15, $0x10, v1  }
0x86: {  	vm10 =	vgt.s32 v26, $0x0;
	v61 =	vsel vm8, $0x10, v1;
	v60 =	vadd.s32 v24, v28  }
0x87: {  	v63 =	vsel vm10, $0x10, v1;
	v62 =	vadd.s32 v60, v61  }
0x88: {  	v28 =	vadd.s32 v62, v63  }
0x89: {  	(v2sf) =	vpush v28, $0x0;
	_ =	sdelay $0xb  }
0x8a: {  	[tilespmem:v14+s15+$0x0] =	vst.idx.msk vm1, v10  }
0x8b: {  	[tilespmem:v15+s15+$0x0] =	vst.idx.msk vm4, v6  }
0x8c: {  	[tilespmem:v22+s15+$0x0] =	vst.idx.msk vm5, v7  }
0x8d: {  	[tilespmem:v56+s15+$0x0] =	vst.idx.msk vm2, v11;
	s0 =	spop (v2sf)  }
0x8e: {  	[tilespmem:v20+s15+$0x0] =	vst.idx.msk vm6, v12;
	s2 =	sadd.s32 $0xF, s0  }
0x8f: {  	[tilespmem:v23+s15+$0x0] =	vst.idx.msk vm0, v8;
	s23 =	sshrl.u32 s2, $0x4  }
0x90: {  	[tilespmem:v16+s15+$0x0] =	vst.idx.msk vm9, v13;
	p0 =	seq.s32 s23, $0x0  }
.Ltmp3:
0x91: {  	[tilespmem:v25+s15+$0x0] =	vst.idx.msk vm3, v9;
	(pc) =	sbr.rel @p0 .LBB2_11-.Ltmp3, $4  }
0x92: {  	[tilespmem:v24+s15+$0x0] =	vst.idx.msk vm15, v19  }
0x93: {  	[tilespmem:v60+s15+$0x0] =	vst.idx.msk vm8, v18  }
0x94: {  	[tilespmem:v62+s15+$0x0] =	vst.idx.msk vm10, v17  }
0x95: {  	[tilespmem:s0+$0x10000] =	vst v0;
	s0 =	simm.s32 $0x10000  }
0x96: {  	p1 =	sne.s32 s23, $0x1  }
.Ltmp4:
0x97: {  	_ = 	snop;
	(pc) =	sbr.rel @!p1 .LBB2_10-.Ltmp4, $3  }
0x98: {  	_ =	sdelay $0x1  }
0x99: {  	v6 =	vld [tilespmem:s0+$0x0]  }
0x9a: {  	s2 =	sadd.s32 $0xFFFFFFFF, s23  }
.LBB2_9:
0x9b: {  	p1 =	sne.s32 s2, $0x1;
	_ =	sdelay $0x2  }
0x9c: {  	v7 =	vmul.f32 $5.120000000e+02, v6;
	_ =	sdelay $0x1  }
0x9d: {  	v7 =	vmax.f32 v7, $0.0e+00  }
0x9e: {  	v7 =	vmin.f32 v7, $5.110000000e+02  }
0x9f: {  	v7 =	vtrunc.f32 v7  }
0xa0: {  	vm0 =	vgt.f32 v6, $0.0e+00;
	v7 =	vcvt.f32.s32 v7;
	_ =	sdelay $0x4  }
.Ltmp5:
0xa1: {  	(pc) =	sbr.rel @p1 .LBB2_9-.Ltmp5, $4  }
0xa2: {  	[tilespmem:v7+s20+$0x0] =	vst.idx.add.f32.msk vm0, v4  }
0xa3: {  	s0 =	sadd.s32 $0x10, s0;
	[tilespmem:v7+s21+$0x0] =	vst.idx.add.f32.msk vm0, v6  }
0xa4: {  	v6 =	vld [tilespmem:s0+$0x0]  }
0xa5: {  	s2 =	sadd.s32 $0xFFFFFFFF, s2  }
.LBB2_10:
0xa6: {  	_ =	sdelay $0x2  }
0xa7: {  	v7 =	vmul.f32 $5.120000000e+02, v6;
	_ =	sdelay $0x1  }
0xa8: {  	v7 =	vmax.f32 v7, $0.0e+00  }
0xa9: {  	v7 =	vmin.f32 v7, $5.110000000e+02  }
0xaa: {  	v7 =	vtrunc.f32 v7  }
0xab: {  	vm0 =	vgt.f32 v6, $0.0e+00;
	v7 =	vcvt.f32.s32 v7;
	_ =	sdelay $0x5  }
0xac: {  	[tilespmem:v7+s20+$0x0] =	vst.idx.add.f32.msk vm0, v4  }
0xad: {  	[tilespmem:v7+s21+$0x0] =	vst.idx.add.f32.msk vm0, v6  }
.LBB2_11:
0xae: {  	s0 =	simm.s32 $0x18270  }
0xaf: {  	v6 =	vld [tilespmem:s0+$0x0]  }
0xb0: {  	s25 =	simm.s32 $0x18470  }
0xb1: {  	v7 =	vld [tilespmem:s25+$0x0];
	_ =	sdelay $0x2  }
0xb2: {  	v6 =	vperm.xlane v6, v2;
	_ =	sdelay $0x1  }
0xb3: {  	s26 =	simm.s32 $0x18260;
	(xrf2) =	vadd.scan.msk.f32 $0xffff, v6;
	v6 =	vperm.xlane v7, v2  }
0xb4: {  	s2 =	simm.s32 $0x18460;
	v7 =	vld [tilespmem:s26+$0x0]  }
0xb5: {  	(xrf2) =	vadd.scan.msk.f32 $0xffff, v6;
	v6 =	vld [tilespmem:s2+$0x0];
	_ =	sdelay $0x3  }
0xb6: {  	s3 =	simm.s32 $0x18250;
	v7 =	vperm.xlane v7, v2  }
0xb7: {  	s4 =	simm.s32 $0x18450;
	v8 =	vld [tilespmem:s3+$0x0];
	v6 =	vperm.xlane v6, v2  }
0xb8: {  	s24 =	simm.s32 $0x18240;
	v9 =	vld [tilespmem:s4+$0x0];
	(xrf2) =	vadd.scan.msk.f32 $0xffff, v7  }
0xb9: {  	(xrf2) =	vadd.scan.msk.f32 $0xffff, v6;
	v6 =	vld [tilespmem:s24+$0x0]  }
0xba: {  	v10, _, _ =	vpop (xrf2)  }
0xbb: {  	s25 =	simm.s32 $0x18440;
	v10 =	vperm.xlane v10, v2  }
0xbc: {  	v11 =	vld [tilespmem:s25+$0x0];
	v7 =	vperm.xlane v8, v2  }
0xbd: {  	v8 =	vperm.xlane v9, v2;
	(v2sf) =	vpush v10, $0x0  }
0xbe: {  	v9, _, _ =	vpop (xrf2);
	(xrf2) =	vadd.scan.msk.f32 $0xffff, v7;
	v6 =	vperm.xlane v6, v2  }
0xbf: {  	(xrf2) =	vadd.scan.msk.f32 $0xffff, v8  }
0xc0: {  	(xrf2) =	vadd.scan.msk.f32 $0xffff, v6  }
0xc1: {  	s26 =	simm.s32 $0x1F0;
	v6 =	vperm.xlane v11, v2  }
0xc2: {  	s0 =	scvt.s32.f32 s26;
	s2 =	simm.s32 $0x18230  }
0xc3: {  	s3 =	simm.s32 $0x18430;
	v12 =	vperm.xlane v9, v2;
	v9 =	vld [tilespmem:s2+$0x0];
	v7, _, _ =	vpop (xrf2)  }
0xc4: {  	v14 =	vld [tilespmem:s3+$0x0];
	v15 =	vperm.xlane v7, v2;
	v7 =	vadd.f32 s0, v3  }
0xc5: {  	(v2sf) =	vpush v12, $0x0;
	(xrf2) =	vadd.scan.msk.f32 $0xffff, v6;
	s0 =	simm.f32 $0.0e+00;
	v6, _, _ =	vpop (xrf2)  }
0xc6: {  	v10 =	vadd.f32 s0, v10;
	v13 =	vperm.xlane v6, v2;
	v6 =	vadd.f32 $-2.000000000e+00, v7  }
0xc7: {  	(v2sf) =	vpush v15, $0x0  }
0xc8: {  	v17 =	vperm.xlane v9, v2;
	v9, _, _ =	vpop (xrf2);
	v6 =	vmul.f32 $-1.953125000e-03, v6  }
0xc9: {  	s4 =	simm.s32 $0x18220;
	v20 =	vperm.xlane v14, v2;
	s24 =	simm.s32 $0x1E0;
	v11 =	vperm.xlane v9, v2;
	v18, _, _ =	vpop (xrf2)  }
0xca: {  	v16 =	vld [tilespmem:s4+$0x0];
	s2 =	scvt.s32.f32 s24;
	s24 =	simm.s32 $0x18420;
	(v2sf) =	vpush v13, $0x0;
	v14 =	vperm.xlane v18, v2;
	v6 =	vmul.f32 v10, v6;
	v10, _, _ =	vpop (xrf2)  }
0xcb: {  	v19 =	vld [tilespmem:s24+$0x0];
	(v2sf) =	vpush v11, $0x0;
	v10 =	vperm.xlane v10, v2  }
0xcc: {  	s3 =	spop (v2sf);
	(v2sf) =	vpush v14, $0x0  }
0xcd: {  	(xrf2) =	vadd.scan.msk.f32 $0xffff, v17;
	(v2sf) =	vpush v10, $0x0;
	_ =	sdelay $0x1  }
0xce: {  	v16 =	vperm.xlane v16, v2;
	s26 =	simm.s32 $0x18210;
	v12 =	vadd.f32 s0, v12;
	v9 =	vadd.f32 s2, v3  }
0xcf: {  	s25 =	simm.s32 $0x1D0;
	v19 =	vperm.xlane v19, v2;
	(xrf2) =	vadd.scan.msk.f32 $0xffff, v20;
	v18 =	vld [tilespmem:s26+$0x0]  }
0xd0: {  	s24 =	scvt.s32.f32 s25;
	(xrf2) =	vadd.scan.msk.f32 $0xffff, v16;
	v21 =	vadd.f32 $-2.000000000e+00, v9;
	s28 =	sadd.f32 s3, s0  }
0xd1: {  	s30 =	simm.s32 $0x18410;
	(xrf2) =	vadd.scan.msk.f32 $0xffff, v19;
	v17 =	vadd.f32 v6, v12  }
0xd2: {  	s31 =	simm.s32 $0x180;
	s4 =	simm.s32 $0x1C0;
	s25 =	simm.s32 $0x190;
	v6 =	vadd.f32 s24, v3;
	v20 =	vmul.f32 $-1.953125000e-03, v21;
	v12, _, _ =	vpop (xrf2);
	v63 =	vadd.f32 s28, v15  }
0xd3: {  	v8 =	vimm.f32 $-1.000000000e+00;
	s2 =	scvt.s32.f32 s4;
	s26 =	simm.s32 $0x1B0;
	v12 =	vperm.xlane v12, v2;
	v16 =	vadd.f32 $-1.000000000e+00, v17;
	s29 =	spop (v2sf)  }
0xd4: {  	s24 =	simm.s32 $0x1A0;
	v18 =	vperm.xlane v18, v2;
	v17 =	vadd.f32 $-2.000000000e+00, v6;
	v15 =	vld [tilespmem:s30+$0x0];
	s29 =	sadd.f32 s29, s0;
	s0 =	simm.s32 $0x18200;
	v19 =	vmul.f32 v63, v20  }
.LBB2_12:
0xd5: {  	s3 =	spop (v2sf)  }
0xd6: {  	v20 =	vld [tilespmem:s0+$0x0];
	v21, _, _ =	vpop (xrf2);
	(v2sf) =	vpush v12, $0x0;
	v23 =	vadd.f32 s29, v13;
	vm0 =	vgt.f32 v16, $0.0e+00;
	s4 =	smov.u32 s24;
	s24 =	smov.u32 s25;
	p1 =	sne.s32 s31, $0x0  }
.Ltmp6:
0xd7: {  	s25 =	smov.u32 s31;
	v21 =	vperm.xlane v21, v2;
	s28 =	sadd.f32 s3, s28;
	v16 =	vnsel vm0, $0xBF800000, v7;
	v7 =	vmovc v9;
	v9 =	vmovc v6;
	v6 =	vadd.f32 s2, v3;
	(pc) =	sbr.rel @p1 .LBB2_12-.Ltmp6, $4  }
0xd8: {  	v13 =	vmovc v14;
	v22 =	vmul.f32 $-1.953125000e-03, v17;
	(xrf2) =	vadd.scan.msk.f32 $0xffff, v18;
	v17 =	vadd.f32 v19, v23;
	v8 =	vmax.f32 v8, v16  }
0xd9: {  	s30 =	sadd.s32 $0xFFFFFFF0, s30;
	v19 =	vperm.xlane v15, v2;
	v18, _, _ =	vpop (xrf2);
	(v2sf) =	vpush v21, $0x0;
	v23 =	vadd.f32 s28, v11;
	s2 =	spop (v2sf)  }
0xda: {  	s31 =	sadd.s32 $0xFFFFFFF0, s31;
	v14 =	vmovc v12;
	v11 =	vmovc v10;
	v10 =	vmov v21;
	v15 =	vld [tilespmem:s30+$0x0];
	v16 =	vadd.f32 $-1.000000000e+00, v17;
	s29 =	sadd.f32 s2, s29;
	v12 =	vperm.xlane v18, v2  }
0xdb: {  	s0 =	sadd.s32 $0xFFFFFFF0, s0;
	s2 =	scvt.s32.f32 s26;
	v17 =	vadd.f32 $-2.000000000e+00, v6;
	s26 =	smov.u32 s4;
	v18 =	vperm.xlane v20, v2;
	(xrf2) =	vadd.scan.msk.f32 $0xffff, v19;
	v19 =	vmul.f32 v23, v22  }
0xdc: {  	_ =	sdelay $0x4  }
0xdd: {  	v20, _, _ =	vpop (xrf2)  }
0xde: {  	v20 =	vperm.xlane v20, v2;
	v21, _, _ =	vpop (xrf2)  }
0xdf: {  	(v2sf) =	vpush v12, $0x0;
	v21 =	vperm.xlane v21, v2;
	v22, _, _ =	vpop (xrf2)  }
0xe0: {  	(v2sf) =	vpush v20, $0x0;
	v22 =	vperm.xlane v22, v2  }
0xe1: {  	(v2sf) =	vpush v21, $0x0;
	v23, _, _ =	vpop (xrf2)  }
0xe2: {  	(v2sf) =	vpush v22, $0x0;
	v23 =	vperm.xlane v23, v2;
	_ =	sdelay $0x1  }
0xe3: {  	(v2sf) =	vpush v23, $0x0;
	_ =	sdelay $0x1  }
0xe4: {  	v15 =	vperm.xlane v15, v2  }
0xe5: {  	s0 =	spop (v2sf);
	v13 =	vadd.f32 s29, v13;
	(xrf2) =	vadd.scan.msk.f32 $0xffff, v18  }
0xe6: {  	vm0 =	vgt.f32 v16, $0.0e+00;
	s4 =	scvt.s32.f32 s26;
	s0 =	sadd.f32 s0, s28;
	(xrf2) =	vadd.scan.msk.f32 $0xffff, v15  }
0xe7: {  	s3 =	spop (v2sf);
	v47 =	vadd.f32 s2, v3;
	v48 =	vmul.f32 $-1.953125000e-03, v17;
	s28 =	scvt.s32.f32 s24;
	v13 =	vadd.f32 v19, v13  }
0xe8: {  	v7 =	vnsel vm0, $0xBF800000, v7;
	s30 =	spop (v2sf);
	s3 =	sadd.f32 s3, s29;
	v49 =	vadd.f32 s4, v3;
	v11 =	vadd.f32 s0, v11  }
0xe9: {  	v7 =	vmax.f32 v8, v7;
	v8 =	vadd.f32 $-2.000000000e+00, v47;
	s0 =	sadd.f32 s30, s0;
	s30 =	scvt.s32.f32 s25;
	v50 =	vadd.f32 s28, v3  }
0xea: {  	v13 =	vadd.f32 $-1.000000000e+00, v13;
	v14 =	vadd.f32 s3, v14;
	s31 =	spop (v2sf)  }
0xeb: {  	v11 =	vmul.f32 v11, v48;
	v10 =	vadd.f32 s0, v10;
	v52 =	vadd.f32 s30, v3;
	s2 =	sadd.f32 s31, s3;
	s26 =	spop (v2sf)  }
0xec: {  	v8 =	vmul.f32 $-1.953125000e-03, v8;
	v55 =	vadd.f32 $-2.000000000e+00, v50;
	vm10 =	vgt.f32 v13, $0.0e+00;
	s0 =	sadd.f32 s26, s0;
	s29 =	spop (v2sf)  }
0xed: {  	v9 =	vnsel vm10, $0xBF800000, v9;
	v11 =	vadd.f32 v11, v14;
	v57 =	vadd.f32 $-2.000000000e+00, v52;
	s3 =	sadd.f32 s29, s2;
	s31 =	spop (v2sf)  }
0xee: {  	v8 =	vmul.f32 v10, v8;
	v7 =	vmax.f32 v7, v9;
	v9 =	vadd.f32 $-2.000000000e+00, v49;
	s24 =	sadd.f32 s31, s0;
	s25 =	spop (v2sf)  }
0xef: {  	v58 =	vmul.f32 $-1.953125000e-03, v55;
	v17 =	vmul.f32 $-1.953125000e-03, v57;
	v11 =	vadd.f32 $-1.000000000e+00, v11;
	v10, _, _ =	vpop (xrf2);
	s26 =	sadd.f32 s25, s3;
	s28 =	spop (v2sf)  }
0xf0: {  	v9 =	vmul.f32 $-1.953125000e-03, v9;
	v10 =	vperm.xlane v10, v2;
	v53, _, _ =	vpop (xrf2);
	v54 =	vadd.f32 s0, v20;
	s4 =	sadd.f32 s28, s24  }
0xf1: {  	v51 =	vadd.f32 s2, v12;
	v56 =	vperm.xlane v53, v2;
	v59 =	vadd.f32 s24, v22;
	s29 =	spop (v2sf)  }
0xf2: {  	v9 =	vmul.f32 v54, v9;
	v60 =	vadd.f32 s3, v21;
	v61 =	vadd.f32 s4, v10;
	s2 =	sadd.f32 s29, s26  }
0xf3: {  	v8 =	vadd.f32 v8, v51;
	v62 =	vadd.f32 s26, v23;
	v18 =	vmul.f32 v59, v58  }
0xf4: {  	v9 =	vadd.f32 v9, v60;
	v17 =	vmul.f32 v61, v17;
	v63 =	vadd.f32 s2, v56  }
0xf5: {  	vm11 =	vgt.f32 v11, $0.0e+00;
	v8 =	vadd.f32 $-1.000000000e+00, v8;
	v11 =	vadd.f32 v18, v62  }
0xf6: {  	v6 =	vnsel vm11, $0xBF800000, v6;
	v9 =	vadd.f32 $-1.000000000e+00, v9;
	v17 =	vadd.f32 v17, v63  }
0xf7: {  	v6 =	vmax.f32 v7, v6;
	vm12 =	vgt.f32 v8, $0.0e+00;
	v7 =	vadd.f32 $-1.000000000e+00, v11  }
0xf8: {  	v8 =	vnsel vm12, $0xBF800000, v47;
	vm13 =	vgt.f32 v9, $0.0e+00;
	v9 =	vadd.f32 $-1.000000000e+00, v17  }
0xf9: {  	v6 =	vmax.f32 v6, v8;
	v8 =	vnsel vm13, $0xBF800000, v49;
	vm14 =	vgt.f32 v7, $0.0e+00  }
0xfa: {  	v6 =	vmax.f32 v6, v8;
	v7 =	vnsel vm14, $0xBF800000, v50;
	vm15 =	vgt.f32 v9, $0.0e+00  }
0xfb: {  	v6 =	vmax.f32 v6, v7;
	v7 =	vnsel vm15, $0xBF800000, v52  }
0xfc: {  	v6 =	vmax.f32 v6, v7  }
0xfd: {  	(xrf0) =	vmax.scan.msk.f32 $0xffff, v6;
	_ =	sdelay $0x4  }
0xfe: {  	(v2sf) =	vpush v10, $0x0  }
0xff: {  	(v2sf) =	vpush v56, $0x0;
	v6, _, _ =	vpop (xrf0)  }
0x100: {  	(v2sf) =	vpush v6, $0xF;
	_ =	sdelay $0xc  }
0x101: {  	s30 =	spop (v2sf)  }
0x102: {  	s31 =	spop (v2sf)  }
0x103: {  	s0 =	spop (v2sf)  }
0x104: {  	s0 =	sadd.f32 $-2.000000000e+00, s0  }
.Ltmp7:
0x105: {  	_ = 	snop;
	(pc) =	sbr.rel @p0 .LBB2_17-.Ltmp7, $3  }
0x106: {  	s0 =	smul.f32 $1.953125000e-03, s0;
	_ =	sdelay $0x1  }
0x107: {  	v8 =	vimm.f32 $0.0e+00;
	s0 =	smax.f32 s0, $0.0e+00  }
0x108: {  	s2 =	simm.s32 $0x10000;
	v9 =	vimm.f32 $0.0e+00;
	v6 =	vimm.f32 $0.0e+00;
	v7 =	vmov s0  }
0x109: {  	v8 =	vld [tilespmem:s2+$0x0];
	p1 =	sne.s32 s23, $0x1  }
.Ltmp8:
0x10a: {  	_ = 	snop;
	(pc) =	sbr.rel @!p1 .LBB2_16-.Ltmp8, $2  }
0x10b: {  	_ =	sdelay $0x2  }
0x10c: {  	s0 =	sadd.s32 $0xFFFFFFFF, s23;
	s2 =	sadd.s32 $0x10, s2;
	v9 =	vimm.f32 $0.0e+00;
	v10 =	vsub.f32 v8, v7;
	v8 =	vimm.f32 $0.0e+00  }
.LBB2_15:
0x10d: {  	v11 =	vld [tilespmem:s2+$0x0];
	p1 =	sne.s32 s0, $0x1;
	s0 =	sadd.s32 $0xFFFFFFFF, s0  }
.Ltmp9:
0x10e: {  	v10 =	vmax.f32 v10, $0.0e+00;
	(pc) =	sbr.rel @p1 .LBB2_15-.Ltmp9, $4  }
0x10f: {  	v8 =	vadd.f32 v10, v8;
	vm0 =	vgt.f32 v10, $0.0e+00  }
0x110: {  	v10 =	vsel vm0, $0x3F800000, v0  }
0x111: {  	v9 =	vadd.f32 v10, v9  }
0x112: {  	s2 =	sadd.s32 $0x10, s2;
	v10 =	vsub.f32 v11, v7  }
.LBB2_16:
0x113: {  	_ = 	snop  }
0x114: {  	v10 =	vmax.f32 v10, $0.0e+00  }
0x115: {  	vm0 =	vgt.f32 v10, $0.0e+00  }
0x116: {  	v11 =	vsel vm0, $0x3F800000, v0  }
0x117: {  	v8 =	vadd.f32 v10, v8;
	v9 =	vadd.f32 v11, v9  }
.LBB2_17:
0x118: {  	_ = 	snop  }
0x119: {  	(xrf2) =	vadd.scan.msk.f32 $0xffff, v8  }
0x11a: {  	(xrf2) =	vadd.scan.msk.f32 $0xffff, v9;
	_ =	sdelay $0x8  }
0x11b: {  	v8, _, _ =	vpop (xrf2)  }
0x11c: {  	v9, _, _ =	vpop (xrf2)  }
0x11d: {  	v9 =	vmax.f32 v9, $1.000000000e+00  }
0x11e: {  	v9 =	vbroadcast v9, $0xF;
	_ =	sdelay $0x1  }
0x11f: {  	(erf) = vrcp.f32 v9;
	_ =	sdelay $0x5  }
0x120: {  	v8 =	vadd.f32 $-1.000000000e+00, v8;
	_ =	sdelay $0x1  }
.Ltmp10:
0x121: {  	v8 =	vbroadcast v8, $0xF;
	(pc) =	sbr.rel @p0 .LBB2_18-.Ltmp10, $3  }
0x122: {  	v9 =	vpop (erf)  }
0x123: {  	v8 =	vmul.f32 v9, v8;
	_ =	sdelay $0x1  }
0x124: {  	s2 =	simm.s32 $0x10000;
	v7 =	vadd.f32 v8, v7  }
0x125: {  	v8 =	vld [tilespmem:s2+$0x0];
	p1 =	sne.s32 s23, $0x1  }
.Ltmp11:
0x126: {  	_ = 	snop;
	(pc) =	sbr.rel @!p1 .LBB2_21-.Ltmp11, $2  }
0x127: {  	_ =	sdelay $0x2  }
0x128: {  	s0 =	sadd.s32 $0xFFFFFFFF, s23;
	s2 =	sadd.s32 $0x10, s2;
	v9 =	vsub.f32 v8, v7;
	v8 =	vimm.f32 $0.0e+00  }
.LBB2_20:
0x129: {  	v10 =	vld [tilespmem:s2+$0x0];
	p1 =	sne.s32 s0, $0x1;
	s0 =	sadd.s32 $0xFFFFFFFF, s0  }
.Ltmp12:
0x12a: {  	v9 =	vmax.f32 v9, $0.0e+00;
	(pc) =	sbr.rel @p1 .LBB2_20-.Ltmp12, $4  }
0x12b: {  	v6 =	vadd.f32 v9, v6;
	vm0 =	vgt.f32 v9, $0.0e+00  }
0x12c: {  	v9 =	vsel vm0, $0x3F800000, v0  }
0x12d: {  	v8 =	vadd.f32 v9, v8  }
0x12e: {  	s2 =	sadd.s32 $0x10, s2;
	v9 =	vsub.f32 v10, v7  }
.LBB2_21:
.Ltmp13:
0x12f: {  	_ = 	snop;
	(pc) =	sbr.rel .LBB2_22-.Ltmp13, $4  }
0x130: {  	v9 =	vmax.f32 v9, $0.0e+00  }
0x131: {  	vm0 =	vgt.f32 v9, $0.0e+00  }
0x132: {  	v10 =	vsel vm0, $0x3F800000, v0  }
0x133: {  	v6 =	vadd.f32 v9, v6;
	v8 =	vadd.f32 v10, v8  }
.LBB2_18:
0x134: {  	v8 =	vimm.f32 $0.0e+00  }
.LBB2_22:
0x135: {  	_ = 	snop  }
0x136: {  	(xrf2) =	vadd.scan.msk.f32 $0xffff, v6  }
0x137: {  	(xrf2) =	vadd.scan.msk.f32 $0xffff, v8;
	_ =	sdelay $0x8  }
0x138: {  	v6, _, _ =	vpop (xrf2)  }
0x139: {  	v8, _, _ =	vpop (xrf2)  }
0x13a: {  	v8 =	vmax.f32 v8, $1.000000000e+00  }
0x13b: {  	v8 =	vbroadcast v8, $0xF;
	_ =	sdelay $0x1  }
0x13c: {  	(erf) = vrcp.f32 v8;
	_ =	sdelay $0x5  }
0x13d: {  	v6 =	vadd.f32 $-1.000000000e+00, v6;
	_ =	sdelay $0x1  }
.Ltmp14:
0x13e: {  	v6 =	vbroadcast v6, $0xF;
	(pc) =	sbr.rel @p0 .LBB2_26-.Ltmp14, $4  }
0x13f: {  	v8 =	vpop (erf)  }
0x140: {  	v6 =	vmul.f32 v8, v6  }
0x141: {  	v9 =	vimm.f32 $0.0e+00  }
0x142: {  	s2 =	simm.s32 $0x10000;
	v8 =	vimm.f32 $0.0e+00;
	v7 =	vadd.f32 v6, v7;
	v6 =	vimm.f32 $0.0e+00  }
0x143: {  	v8 =	vld [tilespmem:s2+$0x0];
	p1 =	sne.s32 s23, $0x1  }
.Ltmp15:
0x144: {  	_ = 	snop;
	(pc) =	sbr.rel @!p1 .LBB2_25-.Ltmp15, $2  }
0x145: {  	_ =	sdelay $0x2  }
0x146: {  	s0 =	sadd.s32 $0xFFFFFFFF, s23;
	s2 =	sadd.s32 $0x10, s2;
	v9 =	vimm.f32 $0.0e+00;
	v10 =	vsub.f32 v8, v7;
	v8 =	vimm.f32 $0.0e+00  }
.LBB2_24:
0x147: {  	v11 =	vld [tilespmem:s2+$0x0];
	p1 =	sne.s32 s0, $0x1;
	s0 =	sadd.s32 $0xFFFFFFFF, s0  }
.Ltmp16:
0x148: {  	v10 =	vmax.f32 v10, $0.0e+00;
	(pc) =	sbr.rel @p1 .LBB2_24-.Ltmp16, $4  }
0x149: {  	v8 =	vadd.f32 v10, v8;
	vm0 =	vgt.f32 v10, $0.0e+00  }
0x14a: {  	v10 =	vsel vm0, $0x3F800000, v0  }
0x14b: {  	v9 =	vadd.f32 v10, v9  }
0x14c: {  	s2 =	sadd.s32 $0x10, s2;
	v10 =	vsub.f32 v11, v7  }
.LBB2_25:
0x14d: {  	_ = 	snop  }
0x14e: {  	v10 =	vmax.f32 v10, $0.0e+00  }
0x14f: {  	vm0 =	vgt.f32 v10, $0.0e+00  }
0x150: {  	v11 =	vsel vm0, $0x3F800000, v0  }
0x151: {  	v8 =	vadd.f32 v10, v8;
	v9 =	vadd.f32 v11, v9  }
.LBB2_26:
0x152: {  	_ = 	snop  }
0x153: {  	(xrf2) =	vadd.scan.msk.f32 $0xffff, v8  }
0x154: {  	(xrf2) =	vadd.scan.msk.f32 $0xffff, v9;
	_ =	sdelay $0x8  }
0x155: {  	v8, _, _ =	vpop (xrf2)  }
0x156: {  	v9, _, _ =	vpop (xrf2)  }
0x157: {  	v9 =	vmax.f32 v9, $1.000000000e+00  }
0x158: {  	v9 =	vbroadcast v9, $0xF;
	_ =	sdelay $0x1  }
0x159: {  	(erf) = vrcp.f32 v9;
	_ =	sdelay $0x5  }
0x15a: {  	v8 =	vadd.f32 $-1.000000000e+00, v8;
	_ =	sdelay $0x1  }
.Ltmp17:
0x15b: {  	v8 =	vbroadcast v8, $0xF;
	(pc) =	sbr.rel @p0 .LBB2_27-.Ltmp17, $3  }
0x15c: {  	v9 =	vpop (erf)  }
0x15d: {  	v8 =	vmul.f32 v9, v8;
	_ =	sdelay $0x1  }
0x15e: {  	s2 =	simm.s32 $0x10000;
	v7 =	vadd.f32 v8, v7  }
0x15f: {  	v8 =	vld [tilespmem:s2+$0x0];
	p0 =	sne.s32 s23, $0x1  }
.Ltmp18:
0x160: {  	_ = 	snop;
	(pc) =	sbr.rel @!p0 .LBB2_30-.Ltmp18, $2  }
0x161: {  	_ =	sdelay $0x2  }
0x162: {  	s0 =	sadd.s32 $0xFFFFFFFF, s23;
	s2 =	sadd.s32 $0x10, s2;
	v9 =	vsub.f32 v8, v7;
	v8 =	vimm.f32 $0.0e+00  }
.LBB2_29:
0x163: {  	v10 =	vld [tilespmem:s2+$0x0];
	p0 =	sne.s32 s0, $0x1;
	s0 =	sadd.s32 $0xFFFFFFFF, s0  }
.Ltmp19:
0x164: {  	v9 =	vmax.f32 v9, $0.0e+00;
	(pc) =	sbr.rel @p0 .LBB2_29-.Ltmp19, $4  }
0x165: {  	v6 =	vadd.f32 v9, v6;
	vm0 =	vgt.f32 v9, $0.0e+00  }
0x166: {  	v9 =	vsel vm0, $0x3F800000, v0  }
0x167: {  	v8 =	vadd.f32 v9, v8  }
0x168: {  	s2 =	sadd.s32 $0x10, s2;
	v9 =	vsub.f32 v10, v7  }
.LBB2_30:
.Ltmp20:
0x169: {  	_ = 	snop;
	(pc) =	sbr.rel .LBB2_31-.Ltmp20, $4  }
0x16a: {  	v9 =	vmax.f32 v9, $0.0e+00  }
0x16b: {  	vm0 =	vgt.f32 v9, $0.0e+00  }
0x16c: {  	v10 =	vsel vm0, $0x3F800000, v0  }
0x16d: {  	v6 =	vadd.f32 v9, v6;
	v8 =	vadd.f32 v10, v8  }
.LBB2_27:
0x16e: {  	v8 =	vimm.f32 $0.0e+00  }
.LBB2_31:
0x16f: {  	_ = 	snop  }
0x170: {  	(xrf2) =	vadd.scan.msk.f32 $0xffff, v6  }
0x171: {  	(xrf2) =	vadd.scan.msk.f32 $0xffff, v8;
	_ =	sdelay $0x8  }
0x172: {  	v6, _, _ =	vpop (xrf2)  }
0x173: {  	v8, _, _ =	vpop (xrf2)  }
0x174: {  	v8 =	vmax.f32 v8, $1.000000000e+00  }
0x175: {  	v8 =	vbroadcast v8, $0xF;
	_ =	sdelay $0x1  }
0x176: {  	(erf) = vrcp.f32 v8;
	_ =	sdelay $0x5  }
0x177: {  	v6 =	vadd.f32 $-1.000000000e+00, v6;
	_ =	sdelay $0x1  }
0x178: {  	v6 =	vbroadcast v6, $0xF  }
0x179: {  	s0 =	rddreg [dreg:$0x4];
	s23 =	simm.s32 $0x40;
	v8 =	vpop (erf)  }
0x17a: {  	[tilespmem:s16], [sflag:$0x2] =	stream.strided.gather [hbm4b:s0+s12], $0x8000, s13, s12, $0x38;
	v6 =	vmul.f32 v8, v6;
	[tilespmem:$0x18480] =	vst v63  }
0x17b: {  	v9 =	vld [tilespmem:s23+$0x30]  }
0x17c: {  	v11 =	vld [tilespmem:s23+$0xFFFFFFD0];
	v6 =	vadd.f32 v6, v7  }
0x17d: {  	v13 =	vld [tilespmem:s23+$0xFFFFFFE0]  }
0x17e: {  	v10 =	vld [tilespmem:s23+$0xFFFFFFF0];
	v5 =	vadd.f32 v6, v5  }
0x17f: {  	v8 =	vld [tilespmem:s23+$0x0]  }
0x180: {  	v6 =	vld [tilespmem:s23+$0x10];
	v14 =	vsub.f32 v9, v5  }
0x181: {  	v7 =	vld [tilespmem:s23+$0x20];
	v12 =	vsub.f32 v11, v5  }
0x182: {  	s2 =	simm.s32 $0xC0;
	s0 =	simm.s32 $0x0;
	v9 =	vld [tilespmem:s23+$0xFFFFFFC0];
	v11 =	vsub.f32 v13, v5;
	v13 =	vmax.f32 v14, $0.0e+00  }
.LBB2_32:
0x183: {  	v14 =	vld [tilespmem:s2+$0x30];
	s0 =	sadd.s32 $0x8, s0;
	v12 =	vmax.f32 v12, $0.0e+00;
	v10 =	vsub.f32 v10, v5;
	[tilespmem:s23+$0x30] =	vst v13  }
0x184: {  	v13 =	vld [tilespmem:s2+$0xFFFFFFD0];
	p0 =	slt.u32 s0, $0x7F8;
	[tilespmem:s23+$0xFFFFFFD0] =	vst v12;
	v11 =	vmax.f32 v11, $0.0e+00;
	v8 =	vsub.f32 v8, v5  }
0x185: {  	v15 =	vld [tilespmem:s2+$0xFFFFFFE0];
	[tilespmem:s23+$0xFFFFFFE0] =	vst v11;
	v11 =	vmax.f32 v10, $0.0e+00;
	v6 =	vsub.f32 v6, v5  }
.Ltmp21:
0x186: {  	v10 =	vld [tilespmem:s2+$0xFFFFFFF0];
	[tilespmem:s23+$0xFFFFFFF0] =	vst v11;
	v11 =	vmax.f32 v8, $0.0e+00;
	v7 =	vsub.f32 v7, v5;
	(pc) =	sbr.rel @p0 .LBB2_32-.Ltmp21, $4  }
0x187: {  	v8 =	vld [tilespmem:s2+$0x0];
	v9 =	vsub.f32 v9, v5;
	[tilespmem:s23+$0x0] =	vst v11;
	v11 =	vmax.f32 v6, $0.0e+00  }
0x188: {  	v6 =	vld [tilespmem:s2+$0x10];
	v14 =	vsub.f32 v14, v5;
	[tilespmem:s23+$0x10] =	vst v11;
	v11 =	vmax.f32 v7, $0.0e+00  }
0x189: {  	v12 =	vsub.f32 v13, v5;
	v7 =	vld [tilespmem:s2+$0x20];
	v16 =	vmax.f32 v9, $0.0e+00;
	[tilespmem:s23+$0x20] =	vst v11  }
0x18a: {  	v9 =	vld [tilespmem:s2+$0xFFFFFFC0];
	v11 =	vsub.f32 v15, v5;
	v13 =	vmax.f32 v14, $0.0e+00;
	[tilespmem:s23+$0xFFFFFFC0] =	vst v16;
	s23 =	smov.u32 s2;
	s2 =	sadd.s32 $0x80, s2  }
0x18b: {  	v12 =	vmax.f32 v12, $0.0e+00;
	v10 =	vsub.f32 v10, v5;
	[tilespmem:s23+$0x30] =	vst v13  }
0x18c: {  	[tilespmem:s23+$0xFFFFFFD0] =	vst v12;
	v11 =	vmax.f32 v11, $0.0e+00;
	v8 =	vsub.f32 v8, v5  }
0x18d: {  	[tilespmem:s23+$0xFFFFFFE0] =	vst v11;
	v10 =	vmax.f32 v10, $0.0e+00;
	v6 =	vsub.f32 v6, v5  }
0x18e: {  	[tilespmem:s23+$0xFFFFFFF0] =	vst v10;
	v8 =	vmax.f32 v8, $0.0e+00;
	v7 =	vsub.f32 v7, v5  }
0x18f: {  	v5 =	vsub.f32 v9, v5;
	[tilespmem:s23+$0x0] =	vst v8;
	v6 =	vmax.f32 v6, $0.0e+00  }
0x190: {  	[tilespmem:s23+$0x10] =	vst v6;
	v6 =	vmax.f32 v7, $0.0e+00  }
0x191: {  	v5 =	vmax.f32 v5, $0.0e+00;
	[tilespmem:s23+$0x20] =	vst v6  }
0x192: {  	[tilespmem:s23+$0xFFFFFFC0] =	vst v5  }
0x193: {  	[hbm4b:s5+s12] =	stream.strided.scatter [tilespmem:s1], [sflag:$0x3], $0x8000, s13, s12, $0x38;
	[tilespmem:$0x18480] =	vst v63  }
0x194: {  	_ =	swait.ge [sflag:s17], $0x8000  }
0x195: {  	[sflag:s17] =	ssyncset.done $0x0  }
0x196: {  	s2 =	simm.s32 $0x8040;
	[sflag:s17] =	ssyncadd.s32 $0xFFFF8000  }
0x197: {  	v5 =	vld [tilespmem:s2+$0x30]  }
0x198: {  	v6 =	vld [tilespmem:s2+$0xFFFFFFD0]  }
0x199: {  	v7 =	vld [tilespmem:s2+$0xFFFFFFE0]  }
0x19a: {  	v10 =	vld [tilespmem:s2+$0xFFFFFFF0]  }
0x19b: {  	v11 =	vld [tilespmem:s2+$0x0]  }
0x19c: {  	v13 =	vimm.f32 $-Inf;
	v14 =	vimm.f32 $-Inf;
	v12 =	vld [tilespmem:s2+$0x10]  }
0x19d: {  	v15 =	vimm.f32 $-Inf;
	v8 =	vimm.f32 $-Inf;
	v9 =	vimm.f32 $-Inf;
	v16 =	vld [tilespmem:s2+$0x20]  }
0x19e: {  	s0 =	simm.s32 $0x0;
	v17 =	vld [tilespmem:s2+$0xFFFFFFC0];
	s2 =	simm.s32 $0x80C0;
	v5 =	vmax.f32 v8, v5;
	v6 =	vmax.f32 v8, v6;
	v7 =	vmax.f32 v8, v7  }
.LBB2_34:
0x19f: {  	v18 =	vld [tilespmem:s2+$0x30];
	s0 =	sadd.s32 $0x8, s0;
	v8 =	vmax.f32 v8, v10  }
0x1a0: {  	v19 =	vld [tilespmem:s2+$0xFFFFFFD0];
	p0 =	slt.u32 s0, $0x7F8;
	v9 =	vmax.f32 v9, v11  }
0x1a1: {  	v20 =	vld [tilespmem:s2+$0xFFFFFFE0];
	v13 =	vmax.f32 v13, v12  }
.Ltmp22:
0x1a2: {  	v10 =	vld [tilespmem:s2+$0xFFFFFFF0];
	v14 =	vmax.f32 v14, v16;
	(pc) =	sbr.rel @p0 .LBB2_34-.Ltmp22, $4  }
0x1a3: {  	v11 =	vld [tilespmem:s2+$0x0];
	v15 =	vmax.f32 v15, v17  }
0x1a4: {  	s24 =	simm.s32 $0x180C0;
	s23 =	simm.s32 $0x182C0;
	v12 =	vld [tilespmem:s2+$0x10];
	v5 =	vmax.f32 v5, v18  }
0x1a5: {  	v6 =	vmax.f32 v6, v19;
	v16 =	vld [tilespmem:s2+$0x20]  }
0x1a6: {  	v17 =	vld [tilespmem:s2+$0xFFFFFFC0];
	v7 =	vmax.f32 v7, v20;
	s2 =	sadd.s32 $0x80, s2  }
0x1a7: {  	[tilespmem:s24+$0xFFFFFFC0] =	vst v0  }
0x1a8: {  	[tilespmem:s23+$0xFFFFFFC0] =	vst v0  }
0x1a9: {  	[tilespmem:s24+$0xFFFFFFD0] =	vst v0  }
0x1aa: {  	[tilespmem:s23+$0xFFFFFFD0] =	vst v0  }
0x1ab: {  	[tilespmem:s24+$0xFFFFFFE0] =	vst v0  }
0x1ac: {  	[tilespmem:s23+$0xFFFFFFE0] =	vst v0  }
0x1ad: {  	[tilespmem:s24+$0xFFFFFFF0] =	vst v0  }
0x1ae: {  	[tilespmem:s23+$0xFFFFFFF0] =	vst v0  }
0x1af: {  	[tilespmem:s24+$0x0] =	vst v0  }
0x1b0: {  	[tilespmem:s23+$0x0] =	vst v0  }
0x1b1: {  	[tilespmem:s24+$0x10] =	vst v0  }
0x1b2: {  	[tilespmem:s23+$0x10] =	vst v0  }
0x1b3: {  	[tilespmem:s24+$0x20] =	vst v0  }
0x1b4: {  	v8 =	vmax.f32 v8, v10;
	v9 =	vmax.f32 v9, v11;
	[tilespmem:s23+$0x20] =	vst v0  }
0x1b5: {  	s0 =	simm.s32 $0x0;
	v10 =	vmax.f32 v13, v12;
	v11 =	vmax.f32 v14, v16;
	v12 =	vmax.f32 v15, v17;
	[tilespmem:s24+$0x30] =	vst v0  }
.LBB2_36:
0x1b6: {  	s0 =	sadd.s32 $0x8, s0;
	[tilespmem:s23+$0x30] =	vst v0;
	s24 =	sadd.s32 $0x80, s24;
	s23 =	sadd.s32 $0x80, s23  }
0x1b7: {  	[tilespmem:s24+$0xFFFFFFC0] =	vst v0;
	p0 =	slt.u32 s0, $0x18  }
0x1b8: {  	[tilespmem:s23+$0xFFFFFFC0] =	vst v0  }
0x1b9: {  	[tilespmem:s24+$0xFFFFFFD0] =	vst v0  }
0x1ba: {  	[tilespmem:s23+$0xFFFFFFD0] =	vst v0  }
0x1bb: {  	[tilespmem:s24+$0xFFFFFFE0] =	vst v0  }
0x1bc: {  	[tilespmem:s23+$0xFFFFFFE0] =	vst v0  }
0x1bd: {  	[tilespmem:s24+$0xFFFFFFF0] =	vst v0  }
0x1be: {  	[tilespmem:s23+$0xFFFFFFF0] =	vst v0  }
0x1bf: {  	[tilespmem:s24+$0x0] =	vst v0  }
0x1c0: {  	[tilespmem:s23+$0x0] =	vst v0  }
.Ltmp23:
0x1c1: {  	[tilespmem:s24+$0x10] =	vst v0;
	(pc) =	sbr.rel @p0 .LBB2_36-.Ltmp23, $4  }
0x1c2: {  	[tilespmem:s23+$0x10] =	vst v0  }
0x1c3: {  	[tilespmem:s24+$0x20] =	vst v0  }
0x1c4: {  	[tilespmem:s23+$0x20] =	vst v0  }
0x1c5: {  	[tilespmem:s24+$0x30] =	vst v0  }
0x1c6: {  	v6 =	vmax.f32 v12, v6  }
0x1c7: {  	v6 =	vmax.f32 v6, v7  }
0x1c8: {  	v6 =	vmax.f32 v6, v8  }
0x1c9: {  	v6 =	vmax.f32 v6, v9  }
0x1ca: {  	v6 =	vmax.f32 v6, v10  }
0x1cb: {  	v6 =	vmax.f32 v6, v11  }
0x1cc: {  	v5 =	vmax.f32 v6, v5  }
0x1cd: {  	(xrf0) =	vmax.scan.msk.f32 $0xffff, v5;
	_ =	sdelay $0x5  }
0x1ce: {  	v5, _, _ =	vpop (xrf0)  }
0x1cf: {  	(v2sf) =	vpush v5, $0xF;
	_ =	sdelay $0xb  }
0x1d0: {  	[tilespmem:s23+$0x30] =	vst v0;
	s30 =	simm.s32 $0x8040  }
0x1d1: {  	v8 =	vld [tilespmem:s30+$0xFFFFFFD0]  }
0x1d2: {  	v6 =	vld [tilespmem:s30+$0xFFFFFFE0]  }
0x1d3: {  	v9 =	vld [tilespmem:s30+$0x0];
	s0 =	spop (v2sf)  }
0x1d4: {  	v7 =	vld [tilespmem:s30+$0xFFFFFFC0];
	s0 =	sadd.f32 $-1.000000000e+00, s0;
	_ =	sdelay $0x1  }
0x1d5: {  	v5 =	vmov s0  }
0x1d6: {  	v14 =	vsub.f32 v6, v5;
	v6 =	vld [tilespmem:s30+$0xFFFFFFF0]  }
0x1d7: {  	v16 =	vsub.f32 v8, v5;
	v19 =	vsub.f32 v9, v5;
	v9 =	vld [tilespmem:s30+$0x20]  }
0x1d8: {  	v15 =	vsub.f32 v7, v5;
	v7 =	vld [tilespmem:s30+$0x30];
	vm0 =	vgt.f32 v14, $0.0e+00  }
0x1d9: {  	vm1 =	vgt.f32 v16, $0.0e+00;
	v8 =	vmpcnt.ones.xlane vm0  }
0x1da: {  	v13 =	vlaneseq.u32;
	vm0 =	vgt.f32 v15, $0.0e+00;
	v11 =	vmpcnt.ones.xlane vm1  }
0x1db: {  	s31 =	simm.s32 $0x80C0;
	v12 =	vld [tilespmem:s30+$0x10];
	vm1 =	vgt.f32 v19, $0.0e+00;
	v10 =	vmpcnt.ones.xlane vm0;
	vm2 =	vgt.s32 v8, $0x0  }
0x1dc: {  	v21 =	vld [tilespmem:s31+$0xFFFFFFC0];
	vm0 =	vgt.s32 v11, $0x0;
	v20 =	vsub.f32 v6, v5;
	v6 =	vsub.f32 v9, v5  }
0x1dd: {  	v11 =	vld [tilespmem:s31+$0x0];
	v7 =	vsub.f32 v7, v5;
	v9 =	vmpcnt.ones.xlane vm1;
	vm4 =	vgt.s32 v10, $0x0  }
0x1de: {  	v8 =	vld [tilespmem:s31+$0xFFFFFFE0];
	v10 =	vsel vm2, $0x10, v1;
	v18 =	vsel vm0, $0x10, v1;
	v17 =	vsel vm4, $0x10, v1  }
0x1df: {  	vm3 =	vgt.f32 v20, $0.0e+00;
	vm5 =	vgt.s32 v9, $0x0;
	v17 =	vadd.s32 v13, v17  }
0x1e0: {  	vm1 =	vgt.f32 v7, $0.0e+00;
	v23 =	vmpcnt.ones.xlane vm3;
	v18 =	vadd.s32 v17, v18  }
0x1e1: {  	v24 =	vmpcnt.ones.xlane vm1;
	v22 =	vadd.s32 v18, v10;
	v10 =	vsub.f32 v12, v5  }
0x1e2: {  	v12 =	vld [tilespmem:s31+$0xFFFFFFD0];
	v9 =	vsub.f32 v11, v5;
	v11 =	vsub.f32 v21, v5;
	vm6 =	vgt.s32 v23, $0x0  }
0x1e3: {  	v8 =	vsub.f32 v8, v5;
	v23 =	vsel vm6, $0x10, v1;
	vm3 =	vgt.f32 v10, $0.0e+00  }
0x1e4: {  	vm7 =	vgt.f32 v11, $0.0e+00;
	v23 =	vadd.s32 v22, v23;
	[tilespmem:v13+s15+$0x0] =	vst.idx.msk vm4, v15;
	vm4 =	vgt.f32 v6, $0.0e+00  }
0x1e5: {  	v15 =	vsel vm5, $0x10, v1;
	v21 =	vmpcnt.ones.xlane vm3;
	vm3 =	vgt.f32 v8, $0.0e+00  }
0x1e6: {  	v63 =	vmpcnt.ones.xlane vm4;
	v25 =	vmpcnt.ones.xlane vm3;
	vm3 =	vgt.f32 v9, $0.0e+00  }
0x1e7: {  	v13 =	vld [tilespmem:s31+$0xFFFFFFF0];
	[tilespmem:v17+s15+$0x0] =	vst.idx.msk vm0, v16;
	vm1 =	vgt.s32 v21, $0x0;
	v21 =	vmpcnt.ones.xlane vm7;
	v12 =	vsub.f32 v12, v5  }
0x1e8: {  	v17 =	vld [tilespmem:s31+$0x30];
	[tilespmem:v18+s15+$0x0] =	vst.idx.msk vm2, v14;
	v14 =	vadd.s32 v23, v15;
	v26 =	vsel vm1, $0x10, v1;
	vm0 =	vgt.s32 v25, $0x0  }
0x1e9: {  	v18 =	vld [tilespmem:s31+$0x20];
	vm4 =	vgt.f32 v12, $0.0e+00;
	vm2 =	vgt.s32 v21, $0x0;
	v16 =	vsel vm0, $0x10, v1  }
0x1ea: {  	[tilespmem:v22+s15+$0x0] =	vst.idx.msk vm6, v20;
	v15 =	vadd.s32 v14, v26;
	v21 =	vmpcnt.ones.xlane vm4;
	vm4 =	vgt.s32 v63, $0x0  }
0x1eb: {  	s23 =	simm.s32 $0x8;
	s24 =	simm.s32 $0x8140;
	[tilespmem:v23+s15+$0x0] =	vst.idx.msk vm5, v19;
	v19 =	vld [tilespmem:s31+$0x10];
	vm5 =	vgt.s32 v24, $0x0;
	v20 =	vsel vm2, $0x10, v1;
	v22 =	vsel vm4, $0x10, v1  }
.LBB2_38:
0x1ec: {  	v23 =	vld [tilespmem:s24+$0xFFFFFFE0];
	s23 =	sadd.s32 $0x8, s23;
	vm6 =	vgt.s32 v21, $0x0;
	v21 =	vadd.s32 v15, v22;
	v22 =	vsel vm5, $0x10, v1  }
0x1ed: {  	v26 =	vsub.f32 v13, v5;
	v24 =	vld [tilespmem:s24+$0x0];
	p0 =	slt.u32 s23, $0x7F8;
	v25 =	vsel vm6, $0x10, v1;
	v22 =	vadd.s32 v21, v22  }
0x1ee: {  	v17 =	vsub.f32 v17, v5;
	v13 =	vld [tilespmem:s24+$0xFFFFFFF0];
	v20 =	vadd.s32 v22, v20;
	v18 =	vsub.f32 v18, v5  }
0x1ef: {  	v28 =	vmpcnt.ones.xlane vm3;
	vm7 =	vgt.f32 v26, $0.0e+00;
	v27 =	vld [tilespmem:s24+$0xFFFFFFC0];
	v25 =	vadd.s32 v20, v25;
	[tilespmem:v14+s15+$0x0] =	vst.idx.msk vm1, v10  }
0x1f0: {  	v29 =	vmpcnt.ones.xlane vm7;
	v14 =	vld [tilespmem:s24+$0xFFFFFFD0];
	v16 =	vadd.s32 v25, v16;
	v10 =	vsub.f32 v19, v5;
	[tilespmem:v15+s15+$0x0] =	vst.idx.msk vm4, v6  }
0x1f1: {  	vm1 =	vgt.f32 v17, $0.0e+00;
	vm4 =	vgt.s32 v28, $0x0;
	v6 =	vmovc v18;
	v15 =	vsub.f32 v23, v5;
	[tilespmem:v21+s15+$0x0] =	vst.idx.msk vm5, v7  }
0x1f2: {  	v7 =	vmovc v17;
	v19 =	vsub.f32 v24, v5;
	[tilespmem:v22+s15+$0x0] =	vst.idx.msk vm2, v11;
	vm2 =	vgt.s32 v29, $0x0;
	vm5 =	vgt.f32 v10, $0.0e+00  }
0x1f3: {  	v23 =	vmpcnt.ones.xlane vm1;
	vm7 =	vgt.f32 v15, $0.0e+00;
	[tilespmem:v20+s15+$0x0] =	vst.idx.msk vm6, v12;
	v12 =	vsel vm2, $0x10, v1  }
0x1f4: {  	v17 =	vmpcnt.ones.xlane vm5;
	v11 =	vsub.f32 v27, v5;
	vm3 =	vgt.f32 v19, $0.0e+00;
	[tilespmem:v25+s15+$0x0] =	vst.idx.msk vm0, v8;
	v8 =	vmovc v15  }
0x1f5: {  	vm5 =	vgt.f32 v6, $0.0e+00;
	v15 =	vmpcnt.ones.xlane vm7;
	v22 =	vadd.s32 v16, v12  }
0x1f6: {  	v12 =	vsub.f32 v14, v5;
	vm1 =	vgt.s32 v17, $0x0;
	vm0 =	vgt.f32 v11, $0.0e+00  }
.Ltmp24:
0x1f7: {  	v20 =	vsel vm4, $0x10, v1;
	v24 =	vsel vm1, $0x10, v1;
	v14 =	vmpcnt.ones.xlane vm0;
	(pc) =	sbr.rel @p0 .LBB2_38-.Ltmp24, $4  }
0x1f8: {  	vm6 =	vgt.f32 v12, $0.0e+00;
	vm0 =	vgt.s32 v15, $0x0;
	v15 =	vmpcnt.ones.xlane vm5;
	v17 =	vld [tilespmem:s24+$0x30];
	[tilespmem:v16+s15+$0x0] =	vst.idx.msk vm2, v26  }
0x1f9: {  	v16 =	vsel vm0, $0x10, v1;
	vm2 =	vgt.s32 v14, $0x0;
	v18 =	vld [tilespmem:s24+$0x20];
	v14 =	vadd.s32 v22, v20  }
0x1fa: {  	v21 =	vmpcnt.ones.xlane vm6;
	v20 =	vsel vm2, $0x10, v1;
	[tilespmem:v22+s15+$0x0] =	vst.idx.msk vm4, v9;
	vm4 =	vgt.s32 v15, $0x0;
	v9 =	vmovc v19  }
0x1fb: {  	vm5 =	vgt.s32 v23, $0x0;
	v15 =	vadd.s32 v14, v24;
	v19 =	vld [tilespmem:s24+$0x10];
	s24 =	sadd.s32 $0x80, s24;
	v22 =	vsel vm4, $0x10, v1  }
0x1fc: {  	_ = 	snop  }
0x1fd: {  	v22 =	vadd.s32 v15, v22;
	v23 =	vsel vm5, $0x10, v1;
	vm6 =	vgt.s32 v21, $0x0  }
0x1fe: {  	v13 =	vsub.f32 v13, v5;
	v24 =	vmpcnt.ones.xlane vm3;
	v56 =	vadd.s32 v22, v23  }
0x1ff: {  	v57 =	vsel vm6, $0x10, v1;
	v17 =	vsub.f32 v17, v5;
	v20 =	vadd.s32 v56, v20  }
0x200: {  	vm7 =	vgt.f32 v13, $0.0e+00;
	v18 =	vsub.f32 v18, v5;
	v19 =	vsub.f32 v19, v5  }
0x201: {  	vm3 =	vgt.s32 v24, $0x0;
	v23 =	vadd.s32 v20, v57;
	v25 =	vmpcnt.ones.xlane vm7  }
0x202: {  	vm13 =	vgt.f32 v17, $0.0e+00;
	v59 =	vsel vm3, $0x10, v1;
	vm8 =	vgt.f32 v19, $0.0e+00  }
0x203: {  	vm14 =	vgt.f32 v18, $0.0e+00;
	vm9 =	vgt.s32 v25, $0x0;
	v58 =	vmpcnt.ones.xlane vm8  }
0x204: {  	v16 =	vadd.s32 v23, v16;
	v27 =	vmpcnt.ones.xlane vm14;
	v25 =	vsel vm9, $0x10, v1  }
0x205: {  	v26 =	vmpcnt.ones.xlane vm13;
	v25 =	vadd.s32 v16, v25;
	vm15 =	vgt.s32 v58, $0x0  }
0x206: {  	vm8 =	vgt.s32 v27, $0x0;
	v24 =	vadd.s32 v25, v59;
	v28 =	vsel vm15, $0x10, v1  }
0x207: {  	vm10 =	vgt.s32 v26, $0x0;
	v61 =	vsel vm8, $0x10, v1;
	v60 =	vadd.s32 v24, v28  }
0x208: {  	v63 =	vsel vm10, $0x10, v1;
	v62 =	vadd.s32 v60, v61  }
0x209: {  	v28 =	vadd.s32 v62, v63  }
0x20a: {  	(v2sf) =	vpush v28, $0x0;
	_ =	sdelay $0xb  }
0x20b: {  	[tilespmem:v14+s15+$0x0] =	vst.idx.msk vm1, v10  }
0x20c: {  	[tilespmem:v15+s15+$0x0] =	vst.idx.msk vm4, v6  }
0x20d: {  	[tilespmem:v22+s15+$0x0] =	vst.idx.msk vm5, v7  }
0x20e: {  	[tilespmem:v56+s15+$0x0] =	vst.idx.msk vm2, v11;
	s0 =	spop (v2sf)  }
0x20f: {  	[tilespmem:v20+s15+$0x0] =	vst.idx.msk vm6, v12;
	s2 =	sadd.s32 $0xF, s0  }
0x210: {  	[tilespmem:v23+s15+$0x0] =	vst.idx.msk vm0, v8;
	s23 =	sshrl.u32 s2, $0x4  }
0x211: {  	[tilespmem:v16+s15+$0x0] =	vst.idx.msk vm9, v13;
	p0 =	seq.s32 s23, $0x0  }
.Ltmp25:
0x212: {  	[tilespmem:v25+s15+$0x0] =	vst.idx.msk vm3, v9;
	(pc) =	sbr.rel @p0 .LBB2_43-.Ltmp25, $4  }
0x213: {  	[tilespmem:v24+s15+$0x0] =	vst.idx.msk vm15, v19  }
0x214: {  	[tilespmem:v60+s15+$0x0] =	vst.idx.msk vm8, v18  }
0x215: {  	[tilespmem:v62+s15+$0x0] =	vst.idx.msk vm10, v17  }
0x216: {  	[tilespmem:s0+$0x10000] =	vst v0;
	s0 =	simm.s32 $0x10000  }
0x217: {  	p1 =	sne.s32 s23, $0x1  }
.Ltmp26:
0x218: {  	_ = 	snop;
	(pc) =	sbr.rel @!p1 .LBB2_42-.Ltmp26, $3  }
0x219: {  	_ =	sdelay $0x1  }
0x21a: {  	v6 =	vld [tilespmem:s0+$0x0]  }
0x21b: {  	s2 =	sadd.s32 $0xFFFFFFFF, s23  }
.LBB2_41:
0x21c: {  	p1 =	sne.s32 s2, $0x1;
	_ =	sdelay $0x2  }
0x21d: {  	v7 =	vmul.f32 $5.120000000e+02, v6;
	_ =	sdelay $0x1  }
0x21e: {  	v7 =	vmax.f32 v7, $0.0e+00  }
0x21f: {  	v7 =	vmin.f32 v7, $5.110000000e+02  }
0x220: {  	v7 =	vtrunc.f32 v7  }
0x221: {  	vm0 =	vgt.f32 v6, $0.0e+00;
	v7 =	vcvt.f32.s32 v7;
	_ =	sdelay $0x4  }
.Ltmp27:
0x222: {  	(pc) =	sbr.rel @p1 .LBB2_41-.Ltmp27, $4  }
0x223: {  	[tilespmem:v7+s20+$0x0] =	vst.idx.add.f32.msk vm0, v4  }
0x224: {  	s0 =	sadd.s32 $0x10, s0;
	[tilespmem:v7+s21+$0x0] =	vst.idx.add.f32.msk vm0, v6  }
0x225: {  	v6 =	vld [tilespmem:s0+$0x0]  }
0x226: {  	s2 =	sadd.s32 $0xFFFFFFFF, s2  }
.LBB2_42:
0x227: {  	_ =	sdelay $0x2  }
0x228: {  	v7 =	vmul.f32 $5.120000000e+02, v6;
	_ =	sdelay $0x1  }
0x229: {  	v7 =	vmax.f32 v7, $0.0e+00  }
0x22a: {  	v7 =	vmin.f32 v7, $5.110000000e+02  }
0x22b: {  	v7 =	vtrunc.f32 v7  }
0x22c: {  	vm0 =	vgt.f32 v6, $0.0e+00;
	v7 =	vcvt.f32.s32 v7;
	_ =	sdelay $0x5  }
0x22d: {  	[tilespmem:v7+s20+$0x0] =	vst.idx.add.f32.msk vm0, v4  }
0x22e: {  	[tilespmem:v7+s21+$0x0] =	vst.idx.add.f32.msk vm0, v6  }
.LBB2_43:
0x22f: {  	s0 =	simm.s32 $0x18270  }
0x230: {  	v6 =	vld [tilespmem:s0+$0x0]  }
0x231: {  	s24 =	simm.s32 $0x18470  }
0x232: {  	v7 =	vld [tilespmem:s24+$0x0];
	_ =	sdelay $0x2  }
0x233: {  	v6 =	vperm.xlane v6, v2;
	_ =	sdelay $0x1  }
0x234: {  	s25 =	simm.s32 $0x18260;
	(xrf2) =	vadd.scan.msk.f32 $0xffff, v6;
	v6 =	vperm.xlane v7, v2  }
0x235: {  	s26 =	simm.s32 $0x18460;
	v7 =	vld [tilespmem:s25+$0x0]  }
0x236: {  	(xrf2) =	vadd.scan.msk.f32 $0xffff, v6;
	v6 =	vld [tilespmem:s26+$0x0];
	_ =	sdelay $0x3  }
0x237: {  	s2 =	simm.s32 $0x18250;
	v7 =	vperm.xlane v7, v2  }
0x238: {  	s3 =	simm.s32 $0x18450;
	v8 =	vld [tilespmem:s2+$0x0];
	v6 =	vperm.xlane v6, v2  }
0x239: {  	s4 =	simm.s32 $0x18240;
	v9 =	vld [tilespmem:s3+$0x0];
	(xrf2) =	vadd.scan.msk.f32 $0xffff, v7  }
0x23a: {  	(xrf2) =	vadd.scan.msk.f32 $0xffff, v6;
	v6 =	vld [tilespmem:s4+$0x0]  }
0x23b: {  	v10, _, _ =	vpop (xrf2)  }
0x23c: {  	s24 =	simm.s32 $0x18440;
	v10 =	vperm.xlane v10, v2  }
0x23d: {  	v11 =	vld [tilespmem:s24+$0x0];
	v7 =	vperm.xlane v8, v2  }
0x23e: {  	v8 =	vperm.xlane v9, v2;
	(v2sf) =	vpush v10, $0x0  }
0x23f: {  	v9, _, _ =	vpop (xrf2);
	(xrf2) =	vadd.scan.msk.f32 $0xffff, v7;
	v6 =	vperm.xlane v6, v2  }
0x240: {  	(xrf2) =	vadd.scan.msk.f32 $0xffff, v8  }
0x241: {  	(xrf2) =	vadd.scan.msk.f32 $0xffff, v6  }
0x242: {  	s25 =	simm.s32 $0x1F0;
	v6 =	vperm.xlane v11, v2  }
0x243: {  	s2 =	simm.s32 $0x18230;
	s0 =	scvt.s32.f32 s25  }
0x244: {  	s26 =	simm.s32 $0x18430;
	v12 =	vperm.xlane v9, v2;
	v9 =	vld [tilespmem:s2+$0x0];
	v7, _, _ =	vpop (xrf2)  }
0x245: {  	v14 =	vld [tilespmem:s26+$0x0];
	v15 =	vperm.xlane v7, v2;
	v7 =	vadd.f32 s0, v3  }
0x246: {  	(v2sf) =	vpush v12, $0x0;
	(xrf2) =	vadd.scan.msk.f32 $0xffff, v6;
	s0 =	simm.f32 $0.0e+00;
	v6, _, _ =	vpop (xrf2)  }
0x247: {  	v10 =	vadd.f32 s0, v10;
	v13 =	vperm.xlane v6, v2;
	v6 =	vadd.f32 $-2.000000000e+00, v7  }
0x248: {  	(v2sf) =	vpush v15, $0x0  }
0x249: {  	v17 =	vperm.xlane v9, v2;
	v9, _, _ =	vpop (xrf2);
	v6 =	vmul.f32 $-1.953125000e-03, v6  }
0x24a: {  	s3 =	simm.s32 $0x18220;
	v20 =	vperm.xlane v14, v2;
	v11 =	vperm.xlane v9, v2;
	v18, _, _ =	vpop (xrf2)  }
0x24b: {  	v16 =	vld [tilespmem:s3+$0x0];
	s3 =	simm.s32 $0x18420;
	(v2sf) =	vpush v13, $0x0;
	v14 =	vperm.xlane v18, v2;
	v6 =	vmul.f32 v10, v6;
	v10, _, _ =	vpop (xrf2)  }
0x24c: {  	v19 =	vld [tilespmem:s3+$0x0];
	(v2sf) =	vpush v11, $0x0;
	v10 =	vperm.xlane v10, v2  }
0x24d: {  	s4 =	simm.s32 $0x1E0;
	s26 =	spop (v2sf);
	(v2sf) =	vpush v14, $0x0  }
0x24e: {  	s2 =	scvt.s32.f32 s4;
	(xrf2) =	vadd.scan.msk.f32 $0xffff, v17;
	(v2sf) =	vpush v10, $0x0;
	_ =	sdelay $0x1  }
0x24f: {  	v16 =	vperm.xlane v16, v2;
	s25 =	simm.s32 $0x18210;
	v12 =	vadd.f32 s0, v12;
	v9 =	vadd.f32 s2, v3  }
0x250: {  	s24 =	simm.s32 $0x1D0;
	v19 =	vperm.xlane v19, v2;
	(xrf2) =	vadd.scan.msk.f32 $0xffff, v20;
	v18 =	vld [tilespmem:s25+$0x0]  }
0x251: {  	s3 =	scvt.s32.f32 s24;
	(xrf2) =	vadd.scan.msk.f32 $0xffff, v16;
	v21 =	vadd.f32 $-2.000000000e+00, v9;
	s28 =	sadd.f32 s26, s0  }
0x252: {  	s30 =	simm.s32 $0x18410;
	(xrf2) =	vadd.scan.msk.f32 $0xffff, v19;
	v17 =	vadd.f32 v6, v12  }
0x253: {  	s31 =	simm.s32 $0x180;
	s24 =	simm.s32 $0x1A0;
	s2 =	simm.s32 $0x1C0;
	v6 =	vadd.f32 s3, v3;
	v20 =	vmul.f32 $-1.953125000e-03, v21;
	v12, _, _ =	vpop (xrf2);
	v63 =	vadd.f32 s28, v15  }
0x254: {  	v8 =	vimm.f32 $-1.000000000e+00;
	s25 =	simm.s32 $0x190;
	s2 =	scvt.s32.f32 s2;
	v12 =	vperm.xlane v12, v2;
	v16 =	vadd.f32 $-1.000000000e+00, v17;
	s4 =	spop (v2sf)  }
0x255: {  	s26 =	simm.s32 $0x1B0;
	v18 =	vperm.xlane v18, v2;
	v17 =	vadd.f32 $-2.000000000e+00, v6;
	v15 =	vld [tilespmem:s30+$0x0];
	s29 =	sadd.f32 s4, s0;
	s0 =	simm.s32 $0x18200;
	v19 =	vmul.f32 v63, v20  }
.LBB2_44:
0x256: {  	s3 =	spop (v2sf)  }
0x257: {  	v20 =	vld [tilespmem:s0+$0x0];
	v21, _, _ =	vpop (xrf2);
	(v2sf) =	vpush v12, $0x0;
	v23 =	vadd.f32 s29, v13;
	vm0 =	vgt.f32 v16, $0.0e+00;
	s4 =	smov.u32 s24;
	s24 =	smov.u32 s25;
	p1 =	sne.s32 s31, $0x0  }
.Ltmp28:
0x258: {  	s25 =	smov.u32 s31;
	v21 =	vperm.xlane v21, v2;
	s28 =	sadd.f32 s3, s28;
	v16 =	vnsel vm0, $0xBF800000, v7;
	v7 =	vmovc v9;
	v9 =	vmovc v6;
	v6 =	vadd.f32 s2, v3;
	(pc) =	sbr.rel @p1 .LBB2_44-.Ltmp28, $4  }
0x259: {  	v13 =	vmovc v14;
	v22 =	vmul.f32 $-1.953125000e-03, v17;
	(xrf2) =	vadd.scan.msk.f32 $0xffff, v18;
	v17 =	vadd.f32 v19, v23;
	v8 =	vmax.f32 v8, v16  }
0x25a: {  	s30 =	sadd.s32 $0xFFFFFFF0, s30;
	v19 =	vperm.xlane v15, v2;
	v18, _, _ =	vpop (xrf2);
	(v2sf) =	vpush v21, $0x0;
	v23 =	vadd.f32 s28, v11;
	s2 =	spop (v2sf)  }
0x25b: {  	s31 =	sadd.s32 $0xFFFFFFF0, s31;
	v14 =	vmovc v12;
	v11 =	vmovc v10;
	v10 =	vmov v21;
	v15 =	vld [tilespmem:s30+$0x0];
	v16 =	vadd.f32 $-1.000000000e+00, v17;
	s29 =	sadd.f32 s2, s29;
	v12 =	vperm.xlane v18, v2  }
0x25c: {  	s0 =	sadd.s32 $0xFFFFFFF0, s0;
	s2 =	scvt.s32.f32 s26;
	v17 =	vadd.f32 $-2.000000000e+00, v6;
	s26 =	smov.u32 s4;
	v18 =	vperm.xlane v20, v2;
	(xrf2) =	vadd.scan.msk.f32 $0xffff, v19;
	v19 =	vmul.f32 v23, v22  }
0x25d: {  	_ =	sdelay $0x4  }
0x25e: {  	v20, _, _ =	vpop (xrf2)  }
0x25f: {  	v20 =	vperm.xlane v20, v2;
	v21, _, _ =	vpop (xrf2)  }
0x260: {  	(v2sf) =	vpush v12, $0x0;
	v21 =	vperm.xlane v21, v2;
	v22, _, _ =	vpop (xrf2)  }
0x261: {  	(v2sf) =	vpush v20, $0x0;
	v22 =	vperm.xlane v22, v2  }
0x262: {  	(v2sf) =	vpush v21, $0x0;
	v23, _, _ =	vpop (xrf2)  }
0x263: {  	(v2sf) =	vpush v22, $0x0;
	v23 =	vperm.xlane v23, v2;
	_ =	sdelay $0x1  }
0x264: {  	(v2sf) =	vpush v23, $0x0;
	_ =	sdelay $0x1  }
0x265: {  	v15 =	vperm.xlane v15, v2  }
0x266: {  	s0 =	spop (v2sf);
	v13 =	vadd.f32 s29, v13;
	(xrf2) =	vadd.scan.msk.f32 $0xffff, v18  }
0x267: {  	vm0 =	vgt.f32 v16, $0.0e+00;
	s4 =	scvt.s32.f32 s26;
	s0 =	sadd.f32 s0, s28;
	(xrf2) =	vadd.scan.msk.f32 $0xffff, v15  }
0x268: {  	s3 =	spop (v2sf);
	v47 =	vadd.f32 s2, v3;
	v48 =	vmul.f32 $-1.953125000e-03, v17;
	s28 =	scvt.s32.f32 s24;
	v13 =	vadd.f32 v19, v13  }
0x269: {  	v7 =	vnsel vm0, $0xBF800000, v7;
	s30 =	spop (v2sf);
	s3 =	sadd.f32 s3, s29;
	v49 =	vadd.f32 s4, v3;
	v11 =	vadd.f32 s0, v11  }
0x26a: {  	v7 =	vmax.f32 v8, v7;
	v8 =	vadd.f32 $-2.000000000e+00, v47;
	s0 =	sadd.f32 s30, s0;
	s30 =	scvt.s32.f32 s25;
	v50 =	vadd.f32 s28, v3  }
0x26b: {  	v13 =	vadd.f32 $-1.000000000e+00, v13;
	v14 =	vadd.f32 s3, v14;
	s31 =	spop (v2sf)  }
0x26c: {  	v11 =	vmul.f32 v11, v48;
	v10 =	vadd.f32 s0, v10;
	v52 =	vadd.f32 s30, v3;
	s2 =	sadd.f32 s31, s3;
	s26 =	spop (v2sf)  }
0x26d: {  	v8 =	vmul.f32 $-1.953125000e-03, v8;
	v55 =	vadd.f32 $-2.000000000e+00, v50;
	vm10 =	vgt.f32 v13, $0.0e+00;
	s0 =	sadd.f32 s26, s0;
	s29 =	spop (v2sf)  }
0x26e: {  	v9 =	vnsel vm10, $0xBF800000, v9;
	v11 =	vadd.f32 v11, v14;
	v57 =	vadd.f32 $-2.000000000e+00, v52;
	s3 =	sadd.f32 s29, s2;
	s31 =	spop (v2sf)  }
0x26f: {  	v8 =	vmul.f32 v10, v8;
	v7 =	vmax.f32 v7, v9;
	v9 =	vadd.f32 $-2.000000000e+00, v49;
	s24 =	sadd.f32 s31, s0;
	s25 =	spop (v2sf)  }
0x270: {  	v58 =	vmul.f32 $-1.953125000e-03, v55;
	v17 =	vmul.f32 $-1.953125000e-03, v57;
	v11 =	vadd.f32 $-1.000000000e+00, v11;
	v10, _, _ =	vpop (xrf2);
	s26 =	sadd.f32 s25, s3;
	s28 =	spop (v2sf)  }
0x271: {  	v9 =	vmul.f32 $-1.953125000e-03, v9;
	v10 =	vperm.xlane v10, v2;
	v53, _, _ =	vpop (xrf2);
	v54 =	vadd.f32 s0, v20;
	s4 =	sadd.f32 s28, s24  }
0x272: {  	v51 =	vadd.f32 s2, v12;
	v56 =	vperm.xlane v53, v2;
	v59 =	vadd.f32 s24, v22;
	s29 =	spop (v2sf)  }
0x273: {  	v9 =	vmul.f32 v54, v9;
	v60 =	vadd.f32 s3, v21;
	v61 =	vadd.f32 s4, v10;
	s2 =	sadd.f32 s29, s26  }
0x274: {  	v8 =	vadd.f32 v8, v51;
	v62 =	vadd.f32 s26, v23;
	v18 =	vmul.f32 v59, v58  }
0x275: {  	v9 =	vadd.f32 v9, v60;
	v17 =	vmul.f32 v61, v17;
	v63 =	vadd.f32 s2, v56  }
0x276: {  	vm11 =	vgt.f32 v11, $0.0e+00;
	v8 =	vadd.f32 $-1.000000000e+00, v8;
	v11 =	vadd.f32 v18, v62  }
0x277: {  	v6 =	vnsel vm11, $0xBF800000, v6;
	v9 =	vadd.f32 $-1.000000000e+00, v9;
	v17 =	vadd.f32 v17, v63  }
0x278: {  	v6 =	vmax.f32 v7, v6;
	vm12 =	vgt.f32 v8, $0.0e+00;
	v7 =	vadd.f32 $-1.000000000e+00, v11  }
0x279: {  	v8 =	vnsel vm12, $0xBF800000, v47;
	vm13 =	vgt.f32 v9, $0.0e+00;
	v9 =	vadd.f32 $-1.000000000e+00, v17  }
0x27a: {  	v6 =	vmax.f32 v6, v8;
	v8 =	vnsel vm13, $0xBF800000, v49;
	vm14 =	vgt.f32 v7, $0.0e+00  }
0x27b: {  	v6 =	vmax.f32 v6, v8;
	v7 =	vnsel vm14, $0xBF800000, v50;
	vm15 =	vgt.f32 v9, $0.0e+00  }
0x27c: {  	v6 =	vmax.f32 v6, v7;
	v7 =	vnsel vm15, $0xBF800000, v52  }
0x27d: {  	v6 =	vmax.f32 v6, v7  }
0x27e: {  	(xrf0) =	vmax.scan.msk.f32 $0xffff, v6;
	_ =	sdelay $0x4  }
0x27f: {  	(v2sf) =	vpush v10, $0x0  }
0x280: {  	(v2sf) =	vpush v56, $0x0;
	v6, _, _ =	vpop (xrf0)  }
0x281: {  	(v2sf) =	vpush v6, $0xF;
	_ =	sdelay $0xc  }
0x282: {  	s30 =	spop (v2sf)  }
0x283: {  	s31 =	spop (v2sf)  }
0x284: {  	s0 =	spop (v2sf)  }
0x285: {  	s0 =	sadd.f32 $-2.000000000e+00, s0  }
.Ltmp29:
0x286: {  	_ = 	snop;
	(pc) =	sbr.rel @p0 .LBB2_49-.Ltmp29, $3  }
0x287: {  	s0 =	smul.f32 $1.953125000e-03, s0;
	_ =	sdelay $0x1  }
0x288: {  	v8 =	vimm.f32 $0.0e+00;
	s0 =	smax.f32 s0, $0.0e+00  }
0x289: {  	s2 =	simm.s32 $0x10000;
	v9 =	vimm.f32 $0.0e+00;
	v6 =	vimm.f32 $0.0e+00;
	v7 =	vmov s0  }
0x28a: {  	v8 =	vld [tilespmem:s2+$0x0];
	p1 =	sne.s32 s23, $0x1  }
.Ltmp30:
0x28b: {  	_ = 	snop;
	(pc) =	sbr.rel @!p1 .LBB2_48-.Ltmp30, $2  }
0x28c: {  	_ =	sdelay $0x2  }
0x28d: {  	s0 =	sadd.s32 $0xFFFFFFFF, s23;
	s2 =	sadd.s32 $0x10, s2;
	v9 =	vimm.f32 $0.0e+00;
	v10 =	vsub.f32 v8, v7;
	v8 =	vimm.f32 $0.0e+00  }
.LBB2_47:
0x28e: {  	v11 =	vld [tilespmem:s2+$0x0];
	p1 =	sne.s32 s0, $0x1;
	s0 =	sadd.s32 $0xFFFFFFFF, s0  }
.Ltmp31:
0x28f: {  	v10 =	vmax.f32 v10, $0.0e+00;
	(pc) =	sbr.rel @p1 .LBB2_47-.Ltmp31, $4  }
0x290: {  	v8 =	vadd.f32 v10, v8;
	vm0 =	vgt.f32 v10, $0.0e+00  }
0x291: {  	v10 =	vsel vm0, $0x3F800000, v0  }
0x292: {  	v9 =	vadd.f32 v10, v9  }
0x293: {  	s2 =	sadd.s32 $0x10, s2;
	v10 =	vsub.f32 v11, v7  }
.LBB2_48:
0x294: {  	_ = 	snop  }
0x295: {  	v10 =	vmax.f32 v10, $0.0e+00  }
0x296: {  	vm0 =	vgt.f32 v10, $0.0e+00  }
0x297: {  	v11 =	vsel vm0, $0x3F800000, v0  }
0x298: {  	v8 =	vadd.f32 v10, v8;
	v9 =	vadd.f32 v11, v9  }
.LBB2_49:
0x299: {  	_ = 	snop  }
0x29a: {  	(xrf2) =	vadd.scan.msk.f32 $0xffff, v8  }
0x29b: {  	(xrf2) =	vadd.scan.msk.f32 $0xffff, v9;
	_ =	sdelay $0x8  }
0x29c: {  	v8, _, _ =	vpop (xrf2)  }
0x29d: {  	v9, _, _ =	vpop (xrf2)  }
0x29e: {  	v9 =	vmax.f32 v9, $1.000000000e+00  }
0x29f: {  	v9 =	vbroadcast v9, $0xF;
	_ =	sdelay $0x1  }
0x2a0: {  	(erf) = vrcp.f32 v9;
	_ =	sdelay $0x5  }
0x2a1: {  	v8 =	vadd.f32 $-1.000000000e+00, v8;
	_ =	sdelay $0x1  }
.Ltmp32:
0x2a2: {  	v8 =	vbroadcast v8, $0xF;
	(pc) =	sbr.rel @p0 .LBB2_50-.Ltmp32, $3  }
0x2a3: {  	v9 =	vpop (erf)  }
0x2a4: {  	v8 =	vmul.f32 v9, v8;
	_ =	sdelay $0x1  }
0x2a5: {  	s2 =	simm.s32 $0x10000;
	v7 =	vadd.f32 v8, v7  }
0x2a6: {  	v8 =	vld [tilespmem:s2+$0x0];
	p1 =	sne.s32 s23, $0x1  }
.Ltmp33:
0x2a7: {  	_ = 	snop;
	(pc) =	sbr.rel @!p1 .LBB2_53-.Ltmp33, $2  }
0x2a8: {  	_ =	sdelay $0x2  }
0x2a9: {  	s0 =	sadd.s32 $0xFFFFFFFF, s23;
	s2 =	sadd.s32 $0x10, s2;
	v9 =	vsub.f32 v8, v7;
	v8 =	vimm.f32 $0.0e+00  }
.LBB2_52:
0x2aa: {  	v10 =	vld [tilespmem:s2+$0x0];
	p1 =	sne.s32 s0, $0x1;
	s0 =	sadd.s32 $0xFFFFFFFF, s0  }
.Ltmp34:
0x2ab: {  	v9 =	vmax.f32 v9, $0.0e+00;
	(pc) =	sbr.rel @p1 .LBB2_52-.Ltmp34, $4  }
0x2ac: {  	v6 =	vadd.f32 v9, v6;
	vm0 =	vgt.f32 v9, $0.0e+00  }
0x2ad: {  	v9 =	vsel vm0, $0x3F800000, v0  }
0x2ae: {  	v8 =	vadd.f32 v9, v8  }
0x2af: {  	s2 =	sadd.s32 $0x10, s2;
	v9 =	vsub.f32 v10, v7  }
.LBB2_53:
.Ltmp35:
0x2b0: {  	_ = 	snop;
	(pc) =	sbr.rel .LBB2_54-.Ltmp35, $4  }
0x2b1: {  	v9 =	vmax.f32 v9, $0.0e+00  }
0x2b2: {  	vm0 =	vgt.f32 v9, $0.0e+00  }
0x2b3: {  	v10 =	vsel vm0, $0x3F800000, v0  }
0x2b4: {  	v6 =	vadd.f32 v9, v6;
	v8 =	vadd.f32 v10, v8  }
.LBB2_50:
0x2b5: {  	v8 =	vimm.f32 $0.0e+00  }
.LBB2_54:
0x2b6: {  	_ = 	snop  }
0x2b7: {  	(xrf2) =	vadd.scan.msk.f32 $0xffff, v6  }
0x2b8: {  	(xrf2) =	vadd.scan.msk.f32 $0xffff, v8;
	_ =	sdelay $0x8  }
0x2b9: {  	v6, _, _ =	vpop (xrf2)  }
0x2ba: {  	v8, _, _ =	vpop (xrf2)  }
0x2bb: {  	v8 =	vmax.f32 v8, $1.000000000e+00  }
0x2bc: {  	v8 =	vbroadcast v8, $0xF;
	_ =	sdelay $0x1  }
0x2bd: {  	(erf) = vrcp.f32 v8;
	_ =	sdelay $0x5  }
0x2be: {  	v6 =	vadd.f32 $-1.000000000e+00, v6;
	_ =	sdelay $0x1  }
.Ltmp36:
0x2bf: {  	v6 =	vbroadcast v6, $0xF;
	(pc) =	sbr.rel @p0 .LBB2_58-.Ltmp36, $4  }
0x2c0: {  	v8 =	vpop (erf)  }
0x2c1: {  	v6 =	vmul.f32 v8, v6  }
0x2c2: {  	v9 =	vimm.f32 $0.0e+00  }
0x2c3: {  	s2 =	simm.s32 $0x10000;
	v8 =	vimm.f32 $0.0e+00;
	v7 =	vadd.f32 v6, v7;
	v6 =	vimm.f32 $0.0e+00  }
0x2c4: {  	v8 =	vld [tilespmem:s2+$0x0];
	p1 =	sne.s32 s23, $0x1  }
.Ltmp37:
0x2c5: {  	_ = 	snop;
	(pc) =	sbr.rel @!p1 .LBB2_57-.Ltmp37, $2  }
0x2c6: {  	_ =	sdelay $0x2  }
0x2c7: {  	s0 =	sadd.s32 $0xFFFFFFFF, s23;
	s2 =	sadd.s32 $0x10, s2;
	v9 =	vimm.f32 $0.0e+00;
	v10 =	vsub.f32 v8, v7;
	v8 =	vimm.f32 $0.0e+00  }
.LBB2_56:
0x2c8: {  	v11 =	vld [tilespmem:s2+$0x0];
	p1 =	sne.s32 s0, $0x1;
	s0 =	sadd.s32 $0xFFFFFFFF, s0  }
.Ltmp38:
0x2c9: {  	v10 =	vmax.f32 v10, $0.0e+00;
	(pc) =	sbr.rel @p1 .LBB2_56-.Ltmp38, $4  }
0x2ca: {  	v8 =	vadd.f32 v10, v8;
	vm0 =	vgt.f32 v10, $0.0e+00  }
0x2cb: {  	v10 =	vsel vm0, $0x3F800000, v0  }
0x2cc: {  	v9 =	vadd.f32 v10, v9  }
0x2cd: {  	s2 =	sadd.s32 $0x10, s2;
	v10 =	vsub.f32 v11, v7  }
.LBB2_57:
0x2ce: {  	_ = 	snop  }
0x2cf: {  	v10 =	vmax.f32 v10, $0.0e+00  }
0x2d0: {  	vm0 =	vgt.f32 v10, $0.0e+00  }
0x2d1: {  	v11 =	vsel vm0, $0x3F800000, v0  }
0x2d2: {  	v8 =	vadd.f32 v10, v8;
	v9 =	vadd.f32 v11, v9  }
.LBB2_58:
0x2d3: {  	_ = 	snop  }
0x2d4: {  	(xrf2) =	vadd.scan.msk.f32 $0xffff, v8  }
0x2d5: {  	(xrf2) =	vadd.scan.msk.f32 $0xffff, v9;
	_ =	sdelay $0x8  }
0x2d6: {  	v8, _, _ =	vpop (xrf2)  }
0x2d7: {  	v9, _, _ =	vpop (xrf2)  }
0x2d8: {  	v9 =	vmax.f32 v9, $1.000000000e+00  }
0x2d9: {  	v9 =	vbroadcast v9, $0xF;
	_ =	sdelay $0x1  }
0x2da: {  	(erf) = vrcp.f32 v9;
	_ =	sdelay $0x5  }
0x2db: {  	v8 =	vadd.f32 $-1.000000000e+00, v8;
	_ =	sdelay $0x1  }
.Ltmp39:
0x2dc: {  	v8 =	vbroadcast v8, $0xF;
	(pc) =	sbr.rel @p0 .LBB2_59-.Ltmp39, $3  }
0x2dd: {  	v9 =	vpop (erf)  }
0x2de: {  	v8 =	vmul.f32 v9, v8;
	_ =	sdelay $0x1  }
0x2df: {  	s2 =	simm.s32 $0x10000;
	v7 =	vadd.f32 v8, v7  }
0x2e0: {  	v8 =	vld [tilespmem:s2+$0x0];
	p0 =	sne.s32 s23, $0x1  }
.Ltmp40:
0x2e1: {  	_ = 	snop;
	(pc) =	sbr.rel @!p0 .LBB2_62-.Ltmp40, $2  }
0x2e2: {  	_ =	sdelay $0x2  }
0x2e3: {  	s0 =	sadd.s32 $0xFFFFFFFF, s23;
	s2 =	sadd.s32 $0x10, s2;
	v9 =	vsub.f32 v8, v7;
	v8 =	vimm.f32 $0.0e+00  }
.LBB2_61:
0x2e4: {  	v10 =	vld [tilespmem:s2+$0x0];
	p0 =	sne.s32 s0, $0x1;
	s0 =	sadd.s32 $0xFFFFFFFF, s0  }
.Ltmp41:
0x2e5: {  	v9 =	vmax.f32 v9, $0.0e+00;
	(pc) =	sbr.rel @p0 .LBB2_61-.Ltmp41, $4  }
0x2e6: {  	v6 =	vadd.f32 v9, v6;
	vm0 =	vgt.f32 v9, $0.0e+00  }
0x2e7: {  	v9 =	vsel vm0, $0x3F800000, v0  }
0x2e8: {  	v8 =	vadd.f32 v9, v8  }
0x2e9: {  	s2 =	sadd.s32 $0x10, s2;
	v9 =	vsub.f32 v10, v7  }
.LBB2_62:
.Ltmp42:
0x2ea: {  	_ = 	snop;
	(pc) =	sbr.rel .LBB2_63-.Ltmp42, $4  }
0x2eb: {  	v9 =	vmax.f32 v9, $0.0e+00  }
0x2ec: {  	vm0 =	vgt.f32 v9, $0.0e+00  }
0x2ed: {  	v10 =	vsel vm0, $0x3F800000, v0  }
0x2ee: {  	v6 =	vadd.f32 v9, v6;
	v8 =	vadd.f32 v10, v8  }
.LBB2_59:
0x2ef: {  	v8 =	vimm.f32 $0.0e+00  }
.LBB2_63:
0x2f0: {  	_ = 	snop  }
0x2f1: {  	(xrf2) =	vadd.scan.msk.f32 $0xffff, v6  }
0x2f2: {  	(xrf2) =	vadd.scan.msk.f32 $0xffff, v8;
	_ =	sdelay $0x8  }
0x2f3: {  	v6, _, _ =	vpop (xrf2)  }
0x2f4: {  	v8, _, _ =	vpop (xrf2)  }
0x2f5: {  	v8 =	vmax.f32 v8, $1.000000000e+00  }
0x2f6: {  	v8 =	vbroadcast v8, $0xF;
	_ =	sdelay $0x1  }
0x2f7: {  	(erf) = vrcp.f32 v8;
	_ =	sdelay $0x8  }
0x2f8: {  	v6 =	vadd.f32 $-1.000000000e+00, v6;
	v8 =	vpop (erf)  }
0x2f9: {  	_ =	swait.ge [sflag:s18], $0x8000  }
0x2fa: {  	v6 =	vbroadcast v6, $0xF;
	[sflag:s18] =	ssyncset.done $0x0  }
0x2fb: {  	s23 =	simm.s32 $0x8040;
	[sflag:s18] =	ssyncadd.s32 $0xFFFF8000  }
0x2fc: {  	v6 =	vmul.f32 v8, v6;
	[tilespmem:s1], [sflag:$0x1] =	stream.strided.gather [hbm4b:s6+s12], $0x8000, s13, s12, $0x38;
	[tilespmem:$0x18480] =	vst v63  }
0x2fd: {  	v9 =	vld [tilespmem:s23+$0x30]  }
0x2fe: {  	v6 =	vadd.f32 v6, v7;
	v11 =	vld [tilespmem:s23+$0xFFFFFFD0]  }
0x2ff: {  	v13 =	vld [tilespmem:s23+$0xFFFFFFE0]  }
0x300: {  	v5 =	vadd.f32 v6, v5;
	v10 =	vld [tilespmem:s23+$0xFFFFFFF0]  }
0x301: {  	v8 =	vld [tilespmem:s23+$0x0]  }
0x302: {  	v6 =	vld [tilespmem:s23+$0x10];
	v14 =	vsub.f32 v9, v5  }
0x303: {  	v7 =	vld [tilespmem:s23+$0x20];
	v12 =	vsub.f32 v11, v5  }
0x304: {  	s0 =	simm.s32 $0x0;
	s2 =	simm.s32 $0x80C0;
	v9 =	vld [tilespmem:s23+$0xFFFFFFC0];
	v11 =	vsub.f32 v13, v5;
	v13 =	vmax.f32 v14, $0.0e+00  }
.LBB2_64:
0x305: {  	v14 =	vld [tilespmem:s2+$0x30];
	s0 =	sadd.s32 $0x8, s0;
	v12 =	vmax.f32 v12, $0.0e+00;
	v10 =	vsub.f32 v10, v5;
	[tilespmem:s23+$0x30] =	vst v13  }
0x306: {  	v13 =	vld [tilespmem:s2+$0xFFFFFFD0];
	p0 =	slt.u32 s0, $0x7F8;
	[tilespmem:s23+$0xFFFFFFD0] =	vst v12;
	v11 =	vmax.f32 v11, $0.0e+00;
	v8 =	vsub.f32 v8, v5  }
0x307: {  	v15 =	vld [tilespmem:s2+$0xFFFFFFE0];
	[tilespmem:s23+$0xFFFFFFE0] =	vst v11;
	v11 =	vmax.f32 v10, $0.0e+00;
	v6 =	vsub.f32 v6, v5  }
.Ltmp43:
0x308: {  	v10 =	vld [tilespmem:s2+$0xFFFFFFF0];
	[tilespmem:s23+$0xFFFFFFF0] =	vst v11;
	v11 =	vmax.f32 v8, $0.0e+00;
	v7 =	vsub.f32 v7, v5;
	(pc) =	sbr.rel @p0 .LBB2_64-.Ltmp43, $4  }
0x309: {  	v8 =	vld [tilespmem:s2+$0x0];
	v9 =	vsub.f32 v9, v5;
	[tilespmem:s23+$0x0] =	vst v11;
	v11 =	vmax.f32 v6, $0.0e+00  }
0x30a: {  	v6 =	vld [tilespmem:s2+$0x10];
	v14 =	vsub.f32 v14, v5;
	[tilespmem:s23+$0x10] =	vst v11;
	v11 =	vmax.f32 v7, $0.0e+00  }
0x30b: {  	v12 =	vsub.f32 v13, v5;
	v7 =	vld [tilespmem:s2+$0x20];
	v16 =	vmax.f32 v9, $0.0e+00;
	[tilespmem:s23+$0x20] =	vst v11  }
0x30c: {  	v9 =	vld [tilespmem:s2+$0xFFFFFFC0];
	v11 =	vsub.f32 v15, v5;
	v13 =	vmax.f32 v14, $0.0e+00;
	[tilespmem:s23+$0xFFFFFFC0] =	vst v16;
	s23 =	smov.u32 s2;
	s2 =	sadd.s32 $0x80, s2  }
0x30d: {  	v12 =	vmax.f32 v12, $0.0e+00;
	v10 =	vsub.f32 v10, v5;
	[tilespmem:s23+$0x30] =	vst v13  }
0x30e: {  	[tilespmem:s23+$0xFFFFFFD0] =	vst v12;
	v11 =	vmax.f32 v11, $0.0e+00;
	v8 =	vsub.f32 v8, v5  }
0x30f: {  	[tilespmem:s23+$0xFFFFFFE0] =	vst v11;
	v10 =	vmax.f32 v10, $0.0e+00;
	v6 =	vsub.f32 v6, v5  }
0x310: {  	[tilespmem:s23+$0xFFFFFFF0] =	vst v10;
	v8 =	vmax.f32 v8, $0.0e+00;
	v7 =	vsub.f32 v7, v5  }
0x311: {  	v5 =	vsub.f32 v9, v5;
	[tilespmem:s23+$0x0] =	vst v8;
	v6 =	vmax.f32 v6, $0.0e+00  }
0x312: {  	[tilespmem:s23+$0x10] =	vst v6;
	v6 =	vmax.f32 v7, $0.0e+00  }
0x313: {  	v5 =	vmax.f32 v5, $0.0e+00;
	[tilespmem:s23+$0x20] =	vst v6  }
0x314: {  	[tilespmem:s23+$0xFFFFFFC0] =	vst v5  }
0x315: {  	[hbm4b:s7+s12] =	stream.strided.scatter [tilespmem:s16], [sflag:$0x4], $0x8000, s13, s12, $0x38;
	[tilespmem:$0x18480] =	vst v63  }
0x316: {  	_ =	swait.ge [sflag:s14], $0x8000  }
0x317: {  	[sflag:s14] =	ssyncset.done $0x0  }
0x318: {  	s2 =	simm.s32 $0x40;
	[sflag:s14] =	ssyncadd.s32 $0xFFFF8000  }
0x319: {  	v5 =	vld [tilespmem:s2+$0x30]  }
0x31a: {  	v6 =	vld [tilespmem:s2+$0xFFFFFFD0]  }
0x31b: {  	v7 =	vld [tilespmem:s2+$0xFFFFFFE0]  }
0x31c: {  	v10 =	vld [tilespmem:s2+$0xFFFFFFF0]  }
0x31d: {  	v11 =	vld [tilespmem:s2+$0x0]  }
0x31e: {  	v13 =	vimm.f32 $-Inf;
	v14 =	vimm.f32 $-Inf;
	v12 =	vld [tilespmem:s2+$0x10]  }
0x31f: {  	v15 =	vimm.f32 $-Inf;
	v8 =	vimm.f32 $-Inf;
	v9 =	vimm.f32 $-Inf;
	v16 =	vld [tilespmem:s2+$0x20]  }
0x320: {  	s0 =	simm.s32 $0x0;
	v17 =	vld [tilespmem:s2+$0xFFFFFFC0];
	s2 =	simm.s32 $0xC0;
	v5 =	vmax.f32 v8, v5;
	v6 =	vmax.f32 v8, v6;
	v7 =	vmax.f32 v8, v7  }
.LBB2_66:
0x321: {  	v18 =	vld [tilespmem:s2+$0x30];
	s0 =	sadd.s32 $0x8, s0;
	v8 =	vmax.f32 v8, v10  }
0x322: {  	v19 =	vld [tilespmem:s2+$0xFFFFFFD0];
	p0 =	slt.u32 s0, $0x7F8;
	v9 =	vmax.f32 v9, v11  }
0x323: {  	v20 =	vld [tilespmem:s2+$0xFFFFFFE0];
	v13 =	vmax.f32 v13, v12  }
.Ltmp44:
0x324: {  	v10 =	vld [tilespmem:s2+$0xFFFFFFF0];
	v14 =	vmax.f32 v14, v16;
	(pc) =	sbr.rel @p0 .LBB2_66-.Ltmp44, $4  }
0x325: {  	v11 =	vld [tilespmem:s2+$0x0];
	v15 =	vmax.f32 v15, v17  }
0x326: {  	s24 =	simm.s32 $0x180C0;
	s23 =	simm.s32 $0x182C0;
	v12 =	vld [tilespmem:s2+$0x10];
	v5 =	vmax.f32 v5, v18  }
0x327: {  	v6 =	vmax.f32 v6, v19;
	v16 =	vld [tilespmem:s2+$0x20]  }
0x328: {  	v17 =	vld [tilespmem:s2+$0xFFFFFFC0];
	v7 =	vmax.f32 v7, v20;
	s2 =	sadd.s32 $0x80, s2  }
0x329: {  	[tilespmem:s24+$0xFFFFFFC0] =	vst v0  }
0x32a: {  	[tilespmem:s23+$0xFFFFFFC0] =	vst v0  }
0x32b: {  	[tilespmem:s24+$0xFFFFFFD0] =	vst v0  }
0x32c: {  	[tilespmem:s23+$0xFFFFFFD0] =	vst v0  }
0x32d: {  	[tilespmem:s24+$0xFFFFFFE0] =	vst v0  }
0x32e: {  	[tilespmem:s23+$0xFFFFFFE0] =	vst v0  }
0x32f: {  	[tilespmem:s24+$0xFFFFFFF0] =	vst v0  }
0x330: {  	[tilespmem:s23+$0xFFFFFFF0] =	vst v0  }
0x331: {  	[tilespmem:s24+$0x0] =	vst v0  }
0x332: {  	[tilespmem:s23+$0x0] =	vst v0  }
0x333: {  	[tilespmem:s24+$0x10] =	vst v0  }
0x334: {  	[tilespmem:s23+$0x10] =	vst v0  }
0x335: {  	[tilespmem:s24+$0x20] =	vst v0  }
0x336: {  	v8 =	vmax.f32 v8, v10;
	v9 =	vmax.f32 v9, v11;
	[tilespmem:s23+$0x20] =	vst v0  }
0x337: {  	s0 =	simm.s32 $0x0;
	v10 =	vmax.f32 v13, v12;
	v11 =	vmax.f32 v14, v16;
	v12 =	vmax.f32 v15, v17;
	[tilespmem:s24+$0x30] =	vst v0  }
.LBB2_68:
0x338: {  	s0 =	sadd.s32 $0x8, s0;
	[tilespmem:s23+$0x30] =	vst v0;
	s24 =	sadd.s32 $0x80, s24;
	s23 =	sadd.s32 $0x80, s23  }
0x339: {  	[tilespmem:s24+$0xFFFFFFC0] =	vst v0;
	p0 =	slt.u32 s0, $0x18  }
0x33a: {  	[tilespmem:s23+$0xFFFFFFC0] =	vst v0  }
0x33b: {  	[tilespmem:s24+$0xFFFFFFD0] =	vst v0  }
0x33c: {  	[tilespmem:s23+$0xFFFFFFD0] =	vst v0  }
0x33d: {  	[tilespmem:s24+$0xFFFFFFE0] =	vst v0  }
0x33e: {  	[tilespmem:s23+$0xFFFFFFE0] =	vst v0  }
0x33f: {  	[tilespmem:s24+$0xFFFFFFF0] =	vst v0  }
0x340: {  	[tilespmem:s23+$0xFFFFFFF0] =	vst v0  }
0x341: {  	[tilespmem:s24+$0x0] =	vst v0  }
0x342: {  	[tilespmem:s23+$0x0] =	vst v0  }
.Ltmp45:
0x343: {  	[tilespmem:s24+$0x10] =	vst v0;
	(pc) =	sbr.rel @p0 .LBB2_68-.Ltmp45, $4  }
0x344: {  	[tilespmem:s23+$0x10] =	vst v0  }
0x345: {  	[tilespmem:s24+$0x20] =	vst v0  }
0x346: {  	[tilespmem:s23+$0x20] =	vst v0  }
0x347: {  	[tilespmem:s24+$0x30] =	vst v0  }
0x348: {  	v6 =	vmax.f32 v12, v6  }
0x349: {  	v6 =	vmax.f32 v6, v7  }
0x34a: {  	v6 =	vmax.f32 v6, v8  }
0x34b: {  	v6 =	vmax.f32 v6, v9  }
0x34c: {  	v6 =	vmax.f32 v6, v10  }
0x34d: {  	v6 =	vmax.f32 v6, v11  }
0x34e: {  	v5 =	vmax.f32 v6, v5  }
0x34f: {  	(xrf0) =	vmax.scan.msk.f32 $0xffff, v5;
	_ =	sdelay $0x5  }
0x350: {  	v5, _, _ =	vpop (xrf0)  }
0x351: {  	(v2sf) =	vpush v5, $0xF;
	_ =	sdelay $0xb  }
0x352: {  	[tilespmem:s23+$0x30] =	vst v0;
	s30 =	simm.s32 $0x40  }
0x353: {  	v8 =	vld [tilespmem:s30+$0xFFFFFFD0]  }
0x354: {  	v6 =	vld [tilespmem:s30+$0xFFFFFFE0]  }
0x355: {  	v9 =	vld [tilespmem:s30+$0x0];
	s0 =	spop (v2sf)  }
0x356: {  	v7 =	vld [tilespmem:s30+$0xFFFFFFC0];
	s0 =	sadd.f32 $-1.000000000e+00, s0;
	_ =	sdelay $0x1  }
0x357: {  	v5 =	vmov s0  }
0x358: {  	v14 =	vsub.f32 v6, v5;
	v6 =	vld [tilespmem:s30+$0xFFFFFFF0]  }
0x359: {  	v16 =	vsub.f32 v8, v5;
	v19 =	vsub.f32 v9, v5;
	v9 =	vld [tilespmem:s30+$0x20]  }
0x35a: {  	v15 =	vsub.f32 v7, v5;
	v7 =	vld [tilespmem:s30+$0x30];
	vm0 =	vgt.f32 v14, $0.0e+00  }
0x35b: {  	vm1 =	vgt.f32 v16, $0.0e+00;
	v8 =	vmpcnt.ones.xlane vm0  }
0x35c: {  	v13 =	vlaneseq.u32;
	vm0 =	vgt.f32 v15, $0.0e+00;
	v11 =	vmpcnt.ones.xlane vm1  }
0x35d: {  	s31 =	simm.s32 $0xC0;
	v12 =	vld [tilespmem:s30+$0x10];
	vm1 =	vgt.f32 v19, $0.0e+00;
	v10 =	vmpcnt.ones.xlane vm0;
	vm2 =	vgt.s32 v8, $0x0  }
0x35e: {  	v21 =	vld [tilespmem:s31+$0xFFFFFFC0];
	vm0 =	vgt.s32 v11, $0x0;
	v20 =	vsub.f32 v6, v5;
	v6 =	vsub.f32 v9, v5  }
0x35f: {  	v11 =	vld [tilespmem:s31+$0x0];
	v7 =	vsub.f32 v7, v5;
	v9 =	vmpcnt.ones.xlane vm1;
	vm4 =	vgt.s32 v10, $0x0  }
0x360: {  	v8 =	vld [tilespmem:s31+$0xFFFFFFE0];
	v10 =	vsel vm2, $0x10, v1;
	v18 =	vsel vm0, $0x10, v1;
	v17 =	vsel vm4, $0x10, v1  }
0x361: {  	vm3 =	vgt.f32 v20, $0.0e+00;
	vm5 =	vgt.s32 v9, $0x0;
	v17 =	vadd.s32 v13, v17  }
0x362: {  	vm1 =	vgt.f32 v7, $0.0e+00;
	v23 =	vmpcnt.ones.xlane vm3;
	v18 =	vadd.s32 v17, v18  }
0x363: {  	v24 =	vmpcnt.ones.xlane vm1;
	v22 =	vadd.s32 v18, v10;
	v10 =	vsub.f32 v12, v5  }
0x364: {  	v12 =	vld [tilespmem:s31+$0xFFFFFFD0];
	v9 =	vsub.f32 v11, v5;
	v11 =	vsub.f32 v21, v5;
	vm6 =	vgt.s32 v23, $0x0  }
0x365: {  	v8 =	vsub.f32 v8, v5;
	v23 =	vsel vm6, $0x10, v1;
	vm3 =	vgt.f32 v10, $0.0e+00  }
0x366: {  	vm7 =	vgt.f32 v11, $0.0e+00;
	v23 =	vadd.s32 v22, v23;
	[tilespmem:v13+s15+$0x0] =	vst.idx.msk vm4, v15;
	vm4 =	vgt.f32 v6, $0.0e+00  }
0x367: {  	v15 =	vsel vm5, $0x10, v1;
	v21 =	vmpcnt.ones.xlane vm3;
	vm3 =	vgt.f32 v8, $0.0e+00  }
0x368: {  	v63 =	vmpcnt.ones.xlane vm4;
	v25 =	vmpcnt.ones.xlane vm3;
	vm3 =	vgt.f32 v9, $0.0e+00  }
0x369: {  	v13 =	vld [tilespmem:s31+$0xFFFFFFF0];
	[tilespmem:v17+s15+$0x0] =	vst.idx.msk vm0, v16;
	vm1 =	vgt.s32 v21, $0x0;
	v21 =	vmpcnt.ones.xlane vm7;
	v12 =	vsub.f32 v12, v5  }
0x36a: {  	v17 =	vld [tilespmem:s31+$0x30];
	[tilespmem:v18+s15+$0x0] =	vst.idx.msk vm2, v14;
	v14 =	vadd.s32 v23, v15;
	v26 =	vsel vm1, $0x10, v1;
	vm0 =	vgt.s32 v25, $0x0  }
0x36b: {  	v18 =	vld [tilespmem:s31+$0x20];
	vm4 =	vgt.f32 v12, $0.0e+00;
	vm2 =	vgt.s32 v21, $0x0;
	v16 =	vsel vm0, $0x10, v1  }
0x36c: {  	[tilespmem:v22+s15+$0x0] =	vst.idx.msk vm6, v20;
	v15 =	vadd.s32 v14, v26;
	v21 =	vmpcnt.ones.xlane vm4;
	vm4 =	vgt.s32 v63, $0x0  }
0x36d: {  	s23 =	simm.s32 $0x8;
	s24 =	simm.s32 $0x140;
	[tilespmem:v23+s15+$0x0] =	vst.idx.msk vm5, v19;
	v19 =	vld [tilespmem:s31+$0x10];
	vm5 =	vgt.s32 v24, $0x0;
	v20 =	vsel vm2, $0x10, v1;
	v22 =	vsel vm4, $0x10, v1  }
.LBB2_70:
0x36e: {  	v23 =	vld [tilespmem:s24+$0xFFFFFFE0];
	s23 =	sadd.s32 $0x8, s23;
	vm6 =	vgt.s32 v21, $0x0;
	v21 =	vadd.s32 v15, v22;
	v22 =	vsel vm5, $0x10, v1  }
0x36f: {  	v26 =	vsub.f32 v13, v5;
	v24 =	vld [tilespmem:s24+$0x0];
	p0 =	slt.u32 s23, $0x7F8;
	v25 =	vsel vm6, $0x10, v1;
	v22 =	vadd.s32 v21, v22  }
0x370: {  	v17 =	vsub.f32 v17, v5;
	v13 =	vld [tilespmem:s24+$0xFFFFFFF0];
	v20 =	vadd.s32 v22, v20;
	v18 =	vsub.f32 v18, v5  }
0x371: {  	v28 =	vmpcnt.ones.xlane vm3;
	vm7 =	vgt.f32 v26, $0.0e+00;
	v27 =	vld [tilespmem:s24+$0xFFFFFFC0];
	v25 =	vadd.s32 v20, v25;
	[tilespmem:v14+s15+$0x0] =	vst.idx.msk vm1, v10  }
0x372: {  	v29 =	vmpcnt.ones.xlane vm7;
	v14 =	vld [tilespmem:s24+$0xFFFFFFD0];
	v16 =	vadd.s32 v25, v16;
	v10 =	vsub.f32 v19, v5;
	[tilespmem:v15+s15+$0x0] =	vst.idx.msk vm4, v6  }
0x373: {  	vm1 =	vgt.f32 v17, $0.0e+00;
	vm4 =	vgt.s32 v28, $0x0;
	v6 =	vmovc v18;
	v15 =	vsub.f32 v23, v5;
	[tilespmem:v21+s15+$0x0] =	vst.idx.msk vm5, v7  }
0x374: {  	v7 =	vmovc v17;
	v19 =	vsub.f32 v24, v5;
	[tilespmem:v22+s15+$0x0] =	vst.idx.msk vm2, v11;
	vm2 =	vgt.s32 v29, $0x0;
	vm5 =	vgt.f32 v10, $0.0e+00  }
0x375: {  	v23 =	vmpcnt.ones.xlane vm1;
	vm7 =	vgt.f32 v15, $0.0e+00;
	[tilespmem:v20+s15+$0x0] =	vst.idx.msk vm6, v12;
	v12 =	vsel vm2, $0x10, v1  }
0x376: {  	v17 =	vmpcnt.ones.xlane vm5;
	v11 =	vsub.f32 v27, v5;
	vm3 =	vgt.f32 v19, $0.0e+00;
	[tilespmem:v25+s15+$0x0] =	vst.idx.msk vm0, v8;
	v8 =	vmovc v15  }
0x377: {  	vm5 =	vgt.f32 v6, $0.0e+00;
	v15 =	vmpcnt.ones.xlane vm7;
	v22 =	vadd.s32 v16, v12  }
0x378: {  	v12 =	vsub.f32 v14, v5;
	vm1 =	vgt.s32 v17, $0x0;
	vm0 =	vgt.f32 v11, $0.0e+00  }
.Ltmp46:
0x379: {  	v20 =	vsel vm4, $0x10, v1;
	v24 =	vsel vm1, $0x10, v1;
	v14 =	vmpcnt.ones.xlane vm0;
	(pc) =	sbr.rel @p0 .LBB2_70-.Ltmp46, $4  }
0x37a: {  	vm6 =	vgt.f32 v12, $0.0e+00;
	vm0 =	vgt.s32 v15, $0x0;
	v15 =	vmpcnt.ones.xlane vm5;
	v17 =	vld [tilespmem:s24+$0x30];
	[tilespmem:v16+s15+$0x0] =	vst.idx.msk vm2, v26  }
0x37b: {  	v16 =	vsel vm0, $0x10, v1;
	vm2 =	vgt.s32 v14, $0x0;
	v18 =	vld [tilespmem:s24+$0x20];
	v14 =	vadd.s32 v22, v20  }
0x37c: {  	v21 =	vmpcnt.ones.xlane vm6;
	v20 =	vsel vm2, $0x10, v1;
	[tilespmem:v22+s15+$0x0] =	vst.idx.msk vm4, v9;
	vm4 =	vgt.s32 v15, $0x0;
	v9 =	vmovc v19  }
0x37d: {  	vm5 =	vgt.s32 v23, $0x0;
	v15 =	vadd.s32 v14, v24;
	v19 =	vld [tilespmem:s24+$0x10];
	s24 =	sadd.s32 $0x80, s24;
	v22 =	vsel vm4, $0x10, v1  }
0x37e: {  	_ = 	snop  }
0x37f: {  	v22 =	vadd.s32 v15, v22;
	v23 =	vsel vm5, $0x10, v1;
	vm6 =	vgt.s32 v21, $0x0  }
0x380: {  	v13 =	vsub.f32 v13, v5;
	v24 =	vmpcnt.ones.xlane vm3;
	v56 =	vadd.s32 v22, v23  }
0x381: {  	v57 =	vsel vm6, $0x10, v1;
	v17 =	vsub.f32 v17, v5;
	v20 =	vadd.s32 v56, v20  }
0x382: {  	vm7 =	vgt.f32 v13, $0.0e+00;
	v18 =	vsub.f32 v18, v5;
	v19 =	vsub.f32 v19, v5  }
0x383: {  	vm3 =	vgt.s32 v24, $0x0;
	v23 =	vadd.s32 v20, v57;
	v25 =	vmpcnt.ones.xlane vm7  }
0x384: {  	vm13 =	vgt.f32 v17, $0.0e+00;
	v59 =	vsel vm3, $0x10, v1;
	vm8 =	vgt.f32 v19, $0.0e+00  }
0x385: {  	vm14 =	vgt.f32 v18, $0.0e+00;
	vm9 =	vgt.s32 v25, $0x0;
	v58 =	vmpcnt.ones.xlane vm8  }
0x386: {  	v16 =	vadd.s32 v23, v16;
	v27 =	vmpcnt.ones.xlane vm14;
	v25 =	vsel vm9, $0x10, v1  }
0x387: {  	v26 =	vmpcnt.ones.xlane vm13;
	v25 =	vadd.s32 v16, v25;
	vm15 =	vgt.s32 v58, $0x0  }
0x388: {  	vm8 =	vgt.s32 v27, $0x0;
	v24 =	vadd.s32 v25, v59;
	v28 =	vsel vm15, $0x10, v1  }
0x389: {  	vm10 =	vgt.s32 v26, $0x0;
	v61 =	vsel vm8, $0x10, v1;
	v60 =	vadd.s32 v24, v28  }
0x38a: {  	v63 =	vsel vm10, $0x10, v1;
	v62 =	vadd.s32 v60, v61  }
0x38b: {  	v28 =	vadd.s32 v62, v63  }
0x38c: {  	(v2sf) =	vpush v28, $0x0;
	_ =	sdelay $0xb  }
0x38d: {  	[tilespmem:v14+s15+$0x0] =	vst.idx.msk vm1, v10  }
0x38e: {  	[tilespmem:v15+s15+$0x0] =	vst.idx.msk vm4, v6  }
0x38f: {  	[tilespmem:v22+s15+$0x0] =	vst.idx.msk vm5, v7  }
0x390: {  	[tilespmem:v56+s15+$0x0] =	vst.idx.msk vm2, v11;
	s0 =	spop (v2sf)  }
0x391: {  	[tilespmem:v20+s15+$0x0] =	vst.idx.msk vm6, v12;
	s2 =	sadd.s32 $0xF, s0  }
0x392: {  	[tilespmem:v23+s15+$0x0] =	vst.idx.msk vm0, v8;
	s23 =	sshrl.u32 s2, $0x4  }
0x393: {  	[tilespmem:v16+s15+$0x0] =	vst.idx.msk vm9, v13;
	p0 =	seq.s32 s23, $0x0  }
.Ltmp47:
0x394: {  	[tilespmem:v25+s15+$0x0] =	vst.idx.msk vm3, v9;
	(pc) =	sbr.rel @p0 .LBB2_75-.Ltmp47, $4  }
0x395: {  	[tilespmem:v24+s15+$0x0] =	vst.idx.msk vm15, v19  }
0x396: {  	[tilespmem:v60+s15+$0x0] =	vst.idx.msk vm8, v18  }
0x397: {  	[tilespmem:v62+s15+$0x0] =	vst.idx.msk vm10, v17  }
0x398: {  	[tilespmem:s0+$0x10000] =	vst v0;
	s0 =	simm.s32 $0x10000  }
0x399: {  	p1 =	sne.s32 s23, $0x1  }
.Ltmp48:
0x39a: {  	_ = 	snop;
	(pc) =	sbr.rel @!p1 .LBB2_74-.Ltmp48, $3  }
0x39b: {  	_ =	sdelay $0x1  }
0x39c: {  	v6 =	vld [tilespmem:s0+$0x0]  }
0x39d: {  	s2 =	sadd.s32 $0xFFFFFFFF, s23  }
.LBB2_73:
0x39e: {  	p1 =	sne.s32 s2, $0x1;
	_ =	sdelay $0x2  }
0x39f: {  	v7 =	vmul.f32 $5.120000000e+02, v6;
	_ =	sdelay $0x1  }
0x3a0: {  	v7 =	vmax.f32 v7, $0.0e+00  }
0x3a1: {  	v7 =	vmin.f32 v7, $5.110000000e+02  }
0x3a2: {  	v7 =	vtrunc.f32 v7  }
0x3a3: {  	vm0 =	vgt.f32 v6, $0.0e+00;
	v7 =	vcvt.f32.s32 v7;
	_ =	sdelay $0x4  }
.Ltmp49:
0x3a4: {  	(pc) =	sbr.rel @p1 .LBB2_73-.Ltmp49, $4  }
0x3a5: {  	[tilespmem:v7+s20+$0x0] =	vst.idx.add.f32.msk vm0, v4  }
0x3a6: {  	s0 =	sadd.s32 $0x10, s0;
	[tilespmem:v7+s21+$0x0] =	vst.idx.add.f32.msk vm0, v6  }
0x3a7: {  	v6 =	vld [tilespmem:s0+$0x0]  }
0x3a8: {  	s2 =	sadd.s32 $0xFFFFFFFF, s2  }
.LBB2_74:
0x3a9: {  	_ =	sdelay $0x2  }
0x3aa: {  	v7 =	vmul.f32 $5.120000000e+02, v6;
	_ =	sdelay $0x1  }
0x3ab: {  	v7 =	vmax.f32 v7, $0.0e+00  }
0x3ac: {  	v7 =	vmin.f32 v7, $5.110000000e+02  }
0x3ad: {  	v7 =	vtrunc.f32 v7  }
0x3ae: {  	vm0 =	vgt.f32 v6, $0.0e+00;
	v7 =	vcvt.f32.s32 v7;
	_ =	sdelay $0x5  }
0x3af: {  	[tilespmem:v7+s20+$0x0] =	vst.idx.add.f32.msk vm0, v4  }
0x3b0: {  	[tilespmem:v7+s21+$0x0] =	vst.idx.add.f32.msk vm0, v6  }
.LBB2_75:
0x3b1: {  	s0 =	simm.s32 $0x18270  }
0x3b2: {  	v6 =	vld [tilespmem:s0+$0x0]  }
0x3b3: {  	s24 =	simm.s32 $0x18470  }
0x3b4: {  	v7 =	vld [tilespmem:s24+$0x0];
	_ =	sdelay $0x2  }
0x3b5: {  	v6 =	vperm.xlane v6, v2;
	_ =	sdelay $0x1  }
0x3b6: {  	s25 =	simm.s32 $0x18260;
	(xrf2) =	vadd.scan.msk.f32 $0xffff, v6;
	v6 =	vperm.xlane v7, v2  }
0x3b7: {  	s26 =	simm.s32 $0x18460;
	v7 =	vld [tilespmem:s25+$0x0]  }
0x3b8: {  	(xrf2) =	vadd.scan.msk.f32 $0xffff, v6;
	v6 =	vld [tilespmem:s26+$0x0];
	_ =	sdelay $0x3  }
0x3b9: {  	s2 =	simm.s32 $0x18250;
	v7 =	vperm.xlane v7, v2  }
0x3ba: {  	s3 =	simm.s32 $0x18450;
	v8 =	vld [tilespmem:s2+$0x0];
	v6 =	vperm.xlane v6, v2  }
0x3bb: {  	s4 =	simm.s32 $0x18240;
	v9 =	vld [tilespmem:s3+$0x0];
	(xrf2) =	vadd.scan.msk.f32 $0xffff, v7  }
0x3bc: {  	(xrf2) =	vadd.scan.msk.f32 $0xffff, v6;
	v6 =	vld [tilespmem:s4+$0x0]  }
0x3bd: {  	v10, _, _ =	vpop (xrf2)  }
0x3be: {  	s24 =	simm.s32 $0x18440;
	v10 =	vperm.xlane v10, v2  }
0x3bf: {  	v11 =	vld [tilespmem:s24+$0x0];
	v7 =	vperm.xlane v8, v2  }
0x3c0: {  	v8 =	vperm.xlane v9, v2;
	(v2sf) =	vpush v10, $0x0  }
0x3c1: {  	v9, _, _ =	vpop (xrf2);
	(xrf2) =	vadd.scan.msk.f32 $0xffff, v7;
	v6 =	vperm.xlane v6, v2  }
0x3c2: {  	(xrf2) =	vadd.scan.msk.f32 $0xffff, v8  }
0x3c3: {  	(xrf2) =	vadd.scan.msk.f32 $0xffff, v6  }
0x3c4: {  	s25 =	simm.s32 $0x1F0;
	v6 =	vperm.xlane v11, v2  }
0x3c5: {  	s2 =	simm.s32 $0x18230;
	s0 =	scvt.s32.f32 s25  }
0x3c6: {  	s26 =	simm.s32 $0x18430;
	v12 =	vperm.xlane v9, v2;
	v9 =	vld [tilespmem:s2+$0x0];
	v7, _, _ =	vpop (xrf2)  }
0x3c7: {  	v14 =	vld [tilespmem:s26+$0x0];
	v15 =	vperm.xlane v7, v2;
	v7 =	vadd.f32 s0, v3  }
0x3c8: {  	(v2sf) =	vpush v12, $0x0;
	(xrf2) =	vadd.scan.msk.f32 $0xffff, v6;
	s0 =	simm.f32 $0.0e+00;
	v6, _, _ =	vpop (xrf2)  }
0x3c9: {  	v10 =	vadd.f32 s0, v10;
	v13 =	vperm.xlane v6, v2;
	v6 =	vadd.f32 $-2.000000000e+00, v7  }
0x3ca: {  	(v2sf) =	vpush v15, $0x0  }
0x3cb: {  	v17 =	vperm.xlane v9, v2;
	v9, _, _ =	vpop (xrf2);
	v6 =	vmul.f32 $-1.953125000e-03, v6  }
0x3cc: {  	s3 =	simm.s32 $0x18220;
	v20 =	vperm.xlane v14, v2;
	v11 =	vperm.xlane v9, v2;
	v18, _, _ =	vpop (xrf2)  }
0x3cd: {  	v16 =	vld [tilespmem:s3+$0x0];
	s3 =	simm.s32 $0x18420;
	(v2sf) =	vpush v13, $0x0;
	v14 =	vperm.xlane v18, v2;
	v6 =	vmul.f32 v10, v6;
	v10, _, _ =	vpop (xrf2)  }
0x3ce: {  	v19 =	vld [tilespmem:s3+$0x0];
	(v2sf) =	vpush v11, $0x0;
	v10 =	vperm.xlane v10, v2  }
0x3cf: {  	s4 =	simm.s32 $0x1E0;
	s26 =	spop (v2sf);
	(v2sf) =	vpush v14, $0x0  }
0x3d0: {  	s2 =	scvt.s32.f32 s4;
	(xrf2) =	vadd.scan.msk.f32 $0xffff, v17;
	(v2sf) =	vpush v10, $0x0;
	_ =	sdelay $0x1  }
0x3d1: {  	v16 =	vperm.xlane v16, v2;
	s25 =	simm.s32 $0x18210;
	v12 =	vadd.f32 s0, v12;
	v9 =	vadd.f32 s2, v3  }
0x3d2: {  	s24 =	simm.s32 $0x1D0;
	v19 =	vperm.xlane v19, v2;
	(xrf2) =	vadd.scan.msk.f32 $0xffff, v20;
	v18 =	vld [tilespmem:s25+$0x0]  }
0x3d3: {  	s3 =	scvt.s32.f32 s24;
	(xrf2) =	vadd.scan.msk.f32 $0xffff, v16;
	v21 =	vadd.f32 $-2.000000000e+00, v9;
	s28 =	sadd.f32 s26, s0  }
0x3d4: {  	s30 =	simm.s32 $0x18410;
	(xrf2) =	vadd.scan.msk.f32 $0xffff, v19;
	v17 =	vadd.f32 v6, v12  }
0x3d5: {  	s31 =	simm.s32 $0x180;
	s24 =	simm.s32 $0x1A0;
	s2 =	simm.s32 $0x1C0;
	v6 =	vadd.f32 s3, v3;
	v20 =	vmul.f32 $-1.953125000e-03, v21;
	v12, _, _ =	vpop (xrf2);
	v63 =	vadd.f32 s28, v15  }
0x3d6: {  	v8 =	vimm.f32 $-1.000000000e+00;
	s25 =	simm.s32 $0x190;
	s2 =	scvt.s32.f32 s2;
	v12 =	vperm.xlane v12, v2;
	v16 =	vadd.f32 $-1.000000000e+00, v17;
	s4 =	spop (v2sf)  }
0x3d7: {  	s26 =	simm.s32 $0x1B0;
	v18 =	vperm.xlane v18, v2;
	v17 =	vadd.f32 $-2.000000000e+00, v6;
	v15 =	vld [tilespmem:s30+$0x0];
	s29 =	sadd.f32 s4, s0;
	s0 =	simm.s32 $0x18200;
	v19 =	vmul.f32 v63, v20  }
.LBB2_76:
0x3d8: {  	s3 =	spop (v2sf)  }
0x3d9: {  	v20 =	vld [tilespmem:s0+$0x0];
	v21, _, _ =	vpop (xrf2);
	(v2sf) =	vpush v12, $0x0;
	v23 =	vadd.f32 s29, v13;
	vm0 =	vgt.f32 v16, $0.0e+00;
	s4 =	smov.u32 s24;
	s24 =	smov.u32 s25;
	p1 =	sne.s32 s31, $0x0  }
.Ltmp50:
0x3da: {  	s25 =	smov.u32 s31;
	v21 =	vperm.xlane v21, v2;
	s28 =	sadd.f32 s3, s28;
	v16 =	vnsel vm0, $0xBF800000, v7;
	v7 =	vmovc v9;
	v9 =	vmovc v6;
	v6 =	vadd.f32 s2, v3;
	(pc) =	sbr.rel @p1 .LBB2_76-.Ltmp50, $4  }
0x3db: {  	v13 =	vmovc v14;
	v22 =	vmul.f32 $-1.953125000e-03, v17;
	(xrf2) =	vadd.scan.msk.f32 $0xffff, v18;
	v17 =	vadd.f32 v19, v23;
	v8 =	vmax.f32 v8, v16  }
0x3dc: {  	s30 =	sadd.s32 $0xFFFFFFF0, s30;
	v19 =	vperm.xlane v15, v2;
	v18, _, _ =	vpop (xrf2);
	(v2sf) =	vpush v21, $0x0;
	v23 =	vadd.f32 s28, v11;
	s2 =	spop (v2sf)  }
0x3dd: {  	s31 =	sadd.s32 $0xFFFFFFF0, s31;
	v14 =	vmovc v12;
	v11 =	vmovc v10;
	v10 =	vmov v21;
	v15 =	vld [tilespmem:s30+$0x0];
	v16 =	vadd.f32 $-1.000000000e+00, v17;
	s29 =	sadd.f32 s2, s29;
	v12 =	vperm.xlane v18, v2  }
0x3de: {  	s0 =	sadd.s32 $0xFFFFFFF0, s0;
	s2 =	scvt.s32.f32 s26;
	v17 =	vadd.f32 $-2.000000000e+00, v6;
	s26 =	smov.u32 s4;
	v18 =	vperm.xlane v20, v2;
	(xrf2) =	vadd.scan.msk.f32 $0xffff, v19;
	v19 =	vmul.f32 v23, v22  }
0x3df: {  	_ =	sdelay $0x4  }
0x3e0: {  	v20, _, _ =	vpop (xrf2)  }
0x3e1: {  	v20 =	vperm.xlane v20, v2;
	v21, _, _ =	vpop (xrf2)  }
0x3e2: {  	(v2sf) =	vpush v12, $0x0;
	v21 =	vperm.xlane v21, v2;
	v22, _, _ =	vpop (xrf2)  }
0x3e3: {  	(v2sf) =	vpush v20, $0x0;
	v22 =	vperm.xlane v22, v2  }
0x3e4: {  	(v2sf) =	vpush v21, $0x0;
	v23, _, _ =	vpop (xrf2)  }
0x3e5: {  	(v2sf) =	vpush v22, $0x0;
	v23 =	vperm.xlane v23, v2;
	_ =	sdelay $0x1  }
0x3e6: {  	(v2sf) =	vpush v23, $0x0;
	_ =	sdelay $0x1  }
0x3e7: {  	v15 =	vperm.xlane v15, v2  }
0x3e8: {  	s0 =	spop (v2sf);
	v13 =	vadd.f32 s29, v13;
	(xrf2) =	vadd.scan.msk.f32 $0xffff, v18  }
0x3e9: {  	vm0 =	vgt.f32 v16, $0.0e+00;
	s4 =	scvt.s32.f32 s26;
	s0 =	sadd.f32 s0, s28;
	(xrf2) =	vadd.scan.msk.f32 $0xffff, v15  }
0x3ea: {  	s3 =	spop (v2sf);
	v47 =	vadd.f32 s2, v3;
	v48 =	vmul.f32 $-1.953125000e-03, v17;
	s28 =	scvt.s32.f32 s24;
	v13 =	vadd.f32 v19, v13  }
0x3eb: {  	v7 =	vnsel vm0, $0xBF800000, v7;
	s30 =	spop (v2sf);
	s3 =	sadd.f32 s3, s29;
	v49 =	vadd.f32 s4, v3;
	v11 =	vadd.f32 s0, v11  }
0x3ec: {  	v7 =	vmax.f32 v8, v7;
	v8 =	vadd.f32 $-2.000000000e+00, v47;
	s0 =	sadd.f32 s30, s0;
	s30 =	scvt.s32.f32 s25;
	v50 =	vadd.f32 s28, v3  }
0x3ed: {  	v13 =	vadd.f32 $-1.000000000e+00, v13;
	v14 =	vadd.f32 s3, v14;
	s31 =	spop (v2sf)  }
0x3ee: {  	v11 =	vmul.f32 v11, v48;
	v10 =	vadd.f32 s0, v10;
	v52 =	vadd.f32 s30, v3;
	s2 =	sadd.f32 s31, s3;
	s26 =	spop (v2sf)  }
0x3ef: {  	v8 =	vmul.f32 $-1.953125000e-03, v8;
	v55 =	vadd.f32 $-2.000000000e+00, v50;
	vm10 =	vgt.f32 v13, $0.0e+00;
	s0 =	sadd.f32 s26, s0;
	s29 =	spop (v2sf)  }
0x3f0: {  	v9 =	vnsel vm10, $0xBF800000, v9;
	v11 =	vadd.f32 v11, v14;
	v57 =	vadd.f32 $-2.000000000e+00, v52;
	s3 =	sadd.f32 s29, s2;
	s31 =	spop (v2sf)  }
0x3f1: {  	v8 =	vmul.f32 v10, v8;
	v7 =	vmax.f32 v7, v9;
	v9 =	vadd.f32 $-2.000000000e+00, v49;
	s24 =	sadd.f32 s31, s0;
	s25 =	spop (v2sf)  }
0x3f2: {  	v58 =	vmul.f32 $-1.953125000e-03, v55;
	v17 =	vmul.f32 $-1.953125000e-03, v57;
	v11 =	vadd.f32 $-1.000000000e+00, v11;
	v10, _, _ =	vpop (xrf2);
	s26 =	sadd.f32 s25, s3;
	s28 =	spop (v2sf)  }
0x3f3: {  	v9 =	vmul.f32 $-1.953125000e-03, v9;
	v10 =	vperm.xlane v10, v2;
	v53, _, _ =	vpop (xrf2);
	v54 =	vadd.f32 s0, v20;
	s4 =	sadd.f32 s28, s24  }
0x3f4: {  	v51 =	vadd.f32 s2, v12;
	v56 =	vperm.xlane v53, v2;
	v59 =	vadd.f32 s24, v22;
	s29 =	spop (v2sf)  }
0x3f5: {  	v9 =	vmul.f32 v54, v9;
	v60 =	vadd.f32 s3, v21;
	v61 =	vadd.f32 s4, v10;
	s2 =	sadd.f32 s29, s26  }
0x3f6: {  	v8 =	vadd.f32 v8, v51;
	v62 =	vadd.f32 s26, v23;
	v18 =	vmul.f32 v59, v58  }
0x3f7: {  	v9 =	vadd.f32 v9, v60;
	v17 =	vmul.f32 v61, v17;
	v63 =	vadd.f32 s2, v56  }
0x3f8: {  	vm11 =	vgt.f32 v11, $0.0e+00;
	v8 =	vadd.f32 $-1.000000000e+00, v8;
	v11 =	vadd.f32 v18, v62  }
0x3f9: {  	v6 =	vnsel vm11, $0xBF800000, v6;
	v9 =	vadd.f32 $-1.000000000e+00, v9;
	v17 =	vadd.f32 v17, v63  }
0x3fa: {  	v6 =	vmax.f32 v7, v6;
	vm12 =	vgt.f32 v8, $0.0e+00;
	v7 =	vadd.f32 $-1.000000000e+00, v11  }
0x3fb: {  	v8 =	vnsel vm12, $0xBF800000, v47;
	vm13 =	vgt.f32 v9, $0.0e+00;
	v9 =	vadd.f32 $-1.000000000e+00, v17  }
0x3fc: {  	v6 =	vmax.f32 v6, v8;
	v8 =	vnsel vm13, $0xBF800000, v49;
	vm14 =	vgt.f32 v7, $0.0e+00  }
0x3fd: {  	v6 =	vmax.f32 v6, v8;
	v7 =	vnsel vm14, $0xBF800000, v50;
	vm15 =	vgt.f32 v9, $0.0e+00  }
0x3fe: {  	v6 =	vmax.f32 v6, v7;
	v7 =	vnsel vm15, $0xBF800000, v52  }
0x3ff: {  	v6 =	vmax.f32 v6, v7  }
0x400: {  	(xrf0) =	vmax.scan.msk.f32 $0xffff, v6;
	_ =	sdelay $0x4  }
0x401: {  	(v2sf) =	vpush v10, $0x0  }
0x402: {  	(v2sf) =	vpush v56, $0x0;
	v6, _, _ =	vpop (xrf0)  }
0x403: {  	(v2sf) =	vpush v6, $0xF;
	_ =	sdelay $0xc  }
0x404: {  	s30 =	spop (v2sf)  }
0x405: {  	s31 =	spop (v2sf)  }
0x406: {  	s0 =	spop (v2sf)  }
0x407: {  	s0 =	sadd.f32 $-2.000000000e+00, s0  }
.Ltmp51:
0x408: {  	_ = 	snop;
	(pc) =	sbr.rel @p0 .LBB2_81-.Ltmp51, $3  }
0x409: {  	s0 =	smul.f32 $1.953125000e-03, s0;
	_ =	sdelay $0x1  }
0x40a: {  	v8 =	vimm.f32 $0.0e+00;
	s0 =	smax.f32 s0, $0.0e+00  }
0x40b: {  	s2 =	simm.s32 $0x10000;
	v9 =	vimm.f32 $0.0e+00;
	v6 =	vimm.f32 $0.0e+00;
	v7 =	vmov s0  }
0x40c: {  	v8 =	vld [tilespmem:s2+$0x0];
	p1 =	sne.s32 s23, $0x1  }
.Ltmp52:
0x40d: {  	_ = 	snop;
	(pc) =	sbr.rel @!p1 .LBB2_80-.Ltmp52, $2  }
0x40e: {  	_ =	sdelay $0x2  }
0x40f: {  	s0 =	sadd.s32 $0xFFFFFFFF, s23;
	s2 =	sadd.s32 $0x10, s2;
	v9 =	vimm.f32 $0.0e+00;
	v10 =	vsub.f32 v8, v7;
	v8 =	vimm.f32 $0.0e+00  }
.LBB2_79:
0x410: {  	v11 =	vld [tilespmem:s2+$0x0];
	p1 =	sne.s32 s0, $0x1;
	s0 =	sadd.s32 $0xFFFFFFFF, s0  }
.Ltmp53:
0x411: {  	v10 =	vmax.f32 v10, $0.0e+00;
	(pc) =	sbr.rel @p1 .LBB2_79-.Ltmp53, $4  }
0x412: {  	v8 =	vadd.f32 v10, v8;
	vm0 =	vgt.f32 v10, $0.0e+00  }
0x413: {  	v10 =	vsel vm0, $0x3F800000, v0  }
0x414: {  	v9 =	vadd.f32 v10, v9  }
0x415: {  	s2 =	sadd.s32 $0x10, s2;
	v10 =	vsub.f32 v11, v7  }
.LBB2_80:
0x416: {  	_ = 	snop  }
0x417: {  	v10 =	vmax.f32 v10, $0.0e+00  }
0x418: {  	vm0 =	vgt.f32 v10, $0.0e+00  }
0x419: {  	v11 =	vsel vm0, $0x3F800000, v0  }
0x41a: {  	v8 =	vadd.f32 v10, v8;
	v9 =	vadd.f32 v11, v9  }
.LBB2_81:
0x41b: {  	_ = 	snop  }
0x41c: {  	(xrf2) =	vadd.scan.msk.f32 $0xffff, v8  }
0x41d: {  	(xrf2) =	vadd.scan.msk.f32 $0xffff, v9;
	_ =	sdelay $0x8  }
0x41e: {  	v8, _, _ =	vpop (xrf2)  }
0x41f: {  	v9, _, _ =	vpop (xrf2)  }
0x420: {  	v9 =	vmax.f32 v9, $1.000000000e+00  }
0x421: {  	v9 =	vbroadcast v9, $0xF;
	_ =	sdelay $0x1  }
0x422: {  	(erf) = vrcp.f32 v9;
	_ =	sdelay $0x5  }
0x423: {  	v8 =	vadd.f32 $-1.000000000e+00, v8;
	_ =	sdelay $0x1  }
.Ltmp54:
0x424: {  	v8 =	vbroadcast v8, $0xF;
	(pc) =	sbr.rel @p0 .LBB2_82-.Ltmp54, $3  }
0x425: {  	v9 =	vpop (erf)  }
0x426: {  	v8 =	vmul.f32 v9, v8;
	_ =	sdelay $0x1  }
0x427: {  	s2 =	simm.s32 $0x10000;
	v7 =	vadd.f32 v8, v7  }
0x428: {  	v8 =	vld [tilespmem:s2+$0x0];
	p1 =	sne.s32 s23, $0x1  }
.Ltmp55:
0x429: {  	_ = 	snop;
	(pc) =	sbr.rel @!p1 .LBB2_85-.Ltmp55, $2  }
0x42a: {  	_ =	sdelay $0x2  }
0x42b: {  	s0 =	sadd.s32 $0xFFFFFFFF, s23;
	s2 =	sadd.s32 $0x10, s2;
	v9 =	vsub.f32 v8, v7;
	v8 =	vimm.f32 $0.0e+00  }
.LBB2_84:
0x42c: {  	v10 =	vld [tilespmem:s2+$0x0];
	p1 =	sne.s32 s0, $0x1;
	s0 =	sadd.s32 $0xFFFFFFFF, s0  }
.Ltmp56:
0x42d: {  	v9 =	vmax.f32 v9, $0.0e+00;
	(pc) =	sbr.rel @p1 .LBB2_84-.Ltmp56, $4  }
0x42e: {  	v6 =	vadd.f32 v9, v6;
	vm0 =	vgt.f32 v9, $0.0e+00  }
0x42f: {  	v9 =	vsel vm0, $0x3F800000, v0  }
0x430: {  	v8 =	vadd.f32 v9, v8  }
0x431: {  	s2 =	sadd.s32 $0x10, s2;
	v9 =	vsub.f32 v10, v7  }
.LBB2_85:
.Ltmp57:
0x432: {  	_ = 	snop;
	(pc) =	sbr.rel .LBB2_86-.Ltmp57, $4  }
0x433: {  	v9 =	vmax.f32 v9, $0.0e+00  }
0x434: {  	vm0 =	vgt.f32 v9, $0.0e+00  }
0x435: {  	v10 =	vsel vm0, $0x3F800000, v0  }
0x436: {  	v6 =	vadd.f32 v9, v6;
	v8 =	vadd.f32 v10, v8  }
.LBB2_82:
0x437: {  	v8 =	vimm.f32 $0.0e+00  }
.LBB2_86:
0x438: {  	_ = 	snop  }
0x439: {  	(xrf2) =	vadd.scan.msk.f32 $0xffff, v6  }
0x43a: {  	(xrf2) =	vadd.scan.msk.f32 $0xffff, v8;
	_ =	sdelay $0x8  }
0x43b: {  	v6, _, _ =	vpop (xrf2)  }
0x43c: {  	v8, _, _ =	vpop (xrf2)  }
0x43d: {  	v8 =	vmax.f32 v8, $1.000000000e+00  }
0x43e: {  	v8 =	vbroadcast v8, $0xF;
	_ =	sdelay $0x1  }
0x43f: {  	(erf) = vrcp.f32 v8;
	_ =	sdelay $0x5  }
0x440: {  	v6 =	vadd.f32 $-1.000000000e+00, v6;
	_ =	sdelay $0x1  }
.Ltmp58:
0x441: {  	v6 =	vbroadcast v6, $0xF;
	(pc) =	sbr.rel @p0 .LBB2_90-.Ltmp58, $4  }
0x442: {  	v8 =	vpop (erf)  }
0x443: {  	v6 =	vmul.f32 v8, v6  }
0x444: {  	v9 =	vimm.f32 $0.0e+00  }
0x445: {  	s2 =	simm.s32 $0x10000;
	v8 =	vimm.f32 $0.0e+00;
	v7 =	vadd.f32 v6, v7;
	v6 =	vimm.f32 $0.0e+00  }
0x446: {  	v8 =	vld [tilespmem:s2+$0x0];
	p1 =	sne.s32 s23, $0x1  }
.Ltmp59:
0x447: {  	_ = 	snop;
	(pc) =	sbr.rel @!p1 .LBB2_89-.Ltmp59, $2  }
0x448: {  	_ =	sdelay $0x2  }
0x449: {  	s0 =	sadd.s32 $0xFFFFFFFF, s23;
	s2 =	sadd.s32 $0x10, s2;
	v9 =	vimm.f32 $0.0e+00;
	v10 =	vsub.f32 v8, v7;
	v8 =	vimm.f32 $0.0e+00  }
.LBB2_88:
0x44a: {  	v11 =	vld [tilespmem:s2+$0x0];
	p1 =	sne.s32 s0, $0x1;
	s0 =	sadd.s32 $0xFFFFFFFF, s0  }
.Ltmp60:
0x44b: {  	v10 =	vmax.f32 v10, $0.0e+00;
	(pc) =	sbr.rel @p1 .LBB2_88-.Ltmp60, $4  }
0x44c: {  	v8 =	vadd.f32 v10, v8;
	vm0 =	vgt.f32 v10, $0.0e+00  }
0x44d: {  	v10 =	vsel vm0, $0x3F800000, v0  }
0x44e: {  	v9 =	vadd.f32 v10, v9  }
0x44f: {  	s2 =	sadd.s32 $0x10, s2;
	v10 =	vsub.f32 v11, v7  }
.LBB2_89:
0x450: {  	_ = 	snop  }
0x451: {  	v10 =	vmax.f32 v10, $0.0e+00  }
0x452: {  	vm0 =	vgt.f32 v10, $0.0e+00  }
0x453: {  	v11 =	vsel vm0, $0x3F800000, v0  }
0x454: {  	v8 =	vadd.f32 v10, v8;
	v9 =	vadd.f32 v11, v9  }
.LBB2_90:
0x455: {  	_ = 	snop  }
0x456: {  	(xrf2) =	vadd.scan.msk.f32 $0xffff, v8  }
0x457: {  	(xrf2) =	vadd.scan.msk.f32 $0xffff, v9;
	_ =	sdelay $0x8  }
0x458: {  	v8, _, _ =	vpop (xrf2)  }
0x459: {  	v9, _, _ =	vpop (xrf2)  }
0x45a: {  	v9 =	vmax.f32 v9, $1.000000000e+00  }
0x45b: {  	v9 =	vbroadcast v9, $0xF;
	_ =	sdelay $0x1  }
0x45c: {  	(erf) = vrcp.f32 v9;
	_ =	sdelay $0x5  }
0x45d: {  	v8 =	vadd.f32 $-1.000000000e+00, v8;
	_ =	sdelay $0x1  }
.Ltmp61:
0x45e: {  	v8 =	vbroadcast v8, $0xF;
	(pc) =	sbr.rel @p0 .LBB2_91-.Ltmp61, $3  }
0x45f: {  	v9 =	vpop (erf)  }
0x460: {  	v8 =	vmul.f32 v9, v8;
	_ =	sdelay $0x1  }
0x461: {  	s2 =	simm.s32 $0x10000;
	v7 =	vadd.f32 v8, v7  }
0x462: {  	v8 =	vld [tilespmem:s2+$0x0];
	p0 =	sne.s32 s23, $0x1  }
.Ltmp62:
0x463: {  	_ = 	snop;
	(pc) =	sbr.rel @!p0 .LBB2_94-.Ltmp62, $2  }
0x464: {  	_ =	sdelay $0x2  }
0x465: {  	s0 =	sadd.s32 $0xFFFFFFFF, s23;
	s2 =	sadd.s32 $0x10, s2;
	v9 =	vsub.f32 v8, v7;
	v8 =	vimm.f32 $0.0e+00  }
.LBB2_93:
0x466: {  	v10 =	vld [tilespmem:s2+$0x0];
	p0 =	sne.s32 s0, $0x1;
	s0 =	sadd.s32 $0xFFFFFFFF, s0  }
.Ltmp63:
0x467: {  	v9 =	vmax.f32 v9, $0.0e+00;
	(pc) =	sbr.rel @p0 .LBB2_93-.Ltmp63, $4  }
0x468: {  	v6 =	vadd.f32 v9, v6;
	vm0 =	vgt.f32 v9, $0.0e+00  }
0x469: {  	v9 =	vsel vm0, $0x3F800000, v0  }
0x46a: {  	v8 =	vadd.f32 v9, v8  }
0x46b: {  	s2 =	sadd.s32 $0x10, s2;
	v9 =	vsub.f32 v10, v7  }
.LBB2_94:
.Ltmp64:
0x46c: {  	_ = 	snop;
	(pc) =	sbr.rel .LBB2_95-.Ltmp64, $4  }
0x46d: {  	v9 =	vmax.f32 v9, $0.0e+00  }
0x46e: {  	vm0 =	vgt.f32 v9, $0.0e+00  }
0x46f: {  	v10 =	vsel vm0, $0x3F800000, v0  }
0x470: {  	v6 =	vadd.f32 v9, v6;
	v8 =	vadd.f32 v10, v8  }
.LBB2_91:
0x471: {  	v8 =	vimm.f32 $0.0e+00  }
.LBB2_95:
0x472: {  	_ = 	snop  }
0x473: {  	(xrf2) =	vadd.scan.msk.f32 $0xffff, v6  }
0x474: {  	(xrf2) =	vadd.scan.msk.f32 $0xffff, v8;
	_ =	sdelay $0x8  }
0x475: {  	v6, _, _ =	vpop (xrf2)  }
0x476: {  	v8, _, _ =	vpop (xrf2)  }
0x477: {  	v8 =	vmax.f32 v8, $1.000000000e+00  }
0x478: {  	v8 =	vbroadcast v8, $0xF;
	_ =	sdelay $0x1  }
0x479: {  	(erf) = vrcp.f32 v8;
	_ =	sdelay $0x8  }
0x47a: {  	v6 =	vadd.f32 $-1.000000000e+00, v6;
	v8 =	vpop (erf)  }
0x47b: {  	_ =	swait.ge [sflag:s19], $0x8000  }
0x47c: {  	v6 =	vbroadcast v6, $0xF;
	[sflag:s19] =	ssyncset.done $0x0  }
0x47d: {  	s23 =	simm.s32 $0x40;
	[sflag:s19] =	ssyncadd.s32 $0xFFFF8000  }
0x47e: {  	v6 =	vmul.f32 v8, v6;
	[tilespmem:s16], [sflag:$0x2] =	stream.strided.gather [hbm4b:s8+s12], $0x8000, s13, s12, $0x38;
	[tilespmem:$0x18480] =	vst v63  }
0x47f: {  	v9 =	vld [tilespmem:s23+$0x30]  }
0x480: {  	v6 =	vadd.f32 v6, v7;
	v11 =	vld [tilespmem:s23+$0xFFFFFFD0]  }
0x481: {  	v13 =	vld [tilespmem:s23+$0xFFFFFFE0]  }
0x482: {  	v5 =	vadd.f32 v6, v5;
	v10 =	vld [tilespmem:s23+$0xFFFFFFF0]  }
0x483: {  	v8 =	vld [tilespmem:s23+$0x0]  }
0x484: {  	v6 =	vld [tilespmem:s23+$0x10];
	v14 =	vsub.f32 v9, v5  }
0x485: {  	v7 =	vld [tilespmem:s23+$0x20];
	v12 =	vsub.f32 v11, v5  }
0x486: {  	s0 =	simm.s32 $0x0;
	s2 =	simm.s32 $0xC0;
	v9 =	vld [tilespmem:s23+$0xFFFFFFC0];
	v11 =	vsub.f32 v13, v5;
	v13 =	vmax.f32 v14, $0.0e+00  }
.LBB2_96:
0x487: {  	v14 =	vld [tilespmem:s2+$0x30];
	s0 =	sadd.s32 $0x8, s0;
	v12 =	vmax.f32 v12, $0.0e+00;
	v10 =	vsub.f32 v10, v5;
	[tilespmem:s23+$0x30] =	vst v13  }
0x488: {  	v13 =	vld [tilespmem:s2+$0xFFFFFFD0];
	p0 =	slt.u32 s0, $0x7F8;
	[tilespmem:s23+$0xFFFFFFD0] =	vst v12;
	v11 =	vmax.f32 v11, $0.0e+00;
	v8 =	vsub.f32 v8, v5  }
0x489: {  	v15 =	vld [tilespmem:s2+$0xFFFFFFE0];
	[tilespmem:s23+$0xFFFFFFE0] =	vst v11;
	v11 =	vmax.f32 v10, $0.0e+00;
	v6 =	vsub.f32 v6, v5  }
.Ltmp65:
0x48a: {  	v10 =	vld [tilespmem:s2+$0xFFFFFFF0];
	[tilespmem:s23+$0xFFFFFFF0] =	vst v11;
	v11 =	vmax.f32 v8, $0.0e+00;
	v7 =	vsub.f32 v7, v5;
	(pc) =	sbr.rel @p0 .LBB2_96-.Ltmp65, $4  }
0x48b: {  	v8 =	vld [tilespmem:s2+$0x0];
	v9 =	vsub.f32 v9, v5;
	[tilespmem:s23+$0x0] =	vst v11;
	v11 =	vmax.f32 v6, $0.0e+00  }
0x48c: {  	v6 =	vld [tilespmem:s2+$0x10];
	v14 =	vsub.f32 v14, v5;
	[tilespmem:s23+$0x10] =	vst v11;
	v11 =	vmax.f32 v7, $0.0e+00  }
0x48d: {  	v12 =	vsub.f32 v13, v5;
	v7 =	vld [tilespmem:s2+$0x20];
	v16 =	vmax.f32 v9, $0.0e+00;
	[tilespmem:s23+$0x20] =	vst v11  }
0x48e: {  	v9 =	vld [tilespmem:s2+$0xFFFFFFC0];
	v11 =	vsub.f32 v15, v5;
	v13 =	vmax.f32 v14, $0.0e+00;
	[tilespmem:s23+$0xFFFFFFC0] =	vst v16;
	s23 =	smov.u32 s2;
	s2 =	sadd.s32 $0x80, s2  }
0x48f: {  	v12 =	vmax.f32 v12, $0.0e+00;
	v10 =	vsub.f32 v10, v5;
	[tilespmem:s23+$0x30] =	vst v13  }
0x490: {  	[tilespmem:s23+$0xFFFFFFD0] =	vst v12;
	v11 =	vmax.f32 v11, $0.0e+00;
	v8 =	vsub.f32 v8, v5  }
0x491: {  	[tilespmem:s23+$0xFFFFFFE0] =	vst v11;
	v10 =	vmax.f32 v10, $0.0e+00;
	v6 =	vsub.f32 v6, v5  }
0x492: {  	[tilespmem:s23+$0xFFFFFFF0] =	vst v10;
	v8 =	vmax.f32 v8, $0.0e+00;
	v7 =	vsub.f32 v7, v5  }
0x493: {  	v5 =	vsub.f32 v9, v5;
	[tilespmem:s23+$0x0] =	vst v8;
	v6 =	vmax.f32 v6, $0.0e+00  }
0x494: {  	[tilespmem:s23+$0x10] =	vst v6;
	v6 =	vmax.f32 v7, $0.0e+00  }
0x495: {  	v5 =	vmax.f32 v5, $0.0e+00;
	[tilespmem:s23+$0x20] =	vst v6  }
0x496: {  	[tilespmem:s23+$0xFFFFFFC0] =	vst v5  }
0x497: {  	[hbm4b:s9+s12] =	stream.strided.scatter [tilespmem:s1], [sflag:$0x3], $0x8000, s13, s12, $0x38;
	[tilespmem:$0x18480] =	vst v63  }
0x498: {  	_ =	swait.ge [sflag:s17], $0x8000  }
0x499: {  	[sflag:s17] =	ssyncset.done $0x0  }
0x49a: {  	s2 =	simm.s32 $0x8040;
	[sflag:s17] =	ssyncadd.s32 $0xFFFF8000  }
0x49b: {  	v5 =	vld [tilespmem:s2+$0x30]  }
0x49c: {  	v6 =	vld [tilespmem:s2+$0xFFFFFFD0]  }
0x49d: {  	v7 =	vld [tilespmem:s2+$0xFFFFFFE0]  }
0x49e: {  	v10 =	vld [tilespmem:s2+$0xFFFFFFF0]  }
0x49f: {  	v11 =	vld [tilespmem:s2+$0x0]  }
0x4a0: {  	v13 =	vimm.f32 $-Inf;
	v14 =	vimm.f32 $-Inf;
	v12 =	vld [tilespmem:s2+$0x10]  }
0x4a1: {  	v15 =	vimm.f32 $-Inf;
	v8 =	vimm.f32 $-Inf;
	v9 =	vimm.f32 $-Inf;
	v16 =	vld [tilespmem:s2+$0x20]  }
0x4a2: {  	s0 =	simm.s32 $0x0;
	v17 =	vld [tilespmem:s2+$0xFFFFFFC0];
	s2 =	simm.s32 $0x80C0;
	v5 =	vmax.f32 v8, v5;
	v6 =	vmax.f32 v8, v6;
	v7 =	vmax.f32 v8, v7  }
.LBB2_98:
0x4a3: {  	v18 =	vld [tilespmem:s2+$0x30];
	s0 =	sadd.s32 $0x8, s0;
	v8 =	vmax.f32 v8, v10  }
0x4a4: {  	v19 =	vld [tilespmem:s2+$0xFFFFFFD0];
	p0 =	slt.u32 s0, $0x7F8;
	v9 =	vmax.f32 v9, v11  }
0x4a5: {  	v20 =	vld [tilespmem:s2+$0xFFFFFFE0];
	v13 =	vmax.f32 v13, v12  }
.Ltmp66:
0x4a6: {  	v10 =	vld [tilespmem:s2+$0xFFFFFFF0];
	v14 =	vmax.f32 v14, v16;
	(pc) =	sbr.rel @p0 .LBB2_98-.Ltmp66, $4  }
0x4a7: {  	v11 =	vld [tilespmem:s2+$0x0];
	v15 =	vmax.f32 v15, v17  }
0x4a8: {  	s24 =	simm.s32 $0x180C0;
	s23 =	simm.s32 $0x182C0;
	v12 =	vld [tilespmem:s2+$0x10];
	v5 =	vmax.f32 v5, v18  }
0x4a9: {  	v6 =	vmax.f32 v6, v19;
	v16 =	vld [tilespmem:s2+$0x20]  }
0x4aa: {  	v17 =	vld [tilespmem:s2+$0xFFFFFFC0];
	v7 =	vmax.f32 v7, v20;
	s2 =	sadd.s32 $0x80, s2  }
0x4ab: {  	[tilespmem:s24+$0xFFFFFFC0] =	vst v0  }
0x4ac: {  	[tilespmem:s23+$0xFFFFFFC0] =	vst v0  }
0x4ad: {  	[tilespmem:s24+$0xFFFFFFD0] =	vst v0  }
0x4ae: {  	[tilespmem:s23+$0xFFFFFFD0] =	vst v0  }
0x4af: {  	[tilespmem:s24+$0xFFFFFFE0] =	vst v0  }
0x4b0: {  	[tilespmem:s23+$0xFFFFFFE0] =	vst v0  }
0x4b1: {  	[tilespmem:s24+$0xFFFFFFF0] =	vst v0  }
0x4b2: {  	[tilespmem:s23+$0xFFFFFFF0] =	vst v0  }
0x4b3: {  	[tilespmem:s24+$0x0] =	vst v0  }
0x4b4: {  	[tilespmem:s23+$0x0] =	vst v0  }
0x4b5: {  	[tilespmem:s24+$0x10] =	vst v0  }
0x4b6: {  	[tilespmem:s23+$0x10] =	vst v0  }
0x4b7: {  	[tilespmem:s24+$0x20] =	vst v0  }
0x4b8: {  	v8 =	vmax.f32 v8, v10;
	v9 =	vmax.f32 v9, v11;
	[tilespmem:s23+$0x20] =	vst v0  }
0x4b9: {  	s0 =	simm.s32 $0x0;
	v10 =	vmax.f32 v13, v12;
	v11 =	vmax.f32 v14, v16;
	v12 =	vmax.f32 v15, v17;
	[tilespmem:s24+$0x30] =	vst v0  }
.LBB2_100:
0x4ba: {  	s0 =	sadd.s32 $0x8, s0;
	[tilespmem:s23+$0x30] =	vst v0;
	s24 =	sadd.s32 $0x80, s24;
	s23 =	sadd.s32 $0x80, s23  }
0x4bb: {  	[tilespmem:s24+$0xFFFFFFC0] =	vst v0;
	p0 =	slt.u32 s0, $0x18  }
0x4bc: {  	[tilespmem:s23+$0xFFFFFFC0] =	vst v0  }
0x4bd: {  	[tilespmem:s24+$0xFFFFFFD0] =	vst v0  }
0x4be: {  	[tilespmem:s23+$0xFFFFFFD0] =	vst v0  }
0x4bf: {  	[tilespmem:s24+$0xFFFFFFE0] =	vst v0  }
0x4c0: {  	[tilespmem:s23+$0xFFFFFFE0] =	vst v0  }
0x4c1: {  	[tilespmem:s24+$0xFFFFFFF0] =	vst v0  }
0x4c2: {  	[tilespmem:s23+$0xFFFFFFF0] =	vst v0  }
0x4c3: {  	[tilespmem:s24+$0x0] =	vst v0  }
0x4c4: {  	[tilespmem:s23+$0x0] =	vst v0  }
.Ltmp67:
0x4c5: {  	[tilespmem:s24+$0x10] =	vst v0;
	(pc) =	sbr.rel @p0 .LBB2_100-.Ltmp67, $4  }
0x4c6: {  	[tilespmem:s23+$0x10] =	vst v0  }
0x4c7: {  	[tilespmem:s24+$0x20] =	vst v0  }
0x4c8: {  	[tilespmem:s23+$0x20] =	vst v0  }
0x4c9: {  	[tilespmem:s24+$0x30] =	vst v0  }
0x4ca: {  	v6 =	vmax.f32 v12, v6  }
0x4cb: {  	v6 =	vmax.f32 v6, v7  }
0x4cc: {  	v6 =	vmax.f32 v6, v8  }
0x4cd: {  	v6 =	vmax.f32 v6, v9  }
0x4ce: {  	v6 =	vmax.f32 v6, v10  }
0x4cf: {  	v6 =	vmax.f32 v6, v11  }
0x4d0: {  	v5 =	vmax.f32 v6, v5  }
0x4d1: {  	(xrf0) =	vmax.scan.msk.f32 $0xffff, v5;
	_ =	sdelay $0x5  }
0x4d2: {  	v5, _, _ =	vpop (xrf0)  }
0x4d3: {  	(v2sf) =	vpush v5, $0xF;
	_ =	sdelay $0xb  }
0x4d4: {  	[tilespmem:s23+$0x30] =	vst v0;
	s30 =	simm.s32 $0x8040  }
0x4d5: {  	v8 =	vld [tilespmem:s30+$0xFFFFFFD0]  }
0x4d6: {  	v6 =	vld [tilespmem:s30+$0xFFFFFFE0]  }
0x4d7: {  	v9 =	vld [tilespmem:s30+$0x0];
	s0 =	spop (v2sf)  }
0x4d8: {  	v7 =	vld [tilespmem:s30+$0xFFFFFFC0];
	s0 =	sadd.f32 $-1.000000000e+00, s0;
	_ =	sdelay $0x1  }
0x4d9: {  	v5 =	vmov s0  }
0x4da: {  	v14 =	vsub.f32 v6, v5;
	v6 =	vld [tilespmem:s30+$0xFFFFFFF0]  }
0x4db: {  	v16 =	vsub.f32 v8, v5;
	v19 =	vsub.f32 v9, v5;
	v9 =	vld [tilespmem:s30+$0x20]  }
0x4dc: {  	v15 =	vsub.f32 v7, v5;
	v7 =	vld [tilespmem:s30+$0x30];
	vm0 =	vgt.f32 v14, $0.0e+00  }
0x4dd: {  	vm1 =	vgt.f32 v16, $0.0e+00;
	v8 =	vmpcnt.ones.xlane vm0  }
0x4de: {  	v13 =	vlaneseq.u32;
	vm0 =	vgt.f32 v15, $0.0e+00;
	v11 =	vmpcnt.ones.xlane vm1  }
0x4df: {  	s31 =	simm.s32 $0x80C0;
	v12 =	vld [tilespmem:s30+$0x10];
	vm1 =	vgt.f32 v19, $0.0e+00;
	v10 =	vmpcnt.ones.xlane vm0;
	vm2 =	vgt.s32 v8, $0x0  }
0x4e0: {  	v21 =	vld [tilespmem:s31+$0xFFFFFFC0];
	vm0 =	vgt.s32 v11, $0x0;
	v20 =	vsub.f32 v6, v5;
	v6 =	vsub.f32 v9, v5  }
0x4e1: {  	v11 =	vld [tilespmem:s31+$0x0];
	v7 =	vsub.f32 v7, v5;
	v9 =	vmpcnt.ones.xlane vm1;
	vm4 =	vgt.s32 v10, $0x0  }
0x4e2: {  	v8 =	vld [tilespmem:s31+$0xFFFFFFE0];
	v10 =	vsel vm2, $0x10, v1;
	v18 =	vsel vm0, $0x10, v1;
	v17 =	vsel vm4, $0x10, v1  }
0x4e3: {  	vm3 =	vgt.f32 v20, $0.0e+00;
	vm5 =	vgt.s32 v9, $0x0;
	v17 =	vadd.s32 v13, v17  }
0x4e4: {  	vm1 =	vgt.f32 v7, $0.0e+00;
	v23 =	vmpcnt.ones.xlane vm3;
	v18 =	vadd.s32 v17, v18  }
0x4e5: {  	v24 =	vmpcnt.ones.xlane vm1;
	v22 =	vadd.s32 v18, v10;
	v10 =	vsub.f32 v12, v5  }
0x4e6: {  	v12 =	vld [tilespmem:s31+$0xFFFFFFD0];
	v9 =	vsub.f32 v11, v5;
	v11 =	vsub.f32 v21, v5;
	vm6 =	vgt.s32 v23, $0x0  }
0x4e7: {  	v8 =	vsub.f32 v8, v5;
	v23 =	vsel vm6, $0x10, v1;
	vm3 =	vgt.f32 v10, $0.0e+00  }
0x4e8: {  	vm7 =	vgt.f32 v11, $0.0e+00;
	v23 =	vadd.s32 v22, v23;
	[tilespmem:v13+s15+$0x0] =	vst.idx.msk vm4, v15;
	vm4 =	vgt.f32 v6, $0.0e+00  }
0x4e9: {  	v15 =	vsel vm5, $0x10, v1;
	v21 =	vmpcnt.ones.xlane vm3;
	vm3 =	vgt.f32 v8, $0.0e+00  }
0x4ea: {  	v63 =	vmpcnt.ones.xlane vm4;
	v25 =	vmpcnt.ones.xlane vm3;
	vm3 =	vgt.f32 v9, $0.0e+00  }
0x4eb: {  	v13 =	vld [tilespmem:s31+$0xFFFFFFF0];
	[tilespmem:v17+s15+$0x0] =	vst.idx.msk vm0, v16;
	vm1 =	vgt.s32 v21, $0x0;
	v21 =	vmpcnt.ones.xlane vm7;
	v12 =	vsub.f32 v12, v5  }
0x4ec: {  	v17 =	vld [tilespmem:s31+$0x30];
	[tilespmem:v18+s15+$0x0] =	vst.idx.msk vm2, v14;
	v14 =	vadd.s32 v23, v15;
	v26 =	vsel vm1, $0x10, v1;
	vm0 =	vgt.s32 v25, $0x0  }
0x4ed: {  	v18 =	vld [tilespmem:s31+$0x20];
	vm4 =	vgt.f32 v12, $0.0e+00;
	vm2 =	vgt.s32 v21, $0x0;
	v16 =	vsel vm0, $0x10, v1  }
0x4ee: {  	[tilespmem:v22+s15+$0x0] =	vst.idx.msk vm6, v20;
	v15 =	vadd.s32 v14, v26;
	v21 =	vmpcnt.ones.xlane vm4;
	vm4 =	vgt.s32 v63, $0x0  }
0x4ef: {  	s23 =	simm.s32 $0x8;
	s24 =	simm.s32 $0x8140;
	[tilespmem:v23+s15+$0x0] =	vst.idx.msk vm5, v19;
	v19 =	vld [tilespmem:s31+$0x10];
	vm5 =	vgt.s32 v24, $0x0;
	v20 =	vsel vm2, $0x10, v1;
	v22 =	vsel vm4, $0x10, v1  }
.LBB2_102:
0x4f0: {  	v23 =	vld [tilespmem:s24+$0xFFFFFFE0];
	s23 =	sadd.s32 $0x8, s23;
	vm6 =	vgt.s32 v21, $0x0;
	v21 =	vadd.s32 v15, v22;
	v22 =	vsel vm5, $0x10, v1  }
0x4f1: {  	v26 =	vsub.f32 v13, v5;
	v24 =	vld [tilespmem:s24+$0x0];
	p0 =	slt.u32 s23, $0x7F8;
	v25 =	vsel vm6, $0x10, v1;
	v22 =	vadd.s32 v21, v22  }
0x4f2: {  	v17 =	vsub.f32 v17, v5;
	v13 =	vld [tilespmem:s24+$0xFFFFFFF0];
	v20 =	vadd.s32 v22, v20;
	v18 =	vsub.f32 v18, v5  }
0x4f3: {  	v28 =	vmpcnt.ones.xlane vm3;
	vm7 =	vgt.f32 v26, $0.0e+00;
	v27 =	vld [tilespmem:s24+$0xFFFFFFC0];
	v25 =	vadd.s32 v20, v25;
	[tilespmem:v14+s15+$0x0] =	vst.idx.msk vm1, v10  }
0x4f4: {  	v29 =	vmpcnt.ones.xlane vm7;
	v14 =	vld [tilespmem:s24+$0xFFFFFFD0];
	v16 =	vadd.s32 v25, v16;
	v10 =	vsub.f32 v19, v5;
	[tilespmem:v15+s15+$0x0] =	vst.idx.msk vm4, v6  }
0x4f5: {  	vm1 =	vgt.f32 v17, $0.0e+00;
	vm4 =	vgt.s32 v28, $0x0;
	v6 =	vmovc v18;
	v15 =	vsub.f32 v23, v5;
	[tilespmem:v21+s15+$0x0] =	vst.idx.msk vm5, v7  }
0x4f6: {  	v7 =	vmovc v17;
	v19 =	vsub.f32 v24, v5;
	[tilespmem:v22+s15+$0x0] =	vst.idx.msk vm2, v11;
	vm2 =	vgt.s32 v29, $0x0;
	vm5 =	vgt.f32 v10, $0.0e+00  }
0x4f7: {  	v23 =	vmpcnt.ones.xlane vm1;
	vm7 =	vgt.f32 v15, $0.0e+00;
	[tilespmem:v20+s15+$0x0] =	vst.idx.msk vm6, v12;
	v12 =	vsel vm2, $0x10, v1  }
0x4f8: {  	v17 =	vmpcnt.ones.xlane vm5;
	v11 =	vsub.f32 v27, v5;
	vm3 =	vgt.f32 v19, $0.0e+00;
	[tilespmem:v25+s15+$0x0] =	vst.idx.msk vm0, v8;
	v8 =	vmovc v15  }
0x4f9: {  	vm5 =	vgt.f32 v6, $0.0e+00;
	v15 =	vmpcnt.ones.xlane vm7;
	v22 =	vadd.s32 v16, v12  }
0x4fa: {  	v12 =	vsub.f32 v14, v5;
	vm1 =	vgt.s32 v17, $0x0;
	vm0 =	vgt.f32 v11, $0.0e+00  }
.Ltmp68:
0x4fb: {  	v20 =	vsel vm4, $0x10, v1;
	v24 =	vsel vm1, $0x10, v1;
	v14 =	vmpcnt.ones.xlane vm0;
	(pc) =	sbr.rel @p0 .LBB2_102-.Ltmp68, $4  }
0x4fc: {  	vm6 =	vgt.f32 v12, $0.0e+00;
	vm0 =	vgt.s32 v15, $0x0;
	v15 =	vmpcnt.ones.xlane vm5;
	v17 =	vld [tilespmem:s24+$0x30];
	[tilespmem:v16+s15+$0x0] =	vst.idx.msk vm2, v26  }
0x4fd: {  	v16 =	vsel vm0, $0x10, v1;
	vm2 =	vgt.s32 v14, $0x0;
	v18 =	vld [tilespmem:s24+$0x20];
	v14 =	vadd.s32 v22, v20  }
0x4fe: {  	v21 =	vmpcnt.ones.xlane vm6;
	v20 =	vsel vm2, $0x10, v1;
	[tilespmem:v22+s15+$0x0] =	vst.idx.msk vm4, v9;
	vm4 =	vgt.s32 v15, $0x0;
	v9 =	vmovc v19  }
0x4ff: {  	vm5 =	vgt.s32 v23, $0x0;
	v15 =	vadd.s32 v14, v24;
	v19 =	vld [tilespmem:s24+$0x10];
	s24 =	sadd.s32 $0x80, s24;
	v22 =	vsel vm4, $0x10, v1  }
0x500: {  	_ = 	snop  }
0x501: {  	v22 =	vadd.s32 v15, v22;
	v23 =	vsel vm5, $0x10, v1;
	vm6 =	vgt.s32 v21, $0x0  }
0x502: {  	v13 =	vsub.f32 v13, v5;
	v24 =	vmpcnt.ones.xlane vm3;
	v56 =	vadd.s32 v22, v23  }
0x503: {  	v57 =	vsel vm6, $0x10, v1;
	v17 =	vsub.f32 v17, v5;
	v20 =	vadd.s32 v56, v20  }
0x504: {  	vm7 =	vgt.f32 v13, $0.0e+00;
	v18 =	vsub.f32 v18, v5;
	v19 =	vsub.f32 v19, v5  }
0x505: {  	vm3 =	vgt.s32 v24, $0x0;
	v23 =	vadd.s32 v20, v57;
	v25 =	vmpcnt.ones.xlane vm7  }
0x506: {  	vm13 =	vgt.f32 v17, $0.0e+00;
	v59 =	vsel vm3, $0x10, v1;
	vm8 =	vgt.f32 v19, $0.0e+00  }
0x507: {  	vm14 =	vgt.f32 v18, $0.0e+00;
	vm9 =	vgt.s32 v25, $0x0;
	v58 =	vmpcnt.ones.xlane vm8  }
0x508: {  	v16 =	vadd.s32 v23, v16;
	v27 =	vmpcnt.ones.xlane vm14;
	v25 =	vsel vm9, $0x10, v1  }
0x509: {  	v26 =	vmpcnt.ones.xlane vm13;
	v25 =	vadd.s32 v16, v25;
	vm15 =	vgt.s32 v58, $0x0  }
0x50a: {  	vm8 =	vgt.s32 v27, $0x0;
	v24 =	vadd.s32 v25, v59;
	v28 =	vsel vm15, $0x10, v1  }
0x50b: {  	vm10 =	vgt.s32 v26, $0x0;
	v61 =	vsel vm8, $0x10, v1;
	v60 =	vadd.s32 v24, v28  }
0x50c: {  	v63 =	vsel vm10, $0x10, v1;
	v62 =	vadd.s32 v60, v61  }
0x50d: {  	v28 =	vadd.s32 v62, v63  }
0x50e: {  	(v2sf) =	vpush v28, $0x0;
	_ =	sdelay $0xb  }
0x50f: {  	[tilespmem:v14+s15+$0x0] =	vst.idx.msk vm1, v10  }
0x510: {  	[tilespmem:v15+s15+$0x0] =	vst.idx.msk vm4, v6  }
0x511: {  	[tilespmem:v22+s15+$0x0] =	vst.idx.msk vm5, v7  }
0x512: {  	[tilespmem:v56+s15+$0x0] =	vst.idx.msk vm2, v11;
	s0 =	spop (v2sf)  }
0x513: {  	[tilespmem:v20+s15+$0x0] =	vst.idx.msk vm6, v12;
	s2 =	sadd.s32 $0xF, s0  }
0x514: {  	[tilespmem:v23+s15+$0x0] =	vst.idx.msk vm0, v8;
	s23 =	sshrl.u32 s2, $0x4  }
0x515: {  	[tilespmem:v16+s15+$0x0] =	vst.idx.msk vm9, v13;
	p0 =	seq.s32 s23, $0x0  }
.Ltmp69:
0x516: {  	[tilespmem:v25+s15+$0x0] =	vst.idx.msk vm3, v9;
	(pc) =	sbr.rel @p0 .LBB2_107-.Ltmp69, $4  }
0x517: {  	[tilespmem:v24+s15+$0x0] =	vst.idx.msk vm15, v19  }
0x518: {  	[tilespmem:v60+s15+$0x0] =	vst.idx.msk vm8, v18  }
0x519: {  	[tilespmem:v62+s15+$0x0] =	vst.idx.msk vm10, v17  }
0x51a: {  	[tilespmem:s0+$0x10000] =	vst v0;
	s0 =	simm.s32 $0x10000  }
0x51b: {  	p1 =	sne.s32 s23, $0x1  }
.Ltmp70:
0x51c: {  	_ = 	snop;
	(pc) =	sbr.rel @!p1 .LBB2_106-.Ltmp70, $3  }
0x51d: {  	_ =	sdelay $0x1  }
0x51e: {  	v6 =	vld [tilespmem:s0+$0x0]  }
0x51f: {  	s2 =	sadd.s32 $0xFFFFFFFF, s23  }
.LBB2_105:
0x520: {  	p1 =	sne.s32 s2, $0x1;
	_ =	sdelay $0x2  }
0x521: {  	v7 =	vmul.f32 $5.120000000e+02, v6;
	_ =	sdelay $0x1  }
0x522: {  	v7 =	vmax.f32 v7, $0.0e+00  }
0x523: {  	v7 =	vmin.f32 v7, $5.110000000e+02  }
0x524: {  	v7 =	vtrunc.f32 v7  }
0x525: {  	vm0 =	vgt.f32 v6, $0.0e+00;
	v7 =	vcvt.f32.s32 v7;
	_ =	sdelay $0x4  }
.Ltmp71:
0x526: {  	(pc) =	sbr.rel @p1 .LBB2_105-.Ltmp71, $4  }
0x527: {  	[tilespmem:v7+s20+$0x0] =	vst.idx.add.f32.msk vm0, v4  }
0x528: {  	s0 =	sadd.s32 $0x10, s0;
	[tilespmem:v7+s21+$0x0] =	vst.idx.add.f32.msk vm0, v6  }
0x529: {  	v6 =	vld [tilespmem:s0+$0x0]  }
0x52a: {  	s2 =	sadd.s32 $0xFFFFFFFF, s2  }
.LBB2_106:
0x52b: {  	_ =	sdelay $0x2  }
0x52c: {  	v7 =	vmul.f32 $5.120000000e+02, v6;
	_ =	sdelay $0x1  }
0x52d: {  	v7 =	vmax.f32 v7, $0.0e+00  }
0x52e: {  	v7 =	vmin.f32 v7, $5.110000000e+02  }
0x52f: {  	v7 =	vtrunc.f32 v7  }
0x530: {  	vm0 =	vgt.f32 v6, $0.0e+00;
	v7 =	vcvt.f32.s32 v7;
	_ =	sdelay $0x5  }
0x531: {  	[tilespmem:v7+s20+$0x0] =	vst.idx.add.f32.msk vm0, v4  }
0x532: {  	[tilespmem:v7+s21+$0x0] =	vst.idx.add.f32.msk vm0, v6  }
.LBB2_107:
0x533: {  	s0 =	simm.s32 $0x18270  }
0x534: {  	v6 =	vld [tilespmem:s0+$0x0]  }
0x535: {  	s24 =	simm.s32 $0x18470  }
0x536: {  	v7 =	vld [tilespmem:s24+$0x0];
	_ =	sdelay $0x2  }
0x537: {  	v6 =	vperm.xlane v6, v2;
	_ =	sdelay $0x1  }
0x538: {  	s25 =	simm.s32 $0x18260;
	(xrf2) =	vadd.scan.msk.f32 $0xffff, v6;
	v6 =	vperm.xlane v7, v2  }
0x539: {  	s26 =	simm.s32 $0x18460;
	v7 =	vld [tilespmem:s25+$0x0]  }
0x53a: {  	(xrf2) =	vadd.scan.msk.f32 $0xffff, v6;
	v6 =	vld [tilespmem:s26+$0x0];
	_ =	sdelay $0x3  }
0x53b: {  	s2 =	simm.s32 $0x18250;
	v7 =	vperm.xlane v7, v2  }
0x53c: {  	s3 =	simm.s32 $0x18450;
	v8 =	vld [tilespmem:s2+$0x0];
	v6 =	vperm.xlane v6, v2  }
0x53d: {  	s4 =	simm.s32 $0x18240;
	v9 =	vld [tilespmem:s3+$0x0];
	(xrf2) =	vadd.scan.msk.f32 $0xffff, v7  }
0x53e: {  	(xrf2) =	vadd.scan.msk.f32 $0xffff, v6;
	v6 =	vld [tilespmem:s4+$0x0]  }
0x53f: {  	v10, _, _ =	vpop (xrf2)  }
0x540: {  	s24 =	simm.s32 $0x18440;
	v10 =	vperm.xlane v10, v2  }
0x541: {  	v11 =	vld [tilespmem:s24+$0x0];
	v7 =	vperm.xlane v8, v2  }
0x542: {  	v8 =	vperm.xlane v9, v2;
	(v2sf) =	vpush v10, $0x0  }
0x543: {  	v9, _, _ =	vpop (xrf2);
	(xrf2) =	vadd.scan.msk.f32 $0xffff, v7;
	v6 =	vperm.xlane v6, v2  }
0x544: {  	(xrf2) =	vadd.scan.msk.f32 $0xffff, v8  }
0x545: {  	(xrf2) =	vadd.scan.msk.f32 $0xffff, v6  }
0x546: {  	s25 =	simm.s32 $0x1F0;
	v6 =	vperm.xlane v11, v2  }
0x547: {  	s2 =	simm.s32 $0x18230;
	s0 =	scvt.s32.f32 s25  }
0x548: {  	s26 =	simm.s32 $0x18430;
	v12 =	vperm.xlane v9, v2;
	v9 =	vld [tilespmem:s2+$0x0];
	v7, _, _ =	vpop (xrf2)  }
0x549: {  	v14 =	vld [tilespmem:s26+$0x0];
	v15 =	vperm.xlane v7, v2;
	v7 =	vadd.f32 s0, v3  }
0x54a: {  	(v2sf) =	vpush v12, $0x0;
	(xrf2) =	vadd.scan.msk.f32 $0xffff, v6;
	s0 =	simm.f32 $0.0e+00;
	v6, _, _ =	vpop (xrf2)  }
0x54b: {  	v10 =	vadd.f32 s0, v10;
	v13 =	vperm.xlane v6, v2;
	v6 =	vadd.f32 $-2.000000000e+00, v7  }
0x54c: {  	(v2sf) =	vpush v15, $0x0  }
0x54d: {  	v17 =	vperm.xlane v9, v2;
	v9, _, _ =	vpop (xrf2);
	v6 =	vmul.f32 $-1.953125000e-03, v6  }
0x54e: {  	s3 =	simm.s32 $0x18220;
	v20 =	vperm.xlane v14, v2;
	v11 =	vperm.xlane v9, v2;
	v18, _, _ =	vpop (xrf2)  }
0x54f: {  	v16 =	vld [tilespmem:s3+$0x0];
	s3 =	simm.s32 $0x18420;
	(v2sf) =	vpush v13, $0x0;
	v14 =	vperm.xlane v18, v2;
	v6 =	vmul.f32 v10, v6;
	v10, _, _ =	vpop (xrf2)  }
0x550: {  	v19 =	vld [tilespmem:s3+$0x0];
	(v2sf) =	vpush v11, $0x0;
	v10 =	vperm.xlane v10, v2  }
0x551: {  	s4 =	simm.s32 $0x1E0;
	s26 =	spop (v2sf);
	(v2sf) =	vpush v14, $0x0  }
0x552: {  	s2 =	scvt.s32.f32 s4;
	(xrf2) =	vadd.scan.msk.f32 $0xffff, v17;
	(v2sf) =	vpush v10, $0x0;
	_ =	sdelay $0x1  }
0x553: {  	v16 =	vperm.xlane v16, v2;
	s25 =	simm.s32 $0x18210;
	v12 =	vadd.f32 s0, v12;
	v9 =	vadd.f32 s2, v3  }
0x554: {  	s24 =	simm.s32 $0x1D0;
	v19 =	vperm.xlane v19, v2;
	(xrf2) =	vadd.scan.msk.f32 $0xffff, v20;
	v18 =	vld [tilespmem:s25+$0x0]  }
0x555: {  	s3 =	scvt.s32.f32 s24;
	(xrf2) =	vadd.scan.msk.f32 $0xffff, v16;
	v21 =	vadd.f32 $-2.000000000e+00, v9;
	s28 =	sadd.f32 s26, s0  }
0x556: {  	s30 =	simm.s32 $0x18410;
	(xrf2) =	vadd.scan.msk.f32 $0xffff, v19;
	v17 =	vadd.f32 v6, v12  }
0x557: {  	s31 =	simm.s32 $0x180;
	s24 =	simm.s32 $0x1A0;
	s2 =	simm.s32 $0x1C0;
	v6 =	vadd.f32 s3, v3;
	v20 =	vmul.f32 $-1.953125000e-03, v21;
	v12, _, _ =	vpop (xrf2);
	v63 =	vadd.f32 s28, v15  }
0x558: {  	v8 =	vimm.f32 $-1.000000000e+00;
	s25 =	simm.s32 $0x190;
	s2 =	scvt.s32.f32 s2;
	v12 =	vperm.xlane v12, v2;
	v16 =	vadd.f32 $-1.000000000e+00, v17;
	s4 =	spop (v2sf)  }
0x559: {  	s26 =	simm.s32 $0x1B0;
	v18 =	vperm.xlane v18, v2;
	v17 =	vadd.f32 $-2.000000000e+00, v6;
	v15 =	vld [tilespmem:s30+$0x0];
	s29 =	sadd.f32 s4, s0;
	s0 =	simm.s32 $0x18200;
	v19 =	vmul.f32 v63, v20  }
.LBB2_108:
0x55a: {  	s3 =	spop (v2sf)  }
0x55b: {  	v20 =	vld [tilespmem:s0+$0x0];
	v21, _, _ =	vpop (xrf2);
	(v2sf) =	vpush v12, $0x0;
	v23 =	vadd.f32 s29, v13;
	vm0 =	vgt.f32 v16, $0.0e+00;
	s4 =	smov.u32 s24;
	s24 =	smov.u32 s25;
	p1 =	sne.s32 s31, $0x0  }
.Ltmp72:
0x55c: {  	s25 =	smov.u32 s31;
	v21 =	vperm.xlane v21, v2;
	s28 =	sadd.f32 s3, s28;
	v16 =	vnsel vm0, $0xBF800000, v7;
	v7 =	vmovc v9;
	v9 =	vmovc v6;
	v6 =	vadd.f32 s2, v3;
	(pc) =	sbr.rel @p1 .LBB2_108-.Ltmp72, $4  }
0x55d: {  	v13 =	vmovc v14;
	v22 =	vmul.f32 $-1.953125000e-03, v17;
	(xrf2) =	vadd.scan.msk.f32 $0xffff, v18;
	v17 =	vadd.f32 v19, v23;
	v8 =	vmax.f32 v8, v16  }
0x55e: {  	s30 =	sadd.s32 $0xFFFFFFF0, s30;
	v19 =	vperm.xlane v15, v2;
	v18, _, _ =	vpop (xrf2);
	(v2sf) =	vpush v21, $0x0;
	v23 =	vadd.f32 s28, v11;
	s2 =	spop (v2sf)  }
0x55f: {  	s31 =	sadd.s32 $0xFFFFFFF0, s31;
	v14 =	vmovc v12;
	v11 =	vmovc v10;
	v10 =	vmov v21;
	v15 =	vld [tilespmem:s30+$0x0];
	v16 =	vadd.f32 $-1.000000000e+00, v17;
	s29 =	sadd.f32 s2, s29;
	v12 =	vperm.xlane v18, v2  }
0x560: {  	s0 =	sadd.s32 $0xFFFFFFF0, s0;
	s2 =	scvt.s32.f32 s26;
	v17 =	vadd.f32 $-2.000000000e+00, v6;
	s26 =	smov.u32 s4;
	v18 =	vperm.xlane v20, v2;
	(xrf2) =	vadd.scan.msk.f32 $0xffff, v19;
	v19 =	vmul.f32 v23, v22  }
0x561: {  	_ =	sdelay $0x4  }
0x562: {  	v20, _, _ =	vpop (xrf2)  }
0x563: {  	v20 =	vperm.xlane v20, v2;
	v21, _, _ =	vpop (xrf2)  }
0x564: {  	(v2sf) =	vpush v12, $0x0;
	v21 =	vperm.xlane v21, v2;
	v22, _, _ =	vpop (xrf2)  }
0x565: {  	(v2sf) =	vpush v20, $0x0;
	v22 =	vperm.xlane v22, v2  }
0x566: {  	(v2sf) =	vpush v21, $0x0;
	v23, _, _ =	vpop (xrf2)  }
0x567: {  	(v2sf) =	vpush v22, $0x0;
	v23 =	vperm.xlane v23, v2;
	_ =	sdelay $0x1  }
0x568: {  	(v2sf) =	vpush v23, $0x0;
	_ =	sdelay $0x1  }
0x569: {  	v15 =	vperm.xlane v15, v2  }
0x56a: {  	s0 =	spop (v2sf);
	v13 =	vadd.f32 s29, v13;
	(xrf2) =	vadd.scan.msk.f32 $0xffff, v18  }
0x56b: {  	vm0 =	vgt.f32 v16, $0.0e+00;
	s4 =	scvt.s32.f32 s26;
	s0 =	sadd.f32 s0, s28;
	(xrf2) =	vadd.scan.msk.f32 $0xffff, v15  }
0x56c: {  	s3 =	spop (v2sf);
	v47 =	vadd.f32 s2, v3;
	v48 =	vmul.f32 $-1.953125000e-03, v17;
	s28 =	scvt.s32.f32 s24;
	v13 =	vadd.f32 v19, v13  }
0x56d: {  	v7 =	vnsel vm0, $0xBF800000, v7;
	s30 =	spop (v2sf);
	s3 =	sadd.f32 s3, s29;
	v49 =	vadd.f32 s4, v3;
	v11 =	vadd.f32 s0, v11  }
0x56e: {  	v7 =	vmax.f32 v8, v7;
	v8 =	vadd.f32 $-2.000000000e+00, v47;
	s0 =	sadd.f32 s30, s0;
	s30 =	scvt.s32.f32 s25;
	v50 =	vadd.f32 s28, v3  }
0x56f: {  	v13 =	vadd.f32 $-1.000000000e+00, v13;
	v14 =	vadd.f32 s3, v14;
	s31 =	spop (v2sf)  }
0x570: {  	v11 =	vmul.f32 v11, v48;
	v10 =	vadd.f32 s0, v10;
	v52 =	vadd.f32 s30, v3;
	s2 =	sadd.f32 s31, s3;
	s26 =	spop (v2sf)  }
0x571: {  	v8 =	vmul.f32 $-1.953125000e-03, v8;
	v55 =	vadd.f32 $-2.000000000e+00, v50;
	vm10 =	vgt.f32 v13, $0.0e+00;
	s0 =	sadd.f32 s26, s0;
	s29 =	spop (v2sf)  }
0x572: {  	v9 =	vnsel vm10, $0xBF800000, v9;
	v11 =	vadd.f32 v11, v14;
	v57 =	vadd.f32 $-2.000000000e+00, v52;
	s3 =	sadd.f32 s29, s2;
	s31 =	spop (v2sf)  }
0x573: {  	v8 =	vmul.f32 v10, v8;
	v7 =	vmax.f32 v7, v9;
	v9 =	vadd.f32 $-2.000000000e+00, v49;
	s24 =	sadd.f32 s31, s0;
	s25 =	spop (v2sf)  }
0x574: {  	v58 =	vmul.f32 $-1.953125000e-03, v55;
	v17 =	vmul.f32 $-1.953125000e-03, v57;
	v11 =	vadd.f32 $-1.000000000e+00, v11;
	v10, _, _ =	vpop (xrf2);
	s26 =	sadd.f32 s25, s3;
	s28 =	spop (v2sf)  }
0x575: {  	v9 =	vmul.f32 $-1.953125000e-03, v9;
	v10 =	vperm.xlane v10, v2;
	v53, _, _ =	vpop (xrf2);
	v54 =	vadd.f32 s0, v20;
	s4 =	sadd.f32 s28, s24  }
0x576: {  	v51 =	vadd.f32 s2, v12;
	v56 =	vperm.xlane v53, v2;
	v59 =	vadd.f32 s24, v22;
	s29 =	spop (v2sf)  }
0x577: {  	v9 =	vmul.f32 v54, v9;
	v60 =	vadd.f32 s3, v21;
	v61 =	vadd.f32 s4, v10;
	s2 =	sadd.f32 s29, s26  }
0x578: {  	v8 =	vadd.f32 v8, v51;
	v62 =	vadd.f32 s26, v23;
	v18 =	vmul.f32 v59, v58  }
0x579: {  	v9 =	vadd.f32 v9, v60;
	v17 =	vmul.f32 v61, v17;
	v63 =	vadd.f32 s2, v56  }
0x57a: {  	vm11 =	vgt.f32 v11, $0.0e+00;
	v8 =	vadd.f32 $-1.000000000e+00, v8;
	v11 =	vadd.f32 v18, v62  }
0x57b: {  	v6 =	vnsel vm11, $0xBF800000, v6;
	v9 =	vadd.f32 $-1.000000000e+00, v9;
	v17 =	vadd.f32 v17, v63  }
0x57c: {  	v6 =	vmax.f32 v7, v6;
	vm12 =	vgt.f32 v8, $0.0e+00;
	v7 =	vadd.f32 $-1.000000000e+00, v11  }
0x57d: {  	v8 =	vnsel vm12, $0xBF800000, v47;
	vm13 =	vgt.f32 v9, $0.0e+00;
	v9 =	vadd.f32 $-1.000000000e+00, v17  }
0x57e: {  	v6 =	vmax.f32 v6, v8;
	v8 =	vnsel vm13, $0xBF800000, v49;
	vm14 =	vgt.f32 v7, $0.0e+00  }
0x57f: {  	v6 =	vmax.f32 v6, v8;
	v7 =	vnsel vm14, $0xBF800000, v50;
	vm15 =	vgt.f32 v9, $0.0e+00  }
0x580: {  	v6 =	vmax.f32 v6, v7;
	v7 =	vnsel vm15, $0xBF800000, v52  }
0x581: {  	v6 =	vmax.f32 v6, v7  }
0x582: {  	(xrf0) =	vmax.scan.msk.f32 $0xffff, v6;
	_ =	sdelay $0x4  }
0x583: {  	(v2sf) =	vpush v10, $0x0  }
0x584: {  	(v2sf) =	vpush v56, $0x0;
	v6, _, _ =	vpop (xrf0)  }
0x585: {  	(v2sf) =	vpush v6, $0xF;
	_ =	sdelay $0xc  }
0x586: {  	s30 =	spop (v2sf)  }
0x587: {  	s31 =	spop (v2sf)  }
0x588: {  	s0 =	spop (v2sf)  }
0x589: {  	s0 =	sadd.f32 $-2.000000000e+00, s0  }
.Ltmp73:
0x58a: {  	_ = 	snop;
	(pc) =	sbr.rel @p0 .LBB2_113-.Ltmp73, $3  }
0x58b: {  	s0 =	smul.f32 $1.953125000e-03, s0;
	_ =	sdelay $0x1  }
0x58c: {  	v8 =	vimm.f32 $0.0e+00;
	s0 =	smax.f32 s0, $0.0e+00  }
0x58d: {  	s2 =	simm.s32 $0x10000;
	v9 =	vimm.f32 $0.0e+00;
	v6 =	vimm.f32 $0.0e+00;
	v7 =	vmov s0  }
0x58e: {  	v8 =	vld [tilespmem:s2+$0x0];
	p1 =	sne.s32 s23, $0x1  }
.Ltmp74:
0x58f: {  	_ = 	snop;
	(pc) =	sbr.rel @!p1 .LBB2_112-.Ltmp74, $2  }
0x590: {  	_ =	sdelay $0x2  }
0x591: {  	s0 =	sadd.s32 $0xFFFFFFFF, s23;
	s2 =	sadd.s32 $0x10, s2;
	v9 =	vimm.f32 $0.0e+00;
	v10 =	vsub.f32 v8, v7;
	v8 =	vimm.f32 $0.0e+00  }
.LBB2_111:
0x592: {  	v11 =	vld [tilespmem:s2+$0x0];
	p1 =	sne.s32 s0, $0x1;
	s0 =	sadd.s32 $0xFFFFFFFF, s0  }
.Ltmp75:
0x593: {  	v10 =	vmax.f32 v10, $0.0e+00;
	(pc) =	sbr.rel @p1 .LBB2_111-.Ltmp75, $4  }
0x594: {  	v8 =	vadd.f32 v10, v8;
	vm0 =	vgt.f32 v10, $0.0e+00  }
0x595: {  	v10 =	vsel vm0, $0x3F800000, v0  }
0x596: {  	v9 =	vadd.f32 v10, v9  }
0x597: {  	s2 =	sadd.s32 $0x10, s2;
	v10 =	vsub.f32 v11, v7  }
.LBB2_112:
0x598: {  	_ = 	snop  }
0x599: {  	v10 =	vmax.f32 v10, $0.0e+00  }
0x59a: {  	vm0 =	vgt.f32 v10, $0.0e+00  }
0x59b: {  	v11 =	vsel vm0, $0x3F800000, v0  }
0x59c: {  	v8 =	vadd.f32 v10, v8;
	v9 =	vadd.f32 v11, v9  }
.LBB2_113:
0x59d: {  	_ = 	snop  }
0x59e: {  	(xrf2) =	vadd.scan.msk.f32 $0xffff, v8  }
0x59f: {  	(xrf2) =	vadd.scan.msk.f32 $0xffff, v9;
	_ =	sdelay $0x8  }
0x5a0: {  	v8, _, _ =	vpop (xrf2)  }
0x5a1: {  	v9, _, _ =	vpop (xrf2)  }
0x5a2: {  	v9 =	vmax.f32 v9, $1.000000000e+00  }
0x5a3: {  	v9 =	vbroadcast v9, $0xF;
	_ =	sdelay $0x1  }
0x5a4: {  	(erf) = vrcp.f32 v9;
	_ =	sdelay $0x5  }
0x5a5: {  	v8 =	vadd.f32 $-1.000000000e+00, v8;
	_ =	sdelay $0x1  }
.Ltmp76:
0x5a6: {  	v8 =	vbroadcast v8, $0xF;
	(pc) =	sbr.rel @p0 .LBB2_114-.Ltmp76, $3  }
0x5a7: {  	v9 =	vpop (erf)  }
0x5a8: {  	v8 =	vmul.f32 v9, v8;
	_ =	sdelay $0x1  }
0x5a9: {  	s2 =	simm.s32 $0x10000;
	v7 =	vadd.f32 v8, v7  }
0x5aa: {  	v8 =	vld [tilespmem:s2+$0x0];
	p1 =	sne.s32 s23, $0x1  }
.Ltmp77:
0x5ab: {  	_ = 	snop;
	(pc) =	sbr.rel @!p1 .LBB2_117-.Ltmp77, $2  }
0x5ac: {  	_ =	sdelay $0x2  }
0x5ad: {  	s0 =	sadd.s32 $0xFFFFFFFF, s23;
	s2 =	sadd.s32 $0x10, s2;
	v9 =	vsub.f32 v8, v7;
	v8 =	vimm.f32 $0.0e+00  }
.LBB2_116:
0x5ae: {  	v10 =	vld [tilespmem:s2+$0x0];
	p1 =	sne.s32 s0, $0x1;
	s0 =	sadd.s32 $0xFFFFFFFF, s0  }
.Ltmp78:
0x5af: {  	v9 =	vmax.f32 v9, $0.0e+00;
	(pc) =	sbr.rel @p1 .LBB2_116-.Ltmp78, $4  }
0x5b0: {  	v6 =	vadd.f32 v9, v6;
	vm0 =	vgt.f32 v9, $0.0e+00  }
0x5b1: {  	v9 =	vsel vm0, $0x3F800000, v0  }
0x5b2: {  	v8 =	vadd.f32 v9, v8  }
0x5b3: {  	s2 =	sadd.s32 $0x10, s2;
	v9 =	vsub.f32 v10, v7  }
.LBB2_117:
.Ltmp79:
0x5b4: {  	_ = 	snop;
	(pc) =	sbr.rel .LBB2_118-.Ltmp79, $4  }
0x5b5: {  	v9 =	vmax.f32 v9, $0.0e+00  }
0x5b6: {  	vm0 =	vgt.f32 v9, $0.0e+00  }
0x5b7: {  	v10 =	vsel vm0, $0x3F800000, v0  }
0x5b8: {  	v6 =	vadd.f32 v9, v6;
	v8 =	vadd.f32 v10, v8  }
.LBB2_114:
0x5b9: {  	v8 =	vimm.f32 $0.0e+00  }
.LBB2_118:
0x5ba: {  	_ = 	snop  }
0x5bb: {  	(xrf2) =	vadd.scan.msk.f32 $0xffff, v6  }
0x5bc: {  	(xrf2) =	vadd.scan.msk.f32 $0xffff, v8;
	_ =	sdelay $0x8  }
0x5bd: {  	v6, _, _ =	vpop (xrf2)  }
0x5be: {  	v8, _, _ =	vpop (xrf2)  }
0x5bf: {  	v8 =	vmax.f32 v8, $1.000000000e+00  }
0x5c0: {  	v8 =	vbroadcast v8, $0xF;
	_ =	sdelay $0x1  }
0x5c1: {  	(erf) = vrcp.f32 v8;
	_ =	sdelay $0x5  }
0x5c2: {  	v6 =	vadd.f32 $-1.000000000e+00, v6;
	_ =	sdelay $0x1  }
.Ltmp80:
0x5c3: {  	v6 =	vbroadcast v6, $0xF;
	(pc) =	sbr.rel @p0 .LBB2_122-.Ltmp80, $4  }
0x5c4: {  	v8 =	vpop (erf)  }
0x5c5: {  	v6 =	vmul.f32 v8, v6  }
0x5c6: {  	v9 =	vimm.f32 $0.0e+00  }
0x5c7: {  	s2 =	simm.s32 $0x10000;
	v8 =	vimm.f32 $0.0e+00;
	v7 =	vadd.f32 v6, v7;
	v6 =	vimm.f32 $0.0e+00  }
0x5c8: {  	v8 =	vld [tilespmem:s2+$0x0];
	p1 =	sne.s32 s23, $0x1  }
.Ltmp81:
0x5c9: {  	_ = 	snop;
	(pc) =	sbr.rel @!p1 .LBB2_121-.Ltmp81, $2  }
0x5ca: {  	_ =	sdelay $0x2  }
0x5cb: {  	s0 =	sadd.s32 $0xFFFFFFFF, s23;
	s2 =	sadd.s32 $0x10, s2;
	v9 =	vimm.f32 $0.0e+00;
	v10 =	vsub.f32 v8, v7;
	v8 =	vimm.f32 $0.0e+00  }
.LBB2_120:
0x5cc: {  	v11 =	vld [tilespmem:s2+$0x0];
	p1 =	sne.s32 s0, $0x1;
	s0 =	sadd.s32 $0xFFFFFFFF, s0  }
.Ltmp82:
0x5cd: {  	v10 =	vmax.f32 v10, $0.0e+00;
	(pc) =	sbr.rel @p1 .LBB2_120-.Ltmp82, $4  }
0x5ce: {  	v8 =	vadd.f32 v10, v8;
	vm0 =	vgt.f32 v10, $0.0e+00  }
0x5cf: {  	v10 =	vsel vm0, $0x3F800000, v0  }
0x5d0: {  	v9 =	vadd.f32 v10, v9  }
0x5d1: {  	s2 =	sadd.s32 $0x10, s2;
	v10 =	vsub.f32 v11, v7  }
.LBB2_121:
0x5d2: {  	_ = 	snop  }
0x5d3: {  	v10 =	vmax.f32 v10, $0.0e+00  }
0x5d4: {  	vm0 =	vgt.f32 v10, $0.0e+00  }
0x5d5: {  	v11 =	vsel vm0, $0x3F800000, v0  }
0x5d6: {  	v8 =	vadd.f32 v10, v8;
	v9 =	vadd.f32 v11, v9  }
.LBB2_122:
0x5d7: {  	_ = 	snop  }
0x5d8: {  	(xrf2) =	vadd.scan.msk.f32 $0xffff, v8  }
0x5d9: {  	(xrf2) =	vadd.scan.msk.f32 $0xffff, v9;
	_ =	sdelay $0x8  }
0x5da: {  	v8, _, _ =	vpop (xrf2)  }
0x5db: {  	v9, _, _ =	vpop (xrf2)  }
0x5dc: {  	v9 =	vmax.f32 v9, $1.000000000e+00  }
0x5dd: {  	v9 =	vbroadcast v9, $0xF;
	_ =	sdelay $0x1  }
0x5de: {  	(erf) = vrcp.f32 v9;
	_ =	sdelay $0x5  }
0x5df: {  	v8 =	vadd.f32 $-1.000000000e+00, v8;
	_ =	sdelay $0x1  }
.Ltmp83:
0x5e0: {  	v8 =	vbroadcast v8, $0xF;
	(pc) =	sbr.rel @p0 .LBB2_123-.Ltmp83, $3  }
0x5e1: {  	v9 =	vpop (erf)  }
0x5e2: {  	v8 =	vmul.f32 v9, v8;
	_ =	sdelay $0x1  }
0x5e3: {  	s2 =	simm.s32 $0x10000;
	v7 =	vadd.f32 v8, v7  }
0x5e4: {  	v8 =	vld [tilespmem:s2+$0x0];
	p0 =	sne.s32 s23, $0x1  }
.Ltmp84:
0x5e5: {  	_ = 	snop;
	(pc) =	sbr.rel @!p0 .LBB2_126-.Ltmp84, $2  }
0x5e6: {  	_ =	sdelay $0x2  }
0x5e7: {  	s0 =	sadd.s32 $0xFFFFFFFF, s23;
	s2 =	sadd.s32 $0x10, s2;
	v9 =	vsub.f32 v8, v7;
	v8 =	vimm.f32 $0.0e+00  }
.LBB2_125:
0x5e8: {  	v10 =	vld [tilespmem:s2+$0x0];
	p0 =	sne.s32 s0, $0x1;
	s0 =	sadd.s32 $0xFFFFFFFF, s0  }
.Ltmp85:
0x5e9: {  	v9 =	vmax.f32 v9, $0.0e+00;
	(pc) =	sbr.rel @p0 .LBB2_125-.Ltmp85, $4  }
0x5ea: {  	v6 =	vadd.f32 v9, v6;
	vm0 =	vgt.f32 v9, $0.0e+00  }
0x5eb: {  	v9 =	vsel vm0, $0x3F800000, v0  }
0x5ec: {  	v8 =	vadd.f32 v9, v8  }
0x5ed: {  	s2 =	sadd.s32 $0x10, s2;
	v9 =	vsub.f32 v10, v7  }
.LBB2_126:
.Ltmp86:
0x5ee: {  	_ = 	snop;
	(pc) =	sbr.rel .LBB2_127-.Ltmp86, $4  }
0x5ef: {  	v9 =	vmax.f32 v9, $0.0e+00  }
0x5f0: {  	vm0 =	vgt.f32 v9, $0.0e+00  }
0x5f1: {  	v10 =	vsel vm0, $0x3F800000, v0  }
0x5f2: {  	v6 =	vadd.f32 v9, v6;
	v8 =	vadd.f32 v10, v8  }
.LBB2_123:
0x5f3: {  	v8 =	vimm.f32 $0.0e+00  }
.LBB2_127:
0x5f4: {  	_ = 	snop  }
0x5f5: {  	(xrf2) =	vadd.scan.msk.f32 $0xffff, v6  }
0x5f6: {  	(xrf2) =	vadd.scan.msk.f32 $0xffff, v8;
	_ =	sdelay $0x8  }
0x5f7: {  	v6, _, _ =	vpop (xrf2)  }
0x5f8: {  	v8, _, _ =	vpop (xrf2)  }
0x5f9: {  	v8 =	vmax.f32 v8, $1.000000000e+00  }
0x5fa: {  	v8 =	vbroadcast v8, $0xF;
	_ =	sdelay $0x1  }
0x5fb: {  	(erf) = vrcp.f32 v8;
	_ =	sdelay $0x5  }
0x5fc: {  	v6 =	vadd.f32 $-1.000000000e+00, v6;
	_ =	sdelay $0x1  }
0x5fd: {  	v6 =	vbroadcast v6, $0xF  }
0x5fe: {  	v8 =	vpop (erf)  }
0x5ff: {  	s23 =	simm.s32 $0x8040;
	v6 =	vmul.f32 v8, v6  }
0x600: {  	v9 =	vld [tilespmem:s23+$0x30]  }
0x601: {  	v11 =	vld [tilespmem:s23+$0xFFFFFFD0];
	v6 =	vadd.f32 v6, v7  }
0x602: {  	v13 =	vld [tilespmem:s23+$0xFFFFFFE0]  }
0x603: {  	v10 =	vld [tilespmem:s23+$0xFFFFFFF0];
	v5 =	vadd.f32 v6, v5  }
0x604: {  	v8 =	vld [tilespmem:s23+$0x0]  }
0x605: {  	v6 =	vld [tilespmem:s23+$0x10];
	v14 =	vsub.f32 v9, v5  }
0x606: {  	v7 =	vld [tilespmem:s23+$0x20];
	v12 =	vsub.f32 v11, v5  }
0x607: {  	s0 =	simm.s32 $0x0;
	s2 =	simm.s32 $0x80C0;
	v9 =	vld [tilespmem:s23+$0xFFFFFFC0];
	v11 =	vsub.f32 v13, v5;
	v13 =	vmax.f32 v14, $0.0e+00  }
.LBB2_128:
0x608: {  	v14 =	vld [tilespmem:s2+$0x30];
	s0 =	sadd.s32 $0x8, s0;
	v12 =	vmax.f32 v12, $0.0e+00;
	v10 =	vsub.f32 v10, v5;
	[tilespmem:s23+$0x30] =	vst v13  }
0x609: {  	v13 =	vld [tilespmem:s2+$0xFFFFFFD0];
	p0 =	slt.u32 s0, $0x7F8;
	[tilespmem:s23+$0xFFFFFFD0] =	vst v12;
	v11 =	vmax.f32 v11, $0.0e+00;
	v8 =	vsub.f32 v8, v5  }
0x60a: {  	v15 =	vld [tilespmem:s2+$0xFFFFFFE0];
	[tilespmem:s23+$0xFFFFFFE0] =	vst v11;
	v11 =	vmax.f32 v10, $0.0e+00;
	v6 =	vsub.f32 v6, v5  }
.Ltmp87:
0x60b: {  	v10 =	vld [tilespmem:s2+$0xFFFFFFF0];
	[tilespmem:s23+$0xFFFFFFF0] =	vst v11;
	v11 =	vmax.f32 v8, $0.0e+00;
	v7 =	vsub.f32 v7, v5;
	(pc) =	sbr.rel @p0 .LBB2_128-.Ltmp87, $4  }
0x60c: {  	v8 =	vld [tilespmem:s2+$0x0];
	v9 =	vsub.f32 v9, v5;
	[tilespmem:s23+$0x0] =	vst v11;
	v11 =	vmax.f32 v6, $0.0e+00  }
0x60d: {  	v6 =	vld [tilespmem:s2+$0x10];
	v14 =	vsub.f32 v14, v5;
	[tilespmem:s23+$0x10] =	vst v11;
	v11 =	vmax.f32 v7, $0.0e+00  }
0x60e: {  	v12 =	vsub.f32 v13, v5;
	v7 =	vld [tilespmem:s2+$0x20];
	v16 =	vmax.f32 v9, $0.0e+00;
	[tilespmem:s23+$0x20] =	vst v11  }
0x60f: {  	v9 =	vld [tilespmem:s2+$0xFFFFFFC0];
	v11 =	vsub.f32 v15, v5;
	v13 =	vmax.f32 v14, $0.0e+00;
	[tilespmem:s23+$0xFFFFFFC0] =	vst v16;
	s23 =	smov.u32 s2;
	s2 =	sadd.s32 $0x80, s2  }
0x610: {  	v12 =	vmax.f32 v12, $0.0e+00;
	v10 =	vsub.f32 v10, v5;
	[tilespmem:s23+$0x30] =	vst v13  }
0x611: {  	[tilespmem:s23+$0xFFFFFFD0] =	vst v12;
	v11 =	vmax.f32 v11, $0.0e+00;
	v8 =	vsub.f32 v8, v5  }
0x612: {  	[tilespmem:s23+$0xFFFFFFE0] =	vst v11;
	v10 =	vmax.f32 v10, $0.0e+00;
	v6 =	vsub.f32 v6, v5  }
0x613: {  	[tilespmem:s23+$0xFFFFFFF0] =	vst v10;
	v8 =	vmax.f32 v8, $0.0e+00;
	v7 =	vsub.f32 v7, v5  }
0x614: {  	v5 =	vsub.f32 v9, v5;
	[tilespmem:s23+$0x0] =	vst v8;
	v6 =	vmax.f32 v6, $0.0e+00  }
0x615: {  	[tilespmem:s23+$0x10] =	vst v6;
	v6 =	vmax.f32 v7, $0.0e+00  }
0x616: {  	v5 =	vmax.f32 v5, $0.0e+00;
	[tilespmem:s23+$0x20] =	vst v6  }
0x617: {  	s22 =	sadd.s32 $0x1, s22;
	[tilespmem:s23+$0xFFFFFFC0] =	vst v5  }
0x618: {  	[hbm4b:s10+s12] =	stream.strided.scatter [tilespmem:s16], [sflag:$0x4], $0x8000, s13, s12, $0x38;
	[tilespmem:$0x18480] =	vst v63  }
0x619: {  	p0 =	sne.s32 s22, s11;
	_ =	swait.ge [sflag:s18], $0x8000  }
.Ltmp88:
0x61a: {  	[sflag:s18] =	ssyncset.done $0x0;
	(pc) =	sbr.rel @p0 .LBB2_1-.Ltmp88, $4  }
0x61b: {  	[sflag:s18] =	ssyncadd.s32 $0xFFFF8000  }
0x61c: {  	_ =	swait.ge [sflag:s19], $0x8000  }
0x61d: {  	[sflag:s19] =	ssyncset.done $0x0  }
0x61e: {  	[sflag:s19] =	ssyncadd.s32 $0xFFFF8000  }
0x61f: {  	_ =	sfence.sel $0x180000  }
0x620: {  	[bflag:$0x0] =	sbarrier.arrive $0xFFFF  }
0x621: {  	_ =	strace $0x90000047  }
0x622: {  	s0 =	stileid.u32;
	[bflag:$0x2] =	sbarrier.arrive $0xFFFF  }
0x623: {  	p0 =	sne.s32 s0, $0x0;
	s0 =	rddreg [dreg:$0x2]  }
0x624: {  	s0 =	sadd.s32 @!p0 $0x100000, s0  }
0x625: {  	[sflag:s0] =	ssyncadd.tile.s32 @!p0 $0x1;
	_ =	shalt  }
.Lfunc_end2:
_tile_overlayer_lowered:
.L_overlay_start_2:
0x626: {  	(tag) =	ssettag $0x2  }
0x627: {  	s0 =	rddreg [dreg:$0x0];
	s2 =	stileid.u32  }
0x628: {  	s1 =	rddreg [dreg:$0x1];
	p0 =	sne.s32 s2, $0x0  }
0x629: {  	s3 =	rddreg [dreg:$0x2];
	[bflag:$0x3] =	sbarrier.arrive $0xFFFF;
	s2 =	simm.s32 @!p0 $0x1C05  }
0x62a: {  	[timem:s3], [sflag:s2] =	dma.local @!p0 [hbm:s0], s1  }
0x62b: {  	s0 =	simm.s32 @!p0 $0x5  }
0x62c: {  	_ =	swait.ge @!p0 [sflag:s0], s1  }
0x62d: {  	s1 =	ssub.s32 @!p0 $0x0, s1;
	[sflag:s0] =	ssyncset.done @!p0 $0x0  }
0x62e: {  	[sflag:s0] =	ssyncadd.s32 @!p0 s1  }
0x62f: {  	[bflag:$0x3] =	sbarrier.arrive $0xFFFF  }
0x630: {  	_ =	shalt  }

</sc_bundles>
